<compile_context>
chip_gen: v7x
topology: tpu7x:2x2x1
jax: 0.10.2.dev20260603
libtpu: 0.0.44.dev20260713+nightly
codegen_flags: <defaults>
</compile_context>

<pallas_src>
import functools

import jax
import jax.numpy as jnp
from jax import lax
from jax.experimental import pallas as pl
from jax.experimental.pallas import tpu as pltpu
from jax.experimental.pallas import tpu_sc as plsc

B, L, E = 4096, 200, 64
N = B * L
NC, NS = 2, 16
NW = NC * NS
NR = N // 128
RW = NR // NW

_mesh = plsc.VectorSubcoreMesh(core_axis_name="c", subcore_axis_name="s")


@functools.partial(
    pl.kernel,
    out_type=jax.ShapeDtypeStruct((1600, 32, 1024), jnp.float32),
    mesh=_mesh,
    scratch_types=[
        pltpu.VMEM((RW, 128), jnp.int32),
        pltpu.VMEM((2, 128, E), jnp.float32),
        pltpu.VMEM((2, 8, 1024), jnp.float32),
        [pltpu.SemaphoreType.DMA] * 2,
        [pltpu.SemaphoreType.DMA] * 2,
    ],
    compiler_params=pltpu.CompilerParams(
        use_tc_tiling_on_sc=False, needs_layout_passes=False
    ),
)
def _emb(idx_hbm, table_hbm, out_hbm, idx_v, rows_v, tr_v, gsems, ssems):
    wid = lax.axis_index("s") * NC + lax.axis_index("c")
    base_row = wid * RW
    pltpu.sync_copy(idx_hbm.at[pl.ds(base_row, RW)], idx_v)

    def gather(k, p):
        return pltpu.make_async_copy(
            table_hbm.at[idx_v.at[k]],
            rows_v.at[p],
            gsems[p],
        )

    def out_slice(k):
        rg = base_row + k
        lr = rg >> 8
        cb = (rg >> 3) & 31
        s = rg & 7
        r0 = 64 * lr + 8 * s
        return out_hbm.at[pl.ds(r0, 8), cb, :]

    def store(k, p):
        return pltpu.make_async_copy(tr_v.at[p], out_slice(k), ssems[p])

    def wait_store(p):
        pltpu.make_async_copy(
            tr_v.at[p],
            out_hbm.at[pl.ds(0, 8), 0, :],
            ssems[p],
        ).wait()

    iota16 = lax.iota(jnp.int32, 16)
    dcol = [(iota16 + d) & 15 for d in range(16)]
    k0c = [dcol[d] >> 3 for d in range(16)]
    k1c = [((iota16 + d) & 7) * 128 + iota16 for d in range(16)]

    gather(0, 0).start()

    def item(k, p, q):
        @pl.when(k + 1 < RW)
        def _():
            gather(k + 1, q).start()

        @pl.when(k >= 2)
        def _():
            wait_store(p)

        gather(k, p).wait()
        rows_p = rows_v.at[p]
        tr_p = tr_v.at[p]

        def tbody(g, carry):
            lanes = iota16 + 16 * g
            for d in range(16):
                i1 = k1c[d] + 16 * g
                for h in range(4):
                    colv = dcol[d] + 16 * h
                    v = plsc.load_gather(rows_p, [lanes, colv])
                    i0 = k0c[d] + 2 * h
                    plsc.store_scatter(tr_p, [i0, i1], v)
            return carry

        lax.fori_loop(0, 8, tbody, 0)
        store(k, p).start()

    def body(g, carry):
        item(2 * g, 0, 1)
        item(2 * g + 1, 1, 0)
        return carry

    lax.fori_loop(0, RW // 2, body, 0)
    wait_store(0)
    wait_store(1)


def kernel(tok_ids, table):
    idx = (
        tok_ids.T.reshape(25, 8, 32, 128)
        .transpose(0, 2, 1, 3)
        .reshape(NR, 128)
        .astype(jnp.int32)
    )
    out_t = _emb(idx, table)
    out = (
        out_t.reshape(L, 8, 32, 8, 128)
        .transpose(2, 4, 0, 1, 3)
        .reshape(B, L, E)
    )
    return out

# --- scband reference (transcript-rebuilt; emitter-appended) ---
"""Pipeline reference for scband-basic-embedder-17377437679676 (READ-ONLY COPY).

The authoritative reference and input builder live on the scoring server;
editing this copy changes nothing except your own understanding.
"""

import jax, jax.numpy as jnp
import numpy as np

NUM_EMBEDDINGS = 1000000
EMBEDDING_DIM = 64
PADDING_IDX = 0


def setup_inputs(seed: int = 0) -> dict:
    key = jax.random.key(seed)
    k1, k2 = jax.random.split(key)
    tok_ids = jax.random.randint(k1, (4096, 200), 0, NUM_EMBEDDINGS, dtype=jnp.int64 if jax.config.jax_enable_x64 else jnp.int32)
    table = jax.random.normal(k2, (NUM_EMBEDDINGS, EMBEDDING_DIM), dtype=jnp.float32)
    # nn.Embedding with padding_idx zeroes that row at init
    table = table.at[PADDING_IDX].set(0.0)
    return {"tok_ids": tok_ids, "table": table}


def reference(tok_ids, table):
    # BasicEmbedder.forward: embs = Embedding(tok_ids) -> (B, L, E)
    embs = jnp.take(table, tok_ids, axis=0)
    return embs

if __name__ == "__main__":
    import jax
    _d = setup_inputs()
    print(jax.jit(kernel)(*tuple(_d.values())))

</pallas_src>

<mosaic_0001>
#map = affine_map<(d0, d1) -> (0, 0)>
#map1 = affine_map<(d0, d1) -> (0, 0, 0)>
module attributes {stable_mosaic.version = 14 : i64} {
  func.func @_emb(%arg0: i32, %arg1: i32, %arg2: memref<6400x128xi32, #tpu.memory_space<hbm>>, %arg3: memref<1000000x64xf32, #tpu.memory_space<hbm>>, %arg4: memref<1600x32x1024xf32, #tpu.memory_space<hbm>>, %arg5: memref<200x128xi32, #tpu.memory_space<vmem>>, %arg6: memref<2x128x64xf32, #tpu.memory_space<vmem>>, %arg7: memref<2x8x1024xf32, #tpu.memory_space<vmem>>, %arg8: memref<!tpu.dma_semaphore, #tpu.memory_space<semaphore_mem>>, %arg9: memref<!tpu.dma_semaphore, #tpu.memory_space<semaphore_mem>>, %arg10: memref<!tpu.dma_semaphore, #tpu.memory_space<semaphore_mem>>, %arg11: memref<!tpu.dma_semaphore, #tpu.memory_space<semaphore_mem>>) attributes {dimension_semantics = [#tpu.dimension_semantics<core_parallel>, #tpu.dimension_semantics<subcore_parallel>], iteration_bounds = array<i64: 2, 16>, scalar_prefetch = 0 : i64, scratch_operands = 7 : i64, tpu.core_type = #tpu.core_type<sc_vector_subcore>, window_params = [{transform_indices = #map}, {transform_indices = #map}, {transform_indices = #map1}]} {
    %mul3A = arith.constant 2 : i32
    %mul3A_0 = arith.muli %arg1, %mul3A : i32
    %add3A = arith.addi %mul3A_0, %arg0 : i32
    %mul3A_1 = arith.constant 200 : i32
    %mul3A_2 = arith.muli %add3A, %mul3A_1 : i32
    "tpu.region"() ({
      %run_scoped3A = tpu.sem_alloc : memref<!tpu.dma_semaphore, #tpu.memory_space<semaphore_mem>>
      %dma_start3A_356 = arith.constant 0 : i32
      %dma_start3A_357 = tpu.memref_slice %arg2[%mul3A_2, %dma_start3A_356] : memref<6400x128xi32, #tpu.memory_space<hbm>> -> memref<200x128xi32, #tpu.memory_space<hbm>>
      %dma_start3A_358 = arith.constant 0 : i32
      %dma_start3A_359 = tpu.memref_slice %arg2[%mul3A_2, %dma_start3A_358] : memref<6400x128xi32, #tpu.memory_space<hbm>> -> memref<200x128xi32, #tpu.memory_space<hbm>>
      tpu.enqueue_dma source(%dma_start3A_359 : memref<200x128xi32, #tpu.memory_space<hbm>>) target(%arg5 : memref<200x128xi32, #tpu.memory_space<vmem>>) target_semaphore(%run_scoped3A : memref<!tpu.dma_semaphore, #tpu.memory_space<semaphore_mem>>)
      %dma_wait3A_360 = arith.constant 0 : i32
      %dma_wait3A_361 = tpu.memref_slice %arg2[%mul3A_2, %dma_wait3A_360] : memref<6400x128xi32, #tpu.memory_space<hbm>> -> memref<200x128xi32, #tpu.memory_space<hbm>>
      %dma_wait3A_362 = arith.constant 0 : i32
      %dma_wait3A_363 = tpu.memref_slice %arg2[%mul3A_2, %dma_wait3A_362] : memref<6400x128xi32, #tpu.memory_space<hbm>> -> memref<200x128xi32, #tpu.memory_space<hbm>>
      tpu.wait_dma2 semaphore(%run_scoped3A : memref<!tpu.dma_semaphore, #tpu.memory_space<semaphore_mem>>) src(%dma_wait3A_363 : memref<200x128xi32, #tpu.memory_space<hbm>>) dst(%arg5 : memref<200x128xi32, #tpu.memory_space<vmem>>)
      tpu.yield
    }) : () -> ()
    %iota3A = tpu.iota {dimensions = array<i32: 0>} : vector<16xi32>
    %add3A_3 = arith.constant 0 : i32
    %add3A_4 = vector.broadcast %add3A_3 : i32 to vector<16xi32>
    %add3A_5 = arith.addi %iota3A, %add3A_4 : vector<16xi32>
    %and3A = arith.constant 15 : i32
    %and3A_6 = vector.broadcast %and3A : i32 to vector<16xi32>
    %and3A_7 = arith.andi %add3A_5, %and3A_6 : vector<16xi32>
    %add3A_8 = arith.constant 1 : i32
    %add3A_9 = vector.broadcast %add3A_8 : i32 to vector<16xi32>
    %add3A_10 = arith.addi %iota3A, %add3A_9 : vector<16xi32>
    %and3A_11 = arith.constant 15 : i32
    %and3A_12 = vector.broadcast %and3A_11 : i32 to vector<16xi32>
    %and3A_13 = arith.andi %add3A_10, %and3A_12 : vector<16xi32>
    %add3A_14 = arith.constant 2 : i32
    %add3A_15 = vector.broadcast %add3A_14 : i32 to vector<16xi32>
    %add3A_16 = arith.addi %iota3A, %add3A_15 : vector<16xi32>
    %and3A_17 = arith.constant 15 : i32
    %and3A_18 = vector.broadcast %and3A_17 : i32 to vector<16xi32>
    %and3A_19 = arith.andi %add3A_16, %and3A_18 : vector<16xi32>
    %add3A_20 = arith.constant 3 : i32
    %add3A_21 = vector.broadcast %add3A_20 : i32 to vector<16xi32>
    %add3A_22 = arith.addi %iota3A, %add3A_21 : vector<16xi32>
    %and3A_23 = arith.constant 15 : i32
    %and3A_24 = vector.broadcast %and3A_23 : i32 to vector<16xi32>
    %and3A_25 = arith.andi %add3A_22, %and3A_24 : vector<16xi32>
    %add3A_26 = arith.constant 4 : i32
    %add3A_27 = vector.broadcast %add3A_26 : i32 to vector<16xi32>
    %add3A_28 = arith.addi %iota3A, %add3A_27 : vector<16xi32>
    %and3A_29 = arith.constant 15 : i32
    %and3A_30 = vector.broadcast %and3A_29 : i32 to vector<16xi32>
    %and3A_31 = arith.andi %add3A_28, %and3A_30 : vector<16xi32>
    %add3A_32 = arith.constant 5 : i32
    %add3A_33 = vector.broadcast %add3A_32 : i32 to vector<16xi32>
    %add3A_34 = arith.addi %iota3A, %add3A_33 : vector<16xi32>
    %and3A_35 = arith.constant 15 : i32
    %and3A_36 = vector.broadcast %and3A_35 : i32 to vector<16xi32>
    %and3A_37 = arith.andi %add3A_34, %and3A_36 : vector<16xi32>
    %add3A_38 = arith.constant 6 : i32
    %add3A_39 = vector.broadcast %add3A_38 : i32 to vector<16xi32>
    %add3A_40 = arith.addi %iota3A, %add3A_39 : vector<16xi32>
    %and3A_41 = arith.constant 15 : i32
    %and3A_42 = vector.broadcast %and3A_41 : i32 to vector<16xi32>
    %and3A_43 = arith.andi %add3A_40, %and3A_42 : vector<16xi32>
    %add3A_44 = arith.constant 7 : i32
    %add3A_45 = vector.broadcast %add3A_44 : i32 to vector<16xi32>
    %add3A_46 = arith.addi %iota3A, %add3A_45 : vector<16xi32>
    %and3A_47 = arith.constant 15 : i32
    %and3A_48 = vector.broadcast %and3A_47 : i32 to vector<16xi32>
    %and3A_49 = arith.andi %add3A_46, %and3A_48 : vector<16xi32>
    %add3A_50 = arith.constant 8 : i32
    %add3A_51 = vector.broadcast %add3A_50 : i32 to vector<16xi32>
    %add3A_52 = arith.addi %iota3A, %add3A_51 : vector<16xi32>
    %and3A_53 = arith.constant 15 : i32
    %and3A_54 = vector.broadcast %and3A_53 : i32 to vector<16xi32>
    %and3A_55 = arith.andi %add3A_52, %and3A_54 : vector<16xi32>
    %add3A_56 = arith.constant 9 : i32
    %add3A_57 = vector.broadcast %add3A_56 : i32 to vector<16xi32>
    %add3A_58 = arith.addi %iota3A, %add3A_57 : vector<16xi32>
    %and3A_59 = arith.constant 15 : i32
    %and3A_60 = vector.broadcast %and3A_59 : i32 to vector<16xi32>
    %and3A_61 = arith.andi %add3A_58, %and3A_60 : vector<16xi32>
    %add3A_62 = arith.constant 10 : i32
    %add3A_63 = vector.broadcast %add3A_62 : i32 to vector<16xi32>
    %add3A_64 = arith.addi %iota3A, %add3A_63 : vector<16xi32>
    %and3A_65 = arith.constant 15 : i32
    %and3A_66 = vector.broadcast %and3A_65 : i32 to vector<16xi32>
    %and3A_67 = arith.andi %add3A_64, %and3A_66 : vector<16xi32>
    %add3A_68 = arith.constant 11 : i32
    %add3A_69 = vector.broadcast %add3A_68 : i32 to vector<16xi32>
    %add3A_70 = arith.addi %iota3A, %add3A_69 : vector<16xi32>
    %and3A_71 = arith.constant 15 : i32
    %and3A_72 = vector.broadcast %and3A_71 : i32 to vector<16xi32>
    %and3A_73 = arith.andi %add3A_70, %and3A_72 : vector<16xi32>
    %add3A_74 = arith.constant 12 : i32
    %add3A_75 = vector.broadcast %add3A_74 : i32 to vector<16xi32>
    %add3A_76 = arith.addi %iota3A, %add3A_75 : vector<16xi32>
    %and3A_77 = arith.constant 15 : i32
    %and3A_78 = vector.broadcast %and3A_77 : i32 to vector<16xi32>
    %and3A_79 = arith.andi %add3A_76, %and3A_78 : vector<16xi32>
    %add3A_80 = arith.constant 13 : i32
    %add3A_81 = vector.broadcast %add3A_80 : i32 to vector<16xi32>
    %add3A_82 = arith.addi %iota3A, %add3A_81 : vector<16xi32>
    %and3A_83 = arith.constant 15 : i32
    %and3A_84 = vector.broadcast %and3A_83 : i32 to vector<16xi32>
    %and3A_85 = arith.andi %add3A_82, %and3A_84 : vector<16xi32>
    %add3A_86 = arith.constant 14 : i32
    %add3A_87 = vector.broadcast %add3A_86 : i32 to vector<16xi32>
    %add3A_88 = arith.addi %iota3A, %add3A_87 : vector<16xi32>
    %and3A_89 = arith.constant 15 : i32
    %and3A_90 = vector.broadcast %and3A_89 : i32 to vector<16xi32>
    %and3A_91 = arith.andi %add3A_88, %and3A_90 : vector<16xi32>
    %add3A_92 = arith.constant 15 : i32
    %add3A_93 = vector.broadcast %add3A_92 : i32 to vector<16xi32>
    %add3A_94 = arith.addi %iota3A, %add3A_93 : vector<16xi32>
    %and3A_95 = arith.constant 15 : i32
    %and3A_96 = vector.broadcast %and3A_95 : i32 to vector<16xi32>
    %and3A_97 = arith.andi %add3A_94, %and3A_96 : vector<16xi32>
    %shift_right_arithmetic3A = arith.constant 3 : i32
    %shift_right_arithmetic3A_98 = vector.broadcast %shift_right_arithmetic3A : i32 to vector<16xi32>
    %shift_right_arithmetic3A_99 = arith.shrsi %and3A_7, %shift_right_arithmetic3A_98 : vector<16xi32>
    %shift_right_arithmetic3A_100 = arith.constant 3 : i32
    %shift_right_arithmetic3A_101 = vector.broadcast %shift_right_arithmetic3A_100 : i32 to vector<16xi32>
    %shift_right_arithmetic3A_102 = arith.shrsi %and3A_13, %shift_right_arithmetic3A_101 : vector<16xi32>
    %shift_right_arithmetic3A_103 = arith.constant 3 : i32
    %shift_right_arithmetic3A_104 = vector.broadcast %shift_right_arithmetic3A_103 : i32 to vector<16xi32>
    %shift_right_arithmetic3A_105 = arith.shrsi %and3A_19, %shift_right_arithmetic3A_104 : vector<16xi32>
    %shift_right_arithmetic3A_106 = arith.constant 3 : i32
    %shift_right_arithmetic3A_107 = vector.broadcast %shift_right_arithmetic3A_106 : i32 to vector<16xi32>
    %shift_right_arithmetic3A_108 = arith.shrsi %and3A_25, %shift_right_arithmetic3A_107 : vector<16xi32>
    %shift_right_arithmetic3A_109 = arith.constant 3 : i32
    %shift_right_arithmetic3A_110 = vector.broadcast %shift_right_arithmetic3A_109 : i32 to vector<16xi32>
    %shift_right_arithmetic3A_111 = arith.shrsi %and3A_31, %shift_right_arithmetic3A_110 : vector<16xi32>
    %shift_right_arithmetic3A_112 = arith.constant 3 : i32
    %shift_right_arithmetic3A_113 = vector.broadcast %shift_right_arithmetic3A_112 : i32 to vector<16xi32>
    %shift_right_arithmetic3A_114 = arith.shrsi %and3A_37, %shift_right_arithmetic3A_113 : vector<16xi32>
    %shift_right_arithmetic3A_115 = arith.constant 3 : i32
    %shift_right_arithmetic3A_116 = vector.broadcast %shift_right_arithmetic3A_115 : i32 to vector<16xi32>
    %shift_right_arithmetic3A_117 = arith.shrsi %and3A_43, %shift_right_arithmetic3A_116 : vector<16xi32>
    %shift_right_arithmetic3A_118 = arith.constant 3 : i32
    %shift_right_arithmetic3A_119 = vector.broadcast %shift_right_arithmetic3A_118 : i32 to vector<16xi32>
    %shift_right_arithmetic3A_120 = arith.shrsi %and3A_49, %shift_right_arithmetic3A_119 : vector<16xi32>
    %shift_right_arithmetic3A_121 = arith.constant 3 : i32
    %shift_right_arithmetic3A_122 = vector.broadcast %shift_right_arithmetic3A_121 : i32 to vector<16xi32>
    %shift_right_arithmetic3A_123 = arith.shrsi %and3A_55, %shift_right_arithmetic3A_122 : vector<16xi32>
    %shift_right_arithmetic3A_124 = arith.constant 3 : i32
    %shift_right_arithmetic3A_125 = vector.broadcast %shift_right_arithmetic3A_124 : i32 to vector<16xi32>
    %shift_right_arithmetic3A_126 = arith.shrsi %and3A_61, %shift_right_arithmetic3A_125 : vector<16xi32>
    %shift_right_arithmetic3A_127 = arith.constant 3 : i32
    %shift_right_arithmetic3A_128 = vector.broadcast %shift_right_arithmetic3A_127 : i32 to vector<16xi32>
    %shift_right_arithmetic3A_129 = arith.shrsi %and3A_67, %shift_right_arithmetic3A_128 : vector<16xi32>
    %shift_right_arithmetic3A_130 = arith.constant 3 : i32
    %shift_right_arithmetic3A_131 = vector.broadcast %shift_right_arithmetic3A_130 : i32 to vector<16xi32>
    %shift_right_arithmetic3A_132 = arith.shrsi %and3A_73, %shift_right_arithmetic3A_131 : vector<16xi32>
    %shift_right_arithmetic3A_133 = arith.constant 3 : i32
    %shift_right_arithmetic3A_134 = vector.broadcast %shift_right_arithmetic3A_133 : i32 to vector<16xi32>
    %shift_right_arithmetic3A_135 = arith.shrsi %and3A_79, %shift_right_arithmetic3A_134 : vector<16xi32>
    %shift_right_arithmetic3A_136 = arith.constant 3 : i32
    %shift_right_arithmetic3A_137 = vector.broadcast %shift_right_arithmetic3A_136 : i32 to vector<16xi32>
    %shift_right_arithmetic3A_138 = arith.shrsi %and3A_85, %shift_right_arithmetic3A_137 : vector<16xi32>
    %shift_right_arithmetic3A_139 = arith.constant 3 : i32
    %shift_right_arithmetic3A_140 = vector.broadcast %shift_right_arithmetic3A_139 : i32 to vector<16xi32>
    %shift_right_arithmetic3A_141 = arith.shrsi %and3A_91, %shift_right_arithmetic3A_140 : vector<16xi32>
    %shift_right_arithmetic3A_142 = arith.constant 3 : i32
    %shift_right_arithmetic3A_143 = vector.broadcast %shift_right_arithmetic3A_142 : i32 to vector<16xi32>
    %shift_right_arithmetic3A_144 = arith.shrsi %and3A_97, %shift_right_arithmetic3A_143 : vector<16xi32>
    %add3A_145 = arith.constant 0 : i32
    %add3A_146 = vector.broadcast %add3A_145 : i32 to vector<16xi32>
    %add3A_147 = arith.addi %iota3A, %add3A_146 : vector<16xi32>
    %and3A_148 = arith.constant 7 : i32
    %and3A_149 = vector.broadcast %and3A_148 : i32 to vector<16xi32>
    %and3A_150 = arith.andi %add3A_147, %and3A_149 : vector<16xi32>
    %mul3A_151 = arith.constant 128 : i32
    %mul3A_152 = vector.broadcast %mul3A_151 : i32 to vector<16xi32>
    %mul3A_153 = arith.muli %and3A_150, %mul3A_152 : vector<16xi32>
    %add3A_154 = arith.addi %mul3A_153, %iota3A : vector<16xi32>
    %add3A_155 = arith.constant 1 : i32
    %add3A_156 = vector.broadcast %add3A_155 : i32 to vector<16xi32>
    %add3A_157 = arith.addi %iota3A, %add3A_156 : vector<16xi32>
    %and3A_158 = arith.constant 7 : i32
    %and3A_159 = vector.broadcast %and3A_158 : i32 to vector<16xi32>
    %and3A_160 = arith.andi %add3A_157, %and3A_159 : vector<16xi32>
    %mul3A_161 = arith.constant 128 : i32
    %mul3A_162 = vector.broadcast %mul3A_161 : i32 to vector<16xi32>
    %mul3A_163 = arith.muli %and3A_160, %mul3A_162 : vector<16xi32>
    %add3A_164 = arith.addi %mul3A_163, %iota3A : vector<16xi32>
    %add3A_165 = arith.constant 2 : i32
    %add3A_166 = vector.broadcast %add3A_165 : i32 to vector<16xi32>
    %add3A_167 = arith.addi %iota3A, %add3A_166 : vector<16xi32>
    %and3A_168 = arith.constant 7 : i32
    %and3A_169 = vector.broadcast %and3A_168 : i32 to vector<16xi32>
    %and3A_170 = arith.andi %add3A_167, %and3A_169 : vector<16xi32>
    %mul3A_171 = arith.constant 128 : i32
    %mul3A_172 = vector.broadcast %mul3A_171 : i32 to vector<16xi32>
    %mul3A_173 = arith.muli %and3A_170, %mul3A_172 : vector<16xi32>
    %add3A_174 = arith.addi %mul3A_173, %iota3A : vector<16xi32>
    %add3A_175 = arith.constant 3 : i32
    %add3A_176 = vector.broadcast %add3A_175 : i32 to vector<16xi32>
    %add3A_177 = arith.addi %iota3A, %add3A_176 : vector<16xi32>
    %and3A_178 = arith.constant 7 : i32
    %and3A_179 = vector.broadcast %and3A_178 : i32 to vector<16xi32>
    %and3A_180 = arith.andi %add3A_177, %and3A_179 : vector<16xi32>
    %mul3A_181 = arith.constant 128 : i32
    %mul3A_182 = vector.broadcast %mul3A_181 : i32 to vector<16xi32>
    %mul3A_183 = arith.muli %and3A_180, %mul3A_182 : vector<16xi32>
    %add3A_184 = arith.addi %mul3A_183, %iota3A : vector<16xi32>
    %add3A_185 = arith.constant 4 : i32
    %add3A_186 = vector.broadcast %add3A_185 : i32 to vector<16xi32>
    %add3A_187 = arith.addi %iota3A, %add3A_186 : vector<16xi32>
    %and3A_188 = arith.constant 7 : i32
    %and3A_189 = vector.broadcast %and3A_188 : i32 to vector<16xi32>
    %and3A_190 = arith.andi %add3A_187, %and3A_189 : vector<16xi32>
    %mul3A_191 = arith.constant 128 : i32
    %mul3A_192 = vector.broadcast %mul3A_191 : i32 to vector<16xi32>
    %mul3A_193 = arith.muli %and3A_190, %mul3A_192 : vector<16xi32>
    %add3A_194 = arith.addi %mul3A_193, %iota3A : vector<16xi32>
    %add3A_195 = arith.constant 5 : i32
    %add3A_196 = vector.broadcast %add3A_195 : i32 to vector<16xi32>
    %add3A_197 = arith.addi %iota3A, %add3A_196 : vector<16xi32>
    %and3A_198 = arith.constant 7 : i32
    %and3A_199 = vector.broadcast %and3A_198 : i32 to vector<16xi32>
    %and3A_200 = arith.andi %add3A_197, %and3A_199 : vector<16xi32>
    %mul3A_201 = arith.constant 128 : i32
    %mul3A_202 = vector.broadcast %mul3A_201 : i32 to vector<16xi32>
    %mul3A_203 = arith.muli %and3A_200, %mul3A_202 : vector<16xi32>
    %add3A_204 = arith.addi %mul3A_203, %iota3A : vector<16xi32>
    %add3A_205 = arith.constant 6 : i32
    %add3A_206 = vector.broadcast %add3A_205 : i32 to vector<16xi32>
    %add3A_207 = arith.addi %iota3A, %add3A_206 : vector<16xi32>
    %and3A_208 = arith.constant 7 : i32
    %and3A_209 = vector.broadcast %and3A_208 : i32 to vector<16xi32>
    %and3A_210 = arith.andi %add3A_207, %and3A_209 : vector<16xi32>
    %mul3A_211 = arith.constant 128 : i32
    %mul3A_212 = vector.broadcast %mul3A_211 : i32 to vector<16xi32>
    %mul3A_213 = arith.muli %and3A_210, %mul3A_212 : vector<16xi32>
    %add3A_214 = arith.addi %mul3A_213, %iota3A : vector<16xi32>
    %add3A_215 = arith.constant 7 : i32
    %add3A_216 = vector.broadcast %add3A_215 : i32 to vector<16xi32>
    %add3A_217 = arith.addi %iota3A, %add3A_216 : vector<16xi32>
    %and3A_218 = arith.constant 7 : i32
    %and3A_219 = vector.broadcast %and3A_218 : i32 to vector<16xi32>
    %and3A_220 = arith.andi %add3A_217, %and3A_219 : vector<16xi32>
    %mul3A_221 = arith.constant 128 : i32
    %mul3A_222 = vector.broadcast %mul3A_221 : i32 to vector<16xi32>
    %mul3A_223 = arith.muli %and3A_220, %mul3A_222 : vector<16xi32>
    %add3A_224 = arith.addi %mul3A_223, %iota3A : vector<16xi32>
    %add3A_225 = arith.constant 8 : i32
    %add3A_226 = vector.broadcast %add3A_225 : i32 to vector<16xi32>
    %add3A_227 = arith.addi %iota3A, %add3A_226 : vector<16xi32>
    %and3A_228 = arith.constant 7 : i32
    %and3A_229 = vector.broadcast %and3A_228 : i32 to vector<16xi32>
    %and3A_230 = arith.andi %add3A_227, %and3A_229 : vector<16xi32>
    %mul3A_231 = arith.constant 128 : i32
    %mul3A_232 = vector.broadcast %mul3A_231 : i32 to vector<16xi32>
    %mul3A_233 = arith.muli %and3A_230, %mul3A_232 : vector<16xi32>
    %add3A_234 = arith.addi %mul3A_233, %iota3A : vector<16xi32>
    %add3A_235 = arith.constant 9 : i32
    %add3A_236 = vector.broadcast %add3A_235 : i32 to vector<16xi32>
    %add3A_237 = arith.addi %iota3A, %add3A_236 : vector<16xi32>
    %and3A_238 = arith.constant 7 : i32
    %and3A_239 = vector.broadcast %and3A_238 : i32 to vector<16xi32>
    %and3A_240 = arith.andi %add3A_237, %and3A_239 : vector<16xi32>
    %mul3A_241 = arith.constant 128 : i32
    %mul3A_242 = vector.broadcast %mul3A_241 : i32 to vector<16xi32>
    %mul3A_243 = arith.muli %and3A_240, %mul3A_242 : vector<16xi32>
    %add3A_244 = arith.addi %mul3A_243, %iota3A : vector<16xi32>
    %add3A_245 = arith.constant 10 : i32
    %add3A_246 = vector.broadcast %add3A_245 : i32 to vector<16xi32>
    %add3A_247 = arith.addi %iota3A, %add3A_246 : vector<16xi32>
    %and3A_248 = arith.constant 7 : i32
    %and3A_249 = vector.broadcast %and3A_248 : i32 to vector<16xi32>
    %and3A_250 = arith.andi %add3A_247, %and3A_249 : vector<16xi32>
    %mul3A_251 = arith.constant 128 : i32
    %mul3A_252 = vector.broadcast %mul3A_251 : i32 to vector<16xi32>
    %mul3A_253 = arith.muli %and3A_250, %mul3A_252 : vector<16xi32>
    %add3A_254 = arith.addi %mul3A_253, %iota3A : vector<16xi32>
    %add3A_255 = arith.constant 11 : i32
    %add3A_256 = vector.broadcast %add3A_255 : i32 to vector<16xi32>
    %add3A_257 = arith.addi %iota3A, %add3A_256 : vector<16xi32>
    %and3A_258 = arith.constant 7 : i32
    %and3A_259 = vector.broadcast %and3A_258 : i32 to vector<16xi32>
    %and3A_260 = arith.andi %add3A_257, %and3A_259 : vector<16xi32>
    %mul3A_261 = arith.constant 128 : i32
    %mul3A_262 = vector.broadcast %mul3A_261 : i32 to vector<16xi32>
    %mul3A_263 = arith.muli %and3A_260, %mul3A_262 : vector<16xi32>
    %add3A_264 = arith.addi %mul3A_263, %iota3A : vector<16xi32>
    %add3A_265 = arith.constant 12 : i32
    %add3A_266 = vector.broadcast %add3A_265 : i32 to vector<16xi32>
    %add3A_267 = arith.addi %iota3A, %add3A_266 : vector<16xi32>
    %and3A_268 = arith.constant 7 : i32
    %and3A_269 = vector.broadcast %and3A_268 : i32 to vector<16xi32>
    %and3A_270 = arith.andi %add3A_267, %and3A_269 : vector<16xi32>
    %mul3A_271 = arith.constant 128 : i32
    %mul3A_272 = vector.broadcast %mul3A_271 : i32 to vector<16xi32>
    %mul3A_273 = arith.muli %and3A_270, %mul3A_272 : vector<16xi32>
    %add3A_274 = arith.addi %mul3A_273, %iota3A : vector<16xi32>
    %add3A_275 = arith.constant 13 : i32
    %add3A_276 = vector.broadcast %add3A_275 : i32 to vector<16xi32>
    %add3A_277 = arith.addi %iota3A, %add3A_276 : vector<16xi32>
    %and3A_278 = arith.constant 7 : i32
    %and3A_279 = vector.broadcast %and3A_278 : i32 to vector<16xi32>
    %and3A_280 = arith.andi %add3A_277, %and3A_279 : vector<16xi32>
    %mul3A_281 = arith.constant 128 : i32
    %mul3A_282 = vector.broadcast %mul3A_281 : i32 to vector<16xi32>
    %mul3A_283 = arith.muli %and3A_280, %mul3A_282 : vector<16xi32>
    %add3A_284 = arith.addi %mul3A_283, %iota3A : vector<16xi32>
    %add3A_285 = arith.constant 14 : i32
    %add3A_286 = vector.broadcast %add3A_285 : i32 to vector<16xi32>
    %add3A_287 = arith.addi %iota3A, %add3A_286 : vector<16xi32>
    %and3A_288 = arith.constant 7 : i32
    %and3A_289 = vector.broadcast %and3A_288 : i32 to vector<16xi32>
    %and3A_290 = arith.andi %add3A_287, %and3A_289 : vector<16xi32>
    %mul3A_291 = arith.constant 128 : i32
    %mul3A_292 = vector.broadcast %mul3A_291 : i32 to vector<16xi32>
    %mul3A_293 = arith.muli %and3A_290, %mul3A_292 : vector<16xi32>
    %add3A_294 = arith.addi %mul3A_293, %iota3A : vector<16xi32>
    %add3A_295 = arith.constant 15 : i32
    %add3A_296 = vector.broadcast %add3A_295 : i32 to vector<16xi32>
    %add3A_297 = arith.addi %iota3A, %add3A_296 : vector<16xi32>
    %and3A_298 = arith.constant 7 : i32
    %and3A_299 = vector.broadcast %and3A_298 : i32 to vector<16xi32>
    %and3A_300 = arith.andi %add3A_297, %and3A_299 : vector<16xi32>
    %mul3A_301 = arith.constant 128 : i32
    %mul3A_302 = vector.broadcast %mul3A_301 : i32 to vector<16xi32>
    %mul3A_303 = arith.muli %and3A_300, %mul3A_302 : vector<16xi32>
    %add3A_304 = arith.addi %mul3A_303, %iota3A : vector<16xi32>
    %dma_start3A = arith.constant 0 : i32
    %dma_start3A_305 = arith.constant 0 : i32
    %dma_start3A_306 = arith.constant 0 : i32
    %dma_start3A_307 = arith.constant 0 : i32
    %dma_start3A_308 = tpu.memref_slice %arg6[%dma_start3A_305, %dma_start3A_306, %dma_start3A_307] : memref<2x128x64xf32, #tpu.memory_space<vmem>> -> memref<1x128x64xf32, #tpu.memory_space<vmem>>
    %dma_start3A_309 = tpu.memref_squeeze %dma_start3A_308 : memref<1x128x64xf32, #tpu.memory_space<vmem>> -> memref<128x64xf32, #tpu.memory_space<vmem>>
    %dma_start3A_310 = arith.constant 0 : i32
    %dma_start3A_311 = tpu.memref_slice %arg5[%dma_start3A, %dma_start3A_310] : memref<200x128xi32, #tpu.memory_space<vmem>> -> memref<1x128xi32, #tpu.memory_space<vmem>>
    %dma_start3A_312 = tpu.memref_squeeze %dma_start3A_311 : memref<1x128xi32, #tpu.memory_space<vmem>> -> memref<128xi32, #tpu.memory_space<vmem>>
    %dma_start3A_313 = arith.constant 0 : i32
    %dma_start3A_314 = arith.constant 0 : i32
    %dma_start3A_315 = tpu.memref_slice %arg3[%dma_start3A_313, %dma_start3A_314] : memref<1000000x64xf32, #tpu.memory_space<hbm>> -> memref<1000000x64xf32, #tpu.memory_space<hbm>>
    tpu.enqueue_indirect_dma source(%dma_start3A_315 : memref<1000000x64xf32, #tpu.memory_space<hbm>>) target(%dma_start3A_309 : memref<128x64xf32, #tpu.memory_space<vmem>>) offsets(%dma_start3A_312 : memref<128xi32, #tpu.memory_space<vmem>>) semaphore(%arg8 : memref<!tpu.dma_semaphore, #tpu.memory_space<semaphore_mem>>)
    %scan3A = arith.constant 0 : i32
    %scan3A_316 = arith.constant 0 : i32
    %scan3A_317 = arith.constant 100 : i32
    %scan3A_318 = arith.addi %scan3A_316, %scan3A_317 : i32
    %scan3A_319 = arith.constant 1 : i32
    scf.for %scan3A_356 = %scan3A_316 to %scan3A_318 step %scan3A_319  : i32 {
      %mul3A_357 = arith.constant 2 : i32
      %mul3A_358 = arith.muli %mul3A_357, %scan3A_356 : i32
      %add3A_359 = arith.constant 1 : i32
      %add3A_360 = arith.addi %mul3A_358, %add3A_359 : i32
      %lt3A = arith.constant 200 : i32
      %lt3A_361 = arith.cmpi slt, %add3A_360, %lt3A : i32
      %convert_element_type3A = arith.extui %lt3A_361 : i1 to i32
      %cond3A = arith.constant 0 : i32
      %cond3A_362 = arith.cmpi ne, %convert_element_type3A, %cond3A : i32
      scf.if %cond3A_362 {
        %add3A_479 = arith.constant 1 : i32
        %add3A_480 = arith.addi %mul3A_358, %add3A_479 : i32
        %dma_start3A_481 = arith.constant 1 : i32
        %dma_start3A_482 = arith.constant 0 : i32
        %dma_start3A_483 = arith.constant 0 : i32
        %dma_start3A_484 = tpu.memref_slice %arg6[%dma_start3A_481, %dma_start3A_482, %dma_start3A_483] : memref<2x128x64xf32, #tpu.memory_space<vmem>> -> memref<1x128x64xf32, #tpu.memory_space<vmem>>
        %dma_start3A_485 = tpu.memref_squeeze %dma_start3A_484 : memref<1x128x64xf32, #tpu.memory_space<vmem>> -> memref<128x64xf32, #tpu.memory_space<vmem>>
        %dma_start3A_486 = arith.constant 0 : i32
        %dma_start3A_487 = tpu.memref_slice %arg5[%add3A_480, %dma_start3A_486] : memref<200x128xi32, #tpu.memory_space<vmem>> -> memref<1x128xi32, #tpu.memory_space<vmem>>
        %dma_start3A_488 = tpu.memref_squeeze %dma_start3A_487 : memref<1x128xi32, #tpu.memory_space<vmem>> -> memref<128xi32, #tpu.memory_space<vmem>>
        %dma_start3A_489 = arith.constant 0 : i32
        %dma_start3A_490 = arith.constant 0 : i32
        %dma_start3A_491 = tpu.memref_slice %arg3[%dma_start3A_489, %dma_start3A_490] : memref<1000000x64xf32, #tpu.memory_space<hbm>> -> memref<1000000x64xf32, #tpu.memory_space<hbm>>
        tpu.enqueue_indirect_dma source(%dma_start3A_491 : memref<1000000x64xf32, #tpu.memory_space<hbm>>) target(%dma_start3A_485 : memref<128x64xf32, #tpu.memory_space<vmem>>) offsets(%dma_start3A_488 : memref<128xi32, #tpu.memory_space<vmem>>) semaphore(%arg9 : memref<!tpu.dma_semaphore, #tpu.memory_space<semaphore_mem>>)
      } else {
      }
      %ge3A = arith.constant 2 : i32
      %ge3A_363 = arith.cmpi sge, %mul3A_358, %ge3A : i32
      %convert_element_type3A_364 = arith.extui %ge3A_363 : i1 to i32
      %cond3A_365 = arith.constant 0 : i32
      %cond3A_366 = arith.cmpi ne, %convert_element_type3A_364, %cond3A_365 : i32
      scf.if %cond3A_366 {
        %dma_wait3A_479 = arith.constant 0 : i32
        %dma_wait3A_480 = arith.constant 0 : i32
        %dma_wait3A_481 = arith.constant 0 : i32
        %dma_wait3A_482 = arith.constant 0 : i32
        %dma_wait3A_483 = tpu.memref_slice %arg7[%dma_wait3A_479, %dma_wait3A_481, %dma_wait3A_482] : memref<2x8x1024xf32, #tpu.memory_space<vmem>> -> memref<1x8x1024xf32, #tpu.memory_space<vmem>>
        %dma_wait3A_484 = tpu.memref_squeeze %dma_wait3A_483 : memref<1x8x1024xf32, #tpu.memory_space<vmem>> -> memref<8x1024xf32, #tpu.memory_space<vmem>>
        %dma_wait3A_485 = arith.constant 0 : i32
        %dma_wait3A_486 = arith.constant 0 : i32
        %dma_wait3A_487 = tpu.memref_slice %arg4[%dma_wait3A_485, %dma_wait3A_480, %dma_wait3A_486] : memref<1600x32x1024xf32, #tpu.memory_space<hbm>> -> memref<8x1x1024xf32, #tpu.memory_space<hbm>>
        %dma_wait3A_488 = tpu.memref_squeeze %dma_wait3A_487 : memref<8x1x1024xf32, #tpu.memory_space<hbm>> -> memref<8x1024xf32, #tpu.memory_space<hbm>>
        %dma_wait3A_489 = arith.constant 0 : i32
        %dma_wait3A_490 = arith.constant 0 : i32
        %dma_wait3A_491 = tpu.memref_slice %arg4[%dma_wait3A_489, %dma_wait3A_480, %dma_wait3A_490] : memref<1600x32x1024xf32, #tpu.memory_space<hbm>> -> memref<8x1x1024xf32, #tpu.memory_space<hbm>>
        %dma_wait3A_492 = tpu.memref_squeeze %dma_wait3A_491 : memref<8x1x1024xf32, #tpu.memory_space<hbm>> -> memref<8x1024xf32, #tpu.memory_space<hbm>>
        %dma_wait3A_493 = arith.constant 0 : i32
        %dma_wait3A_494 = arith.constant 0 : i32
        %dma_wait3A_495 = tpu.memref_slice %arg7[%dma_wait3A_479, %dma_wait3A_493, %dma_wait3A_494] : memref<2x8x1024xf32, #tpu.memory_space<vmem>> -> memref<1x8x1024xf32, #tpu.memory_space<vmem>>
        %dma_wait3A_496 = tpu.memref_squeeze %dma_wait3A_495 : memref<1x8x1024xf32, #tpu.memory_space<vmem>> -> memref<8x1024xf32, #tpu.memory_space<vmem>>
        tpu.wait_dma2 semaphore(%arg10 : memref<!tpu.dma_semaphore, #tpu.memory_space<semaphore_mem>>) src(%dma_wait3A_496 : memref<8x1024xf32, #tpu.memory_space<vmem>>) dst(%dma_wait3A_492 : memref<8x1024xf32, #tpu.memory_space<hbm>>)
      } else {
      }
      %dma_wait3A_367 = arith.constant 0 : i32
      %dma_wait3A_368 = arith.constant 0 : i32
      %dma_wait3A_369 = arith.constant 0 : i32
      %dma_wait3A_370 = tpu.memref_slice %arg6[%dma_wait3A_367, %dma_wait3A_368, %dma_wait3A_369] : memref<2x128x64xf32, #tpu.memory_space<vmem>> -> memref<1x128x64xf32, #tpu.memory_space<vmem>>
      %dma_wait3A_371 = tpu.memref_squeeze %dma_wait3A_370 : memref<1x128x64xf32, #tpu.memory_space<vmem>> -> memref<128x64xf32, #tpu.memory_space<vmem>>
      %dma_wait3A_372 = arith.constant 0 : i32
      %dma_wait3A_373 = tpu.memref_slice %arg5[%mul3A_358, %dma_wait3A_372] : memref<200x128xi32, #tpu.memory_space<vmem>> -> memref<1x128xi32, #tpu.memory_space<vmem>>
      %dma_wait3A_374 = tpu.memref_squeeze %dma_wait3A_373 : memref<1x128xi32, #tpu.memory_space<vmem>> -> memref<128xi32, #tpu.memory_space<vmem>>
      %dma_wait3A_375 = arith.constant 0 : i32
      %dma_wait3A_376 = arith.constant 0 : i32
      %dma_wait3A_377 = tpu.memref_slice %arg3[%dma_wait3A_375, %dma_wait3A_376] : memref<1000000x64xf32, #tpu.memory_space<hbm>> -> memref<1000000x64xf32, #tpu.memory_space<hbm>>
      tpu.wait_indirect_dma semaphore(%arg8 : memref<!tpu.dma_semaphore, #tpu.memory_space<semaphore_mem>>) src(%dma_wait3A_377 : memref<1000000x64xf32, #tpu.memory_space<hbm>>) dst(%dma_wait3A_371 : memref<128x64xf32, #tpu.memory_space<vmem>>)
      %scan3A_378 = arith.constant 0 : i32
      %scan3A_379 = arith.constant 0 : i32
      %scan3A_380 = arith.constant 0 : i32
      %scan3A_381 = arith.constant 0 : i32
      %scan3A_382 = arith.constant 8 : i32
      %scan3A_383 = arith.addi %scan3A_381, %scan3A_382 : i32
      %scan3A_384 = arith.constant 1 : i32
      scf.for %scan3A_479 = %scan3A_381 to %scan3A_383 step %scan3A_384  : i32 {
        %mul3A_480 = arith.constant 16 : i32
        %mul3A_481 = arith.muli %mul3A_480, %scan3A_479 : i32
        %add3A_482 = vector.broadcast %mul3A_481 : i32 to vector<16xi32>
        %add3A_483 = arith.addi %iota3A, %add3A_482 : vector<16xi32>
        %mul3A_484 = arith.constant 16 : i32
        %mul3A_485 = arith.muli %mul3A_484, %scan3A_479 : i32
        %add3A_486 = vector.broadcast %mul3A_485 : i32 to vector<16xi32>
        %add3A_487 = arith.addi %add3A_154, %add3A_486 : vector<16xi32>
        %add3A_488 = arith.constant 0 : i32
        %add3A_489 = vector.broadcast %add3A_488 : i32 to vector<16xi32>
        %add3A_490 = arith.addi %and3A_7, %add3A_489 : vector<16xi32>
        %gather3A = arith.constant 0 : i32
        %gather3A_491 = arith.constant 0 : i32
        %gather3A_492 = tpu.memref_slice %arg6[%scan3A_379, %gather3A, %gather3A_491] : memref<2x128x64xf32, #tpu.memory_space<vmem>> -> memref<1x128x64xf32, #tpu.memory_space<vmem>>
        %gather3A_493 = tpu.memref_squeeze %gather3A_492 : memref<1x128x64xf32, #tpu.memory_space<vmem>> -> memref<128x64xf32, #tpu.memory_space<vmem>>
        %gather3A_494 = tpu.vector_load_idx %gather3A_493[%add3A_483, %add3A_490] : memref<128x64xf32, #tpu.memory_space<vmem>>[vector<16xi32>, vector<16xi32>], vector<16xf32>,
        %add3A_495 = arith.constant 0 : i32
        %add3A_496 = vector.broadcast %add3A_495 : i32 to vector<16xi32>
        %add3A_497 = arith.addi %shift_right_arithmetic3A_99, %add3A_496 : vector<16xi32>
        %scatter3A = arith.constant 0 : i32
        %scatter3A_498 = arith.constant 0 : i32
        %scatter3A_499 = tpu.memref_slice %arg7[%scan3A_380, %scatter3A, %scatter3A_498] : memref<2x8x1024xf32, #tpu.memory_space<vmem>> -> memref<1x8x1024xf32, #tpu.memory_space<vmem>>
        %scatter3A_500 = tpu.memref_squeeze %scatter3A_499 : memref<1x8x1024xf32, #tpu.memory_space<vmem>> -> memref<8x1024xf32, #tpu.memory_space<vmem>>
        tpu.vector_store_idx %scatter3A_500[%add3A_497, %add3A_487], %gather3A_494 : memref<8x1024xf32, #tpu.memory_space<vmem>>[vector<16xi32>, vector<16xi32>], vector<16xf32>,
        %add3A_501 = arith.constant 16 : i32
        %add3A_502 = vector.broadcast %add3A_501 : i32 to vector<16xi32>
        %add3A_503 = arith.addi %and3A_7, %add3A_502 : vector<16xi32>
        %gather3A_504 = arith.constant 0 : i32
        %gather3A_505 = arith.constant 0 : i32
        %gather3A_506 = tpu.memref_slice %arg6[%scan3A_379, %gather3A_504, %gather3A_505] : memref<2x128x64xf32, #tpu.memory_space<vmem>> -> memref<1x128x64xf32, #tpu.memory_space<vmem>>
        %gather3A_507 = tpu.memref_squeeze %gather3A_506 : memref<1x128x64xf32, #tpu.memory_space<vmem>> -> memref<128x64xf32, #tpu.memory_space<vmem>>
        %gather3A_508 = tpu.vector_load_idx %gather3A_507[%add3A_483, %add3A_503] : memref<128x64xf32, #tpu.memory_space<vmem>>[vector<16xi32>, vector<16xi32>], vector<16xf32>,
        %add3A_509 = arith.constant 2 : i32
        %add3A_510 = vector.broadcast %add3A_509 : i32 to vector<16xi32>
        %add3A_511 = arith.addi %shift_right_arithmetic3A_99, %add3A_510 : vector<16xi32>
        %scatter3A_512 = arith.constant 0 : i32
        %scatter3A_513 = arith.constant 0 : i32
        %scatter3A_514 = tpu.memref_slice %arg7[%scan3A_380, %scatter3A_512, %scatter3A_513] : memref<2x8x1024xf32, #tpu.memory_space<vmem>> -> memref<1x8x1024xf32, #tpu.memory_space<vmem>>
        %scatter3A_515 = tpu.memref_squeeze %scatter3A_514 : memref<1x8x1024xf32, #tpu.memory_space<vmem>> -> memref<8x1024xf32, #tpu.memory_space<vmem>>
        tpu.vector_store_idx %scatter3A_515[%add3A_511, %add3A_487], %gather3A_508 : memref<8x1024xf32, #tpu.memory_space<vmem>>[vector<16xi32>, vector<16xi32>], vector<16xf32>,
        %add3A_516 = arith.constant 32 : i32
        %add3A_517 = vector.broadcast %add3A_516 : i32 to vector<16xi32>
        %add3A_518 = arith.addi %and3A_7, %add3A_517 : vector<16xi32>
        %gather3A_519 = arith.constant 0 : i32
        %gather3A_520 = arith.constant 0 : i32
        %gather3A_521 = tpu.memref_slice %arg6[%scan3A_379, %gather3A_519, %gather3A_520] : memref<2x128x64xf32, #tpu.memory_space<vmem>> -> memref<1x128x64xf32, #tpu.memory_space<vmem>>
        %gather3A_522 = tpu.memref_squeeze %gather3A_521 : memref<1x128x64xf32, #tpu.memory_space<vmem>> -> memref<128x64xf32, #tpu.memory_space<vmem>>
        %gather3A_523 = tpu.vector_load_idx %gather3A_522[%add3A_483, %add3A_518] : memref<128x64xf32, #tpu.memory_space<vmem>>[vector<16xi32>, vector<16xi32>], vector<16xf32>,
        %add3A_524 = arith.constant 4 : i32
        %add3A_525 = vector.broadcast %add3A_524 : i32 to vector<16xi32>
        %add3A_526 = arith.addi %shift_right_arithmetic3A_99, %add3A_525 : vector<16xi32>
        %scatter3A_527 = arith.constant 0 : i32
        %scatter3A_528 = arith.constant 0 : i32
        %scatter3A_529 = tpu.memref_slice %arg7[%scan3A_380, %scatter3A_527, %scatter3A_528] : memref<2x8x1024xf32, #tpu.memory_space<vmem>> -> memref<1x8x1024xf32, #tpu.memory_space<vmem>>
        %scatter3A_530 = tpu.memref_squeeze %scatter3A_529 : memref<1x8x1024xf32, #tpu.memory_space<vmem>> -> memref<8x1024xf32, #tpu.memory_space<vmem>>
        tpu.vector_store_idx %scatter3A_530[%add3A_526, %add3A_487], %gather3A_523 : memref<8x1024xf32, #tpu.memory_space<vmem>>[vector<16xi32>, vector<16xi32>], vector<16xf32>,
        %add3A_531 = arith.constant 48 : i32
        %add3A_532 = vector.broadcast %add3A_531 : i32 to vector<16xi32>
        %add3A_533 = arith.addi %and3A_7, %add3A_532 : vector<16xi32>
        %gather3A_534 = arith.constant 0 : i32
        %gather3A_535 = arith.constant 0 : i32
        %gather3A_536 = tpu.memref_slice %arg6[%scan3A_379, %gather3A_534, %gather3A_535] : memref<2x128x64xf32, #tpu.memory_space<vmem>> -> memref<1x128x64xf32, #tpu.memory_space<vmem>>
        %gather3A_537 = tpu.memref_squeeze %gather3A_536 : memref<1x128x64xf32, #tpu.memory_space<vmem>> -> memref<128x64xf32, #tpu.memory_space<vmem>>
        %gather3A_538 = tpu.vector_load_idx %gather3A_537[%add3A_483, %add3A_533] : memref<128x64xf32, #tpu.memory_space<vmem>>[vector<16xi32>, vector<16xi32>], vector<16xf32>,
        %add3A_539 = arith.constant 6 : i32
        %add3A_540 = vector.broadcast %add3A_539 : i32 to vector<16xi32>
        %add3A_541 = arith.addi %shift_right_arithmetic3A_99, %add3A_540 : vector<16xi32>
        %scatter3A_542 = arith.constant 0 : i32
        %scatter3A_543 = arith.constant 0 : i32
        %scatter3A_544 = tpu.memref_slice %arg7[%scan3A_380, %scatter3A_542, %scatter3A_543] : memref<2x8x1024xf32, #tpu.memory_space<vmem>> -> memref<1x8x1024xf32, #tpu.memory_space<vmem>>
        %scatter3A_545 = tpu.memref_squeeze %scatter3A_544 : memref<1x8x1024xf32, #tpu.memory_space<vmem>> -> memref<8x1024xf32, #tpu.memory_space<vmem>>
        tpu.vector_store_idx %scatter3A_545[%add3A_541, %add3A_487], %gather3A_538 : memref<8x1024xf32, #tpu.memory_space<vmem>>[vector<16xi32>, vector<16xi32>], vector<16xf32>,
        %mul3A_546 = arith.constant 16 : i32
        %mul3A_547 = arith.muli %mul3A_546, %scan3A_479 : i32
        %add3A_548 = vector.broadcast %mul3A_547 : i32 to vector<16xi32>
        %add3A_549 = arith.addi %add3A_164, %add3A_548 : vector<16xi32>
        %add3A_550 = arith.constant 0 : i32
        %add3A_551 = vector.broadcast %add3A_550 : i32 to vector<16xi32>
        %add3A_552 = arith.addi %and3A_13, %add3A_551 : vector<16xi32>
        %gather3A_553 = arith.constant 0 : i32
        %gather3A_554 = arith.constant 0 : i32
        %gather3A_555 = tpu.memref_slice %arg6[%scan3A_379, %gather3A_553, %gather3A_554] : memref<2x128x64xf32, #tpu.memory_space<vmem>> -> memref<1x128x64xf32, #tpu.memory_space<vmem>>
        %gather3A_556 = tpu.memref_squeeze %gather3A_555 : memref<1x128x64xf32, #tpu.memory_space<vmem>> -> memref<128x64xf32, #tpu.memory_space<vmem>>
        %gather3A_557 = tpu.vector_load_idx %gather3A_556[%add3A_483, %add3A_552] : memref<128x64xf32, #tpu.memory_space<vmem>>[vector<16xi32>, vector<16xi32>], vector<16xf32>,
        %add3A_558 = arith.constant 0 : i32
        %add3A_559 = vector.broadcast %add3A_558 : i32 to vector<16xi32>
        %add3A_560 = arith.addi %shift_right_arithmetic3A_102, %add3A_559 : vector<16xi32>
        %scatter3A_561 = arith.constant 0 : i32
        %scatter3A_562 = arith.constant 0 : i32
        %scatter3A_563 = tpu.memref_slice %arg7[%scan3A_380, %scatter3A_561, %scatter3A_562] : memref<2x8x1024xf32, #tpu.memory_space<vmem>> -> memref<1x8x1024xf32, #tpu.memory_space<vmem>>
        %scatter3A_564 = tpu.memref_squeeze %scatter3A_563 : memref<1x8x1024xf32, #tpu.memory_space<vmem>> -> memref<8x1024xf32, #tpu.memory_space<vmem>>
        tpu.vector_store_idx %scatter3A_564[%add3A_560, %add3A_549], %gather3A_557 : memref<8x1024xf32, #tpu.memory_space<vmem>>[vector<16xi32>, vector<16xi32>], vector<16xf32>,
        %add3A_565 = arith.constant 16 : i32
        %add3A_566 = vector.broadcast %add3A_565 : i32 to vector<16xi32>
        %add3A_567 = arith.addi %and3A_13, %add3A_566 : vector<16xi32>
        %gather3A_568 = arith.constant 0 : i32
        %gather3A_569 = arith.constant 0 : i32
        %gather3A_570 = tpu.memref_slice %arg6[%scan3A_379, %gather3A_568, %gather3A_569] : memref<2x128x64xf32, #tpu.memory_space<vmem>> -> memref<1x128x64xf32, #tpu.memory_space<vmem>>
        %gather3A_571 = tpu.memref_squeeze %gather3A_570 : memref<1x128x64xf32, #tpu.memory_space<vmem>> -> memref<128x64xf32, #tpu.memory_space<vmem>>
        %gather3A_572 = tpu.vector_load_idx %gather3A_571[%add3A_483, %add3A_567] : memref<128x64xf32, #tpu.memory_space<vmem>>[vector<16xi32>, vector<16xi32>], vector<16xf32>,
        %add3A_573 = arith.constant 2 : i32
        %add3A_574 = vector.broadcast %add3A_573 : i32 to vector<16xi32>
        %add3A_575 = arith.addi %shift_right_arithmetic3A_102, %add3A_574 : vector<16xi32>
        %scatter3A_576 = arith.constant 0 : i32
        %scatter3A_577 = arith.constant 0 : i32
        %scatter3A_578 = tpu.memref_slice %arg7[%scan3A_380, %scatter3A_576, %scatter3A_577] : memref<2x8x1024xf32, #tpu.memory_space<vmem>> -> memref<1x8x1024xf32, #tpu.memory_space<vmem>>
        %scatter3A_579 = tpu.memref_squeeze %scatter3A_578 : memref<1x8x1024xf32, #tpu.memory_space<vmem>> -> memref<8x1024xf32, #tpu.memory_space<vmem>>
        tpu.vector_store_idx %scatter3A_579[%add3A_575, %add3A_549], %gather3A_572 : memref<8x1024xf32, #tpu.memory_space<vmem>>[vector<16xi32>, vector<16xi32>], vector<16xf32>,
        %add3A_580 = arith.constant 32 : i32
        %add3A_581 = vector.broadcast %add3A_580 : i32 to vector<16xi32>
        %add3A_582 = arith.addi %and3A_13, %add3A_581 : vector<16xi32>
        %gather3A_583 = arith.constant 0 : i32
        %gather3A_584 = arith.constant 0 : i32
        %gather3A_585 = tpu.memref_slice %arg6[%scan3A_379, %gather3A_583, %gather3A_584] : memref<2x128x64xf32, #tpu.memory_space<vmem>> -> memref<1x128x64xf32, #tpu.memory_space<vmem>>
        %gather3A_586 = tpu.memref_squeeze %gather3A_585 : memref<1x128x64xf32, #tpu.memory_space<vmem>> -> memref<128x64xf32, #tpu.memory_space<vmem>>
        %gather3A_587 = tpu.vector_load_idx %gather3A_586[%add3A_483, %add3A_582] : memref<128x64xf32, #tpu.memory_space<vmem>>[vector<16xi32>, vector<16xi32>], vector<16xf32>,
        %add3A_588 = arith.constant 4 : i32
        %add3A_589 = vector.broadcast %add3A_588 : i32 to vector<16xi32>
        %add3A_590 = arith.addi %shift_right_arithmetic3A_102, %add3A_589 : vector<16xi32>
        %scatter3A_591 = arith.constant 0 : i32
        %scatter3A_592 = arith.constant 0 : i32
        %scatter3A_593 = tpu.memref_slice %arg7[%scan3A_380, %scatter3A_591, %scatter3A_592] : memref<2x8x1024xf32, #tpu.memory_space<vmem>> -> memref<1x8x1024xf32, #tpu.memory_space<vmem>>
        %scatter3A_594 = tpu.memref_squeeze %scatter3A_593 : memref<1x8x1024xf32, #tpu.memory_space<vmem>> -> memref<8x1024xf32, #tpu.memory_space<vmem>>
        tpu.vector_store_idx %scatter3A_594[%add3A_590, %add3A_549], %gather3A_587 : memref<8x1024xf32, #tpu.memory_space<vmem>>[vector<16xi32>, vector<16xi32>], vector<16xf32>,
        %add3A_595 = arith.constant 48 : i32
        %add3A_596 = vector.broadcast %add3A_595 : i32 to vector<16xi32>
        %add3A_597 = arith.addi %and3A_13, %add3A_596 : vector<16xi32>
        %gather3A_598 = arith.constant 0 : i32
        %gather3A_599 = arith.constant 0 : i32
        %gather3A_600 = tpu.memref_slice %arg6[%scan3A_379, %gather3A_598, %gather3A_599] : memref<2x128x64xf32, #tpu.memory_space<vmem>> -> memref<1x128x64xf32, #tpu.memory_space<vmem>>
        %gather3A_601 = tpu.memref_squeeze %gather3A_600 : memref<1x128x64xf32, #tpu.memory_space<vmem>> -> memref<128x64xf32, #tpu.memory_space<vmem>>
        %gather3A_602 = tpu.vector_load_idx %gather3A_601[%add3A_483, %add3A_597] : memref<128x64xf32, #tpu.memory_space<vmem>>[vector<16xi32>, vector<16xi32>], vector<16xf32>,
        %add3A_603 = arith.constant 6 : i32
        %add3A_604 = vector.broadcast %add3A_603 : i32 to vector<16xi32>
        %add3A_605 = arith.addi %shift_right_arithmetic3A_102, %add3A_604 : vector<16xi32>
        %scatter3A_606 = arith.constant 0 : i32
        %scatter3A_607 = arith.constant 0 : i32
        %scatter3A_608 = tpu.memref_slice %arg7[%scan3A_380, %scatter3A_606, %scatter3A_607] : memref<2x8x1024xf32, #tpu.memory_space<vmem>> -> memref<1x8x1024xf32, #tpu.memory_space<vmem>>
        %scatter3A_609 = tpu.memref_squeeze %scatter3A_608 : memref<1x8x1024xf32, #tpu.memory_space<vmem>> -> memref<8x1024xf32, #tpu.memory_space<vmem>>
        tpu.vector_store_idx %scatter3A_609[%add3A_605, %add3A_549], %gather3A_602 : memref<8x1024xf32, #tpu.memory_space<vmem>>[vector<16xi32>, vector<16xi32>], vector<16xf32>,
        %mul3A_610 = arith.constant 16 : i32
        %mul3A_611 = arith.muli %mul3A_610, %scan3A_479 : i32
        %add3A_612 = vector.broadcast %mul3A_611 : i32 to vector<16xi32>
        %add3A_613 = arith.addi %add3A_174, %add3A_612 : vector<16xi32>
        %add3A_614 = arith.constant 0 : i32
        %add3A_615 = vector.broadcast %add3A_614 : i32 to vector<16xi32>
        %add3A_616 = arith.addi %and3A_19, %add3A_615 : vector<16xi32>
        %gather3A_617 = arith.constant 0 : i32
        %gather3A_618 = arith.constant 0 : i32
        %gather3A_619 = tpu.memref_slice %arg6[%scan3A_379, %gather3A_617, %gather3A_618] : memref<2x128x64xf32, #tpu.memory_space<vmem>> -> memref<1x128x64xf32, #tpu.memory_space<vmem>>
        %gather3A_620 = tpu.memref_squeeze %gather3A_619 : memref<1x128x64xf32, #tpu.memory_space<vmem>> -> memref<128x64xf32, #tpu.memory_space<vmem>>
        %gather3A_621 = tpu.vector_load_idx %gather3A_620[%add3A_483, %add3A_616] : memref<128x64xf32, #tpu.memory_space<vmem>>[vector<16xi32>, vector<16xi32>], vector<16xf32>,
        %add3A_622 = arith.constant 0 : i32
        %add3A_623 = vector.broadcast %add3A_622 : i32 to vector<16xi32>
        %add3A_624 = arith.addi %shift_right_arithmetic3A_105, %add3A_623 : vector<16xi32>
        %scatter3A_625 = arith.constant 0 : i32
        %scatter3A_626 = arith.constant 0 : i32
        %scatter3A_627 = tpu.memref_slice %arg7[%scan3A_380, %scatter3A_625, %scatter3A_626] : memref<2x8x1024xf32, #tpu.memory_space<vmem>> -> memref<1x8x1024xf32, #tpu.memory_space<vmem>>
        %scatter3A_628 = tpu.memref_squeeze %scatter3A_627 : memref<1x8x1024xf32, #tpu.memory_space<vmem>> -> memref<8x1024xf32, #tpu.memory_space<vmem>>
        tpu.vector_store_idx %scatter3A_628[%add3A_624, %add3A_613], %gather3A_621 : memref<8x1024xf32, #tpu.memory_space<vmem>>[vector<16xi32>, vector<16xi32>], vector<16xf32>,
        %add3A_629 = arith.constant 16 : i32
        %add3A_630 = vector.broadcast %add3A_629 : i32 to vector<16xi32>
        %add3A_631 = arith.addi %and3A_19, %add3A_630 : vector<16xi32>
        %gather3A_632 = arith.constant 0 : i32
        %gather3A_633 = arith.constant 0 : i32
        %gather3A_634 = tpu.memref_slice %arg6[%scan3A_379, %gather3A_632, %gather3A_633] : memref<2x128x64xf32, #tpu.memory_space<vmem>> -> memref<1x128x64xf32, #tpu.memory_space<vmem>>
        %gather3A_635 = tpu.memref_squeeze %gather3A_634 : memref<1x128x64xf32, #tpu.memory_space<vmem>> -> memref<128x64xf32, #tpu.memory_space<vmem>>
        %gather3A_636 = tpu.vector_load_idx %gather3A_635[%add3A_483, %add3A_631] : memref<128x64xf32, #tpu.memory_space<vmem>>[vector<16xi32>, vector<16xi32>], vector<16xf32>,
        %add3A_637 = arith.constant 2 : i32
        %add3A_638 = vector.broadcast %add3A_637 : i32 to vector<16xi32>
        %add3A_639 = arith.addi %shift_right_arithmetic3A_105, %add3A_638 : vector<16xi32>
        %scatter3A_640 = arith.constant 0 : i32
        %scatter3A_641 = arith.constant 0 : i32
        %scatter3A_642 = tpu.memref_slice %arg7[%scan3A_380, %scatter3A_640, %scatter3A_641] : memref<2x8x1024xf32, #tpu.memory_space<vmem>> -> memref<1x8x1024xf32, #tpu.memory_space<vmem>>
        %scatter3A_643 = tpu.memref_squeeze %scatter3A_642 : memref<1x8x1024xf32, #tpu.memory_space<vmem>> -> memref<8x1024xf32, #tpu.memory_space<vmem>>
        tpu.vector_store_idx %scatter3A_643[%add3A_639, %add3A_613], %gather3A_636 : memref<8x1024xf32, #tpu.memory_space<vmem>>[vector<16xi32>, vector<16xi32>], vector<16xf32>,
        %add3A_644 = arith.constant 32 : i32
        %add3A_645 = vector.broadcast %add3A_644 : i32 to vector<16xi32>
        %add3A_646 = arith.addi %and3A_19, %add3A_645 : vector<16xi32>
        %gather3A_647 = arith.constant 0 : i32
        %gather3A_648 = arith.constant 0 : i32
        %gather3A_649 = tpu.memref_slice %arg6[%scan3A_379, %gather3A_647, %gather3A_648] : memref<2x128x64xf32, #tpu.memory_space<vmem>> -> memref<1x128x64xf32, #tpu.memory_space<vmem>>
        %gather3A_650 = tpu.memref_squeeze %gather3A_649 : memref<1x128x64xf32, #tpu.memory_space<vmem>> -> memref<128x64xf32, #tpu.memory_space<vmem>>
        %gather3A_651 = tpu.vector_load_idx %gather3A_650[%add3A_483, %add3A_646] : memref<128x64xf32, #tpu.memory_space<vmem>>[vector<16xi32>, vector<16xi32>], vector<16xf32>,
        %add3A_652 = arith.constant 4 : i32
        %add3A_653 = vector.broadcast %add3A_652 : i32 to vector<16xi32>
        %add3A_654 = arith.addi %shift_right_arithmetic3A_105, %add3A_653 : vector<16xi32>
        %scatter3A_655 = arith.constant 0 : i32
        %scatter3A_656 = arith.constant 0 : i32
        %scatter3A_657 = tpu.memref_slice %arg7[%scan3A_380, %scatter3A_655, %scatter3A_656] : memref<2x8x1024xf32, #tpu.memory_space<vmem>> -> memref<1x8x1024xf32, #tpu.memory_space<vmem>>
        %scatter3A_658 = tpu.memref_squeeze %scatter3A_657 : memref<1x8x1024xf32, #tpu.memory_space<vmem>> -> memref<8x1024xf32, #tpu.memory_space<vmem>>
        tpu.vector_store_idx %scatter3A_658[%add3A_654, %add3A_613], %gather3A_651 : memref<8x1024xf32, #tpu.memory_space<vmem>>[vector<16xi32>, vector<16xi32>], vector<16xf32>,
        %add3A_659 = arith.constant 48 : i32
        %add3A_660 = vector.broadcast %add3A_659 : i32 to vector<16xi32>
        %add3A_661 = arith.addi %and3A_19, %add3A_660 : vector<16xi32>
        %gather3A_662 = arith.constant 0 : i32
        %gather3A_663 = arith.constant 0 : i32
        %gather3A_664 = tpu.memref_slice %arg6[%scan3A_379, %gather3A_662, %gather3A_663] : memref<2x128x64xf32, #tpu.memory_space<vmem>> -> memref<1x128x64xf32, #tpu.memory_space<vmem>>
        %gather3A_665 = tpu.memref_squeeze %gather3A_664 : memref<1x128x64xf32, #tpu.memory_space<vmem>> -> memref<128x64xf32, #tpu.memory_space<vmem>>
        %gather3A_666 = tpu.vector_load_idx %gather3A_665[%add3A_483, %add3A_661] : memref<128x64xf32, #tpu.memory_space<vmem>>[vector<16xi32>, vector<16xi32>], vector<16xf32>,
        %add3A_667 = arith.constant 6 : i32
        %add3A_668 = vector.broadcast %add3A_667 : i32 to vector<16xi32>
        %add3A_669 = arith.addi %shift_right_arithmetic3A_105, %add3A_668 : vector<16xi32>
        %scatter3A_670 = arith.constant 0 : i32
        %scatter3A_671 = arith.constant 0 : i32
        %scatter3A_672 = tpu.memref_slice %arg7[%scan3A_380, %scatter3A_670, %scatter3A_671] : memref<2x8x1024xf32, #tpu.memory_space<vmem>> -> memref<1x8x1024xf32, #tpu.memory_space<vmem>>
        %scatter3A_673 = tpu.memref_squeeze %scatter3A_672 : memref<1x8x1024xf32, #tpu.memory_space<vmem>> -> memref<8x1024xf32, #tpu.memory_space<vmem>>
        tpu.vector_store_idx %scatter3A_673[%add3A_669, %add3A_613], %gather3A_666 : memref<8x1024xf32, #tpu.memory_space<vmem>>[vector<16xi32>, vector<16xi32>], vector<16xf32>,
        %mul3A_674 = arith.constant 16 : i32
        %mul3A_675 = arith.muli %mul3A_674, %scan3A_479 : i32
        %add3A_676 = vector.broadcast %mul3A_675 : i32 to vector<16xi32>
        %add3A_677 = arith.addi %add3A_184, %add3A_676 : vector<16xi32>
        %add3A_678 = arith.constant 0 : i32
        %add3A_679 = vector.broadcast %add3A_678 : i32 to vector<16xi32>
        %add3A_680 = arith.addi %and3A_25, %add3A_679 : vector<16xi32>
        %gather3A_681 = arith.constant 0 : i32
        %gather3A_682 = arith.constant 0 : i32
        %gather3A_683 = tpu.memref_slice %arg6[%scan3A_379, %gather3A_681, %gather3A_682] : memref<2x128x64xf32, #tpu.memory_space<vmem>> -> memref<1x128x64xf32, #tpu.memory_space<vmem>>
        %gather3A_684 = tpu.memref_squeeze %gather3A_683 : memref<1x128x64xf32, #tpu.memory_space<vmem>> -> memref<128x64xf32, #tpu.memory_space<vmem>>
        %gather3A_685 = tpu.vector_load_idx %gather3A_684[%add3A_483, %add3A_680] : memref<128x64xf32, #tpu.memory_space<vmem>>[vector<16xi32>, vector<16xi32>], vector<16xf32>,
        %add3A_686 = arith.constant 0 : i32
        %add3A_687 = vector.broadcast %add3A_686 : i32 to vector<16xi32>
        %add3A_688 = arith.addi %shift_right_arithmetic3A_108, %add3A_687 : vector<16xi32>
        %scatter3A_689 = arith.constant 0 : i32
        %scatter3A_690 = arith.constant 0 : i32
        %scatter3A_691 = tpu.memref_slice %arg7[%scan3A_380, %scatter3A_689, %scatter3A_690] : memref<2x8x1024xf32, #tpu.memory_space<vmem>> -> memref<1x8x1024xf32, #tpu.memory_space<vmem>>
        %scatter3A_692 = tpu.memref_squeeze %scatter3A_691 : memref<1x8x1024xf32, #tpu.memory_space<vmem>> -> memref<8x1024xf32, #tpu.memory_space<vmem>>
        tpu.vector_store_idx %scatter3A_692[%add3A_688, %add3A_677], %gather3A_685 : memref<8x1024xf32, #tpu.memory_space<vmem>>[vector<16xi32>, vector<16xi32>], vector<16xf32>,
        %add3A_693 = arith.constant 16 : i32
        %add3A_694 = vector.broadcast %add3A_693 : i32 to vector<16xi32>
        %add3A_695 = arith.addi %and3A_25, %add3A_694 : vector<16xi32>
        %gather3A_696 = arith.constant 0 : i32
        %gather3A_697 = arith.constant 0 : i32
        %gather3A_698 = tpu.memref_slice %arg6[%scan3A_379, %gather3A_696, %gather3A_697] : memref<2x128x64xf32, #tpu.memory_space<vmem>> -> memref<1x128x64xf32, #tpu.memory_space<vmem>>
        %gather3A_699 = tpu.memref_squeeze %gather3A_698 : memref<1x128x64xf32, #tpu.memory_space<vmem>> -> memref<128x64xf32, #tpu.memory_space<vmem>>
        %gather3A_700 = tpu.vector_load_idx %gather3A_699[%add3A_483, %add3A_695] : memref<128x64xf32, #tpu.memory_space<vmem>>[vector<16xi32>, vector<16xi32>], vector<16xf32>,
        %add3A_701 = arith.constant 2 : i32
        %add3A_702 = vector.broadcast %add3A_701 : i32 to vector<16xi32>
        %add3A_703 = arith.addi %shift_right_arithmetic3A_108, %add3A_702 : vector<16xi32>
        %scatter3A_704 = arith.constant 0 : i32
        %scatter3A_705 = arith.constant 0 : i32
        %scatter3A_706 = tpu.memref_slice %arg7[%scan3A_380, %scatter3A_704, %scatter3A_705] : memref<2x8x1024xf32, #tpu.memory_space<vmem>> -> memref<1x8x1024xf32, #tpu.memory_space<vmem>>
        %scatter3A_707 = tpu.memref_squeeze %scatter3A_706 : memref<1x8x1024xf32, #tpu.memory_space<vmem>> -> memref<8x1024xf32, #tpu.memory_space<vmem>>
        tpu.vector_store_idx %scatter3A_707[%add3A_703, %add3A_677], %gather3A_700 : memref<8x1024xf32, #tpu.memory_space<vmem>>[vector<16xi32>, vector<16xi32>], vector<16xf32>,
        %add3A_708 = arith.constant 32 : i32
        %add3A_709 = vector.broadcast %add3A_708 : i32 to vector<16xi32>
        %add3A_710 = arith.addi %and3A_25, %add3A_709 : vector<16xi32>
        %gather3A_711 = arith.constant 0 : i32
        %gather3A_712 = arith.constant 0 : i32
        %gather3A_713 = tpu.memref_slice %arg6[%scan3A_379, %gather3A_711, %gather3A_712] : memref<2x128x64xf32, #tpu.memory_space<vmem>> -> memref<1x128x64xf32, #tpu.memory_space<vmem>>
        %gather3A_714 = tpu.memref_squeeze %gather3A_713 : memref<1x128x64xf32, #tpu.memory_space<vmem>> -> memref<128x64xf32, #tpu.memory_space<vmem>>
        %gather3A_715 = tpu.vector_load_idx %gather3A_714[%add3A_483, %add3A_710] : memref<128x64xf32, #tpu.memory_space<vmem>>[vector<16xi32>, vector<16xi32>], vector<16xf32>,
        %add3A_716 = arith.constant 4 : i32
        %add3A_717 = vector.broadcast %add3A_716 : i32 to vector<16xi32>
        %add3A_718 = arith.addi %shift_right_arithmetic3A_108, %add3A_717 : vector<16xi32>
        %scatter3A_719 = arith.constant 0 : i32
        %scatter3A_720 = arith.constant 0 : i32
        %scatter3A_721 = tpu.memref_slice %arg7[%scan3A_380, %scatter3A_719, %scatter3A_720] : memref<2x8x1024xf32, #tpu.memory_space<vmem>> -> memref<1x8x1024xf32, #tpu.memory_space<vmem>>
        %scatter3A_722 = tpu.memref_squeeze %scatter3A_721 : memref<1x8x1024xf32, #tpu.memory_space<vmem>> -> memref<8x1024xf32, #tpu.memory_space<vmem>>
        tpu.vector_store_idx %scatter3A_722[%add3A_718, %add3A_677], %gather3A_715 : memref<8x1024xf32, #tpu.memory_space<vmem>>[vector<16xi32>, vector<16xi32>], vector<16xf32>,
        %add3A_723 = arith.constant 48 : i32
        %add3A_724 = vector.broadcast %add3A_723 : i32 to vector<16xi32>
        %add3A_725 = arith.addi %and3A_25, %add3A_724 : vector<16xi32>
        %gather3A_726 = arith.constant 0 : i32
        %gather3A_727 = arith.constant 0 : i32
        %gather3A_728 = tpu.memref_slice %arg6[%scan3A_379, %gather3A_726, %gather3A_727] : memref<2x128x64xf32, #tpu.memory_space<vmem>> -> memref<1x128x64xf32, #tpu.memory_space<vmem>>
        %gather3A_729 = tpu.memref_squeeze %gather3A_728 : memref<1x128x64xf32, #tpu.memory_space<vmem>> -> memref<128x64xf32, #tpu.memory_space<vmem>>
        %gather3A_730 = tpu.vector_load_idx %gather3A_729[%add3A_483, %add3A_725] : memref<128x64xf32, #tpu.memory_space<vmem>>[vector<16xi32>, vector<16xi32>], vector<16xf32>,
        %add3A_731 = arith.constant 6 : i32
        %add3A_732 = vector.broadcast %add3A_731 : i32 to vector<16xi32>
        %add3A_733 = arith.addi %shift_right_arithmetic3A_108, %add3A_732 : vector<16xi32>
        %scatter3A_734 = arith.constant 0 : i32
        %scatter3A_735 = arith.constant 0 : i32
        %scatter3A_736 = tpu.memref_slice %arg7[%scan3A_380, %scatter3A_734, %scatter3A_735] : memref<2x8x1024xf32, #tpu.memory_space<vmem>> -> memref<1x8x1024xf32, #tpu.memory_space<vmem>>
        %scatter3A_737 = tpu.memref_squeeze %scatter3A_736 : memref<1x8x1024xf32, #tpu.memory_space<vmem>> -> memref<8x1024xf32, #tpu.memory_space<vmem>>
        tpu.vector_store_idx %scatter3A_737[%add3A_733, %add3A_677], %gather3A_730 : memref<8x1024xf32, #tpu.memory_space<vmem>>[vector<16xi32>, vector<16xi32>], vector<16xf32>,
        %mul3A_738 = arith.constant 16 : i32
        %mul3A_739 = arith.muli %mul3A_738, %scan3A_479 : i32
        %add3A_740 = vector.broadcast %mul3A_739 : i32 to vector<16xi32>
        %add3A_741 = arith.addi %add3A_194, %add3A_740 : vector<16xi32>
        %add3A_742 = arith.constant 0 : i32
        %add3A_743 = vector.broadcast %add3A_742 : i32 to vector<16xi32>
        %add3A_744 = arith.addi %and3A_31, %add3A_743 : vector<16xi32>
        %gather3A_745 = arith.constant 0 : i32
        %gather3A_746 = arith.constant 0 : i32
        %gather3A_747 = tpu.memref_slice %arg6[%scan3A_379, %gather3A_745, %gather3A_746] : memref<2x128x64xf32, #tpu.memory_space<vmem>> -> memref<1x128x64xf32, #tpu.memory_space<vmem>>
        %gather3A_748 = tpu.memref_squeeze %gather3A_747 : memref<1x128x64xf32, #tpu.memory_space<vmem>> -> memref<128x64xf32, #tpu.memory_space<vmem>>
        %gather3A_749 = tpu.vector_load_idx %gather3A_748[%add3A_483, %add3A_744] : memref<128x64xf32, #tpu.memory_space<vmem>>[vector<16xi32>, vector<16xi32>], vector<16xf32>,
        %add3A_750 = arith.constant 0 : i32
        %add3A_751 = vector.broadcast %add3A_750 : i32 to vector<16xi32>
        %add3A_752 = arith.addi %shift_right_arithmetic3A_111, %add3A_751 : vector<16xi32>
        %scatter3A_753 = arith.constant 0 : i32
        %scatter3A_754 = arith.constant 0 : i32
        %scatter3A_755 = tpu.memref_slice %arg7[%scan3A_380, %scatter3A_753, %scatter3A_754] : memref<2x8x1024xf32, #tpu.memory_space<vmem>> -> memref<1x8x1024xf32, #tpu.memory_space<vmem>>
        %scatter3A_756 = tpu.memref_squeeze %scatter3A_755 : memref<1x8x1024xf32, #tpu.memory_space<vmem>> -> memref<8x1024xf32, #tpu.memory_space<vmem>>
        tpu.vector_store_idx %scatter3A_756[%add3A_752, %add3A_741], %gather3A_749 : memref<8x1024xf32, #tpu.memory_space<vmem>>[vector<16xi32>, vector<16xi32>], vector<16xf32>,
        %add3A_757 = arith.constant 16 : i32
        %add3A_758 = vector.broadcast %add3A_757 : i32 to vector<16xi32>
        %add3A_759 = arith.addi %and3A_31, %add3A_758 : vector<16xi32>
        %gather3A_760 = arith.constant 0 : i32
        %gather3A_761 = arith.constant 0 : i32
        %gather3A_762 = tpu.memref_slice %arg6[%scan3A_379, %gather3A_760, %gather3A_761] : memref<2x128x64xf32, #tpu.memory_space<vmem>> -> memref<1x128x64xf32, #tpu.memory_space<vmem>>
        %gather3A_763 = tpu.memref_squeeze %gather3A_762 : memref<1x128x64xf32, #tpu.memory_space<vmem>> -> memref<128x64xf32, #tpu.memory_space<vmem>>
        %gather3A_764 = tpu.vector_load_idx %gather3A_763[%add3A_483, %add3A_759] : memref<128x64xf32, #tpu.memory_space<vmem>>[vector<16xi32>, vector<16xi32>], vector<16xf32>,
        %add3A_765 = arith.constant 2 : i32
        %add3A_766 = vector.broadcast %add3A_765 : i32 to vector<16xi32>
        %add3A_767 = arith.addi %shift_right_arithmetic3A_111, %add3A_766 : vector<16xi32>
        %scatter3A_768 = arith.constant 0 : i32
        %scatter3A_769 = arith.constant 0 : i32
        %scatter3A_770 = tpu.memref_slice %arg7[%scan3A_380, %scatter3A_768, %scatter3A_769] : memref<2x8x1024xf32, #tpu.memory_space<vmem>> -> memref<1x8x1024xf32, #tpu.memory_space<vmem>>
        %scatter3A_771 = tpu.memref_squeeze %scatter3A_770 : memref<1x8x1024xf32, #tpu.memory_space<vmem>> -> memref<8x1024xf32, #tpu.memory_space<vmem>>
        tpu.vector_store_idx %scatter3A_771[%add3A_767, %add3A_741], %gather3A_764 : memref<8x1024xf32, #tpu.memory_space<vmem>>[vector<16xi32>, vector<16xi32>], vector<16xf32>,
        %add3A_772 = arith.constant 32 : i32
        %add3A_773 = vector.broadcast %add3A_772 : i32 to vector<16xi32>
        %add3A_774 = arith.addi %and3A_31, %add3A_773 : vector<16xi32>
        %gather3A_775 = arith.constant 0 : i32
        %gather3A_776 = arith.constant 0 : i32
        %gather3A_777 = tpu.memref_slice %arg6[%scan3A_379, %gather3A_775, %gather3A_776] : memref<2x128x64xf32, #tpu.memory_space<vmem>> -> memref<1x128x64xf32, #tpu.memory_space<vmem>>
        %gather3A_778 = tpu.memref_squeeze %gather3A_777 : memref<1x128x64xf32, #tpu.memory_space<vmem>> -> memref<128x64xf32, #tpu.memory_space<vmem>>
        %gather3A_779 = tpu.vector_load_idx %gather3A_778[%add3A_483, %add3A_774] : memref<128x64xf32, #tpu.memory_space<vmem>>[vector<16xi32>, vector<16xi32>], vector<16xf32>,
        %add3A_780 = arith.constant 4 : i32
        %add3A_781 = vector.broadcast %add3A_780 : i32 to vector<16xi32>
        %add3A_782 = arith.addi %shift_right_arithmetic3A_111, %add3A_781 : vector<16xi32>
        %scatter3A_783 = arith.constant 0 : i32
        %scatter3A_784 = arith.constant 0 : i32
        %scatter3A_785 = tpu.memref_slice %arg7[%scan3A_380, %scatter3A_783, %scatter3A_784] : memref<2x8x1024xf32, #tpu.memory_space<vmem>> -> memref<1x8x1024xf32, #tpu.memory_space<vmem>>
        %scatter3A_786 = tpu.memref_squeeze %scatter3A_785 : memref<1x8x1024xf32, #tpu.memory_space<vmem>> -> memref<8x1024xf32, #tpu.memory_space<vmem>>
        tpu.vector_store_idx %scatter3A_786[%add3A_782, %add3A_741], %gather3A_779 : memref<8x1024xf32, #tpu.memory_space<vmem>>[vector<16xi32>, vector<16xi32>], vector<16xf32>,
        %add3A_787 = arith.constant 48 : i32
        %add3A_788 = vector.broadcast %add3A_787 : i32 to vector<16xi32>
        %add3A_789 = arith.addi %and3A_31, %add3A_788 : vector<16xi32>
        %gather3A_790 = arith.constant 0 : i32
        %gather3A_791 = arith.constant 0 : i32
        %gather3A_792 = tpu.memref_slice %arg6[%scan3A_379, %gather3A_790, %gather3A_791] : memref<2x128x64xf32, #tpu.memory_space<vmem>> -> memref<1x128x64xf32, #tpu.memory_space<vmem>>
        %gather3A_793 = tpu.memref_squeeze %gather3A_792 : memref<1x128x64xf32, #tpu.memory_space<vmem>> -> memref<128x64xf32, #tpu.memory_space<vmem>>
        %gather3A_794 = tpu.vector_load_idx %gather3A_793[%add3A_483, %add3A_789] : memref<128x64xf32, #tpu.memory_space<vmem>>[vector<16xi32>, vector<16xi32>], vector<16xf32>,
        %add3A_795 = arith.constant 6 : i32
        %add3A_796 = vector.broadcast %add3A_795 : i32 to vector<16xi32>
        %add3A_797 = arith.addi %shift_right_arithmetic3A_111, %add3A_796 : vector<16xi32>
        %scatter3A_798 = arith.constant 0 : i32
        %scatter3A_799 = arith.constant 0 : i32
        %scatter3A_800 = tpu.memref_slice %arg7[%scan3A_380, %scatter3A_798, %scatter3A_799] : memref<2x8x1024xf32, #tpu.memory_space<vmem>> -> memref<1x8x1024xf32, #tpu.memory_space<vmem>>
        %scatter3A_801 = tpu.memref_squeeze %scatter3A_800 : memref<1x8x1024xf32, #tpu.memory_space<vmem>> -> memref<8x1024xf32, #tpu.memory_space<vmem>>
        tpu.vector_store_idx %scatter3A_801[%add3A_797, %add3A_741], %gather3A_794 : memref<8x1024xf32, #tpu.memory_space<vmem>>[vector<16xi32>, vector<16xi32>], vector<16xf32>,
        %mul3A_802 = arith.constant 16 : i32
        %mul3A_803 = arith.muli %mul3A_802, %scan3A_479 : i32
        %add3A_804 = vector.broadcast %mul3A_803 : i32 to vector<16xi32>
        %add3A_805 = arith.addi %add3A_204, %add3A_804 : vector<16xi32>
        %add3A_806 = arith.constant 0 : i32
        %add3A_807 = vector.broadcast %add3A_806 : i32 to vector<16xi32>
        %add3A_808 = arith.addi %and3A_37, %add3A_807 : vector<16xi32>
        %gather3A_809 = arith.constant 0 : i32
        %gather3A_810 = arith.constant 0 : i32
        %gather3A_811 = tpu.memref_slice %arg6[%scan3A_379, %gather3A_809, %gather3A_810] : memref<2x128x64xf32, #tpu.memory_space<vmem>> -> memref<1x128x64xf32, #tpu.memory_space<vmem>>
        %gather3A_812 = tpu.memref_squeeze %gather3A_811 : memref<1x128x64xf32, #tpu.memory_space<vmem>> -> memref<128x64xf32, #tpu.memory_space<vmem>>
        %gather3A_813 = tpu.vector_load_idx %gather3A_812[%add3A_483, %add3A_808] : memref<128x64xf32, #tpu.memory_space<vmem>>[vector<16xi32>, vector<16xi32>], vector<16xf32>,
        %add3A_814 = arith.constant 0 : i32
        %add3A_815 = vector.broadcast %add3A_814 : i32 to vector<16xi32>
        %add3A_816 = arith.addi %shift_right_arithmetic3A_114, %add3A_815 : vector<16xi32>
        %scatter3A_817 = arith.constant 0 : i32
        %scatter3A_818 = arith.constant 0 : i32
        %scatter3A_819 = tpu.memref_slice %arg7[%scan3A_380, %scatter3A_817, %scatter3A_818] : memref<2x8x1024xf32, #tpu.memory_space<vmem>> -> memref<1x8x1024xf32, #tpu.memory_space<vmem>>
        %scatter3A_820 = tpu.memref_squeeze %scatter3A_819 : memref<1x8x1024xf32, #tpu.memory_space<vmem>> -> memref<8x1024xf32, #tpu.memory_space<vmem>>
        tpu.vector_store_idx %scatter3A_820[%add3A_816, %add3A_805], %gather3A_813 : memref<8x1024xf32, #tpu.memory_space<vmem>>[vector<16xi32>, vector<16xi32>], vector<16xf32>,
        %add3A_821 = arith.constant 16 : i32
        %add3A_822 = vector.broadcast %add3A_821 : i32 to vector<16xi32>
        %add3A_823 = arith.addi %and3A_37, %add3A_822 : vector<16xi32>
        %gather3A_824 = arith.constant 0 : i32
        %gather3A_825 = arith.constant 0 : i32
        %gather3A_826 = tpu.memref_slice %arg6[%scan3A_379, %gather3A_824, %gather3A_825] : memref<2x128x64xf32, #tpu.memory_space<vmem>> -> memref<1x128x64xf32, #tpu.memory_space<vmem>>
        %gather3A_827 = tpu.memref_squeeze %gather3A_826 : memref<1x128x64xf32, #tpu.memory_space<vmem>> -> memref<128x64xf32, #tpu.memory_space<vmem>>
        %gather3A_828 = tpu.vector_load_idx %gather3A_827[%add3A_483, %add3A_823] : memref<128x64xf32, #tpu.memory_space<vmem>>[vector<16xi32>, vector<16xi32>], vector<16xf32>,
        %add3A_829 = arith.constant 2 : i32
        %add3A_830 = vector.broadcast %add3A_829 : i32 to vector<16xi32>
        %add3A_831 = arith.addi %shift_right_arithmetic3A_114, %add3A_830 : vector<16xi32>
        %scatter3A_832 = arith.constant 0 : i32
        %scatter3A_833 = arith.constant 0 : i32
        %scatter3A_834 = tpu.memref_slice %arg7[%scan3A_380, %scatter3A_832, %scatter3A_833] : memref<2x8x1024xf32, #tpu.memory_space<vmem>> -> memref<1x8x1024xf32, #tpu.memory_space<vmem>>
        %scatter3A_835 = tpu.memref_squeeze %scatter3A_834 : memref<1x8x1024xf32, #tpu.memory_space<vmem>> -> memref<8x1024xf32, #tpu.memory_space<vmem>>
        tpu.vector_store_idx %scatter3A_835[%add3A_831, %add3A_805], %gather3A_828 : memref<8x1024xf32, #tpu.memory_space<vmem>>[vector<16xi32>, vector<16xi32>], vector<16xf32>,
        %add3A_836 = arith.constant 32 : i32
        %add3A_837 = vector.broadcast %add3A_836 : i32 to vector<16xi32>
        %add3A_838 = arith.addi %and3A_37, %add3A_837 : vector<16xi32>
        %gather3A_839 = arith.constant 0 : i32
        %gather3A_840 = arith.constant 0 : i32
        %gather3A_841 = tpu.memref_slice %arg6[%scan3A_379, %gather3A_839, %gather3A_840] : memref<2x128x64xf32, #tpu.memory_space<vmem>> -> memref<1x128x64xf32, #tpu.memory_space<vmem>>
        %gather3A_842 = tpu.memref_squeeze %gather3A_841 : memref<1x128x64xf32, #tpu.memory_space<vmem>> -> memref<128x64xf32, #tpu.memory_space<vmem>>
        %gather3A_843 = tpu.vector_load_idx %gather3A_842[%add3A_483, %add3A_838] : memref<128x64xf32, #tpu.memory_space<vmem>>[vector<16xi32>, vector<16xi32>], vector<16xf32>,
        %add3A_844 = arith.constant 4 : i32
        %add3A_845 = vector.broadcast %add3A_844 : i32 to vector<16xi32>
        %add3A_846 = arith.addi %shift_right_arithmetic3A_114, %add3A_845 : vector<16xi32>
        %scatter3A_847 = arith.constant 0 : i32
        %scatter3A_848 = arith.constant 0 : i32
        %scatter3A_849 = tpu.memref_slice %arg7[%scan3A_380, %scatter3A_847, %scatter3A_848] : memref<2x8x1024xf32, #tpu.memory_space<vmem>> -> memref<1x8x1024xf32, #tpu.memory_space<vmem>>
        %scatter3A_850 = tpu.memref_squeeze %scatter3A_849 : memref<1x8x1024xf32, #tpu.memory_space<vmem>> -> memref<8x1024xf32, #tpu.memory_space<vmem>>
        tpu.vector_store_idx %scatter3A_850[%add3A_846, %add3A_805], %gather3A_843 : memref<8x1024xf32, #tpu.memory_space<vmem>>[vector<16xi32>, vector<16xi32>], vector<16xf32>,
        %add3A_851 = arith.constant 48 : i32
        %add3A_852 = vector.broadcast %add3A_851 : i32 to vector<16xi32>
        %add3A_853 = arith.addi %and3A_37, %add3A_852 : vector<16xi32>
        %gather3A_854 = arith.constant 0 : i32
        %gather3A_855 = arith.constant 0 : i32
        %gather3A_856 = tpu.memref_slice %arg6[%scan3A_379, %gather3A_854, %gather3A_855] : memref<2x128x64xf32, #tpu.memory_space<vmem>> -> memref<1x128x64xf32, #tpu.memory_space<vmem>>
        %gather3A_857 = tpu.memref_squeeze %gather3A_856 : memref<1x128x64xf32, #tpu.memory_space<vmem>> -> memref<128x64xf32, #tpu.memory_space<vmem>>
        %gather3A_858 = tpu.vector_load_idx %gather3A_857[%add3A_483, %add3A_853] : memref<128x64xf32, #tpu.memory_space<vmem>>[vector<16xi32>, vector<16xi32>], vector<16xf32>,
        %add3A_859 = arith.constant 6 : i32
        %add3A_860 = vector.broadcast %add3A_859 : i32 to vector<16xi32>
        %add3A_861 = arith.addi %shift_right_arithmetic3A_114, %add3A_860 : vector<16xi32>
        %scatter3A_862 = arith.constant 0 : i32
        %scatter3A_863 = arith.constant 0 : i32
        %scatter3A_864 = tpu.memref_slice %arg7[%scan3A_380, %scatter3A_862, %scatter3A_863] : memref<2x8x1024xf32, #tpu.memory_space<vmem>> -> memref<1x8x1024xf32, #tpu.memory_space<vmem>>
        %scatter3A_865 = tpu.memref_squeeze %scatter3A_864 : memref<1x8x1024xf32, #tpu.memory_space<vmem>> -> memref<8x1024xf32, #tpu.memory_space<vmem>>
        tpu.vector_store_idx %scatter3A_865[%add3A_861, %add3A_805], %gather3A_858 : memref<8x1024xf32, #tpu.memory_space<vmem>>[vector<16xi32>, vector<16xi32>], vector<16xf32>,
        %mul3A_866 = arith.constant 16 : i32
        %mul3A_867 = arith.muli %mul3A_866, %scan3A_479 : i32
        %add3A_868 = vector.broadcast %mul3A_867 : i32 to vector<16xi32>
        %add3A_869 = arith.addi %add3A_214, %add3A_868 : vector<16xi32>
        %add3A_870 = arith.constant 0 : i32
        %add3A_871 = vector.broadcast %add3A_870 : i32 to vector<16xi32>
        %add3A_872 = arith.addi %and3A_43, %add3A_871 : vector<16xi32>
        %gather3A_873 = arith.constant 0 : i32
        %gather3A_874 = arith.constant 0 : i32
        %gather3A_875 = tpu.memref_slice %arg6[%scan3A_379, %gather3A_873, %gather3A_874] : memref<2x128x64xf32, #tpu.memory_space<vmem>> -> memref<1x128x64xf32, #tpu.memory_space<vmem>>
        %gather3A_876 = tpu.memref_squeeze %gather3A_875 : memref<1x128x64xf32, #tpu.memory_space<vmem>> -> memref<128x64xf32, #tpu.memory_space<vmem>>
        %gather3A_877 = tpu.vector_load_idx %gather3A_876[%add3A_483, %add3A_872] : memref<128x64xf32, #tpu.memory_space<vmem>>[vector<16xi32>, vector<16xi32>], vector<16xf32>,
        %add3A_878 = arith.constant 0 : i32
        %add3A_879 = vector.broadcast %add3A_878 : i32 to vector<16xi32>
        %add3A_880 = arith.addi %shift_right_arithmetic3A_117, %add3A_879 : vector<16xi32>
        %scatter3A_881 = arith.constant 0 : i32
        %scatter3A_882 = arith.constant 0 : i32
        %scatter3A_883 = tpu.memref_slice %arg7[%scan3A_380, %scatter3A_881, %scatter3A_882] : memref<2x8x1024xf32, #tpu.memory_space<vmem>> -> memref<1x8x1024xf32, #tpu.memory_space<vmem>>
        %scatter3A_884 = tpu.memref_squeeze %scatter3A_883 : memref<1x8x1024xf32, #tpu.memory_space<vmem>> -> memref<8x1024xf32, #tpu.memory_space<vmem>>
        tpu.vector_store_idx %scatter3A_884[%add3A_880, %add3A_869], %gather3A_877 : memref<8x1024xf32, #tpu.memory_space<vmem>>[vector<16xi32>, vector<16xi32>], vector<16xf32>,
        %add3A_885 = arith.constant 16 : i32
        %add3A_886 = vector.broadcast %add3A_885 : i32 to vector<16xi32>
        %add3A_887 = arith.addi %and3A_43, %add3A_886 : vector<16xi32>
        %gather3A_888 = arith.constant 0 : i32
        %gather3A_889 = arith.constant 0 : i32
        %gather3A_890 = tpu.memref_slice %arg6[%scan3A_379, %gather3A_888, %gather3A_889] : memref<2x128x64xf32, #tpu.memory_space<vmem>> -> memref<1x128x64xf32, #tpu.memory_space<vmem>>
        %gather3A_891 = tpu.memref_squeeze %gather3A_890 : memref<1x128x64xf32, #tpu.memory_space<vmem>> -> memref<128x64xf32, #tpu.memory_space<vmem>>
        %gather3A_892 = tpu.vector_load_idx %gather3A_891[%add3A_483, %add3A_887] : memref<128x64xf32, #tpu.memory_space<vmem>>[vector<16xi32>, vector<16xi32>], vector<16xf32>,
        %add3A_893 = arith.constant 2 : i32
        %add3A_894 = vector.broadcast %add3A_893 : i32 to vector<16xi32>
        %add3A_895 = arith.addi %shift_right_arithmetic3A_117, %add3A_894 : vector<16xi32>
        %scatter3A_896 = arith.constant 0 : i32
        %scatter3A_897 = arith.constant 0 : i32
        %scatter3A_898 = tpu.memref_slice %arg7[%scan3A_380, %scatter3A_896, %scatter3A_897] : memref<2x8x1024xf32, #tpu.memory_space<vmem>> -> memref<1x8x1024xf32, #tpu.memory_space<vmem>>
        %scatter3A_899 = tpu.memref_squeeze %scatter3A_898 : memref<1x8x1024xf32, #tpu.memory_space<vmem>> -> memref<8x1024xf32, #tpu.memory_space<vmem>>
        tpu.vector_store_idx %scatter3A_899[%add3A_895, %add3A_869], %gather3A_892 : memref<8x1024xf32, #tpu.memory_space<vmem>>[vector<16xi32>, vector<16xi32>], vector<16xf32>,
        %add3A_900 = arith.constant 32 : i32
        %add3A_901 = vector.broadcast %add3A_900 : i32 to vector<16xi32>
        %add3A_902 = arith.addi %and3A_43, %add3A_901 : vector<16xi32>
        %gather3A_903 = arith.constant 0 : i32
        %gather3A_904 = arith.constant 0 : i32
        %gather3A_905 = tpu.memref_slice %arg6[%scan3A_379, %gather3A_903, %gather3A_904] : memref<2x128x64xf32, #tpu.memory_space<vmem>> -> memref<1x128x64xf32, #tpu.memory_space<vmem>>
        %gather3A_906 = tpu.memref_squeeze %gather3A_905 : memref<1x128x64xf32, #tpu.memory_space<vmem>> -> memref<128x64xf32, #tpu.memory_space<vmem>>
        %gather3A_907 = tpu.vector_load_idx %gather3A_906[%add3A_483, %add3A_902] : memref<128x64xf32, #tpu.memory_space<vmem>>[vector<16xi32>, vector<16xi32>], vector<16xf32>,
        %add3A_908 = arith.constant 4 : i32
        %add3A_909 = vector.broadcast %add3A_908 : i32 to vector<16xi32>
        %add3A_910 = arith.addi %shift_right_arithmetic3A_117, %add3A_909 : vector<16xi32>
        %scatter3A_911 = arith.constant 0 : i32
        %scatter3A_912 = arith.constant 0 : i32
        %scatter3A_913 = tpu.memref_slice %arg7[%scan3A_380, %scatter3A_911, %scatter3A_912] : memref<2x8x1024xf32, #tpu.memory_space<vmem>> -> memref<1x8x1024xf32, #tpu.memory_space<vmem>>
        %scatter3A_914 = tpu.memref_squeeze %scatter3A_913 : memref<1x8x1024xf32, #tpu.memory_space<vmem>> -> memref<8x1024xf32, #tpu.memory_space<vmem>>
        tpu.vector_store_idx %scatter3A_914[%add3A_910, %add3A_869], %gather3A_907 : memref<8x1024xf32, #tpu.memory_space<vmem>>[vector<16xi32>, vector<16xi32>], vector<16xf32>,
        %add3A_915 = arith.constant 48 : i32
        %add3A_916 = vector.broadcast %add3A_915 : i32 to vector<16xi32>
        %add3A_917 = arith.addi %and3A_43, %add3A_916 : vector<16xi32>
        %gather3A_918 = arith.constant 0 : i32
        %gather3A_919 = arith.constant 0 : i32
        %gather3A_920 = tpu.memref_slice %arg6[%scan3A_379, %gather3A_918, %gather3A_919] : memref<2x128x64xf32, #tpu.memory_space<vmem>> -> memref<1x128x64xf32, #tpu.memory_space<vmem>>
        %gather3A_921 = tpu.memref_squeeze %gather3A_920 : memref<1x128x64xf32, #tpu.memory_space<vmem>> -> memref<128x64xf32, #tpu.memory_space<vmem>>
        %gather3A_922 = tpu.vector_load_idx %gather3A_921[%add3A_483, %add3A_917] : memref<128x64xf32, #tpu.memory_space<vmem>>[vector<16xi32>, vector<16xi32>], vector<16xf32>,
        %add3A_923 = arith.constant 6 : i32
        %add3A_924 = vector.broadcast %add3A_923 : i32 to vector<16xi32>
        %add3A_925 = arith.addi %shift_right_arithmetic3A_117, %add3A_924 : vector<16xi32>
        %scatter3A_926 = arith.constant 0 : i32
        %scatter3A_927 = arith.constant 0 : i32
        %scatter3A_928 = tpu.memref_slice %arg7[%scan3A_380, %scatter3A_926, %scatter3A_927] : memref<2x8x1024xf32, #tpu.memory_space<vmem>> -> memref<1x8x1024xf32, #tpu.memory_space<vmem>>
        %scatter3A_929 = tpu.memref_squeeze %scatter3A_928 : memref<1x8x1024xf32, #tpu.memory_space<vmem>> -> memref<8x1024xf32, #tpu.memory_space<vmem>>
        tpu.vector_store_idx %scatter3A_929[%add3A_925, %add3A_869], %gather3A_922 : memref<8x1024xf32, #tpu.memory_space<vmem>>[vector<16xi32>, vector<16xi32>], vector<16xf32>,
        %mul3A_930 = arith.constant 16 : i32
        %mul3A_931 = arith.muli %mul3A_930, %scan3A_479 : i32
        %add3A_932 = vector.broadcast %mul3A_931 : i32 to vector<16xi32>
        %add3A_933 = arith.addi %add3A_224, %add3A_932 : vector<16xi32>
        %add3A_934 = arith.constant 0 : i32
        %add3A_935 = vector.broadcast %add3A_934 : i32 to vector<16xi32>
        %add3A_936 = arith.addi %and3A_49, %add3A_935 : vector<16xi32>
        %gather3A_937 = arith.constant 0 : i32
        %gather3A_938 = arith.constant 0 : i32
        %gather3A_939 = tpu.memref_slice %arg6[%scan3A_379, %gather3A_937, %gather3A_938] : memref<2x128x64xf32, #tpu.memory_space<vmem>> -> memref<1x128x64xf32, #tpu.memory_space<vmem>>
        %gather3A_940 = tpu.memref_squeeze %gather3A_939 : memref<1x128x64xf32, #tpu.memory_space<vmem>> -> memref<128x64xf32, #tpu.memory_space<vmem>>
        %gather3A_941 = tpu.vector_load_idx %gather3A_940[%add3A_483, %add3A_936] : memref<128x64xf32, #tpu.memory_space<vmem>>[vector<16xi32>, vector<16xi32>], vector<16xf32>,
        %add3A_942 = arith.constant 0 : i32
        %add3A_943 = vector.broadcast %add3A_942 : i32 to vector<16xi32>
        %add3A_944 = arith.addi %shift_right_arithmetic3A_120, %add3A_943 : vector<16xi32>
        %scatter3A_945 = arith.constant 0 : i32
        %scatter3A_946 = arith.constant 0 : i32
        %scatter3A_947 = tpu.memref_slice %arg7[%scan3A_380, %scatter3A_945, %scatter3A_946] : memref<2x8x1024xf32, #tpu.memory_space<vmem>> -> memref<1x8x1024xf32, #tpu.memory_space<vmem>>
        %scatter3A_948 = tpu.memref_squeeze %scatter3A_947 : memref<1x8x1024xf32, #tpu.memory_space<vmem>> -> memref<8x1024xf32, #tpu.memory_space<vmem>>
        tpu.vector_store_idx %scatter3A_948[%add3A_944, %add3A_933], %gather3A_941 : memref<8x1024xf32, #tpu.memory_space<vmem>>[vector<16xi32>, vector<16xi32>], vector<16xf32>,
        %add3A_949 = arith.constant 16 : i32
        %add3A_950 = vector.broadcast %add3A_949 : i32 to vector<16xi32>
        %add3A_951 = arith.addi %and3A_49, %add3A_950 : vector<16xi32>
        %gather3A_952 = arith.constant 0 : i32
        %gather3A_953 = arith.constant 0 : i32
        %gather3A_954 = tpu.memref_slice %arg6[%scan3A_379, %gather3A_952, %gather3A_953] : memref<2x128x64xf32, #tpu.memory_space<vmem>> -> memref<1x128x64xf32, #tpu.memory_space<vmem>>
        %gather3A_955 = tpu.memref_squeeze %gather3A_954 : memref<1x128x64xf32, #tpu.memory_space<vmem>> -> memref<128x64xf32, #tpu.memory_space<vmem>>
        %gather3A_956 = tpu.vector_load_idx %gather3A_955[%add3A_483, %add3A_951] : memref<128x64xf32, #tpu.memory_space<vmem>>[vector<16xi32>, vector<16xi32>], vector<16xf32>,
        %add3A_957 = arith.constant 2 : i32
        %add3A_958 = vector.broadcast %add3A_957 : i32 to vector<16xi32>
        %add3A_959 = arith.addi %shift_right_arithmetic3A_120, %add3A_958 : vector<16xi32>
        %scatter3A_960 = arith.constant 0 : i32
        %scatter3A_961 = arith.constant 0 : i32
        %scatter3A_962 = tpu.memref_slice %arg7[%scan3A_380, %scatter3A_960, %scatter3A_961] : memref<2x8x1024xf32, #tpu.memory_space<vmem>> -> memref<1x8x1024xf32, #tpu.memory_space<vmem>>
        %scatter3A_963 = tpu.memref_squeeze %scatter3A_962 : memref<1x8x1024xf32, #tpu.memory_space<vmem>> -> memref<8x1024xf32, #tpu.memory_space<vmem>>
        tpu.vector_store_idx %scatter3A_963[%add3A_959, %add3A_933], %gather3A_956 : memref<8x1024xf32, #tpu.memory_space<vmem>>[vector<16xi32>, vector<16xi32>], vector<16xf32>,
        %add3A_964 = arith.constant 32 : i32
        %add3A_965 = vector.broadcast %add3A_964 : i32 to vector<16xi32>
        %add3A_966 = arith.addi %and3A_49, %add3A_965 : vector<16xi32>
        %gather3A_967 = arith.constant 0 : i32
        %gather3A_968 = arith.constant 0 : i32
        %gather3A_969 = tpu.memref_slice %arg6[%scan3A_379, %gather3A_967, %gather3A_968] : memref<2x128x64xf32, #tpu.memory_space<vmem>> -> memref<1x128x64xf32, #tpu.memory_space<vmem>>
        %gather3A_970 = tpu.memref_squeeze %gather3A_969 : memref<1x128x64xf32, #tpu.memory_space<vmem>> -> memref<128x64xf32, #tpu.memory_space<vmem>>
        %gather3A_971 = tpu.vector_load_idx %gather3A_970[%add3A_483, %add3A_966] : memref<128x64xf32, #tpu.memory_space<vmem>>[vector<16xi32>, vector<16xi32>], vector<16xf32>,
        %add3A_972 = arith.constant 4 : i32
        %add3A_973 = vector.broadcast %add3A_972 : i32 to vector<16xi32>
        %add3A_974 = arith.addi %shift_right_arithmetic3A_120, %add3A_973 : vector<16xi32>
        %scatter3A_975 = arith.constant 0 : i32
        %scatter3A_976 = arith.constant 0 : i32
        %scatter3A_977 = tpu.memref_slice %arg7[%scan3A_380, %scatter3A_975, %scatter3A_976] : memref<2x8x1024xf32, #tpu.memory_space<vmem>> -> memref<1x8x1024xf32, #tpu.memory_space<vmem>>
        %scatter3A_978 = tpu.memref_squeeze %scatter3A_977 : memref<1x8x1024xf32, #tpu.memory_space<vmem>> -> memref<8x1024xf32, #tpu.memory_space<vmem>>
        tpu.vector_store_idx %scatter3A_978[%add3A_974, %add3A_933], %gather3A_971 : memref<8x1024xf32, #tpu.memory_space<vmem>>[vector<16xi32>, vector<16xi32>], vector<16xf32>,
        %add3A_979 = arith.constant 48 : i32
        %add3A_980 = vector.broadcast %add3A_979 : i32 to vector<16xi32>
        %add3A_981 = arith.addi %and3A_49, %add3A_980 : vector<16xi32>
        %gather3A_982 = arith.constant 0 : i32
        %gather3A_983 = arith.constant 0 : i32
        %gather3A_984 = tpu.memref_slice %arg6[%scan3A_379, %gather3A_982, %gather3A_983] : memref<2x128x64xf32, #tpu.memory_space<vmem>> -> memref<1x128x64xf32, #tpu.memory_space<vmem>>
        %gather3A_985 = tpu.memref_squeeze %gather3A_984 : memref<1x128x64xf32, #tpu.memory_space<vmem>> -> memref<128x64xf32, #tpu.memory_space<vmem>>
        %gather3A_986 = tpu.vector_load_idx %gather3A_985[%add3A_483, %add3A_981] : memref<128x64xf32, #tpu.memory_space<vmem>>[vector<16xi32>, vector<16xi32>], vector<16xf32>,
        %add3A_987 = arith.constant 6 : i32
        %add3A_988 = vector.broadcast %add3A_987 : i32 to vector<16xi32>
        %add3A_989 = arith.addi %shift_right_arithmetic3A_120, %add3A_988 : vector<16xi32>
        %scatter3A_990 = arith.constant 0 : i32
        %scatter3A_991 = arith.constant 0 : i32
        %scatter3A_992 = tpu.memref_slice %arg7[%scan3A_380, %scatter3A_990, %scatter3A_991] : memref<2x8x1024xf32, #tpu.memory_space<vmem>> -> memref<1x8x1024xf32, #tpu.memory_space<vmem>>
        %scatter3A_993 = tpu.memref_squeeze %scatter3A_992 : memref<1x8x1024xf32, #tpu.memory_space<vmem>> -> memref<8x1024xf32, #tpu.memory_space<vmem>>
        tpu.vector_store_idx %scatter3A_993[%add3A_989, %add3A_933], %gather3A_986 : memref<8x1024xf32, #tpu.memory_space<vmem>>[vector<16xi32>, vector<16xi32>], vector<16xf32>,
        %mul3A_994 = arith.constant 16 : i32
        %mul3A_995 = arith.muli %mul3A_994, %scan3A_479 : i32
        %add3A_996 = vector.broadcast %mul3A_995 : i32 to vector<16xi32>
        %add3A_997 = arith.addi %add3A_234, %add3A_996 : vector<16xi32>
        %add3A_998 = arith.constant 0 : i32
        %add3A_999 = vector.broadcast %add3A_998 : i32 to vector<16xi32>
        %add3A_1000 = arith.addi %and3A_55, %add3A_999 : vector<16xi32>
        %gather3A_1001 = arith.constant 0 : i32
        %gather3A_1002 = arith.constant 0 : i32
        %gather3A_1003 = tpu.memref_slice %arg6[%scan3A_379, %gather3A_1001, %gather3A_1002] : memref<2x128x64xf32, #tpu.memory_space<vmem>> -> memref<1x128x64xf32, #tpu.memory_space<vmem>>
        %gather3A_1004 = tpu.memref_squeeze %gather3A_1003 : memref<1x128x64xf32, #tpu.memory_space<vmem>> -> memref<128x64xf32, #tpu.memory_space<vmem>>
        %gather3A_1005 = tpu.vector_load_idx %gather3A_1004[%add3A_483, %add3A_1000] : memref<128x64xf32, #tpu.memory_space<vmem>>[vector<16xi32>, vector<16xi32>], vector<16xf32>,
        %add3A_1006 = arith.constant 0 : i32
        %add3A_1007 = vector.broadcast %add3A_1006 : i32 to vector<16xi32>
        %add3A_1008 = arith.addi %shift_right_arithmetic3A_123, %add3A_1007 : vector<16xi32>
        %scatter3A_1009 = arith.constant 0 : i32
        %scatter3A_1010 = arith.constant 0 : i32
        %scatter3A_1011 = tpu.memref_slice %arg7[%scan3A_380, %scatter3A_1009, %scatter3A_1010] : memref<2x8x1024xf32, #tpu.memory_space<vmem>> -> memref<1x8x1024xf32, #tpu.memory_space<vmem>>
        %scatter3A_1012 = tpu.memref_squeeze %scatter3A_1011 : memref<1x8x1024xf32, #tpu.memory_space<vmem>> -> memref<8x1024xf32, #tpu.memory_space<vmem>>
        tpu.vector_store_idx %scatter3A_1012[%add3A_1008, %add3A_997], %gather3A_1005 : memref<8x1024xf32, #tpu.memory_space<vmem>>[vector<16xi32>, vector<16xi32>], vector<16xf32>,
        %add3A_1013 = arith.constant 16 : i32
        %add3A_1014 = vector.broadcast %add3A_1013 : i32 to vector<16xi32>
        %add3A_1015 = arith.addi %and3A_55, %add3A_1014 : vector<16xi32>
        %gather3A_1016 = arith.constant 0 : i32
        %gather3A_1017 = arith.constant 0 : i32
        %gather3A_1018 = tpu.memref_slice %arg6[%scan3A_379, %gather3A_1016, %gather3A_1017] : memref<2x128x64xf32, #tpu.memory_space<vmem>> -> memref<1x128x64xf32, #tpu.memory_space<vmem>>
        %gather3A_1019 = tpu.memref_squeeze %gather3A_1018 : memref<1x128x64xf32, #tpu.memory_space<vmem>> -> memref<128x64xf32, #tpu.memory_space<vmem>>
        %gather3A_1020 = tpu.vector_load_idx %gather3A_1019[%add3A_483, %add3A_1015] : memref<128x64xf32, #tpu.memory_space<vmem>>[vector<16xi32>, vector<16xi32>], vector<16xf32>,
        %add3A_1021 = arith.constant 2 : i32
        %add3A_1022 = vector.broadcast %add3A_1021 : i32 to vector<16xi32>
        %add3A_1023 = arith.addi %shift_right_arithmetic3A_123, %add3A_1022 : vector<16xi32>
        %scatter3A_1024 = arith.constant 0 : i32
        %scatter3A_1025 = arith.constant 0 : i32
        %scatter3A_1026 = tpu.memref_slice %arg7[%scan3A_380, %scatter3A_1024, %scatter3A_1025] : memref<2x8x1024xf32, #tpu.memory_space<vmem>> -> memref<1x8x1024xf32, #tpu.memory_space<vmem>>
        %scatter3A_1027 = tpu.memref_squeeze %scatter3A_1026 : memref<1x8x1024xf32, #tpu.memory_space<vmem>> -> memref<8x1024xf32, #tpu.memory_space<vmem>>
        tpu.vector_store_idx %scatter3A_1027[%add3A_1023, %add3A_997], %gather3A_1020 : memref<8x1024xf32, #tpu.memory_space<vmem>>[vector<16xi32>, vector<16xi32>], vector<16xf32>,
        %add3A_1028 = arith.constant 32 : i32
        %add3A_1029 = vector.broadcast %add3A_1028 : i32 to vector<16xi32>
        %add3A_1030 = arith.addi %and3A_55, %add3A_1029 : vector<16xi32>
        %gather3A_1031 = arith.constant 0 : i32
        %gather3A_1032 = arith.constant 0 : i32
        %gather3A_1033 = tpu.memref_slice %arg6[%scan3A_379, %gather3A_1031, %gather3A_1032] : memref<2x128x64xf32, #tpu.memory_space<vmem>> -> memref<1x128x64xf32, #tpu.memory_space<vmem>>
        %gather3A_1034 = tpu.memref_squeeze %gather3A_1033 : memref<1x128x64xf32, #tpu.memory_space<vmem>> -> memref<128x64xf32, #tpu.memory_space<vmem>>
        %gather3A_1035 = tpu.vector_load_idx %gather3A_1034[%add3A_483, %add3A_1030] : memref<128x64xf32, #tpu.memory_space<vmem>>[vector<16xi32>, vector<16xi32>], vector<16xf32>,
        %add3A_1036 = arith.constant 4 : i32
        %add3A_1037 = vector.broadcast %add3A_1036 : i32 to vector<16xi32>
        %add3A_1038 = arith.addi %shift_right_arithmetic3A_123, %add3A_1037 : vector<16xi32>
        %scatter3A_1039 = arith.constant 0 : i32
        %scatter3A_1040 = arith.constant 0 : i32
        %scatter3A_1041 = tpu.memref_slice %arg7[%scan3A_380, %scatter3A_1039, %scatter3A_1040] : memref<2x8x1024xf32, #tpu.memory_space<vmem>> -> memref<1x8x1024xf32, #tpu.memory_space<vmem>>
        %scatter3A_1042 = tpu.memref_squeeze %scatter3A_1041 : memref<1x8x1024xf32, #tpu.memory_space<vmem>> -> memref<8x1024xf32, #tpu.memory_space<vmem>>
        tpu.vector_store_idx %scatter3A_1042[%add3A_1038, %add3A_997], %gather3A_1035 : memref<8x1024xf32, #tpu.memory_space<vmem>>[vector<16xi32>, vector<16xi32>], vector<16xf32>,
        %add3A_1043 = arith.constant 48 : i32
        %add3A_1044 = vector.broadcast %add3A_1043 : i32 to vector<16xi32>
        %add3A_1045 = arith.addi %and3A_55, %add3A_1044 : vector<16xi32>
        %gather3A_1046 = arith.constant 0 : i32
        %gather3A_1047 = arith.constant 0 : i32
        %gather3A_1048 = tpu.memref_slice %arg6[%scan3A_379, %gather3A_1046, %gather3A_1047] : memref<2x128x64xf32, #tpu.memory_space<vmem>> -> memref<1x128x64xf32, #tpu.memory_space<vmem>>
        %gather3A_1049 = tpu.memref_squeeze %gather3A_1048 : memref<1x128x64xf32, #tpu.memory_space<vmem>> -> memref<128x64xf32, #tpu.memory_space<vmem>>
        %gather3A_1050 = tpu.vector_load_idx %gather3A_1049[%add3A_483, %add3A_1045] : memref<128x64xf32, #tpu.memory_space<vmem>>[vector<16xi32>, vector<16xi32>], vector<16xf32>,
        %add3A_1051 = arith.constant 6 : i32
        %add3A_1052 = vector.broadcast %add3A_1051 : i32 to vector<16xi32>
        %add3A_1053 = arith.addi %shift_right_arithmetic3A_123, %add3A_1052 : vector<16xi32>
        %scatter3A_1054 = arith.constant 0 : i32
        %scatter3A_1055 = arith.constant 0 : i32
        %scatter3A_1056 = tpu.memref_slice %arg7[%scan3A_380, %scatter3A_1054, %scatter3A_1055] : memref<2x8x1024xf32, #tpu.memory_space<vmem>> -> memref<1x8x1024xf32, #tpu.memory_space<vmem>>
        %scatter3A_1057 = tpu.memref_squeeze %scatter3A_1056 : memref<1x8x1024xf32, #tpu.memory_space<vmem>> -> memref<8x1024xf32, #tpu.memory_space<vmem>>
        tpu.vector_store_idx %scatter3A_1057[%add3A_1053, %add3A_997], %gather3A_1050 : memref<8x1024xf32, #tpu.memory_space<vmem>>[vector<16xi32>, vector<16xi32>], vector<16xf32>,
        %mul3A_1058 = arith.constant 16 : i32
        %mul3A_1059 = arith.muli %mul3A_1058, %scan3A_479 : i32
        %add3A_1060 = vector.broadcast %mul3A_1059 : i32 to vector<16xi32>
        %add3A_1061 = arith.addi %add3A_244, %add3A_1060 : vector<16xi32>
        %add3A_1062 = arith.constant 0 : i32
        %add3A_1063 = vector.broadcast %add3A_1062 : i32 to vector<16xi32>
        %add3A_1064 = arith.addi %and3A_61, %add3A_1063 : vector<16xi32>
        %gather3A_1065 = arith.constant 0 : i32
        %gather3A_1066 = arith.constant 0 : i32
        %gather3A_1067 = tpu.memref_slice %arg6[%scan3A_379, %gather3A_1065, %gather3A_1066] : memref<2x128x64xf32, #tpu.memory_space<vmem>> -> memref<1x128x64xf32, #tpu.memory_space<vmem>>
        %gather3A_1068 = tpu.memref_squeeze %gather3A_1067 : memref<1x128x64xf32, #tpu.memory_space<vmem>> -> memref<128x64xf32, #tpu.memory_space<vmem>>
        %gather3A_1069 = tpu.vector_load_idx %gather3A_1068[%add3A_483, %add3A_1064] : memref<128x64xf32, #tpu.memory_space<vmem>>[vector<16xi32>, vector<16xi32>], vector<16xf32>,
        %add3A_1070 = arith.constant 0 : i32
        %add3A_1071 = vector.broadcast %add3A_1070 : i32 to vector<16xi32>
        %add3A_1072 = arith.addi %shift_right_arithmetic3A_126, %add3A_1071 : vector<16xi32>
        %scatter3A_1073 = arith.constant 0 : i32
        %scatter3A_1074 = arith.constant 0 : i32
        %scatter3A_1075 = tpu.memref_slice %arg7[%scan3A_380, %scatter3A_1073, %scatter3A_1074] : memref<2x8x1024xf32, #tpu.memory_space<vmem>> -> memref<1x8x1024xf32, #tpu.memory_space<vmem>>
        %scatter3A_1076 = tpu.memref_squeeze %scatter3A_1075 : memref<1x8x1024xf32, #tpu.memory_space<vmem>> -> memref<8x1024xf32, #tpu.memory_space<vmem>>
        tpu.vector_store_idx %scatter3A_1076[%add3A_1072, %add3A_1061], %gather3A_1069 : memref<8x1024xf32, #tpu.memory_space<vmem>>[vector<16xi32>, vector<16xi32>], vector<16xf32>,
        %add3A_1077 = arith.constant 16 : i32
        %add3A_1078 = vector.broadcast %add3A_1077 : i32 to vector<16xi32>
        %add3A_1079 = arith.addi %and3A_61, %add3A_1078 : vector<16xi32>
        %gather3A_1080 = arith.constant 0 : i32
        %gather3A_1081 = arith.constant 0 : i32
        %gather3A_1082 = tpu.memref_slice %arg6[%scan3A_379, %gather3A_1080, %gather3A_1081] : memref<2x128x64xf32, #tpu.memory_space<vmem>> -> memref<1x128x64xf32, #tpu.memory_space<vmem>>
        %gather3A_1083 = tpu.memref_squeeze %gather3A_1082 : memref<1x128x64xf32, #tpu.memory_space<vmem>> -> memref<128x64xf32, #tpu.memory_space<vmem>>
        %gather3A_1084 = tpu.vector_load_idx %gather3A_1083[%add3A_483, %add3A_1079] : memref<128x64xf32, #tpu.memory_space<vmem>>[vector<16xi32>, vector<16xi32>], vector<16xf32>,
        %add3A_1085 = arith.constant 2 : i32
        %add3A_1086 = vector.broadcast %add3A_1085 : i32 to vector<16xi32>
        %add3A_1087 = arith.addi %shift_right_arithmetic3A_126, %add3A_1086 : vector<16xi32>
        %scatter3A_1088 = arith.constant 0 : i32
        %scatter3A_1089 = arith.constant 0 : i32
        %scatter3A_1090 = tpu.memref_slice %arg7[%scan3A_380, %scatter3A_1088, %scatter3A_1089] : memref<2x8x1024xf32, #tpu.memory_space<vmem>> -> memref<1x8x1024xf32, #tpu.memory_space<vmem>>
        %scatter3A_1091 = tpu.memref_squeeze %scatter3A_1090 : memref<1x8x1024xf32, #tpu.memory_space<vmem>> -> memref<8x1024xf32, #tpu.memory_space<vmem>>
        tpu.vector_store_idx %scatter3A_1091[%add3A_1087, %add3A_1061], %gather3A_1084 : memref<8x1024xf32, #tpu.memory_space<vmem>>[vector<16xi32>, vector<16xi32>], vector<16xf32>,
        %add3A_1092 = arith.constant 32 : i32
        %add3A_1093 = vector.broadcast %add3A_1092 : i32 to vector<16xi32>
        %add3A_1094 = arith.addi %and3A_61, %add3A_1093 : vector<16xi32>
        %gather3A_1095 = arith.constant 0 : i32
        %gather3A_1096 = arith.constant 0 : i32
        %gather3A_1097 = tpu.memref_slice %arg6[%scan3A_379, %gather3A_1095, %gather3A_1096] : memref<2x128x64xf32, #tpu.memory_space<vmem>> -> memref<1x128x64xf32, #tpu.memory_space<vmem>>
        %gather3A_1098 = tpu.memref_squeeze %gather3A_1097 : memref<1x128x64xf32, #tpu.memory_space<vmem>> -> memref<128x64xf32, #tpu.memory_space<vmem>>
        %gather3A_1099 = tpu.vector_load_idx %gather3A_1098[%add3A_483, %add3A_1094] : memref<128x64xf32, #tpu.memory_space<vmem>>[vector<16xi32>, vector<16xi32>], vector<16xf32>,
        %add3A_1100 = arith.constant 4 : i32
        %add3A_1101 = vector.broadcast %add3A_1100 : i32 to vector<16xi32>
        %add3A_1102 = arith.addi %shift_right_arithmetic3A_126, %add3A_1101 : vector<16xi32>
        %scatter3A_1103 = arith.constant 0 : i32
        %scatter3A_1104 = arith.constant 0 : i32
        %scatter3A_1105 = tpu.memref_slice %arg7[%scan3A_380, %scatter3A_1103, %scatter3A_1104] : memref<2x8x1024xf32, #tpu.memory_space<vmem>> -> memref<1x8x1024xf32, #tpu.memory_space<vmem>>
        %scatter3A_1106 = tpu.memref_squeeze %scatter3A_1105 : memref<1x8x1024xf32, #tpu.memory_space<vmem>> -> memref<8x1024xf32, #tpu.memory_space<vmem>>
        tpu.vector_store_idx %scatter3A_1106[%add3A_1102, %add3A_1061], %gather3A_1099 : memref<8x1024xf32, #tpu.memory_space<vmem>>[vector<16xi32>, vector<16xi32>], vector<16xf32>,
        %add3A_1107 = arith.constant 48 : i32
        %add3A_1108 = vector.broadcast %add3A_1107 : i32 to vector<16xi32>
        %add3A_1109 = arith.addi %and3A_61, %add3A_1108 : vector<16xi32>
        %gather3A_1110 = arith.constant 0 : i32
        %gather3A_1111 = arith.constant 0 : i32
        %gather3A_1112 = tpu.memref_slice %arg6[%scan3A_379, %gather3A_1110, %gather3A_1111] : memref<2x128x64xf32, #tpu.memory_space<vmem>> -> memref<1x128x64xf32, #tpu.memory_space<vmem>>
        %gather3A_1113 = tpu.memref_squeeze %gather3A_1112 : memref<1x128x64xf32, #tpu.memory_space<vmem>> -> memref<128x64xf32, #tpu.memory_space<vmem>>
        %gather3A_1114 = tpu.vector_load_idx %gather3A_1113[%add3A_483, %add3A_1109] : memref<128x64xf32, #tpu.memory_space<vmem>>[vector<16xi32>, vector<16xi32>], vector<16xf32>,
        %add3A_1115 = arith.constant 6 : i32
        %add3A_1116 = vector.broadcast %add3A_1115 : i32 to vector<16xi32>
        %add3A_1117 = arith.addi %shift_right_arithmetic3A_126, %add3A_1116 : vector<16xi32>
        %scatter3A_1118 = arith.constant 0 : i32
        %scatter3A_1119 = arith.constant 0 : i32
        %scatter3A_1120 = tpu.memref_slice %arg7[%scan3A_380, %scatter3A_1118, %scatter3A_1119] : memref<2x8x1024xf32, #tpu.memory_space<vmem>> -> memref<1x8x1024xf32, #tpu.memory_space<vmem>>
        %scatter3A_1121 = tpu.memref_squeeze %scatter3A_1120 : memref<1x8x1024xf32, #tpu.memory_space<vmem>> -> memref<8x1024xf32, #tpu.memory_space<vmem>>
        tpu.vector_store_idx %scatter3A_1121[%add3A_1117, %add3A_1061], %gather3A_1114 : memref<8x1024xf32, #tpu.memory_space<vmem>>[vector<16xi32>, vector<16xi32>], vector<16xf32>,
        %mul3A_1122 = arith.constant 16 : i32
        %mul3A_1123 = arith.muli %mul3A_1122, %scan3A_479 : i32
        %add3A_1124 = vector.broadcast %mul3A_1123 : i32 to vector<16xi32>
        %add3A_1125 = arith.addi %add3A_254, %add3A_1124 : vector<16xi32>
        %add3A_1126 = arith.constant 0 : i32
        %add3A_1127 = vector.broadcast %add3A_1126 : i32 to vector<16xi32>
        %add3A_1128 = arith.addi %and3A_67, %add3A_1127 : vector<16xi32>
        %gather3A_1129 = arith.constant 0 : i32
        %gather3A_1130 = arith.constant 0 : i32
        %gather3A_1131 = tpu.memref_slice %arg6[%scan3A_379, %gather3A_1129, %gather3A_1130] : memref<2x128x64xf32, #tpu.memory_space<vmem>> -> memref<1x128x64xf32, #tpu.memory_space<vmem>>
        %gather3A_1132 = tpu.memref_squeeze %gather3A_1131 : memref<1x128x64xf32, #tpu.memory_space<vmem>> -> memref<128x64xf32, #tpu.memory_space<vmem>>
        %gather3A_1133 = tpu.vector_load_idx %gather3A_1132[%add3A_483, %add3A_1128] : memref<128x64xf32, #tpu.memory_space<vmem>>[vector<16xi32>, vector<16xi32>], vector<16xf32>,
        %add3A_1134 = arith.constant 0 : i32
        %add3A_1135 = vector.broadcast %add3A_1134 : i32 to vector<16xi32>
        %add3A_1136 = arith.addi %shift_right_arithmetic3A_129, %add3A_1135 : vector<16xi32>
        %scatter3A_1137 = arith.constant 0 : i32
        %scatter3A_1138 = arith.constant 0 : i32
        %scatter3A_1139 = tpu.memref_slice %arg7[%scan3A_380, %scatter3A_1137, %scatter3A_1138] : memref<2x8x1024xf32, #tpu.memory_space<vmem>> -> memref<1x8x1024xf32, #tpu.memory_space<vmem>>
        %scatter3A_1140 = tpu.memref_squeeze %scatter3A_1139 : memref<1x8x1024xf32, #tpu.memory_space<vmem>> -> memref<8x1024xf32, #tpu.memory_space<vmem>>
        tpu.vector_store_idx %scatter3A_1140[%add3A_1136, %add3A_1125], %gather3A_1133 : memref<8x1024xf32, #tpu.memory_space<vmem>>[vector<16xi32>, vector<16xi32>], vector<16xf32>,
        %add3A_1141 = arith.constant 16 : i32
        %add3A_1142 = vector.broadcast %add3A_1141 : i32 to vector<16xi32>
        %add3A_1143 = arith.addi %and3A_67, %add3A_1142 : vector<16xi32>
        %gather3A_1144 = arith.constant 0 : i32
        %gather3A_1145 = arith.constant 0 : i32
        %gather3A_1146 = tpu.memref_slice %arg6[%scan3A_379, %gather3A_1144, %gather3A_1145] : memref<2x128x64xf32, #tpu.memory_space<vmem>> -> memref<1x128x64xf32, #tpu.memory_space<vmem>>
        %gather3A_1147 = tpu.memref_squeeze %gather3A_1146 : memref<1x128x64xf32, #tpu.memory_space<vmem>> -> memref<128x64xf32, #tpu.memory_space<vmem>>
        %gather3A_1148 = tpu.vector_load_idx %gather3A_1147[%add3A_483, %add3A_1143] : memref<128x64xf32, #tpu.memory_space<vmem>>[vector<16xi32>, vector<16xi32>], vector<16xf32>,
        %add3A_1149 = arith.constant 2 : i32
        %add3A_1150 = vector.broadcast %add3A_1149 : i32 to vector<16xi32>
        %add3A_1151 = arith.addi %shift_right_arithmetic3A_129, %add3A_1150 : vector<16xi32>
        %scatter3A_1152 = arith.constant 0 : i32
        %scatter3A_1153 = arith.constant 0 : i32
        %scatter3A_1154 = tpu.memref_slice %arg7[%scan3A_380, %scatter3A_1152, %scatter3A_1153] : memref<2x8x1024xf32, #tpu.memory_space<vmem>> -> memref<1x8x1024xf32, #tpu.memory_space<vmem>>
        %scatter3A_1155 = tpu.memref_squeeze %scatter3A_1154 : memref<1x8x1024xf32, #tpu.memory_space<vmem>> -> memref<8x1024xf32, #tpu.memory_space<vmem>>
        tpu.vector_store_idx %scatter3A_1155[%add3A_1151, %add3A_1125], %gather3A_1148 : memref<8x1024xf32, #tpu.memory_space<vmem>>[vector<16xi32>, vector<16xi32>], vector<16xf32>,
        %add3A_1156 = arith.constant 32 : i32
        %add3A_1157 = vector.broadcast %add3A_1156 : i32 to vector<16xi32>
        %add3A_1158 = arith.addi %and3A_67, %add3A_1157 : vector<16xi32>
        %gather3A_1159 = arith.constant 0 : i32
        %gather3A_1160 = arith.constant 0 : i32
        %gather3A_1161 = tpu.memref_slice %arg6[%scan3A_379, %gather3A_1159, %gather3A_1160] : memref<2x128x64xf32, #tpu.memory_space<vmem>> -> memref<1x128x64xf32, #tpu.memory_space<vmem>>
        %gather3A_1162 = tpu.memref_squeeze %gather3A_1161 : memref<1x128x64xf32, #tpu.memory_space<vmem>> -> memref<128x64xf32, #tpu.memory_space<vmem>>
        %gather3A_1163 = tpu.vector_load_idx %gather3A_1162[%add3A_483, %add3A_1158] : memref<128x64xf32, #tpu.memory_space<vmem>>[vector<16xi32>, vector<16xi32>], vector<16xf32>,
        %add3A_1164 = arith.constant 4 : i32
        %add3A_1165 = vector.broadcast %add3A_1164 : i32 to vector<16xi32>
        %add3A_1166 = arith.addi %shift_right_arithmetic3A_129, %add3A_1165 : vector<16xi32>
        %scatter3A_1167 = arith.constant 0 : i32
        %scatter3A_1168 = arith.constant 0 : i32
        %scatter3A_1169 = tpu.memref_slice %arg7[%scan3A_380, %scatter3A_1167, %scatter3A_1168] : memref<2x8x1024xf32, #tpu.memory_space<vmem>> -> memref<1x8x1024xf32, #tpu.memory_space<vmem>>
        %scatter3A_1170 = tpu.memref_squeeze %scatter3A_1169 : memref<1x8x1024xf32, #tpu.memory_space<vmem>> -> memref<8x1024xf32, #tpu.memory_space<vmem>>
        tpu.vector_store_idx %scatter3A_1170[%add3A_1166, %add3A_1125], %gather3A_1163 : memref<8x1024xf32, #tpu.memory_space<vmem>>[vector<16xi32>, vector<16xi32>], vector<16xf32>,
        %add3A_1171 = arith.constant 48 : i32
        %add3A_1172 = vector.broadcast %add3A_1171 : i32 to vector<16xi32>
        %add3A_1173 = arith.addi %and3A_67, %add3A_1172 : vector<16xi32>
        %gather3A_1174 = arith.constant 0 : i32
        %gather3A_1175 = arith.constant 0 : i32
        %gather3A_1176 = tpu.memref_slice %arg6[%scan3A_379, %gather3A_1174, %gather3A_1175] : memref<2x128x64xf32, #tpu.memory_space<vmem>> -> memref<1x128x64xf32, #tpu.memory_space<vmem>>
        %gather3A_1177 = tpu.memref_squeeze %gather3A_1176 : memref<1x128x64xf32, #tpu.memory_space<vmem>> -> memref<128x64xf32, #tpu.memory_space<vmem>>
        %gather3A_1178 = tpu.vector_load_idx %gather3A_1177[%add3A_483, %add3A_1173] : memref<128x64xf32, #tpu.memory_space<vmem>>[vector<16xi32>, vector<16xi32>], vector<16xf32>,
        %add3A_1179 = arith.constant 6 : i32
        %add3A_1180 = vector.broadcast %add3A_1179 : i32 to vector<16xi32>
        %add3A_1181 = arith.addi %shift_right_arithmetic3A_129, %add3A_1180 : vector<16xi32>
        %scatter3A_1182 = arith.constant 0 : i32
        %scatter3A_1183 = arith.constant 0 : i32
        %scatter3A_1184 = tpu.memref_slice %arg7[%scan3A_380, %scatter3A_1182, %scatter3A_1183] : memref<2x8x1024xf32, #tpu.memory_space<vmem>> -> memref<1x8x1024xf32, #tpu.memory_space<vmem>>
        %scatter3A_1185 = tpu.memref_squeeze %scatter3A_1184 : memref<1x8x1024xf32, #tpu.memory_space<vmem>> -> memref<8x1024xf32, #tpu.memory_space<vmem>>
        tpu.vector_store_idx %scatter3A_1185[%add3A_1181, %add3A_1125], %gather3A_1178 : memref<8x1024xf32, #tpu.memory_space<vmem>>[vector<16xi32>, vector<16xi32>], vector<16xf32>,
        %mul3A_1186 = arith.constant 16 : i32
        %mul3A_1187 = arith.muli %mul3A_1186, %scan3A_479 : i32
        %add3A_1188 = vector.broadcast %mul3A_1187 : i32 to vector<16xi32>
        %add3A_1189 = arith.addi %add3A_264, %add3A_1188 : vector<16xi32>
        %add3A_1190 = arith.constant 0 : i32
        %add3A_1191 = vector.broadcast %add3A_1190 : i32 to vector<16xi32>
        %add3A_1192 = arith.addi %and3A_73, %add3A_1191 : vector<16xi32>
        %gather3A_1193 = arith.constant 0 : i32
        %gather3A_1194 = arith.constant 0 : i32
        %gather3A_1195 = tpu.memref_slice %arg6[%scan3A_379, %gather3A_1193, %gather3A_1194] : memref<2x128x64xf32, #tpu.memory_space<vmem>> -> memref<1x128x64xf32, #tpu.memory_space<vmem>>
        %gather3A_1196 = tpu.memref_squeeze %gather3A_1195 : memref<1x128x64xf32, #tpu.memory_space<vmem>> -> memref<128x64xf32, #tpu.memory_space<vmem>>
        %gather3A_1197 = tpu.vector_load_idx %gather3A_1196[%add3A_483, %add3A_1192] : memref<128x64xf32, #tpu.memory_space<vmem>>[vector<16xi32>, vector<16xi32>], vector<16xf32>,
        %add3A_1198 = arith.constant 0 : i32
        %add3A_1199 = vector.broadcast %add3A_1198 : i32 to vector<16xi32>
        %add3A_1200 = arith.addi %shift_right_arithmetic3A_132, %add3A_1199 : vector<16xi32>
        %scatter3A_1201 = arith.constant 0 : i32
        %scatter3A_1202 = arith.constant 0 : i32
        %scatter3A_1203 = tpu.memref_slice %arg7[%scan3A_380, %scatter3A_1201, %scatter3A_1202] : memref<2x8x1024xf32, #tpu.memory_space<vmem>> -> memref<1x8x1024xf32, #tpu.memory_space<vmem>>
        %scatter3A_1204 = tpu.memref_squeeze %scatter3A_1203 : memref<1x8x1024xf32, #tpu.memory_space<vmem>> -> memref<8x1024xf32, #tpu.memory_space<vmem>>
        tpu.vector_store_idx %scatter3A_1204[%add3A_1200, %add3A_1189], %gather3A_1197 : memref<8x1024xf32, #tpu.memory_space<vmem>>[vector<16xi32>, vector<16xi32>], vector<16xf32>,
        %add3A_1205 = arith.constant 16 : i32
        %add3A_1206 = vector.broadcast %add3A_1205 : i32 to vector<16xi32>
        %add3A_1207 = arith.addi %and3A_73, %add3A_1206 : vector<16xi32>
        %gather3A_1208 = arith.constant 0 : i32
        %gather3A_1209 = arith.constant 0 : i32
        %gather3A_1210 = tpu.memref_slice %arg6[%scan3A_379, %gather3A_1208, %gather3A_1209] : memref<2x128x64xf32, #tpu.memory_space<vmem>> -> memref<1x128x64xf32, #tpu.memory_space<vmem>>
        %gather3A_1211 = tpu.memref_squeeze %gather3A_1210 : memref<1x128x64xf32, #tpu.memory_space<vmem>> -> memref<128x64xf32, #tpu.memory_space<vmem>>
        %gather3A_1212 = tpu.vector_load_idx %gather3A_1211[%add3A_483, %add3A_1207] : memref<128x64xf32, #tpu.memory_space<vmem>>[vector<16xi32>, vector<16xi32>], vector<16xf32>,
        %add3A_1213 = arith.constant 2 : i32
        %add3A_1214 = vector.broadcast %add3A_1213 : i32 to vector<16xi32>
        %add3A_1215 = arith.addi %shift_right_arithmetic3A_132, %add3A_1214 : vector<16xi32>
        %scatter3A_1216 = arith.constant 0 : i32
        %scatter3A_1217 = arith.constant 0 : i32
        %scatter3A_1218 = tpu.memref_slice %arg7[%scan3A_380, %scatter3A_1216, %scatter3A_1217] : memref<2x8x1024xf32, #tpu.memory_space<vmem>> -> memref<1x8x1024xf32, #tpu.memory_space<vmem>>
        %scatter3A_1219 = tpu.memref_squeeze %scatter3A_1218 : memref<1x8x1024xf32, #tpu.memory_space<vmem>> -> memref<8x1024xf32, #tpu.memory_space<vmem>>
        tpu.vector_store_idx %scatter3A_1219[%add3A_1215, %add3A_1189], %gather3A_1212 : memref<8x1024xf32, #tpu.memory_space<vmem>>[vector<16xi32>, vector<16xi32>], vector<16xf32>,
        %add3A_1220 = arith.constant 32 : i32
        %add3A_1221 = vector.broadcast %add3A_1220 : i32 to vector<16xi32>
        %add3A_1222 = arith.addi %and3A_73, %add3A_1221 : vector<16xi32>
        %gather3A_1223 = arith.constant 0 : i32
        %gather3A_1224 = arith.constant 0 : i32
        %gather3A_1225 = tpu.memref_slice %arg6[%scan3A_379, %gather3A_1223, %gather3A_1224] : memref<2x128x64xf32, #tpu.memory_space<vmem>> -> memref<1x128x64xf32, #tpu.memory_space<vmem>>
        %gather3A_1226 = tpu.memref_squeeze %gather3A_1225 : memref<1x128x64xf32, #tpu.memory_space<vmem>> -> memref<128x64xf32, #tpu.memory_space<vmem>>
        %gather3A_1227 = tpu.vector_load_idx %gather3A_1226[%add3A_483, %add3A_1222] : memref<128x64xf32, #tpu.memory_space<vmem>>[vector<16xi32>, vector<16xi32>], vector<16xf32>,
        %add3A_1228 = arith.constant 4 : i32
        %add3A_1229 = vector.broadcast %add3A_1228 : i32 to vector<16xi32>
        %add3A_1230 = arith.addi %shift_right_arithmetic3A_132, %add3A_1229 : vector<16xi32>
        %scatter3A_1231 = arith.constant 0 : i32
        %scatter3A_1232 = arith.constant 0 : i32
        %scatter3A_1233 = tpu.memref_slice %arg7[%scan3A_380, %scatter3A_1231, %scatter3A_1232] : memref<2x8x1024xf32, #tpu.memory_space<vmem>> -> memref<1x8x1024xf32, #tpu.memory_space<vmem>>
        %scatter3A_1234 = tpu.memref_squeeze %scatter3A_1233 : memref<1x8x1024xf32, #tpu.memory_space<vmem>> -> memref<8x1024xf32, #tpu.memory_space<vmem>>
        tpu.vector_store_idx %scatter3A_1234[%add3A_1230, %add3A_1189], %gather3A_1227 : memref<8x1024xf32, #tpu.memory_space<vmem>>[vector<16xi32>, vector<16xi32>], vector<16xf32>,
        %add3A_1235 = arith.constant 48 : i32
        %add3A_1236 = vector.broadcast %add3A_1235 : i32 to vector<16xi32>
        %add3A_1237 = arith.addi %and3A_73, %add3A_1236 : vector<16xi32>
        %gather3A_1238 = arith.constant 0 : i32
        %gather3A_1239 = arith.constant 0 : i32
        %gather3A_1240 = tpu.memref_slice %arg6[%scan3A_379, %gather3A_1238, %gather3A_1239] : memref<2x128x64xf32, #tpu.memory_space<vmem>> -> memref<1x128x64xf32, #tpu.memory_space<vmem>>
        %gather3A_1241 = tpu.memref_squeeze %gather3A_1240 : memref<1x128x64xf32, #tpu.memory_space<vmem>> -> memref<128x64xf32, #tpu.memory_space<vmem>>
        %gather3A_1242 = tpu.vector_load_idx %gather3A_1241[%add3A_483, %add3A_1237] : memref<128x64xf32, #tpu.memory_space<vmem>>[vector<16xi32>, vector<16xi32>], vector<16xf32>,
        %add3A_1243 = arith.constant 6 : i32
        %add3A_1244 = vector.broadcast %add3A_1243 : i32 to vector<16xi32>
        %add3A_1245 = arith.addi %shift_right_arithmetic3A_132, %add3A_1244 : vector<16xi32>
        %scatter3A_1246 = arith.constant 0 : i32
        %scatter3A_1247 = arith.constant 0 : i32
        %scatter3A_1248 = tpu.memref_slice %arg7[%scan3A_380, %scatter3A_1246, %scatter3A_1247] : memref<2x8x1024xf32, #tpu.memory_space<vmem>> -> memref<1x8x1024xf32, #tpu.memory_space<vmem>>
        %scatter3A_1249 = tpu.memref_squeeze %scatter3A_1248 : memref<1x8x1024xf32, #tpu.memory_space<vmem>> -> memref<8x1024xf32, #tpu.memory_space<vmem>>
        tpu.vector_store_idx %scatter3A_1249[%add3A_1245, %add3A_1189], %gather3A_1242 : memref<8x1024xf32, #tpu.memory_space<vmem>>[vector<16xi32>, vector<16xi32>], vector<16xf32>,
        %mul3A_1250 = arith.constant 16 : i32
        %mul3A_1251 = arith.muli %mul3A_1250, %scan3A_479 : i32
        %add3A_1252 = vector.broadcast %mul3A_1251 : i32 to vector<16xi32>
        %add3A_1253 = arith.addi %add3A_274, %add3A_1252 : vector<16xi32>
        %add3A_1254 = arith.constant 0 : i32
        %add3A_1255 = vector.broadcast %add3A_1254 : i32 to vector<16xi32>
        %add3A_1256 = arith.addi %and3A_79, %add3A_1255 : vector<16xi32>
        %gather3A_1257 = arith.constant 0 : i32
        %gather3A_1258 = arith.constant 0 : i32
        %gather3A_1259 = tpu.memref_slice %arg6[%scan3A_379, %gather3A_1257, %gather3A_1258] : memref<2x128x64xf32, #tpu.memory_space<vmem>> -> memref<1x128x64xf32, #tpu.memory_space<vmem>>
        %gather3A_1260 = tpu.memref_squeeze %gather3A_1259 : memref<1x128x64xf32, #tpu.memory_space<vmem>> -> memref<128x64xf32, #tpu.memory_space<vmem>>
        %gather3A_1261 = tpu.vector_load_idx %gather3A_1260[%add3A_483, %add3A_1256] : memref<128x64xf32, #tpu.memory_space<vmem>>[vector<16xi32>, vector<16xi32>], vector<16xf32>,
        %add3A_1262 = arith.constant 0 : i32
        %add3A_1263 = vector.broadcast %add3A_1262 : i32 to vector<16xi32>
        %add3A_1264 = arith.addi %shift_right_arithmetic3A_135, %add3A_1263 : vector<16xi32>
        %scatter3A_1265 = arith.constant 0 : i32
        %scatter3A_1266 = arith.constant 0 : i32
        %scatter3A_1267 = tpu.memref_slice %arg7[%scan3A_380, %scatter3A_1265, %scatter3A_1266] : memref<2x8x1024xf32, #tpu.memory_space<vmem>> -> memref<1x8x1024xf32, #tpu.memory_space<vmem>>
        %scatter3A_1268 = tpu.memref_squeeze %scatter3A_1267 : memref<1x8x1024xf32, #tpu.memory_space<vmem>> -> memref<8x1024xf32, #tpu.memory_space<vmem>>
        tpu.vector_store_idx %scatter3A_1268[%add3A_1264, %add3A_1253], %gather3A_1261 : memref<8x1024xf32, #tpu.memory_space<vmem>>[vector<16xi32>, vector<16xi32>], vector<16xf32>,
        %add3A_1269 = arith.constant 16 : i32
        %add3A_1270 = vector.broadcast %add3A_1269 : i32 to vector<16xi32>
        %add3A_1271 = arith.addi %and3A_79, %add3A_1270 : vector<16xi32>
        %gather3A_1272 = arith.constant 0 : i32
        %gather3A_1273 = arith.constant 0 : i32
        %gather3A_1274 = tpu.memref_slice %arg6[%scan3A_379, %gather3A_1272, %gather3A_1273] : memref<2x128x64xf32, #tpu.memory_space<vmem>> -> memref<1x128x64xf32, #tpu.memory_space<vmem>>
        %gather3A_1275 = tpu.memref_squeeze %gather3A_1274 : memref<1x128x64xf32, #tpu.memory_space<vmem>> -> memref<128x64xf32, #tpu.memory_space<vmem>>
        %gather3A_1276 = tpu.vector_load_idx %gather3A_1275[%add3A_483, %add3A_1271] : memref<128x64xf32, #tpu.memory_space<vmem>>[vector<16xi32>, vector<16xi32>], vector<16xf32>,
        %add3A_1277 = arith.constant 2 : i32
        %add3A_1278 = vector.broadcast %add3A_1277 : i32 to vector<16xi32>
        %add3A_1279 = arith.addi %shift_right_arithmetic3A_135, %add3A_1278 : vector<16xi32>
        %scatter3A_1280 = arith.constant 0 : i32
        %scatter3A_1281 = arith.constant 0 : i32
        %scatter3A_1282 = tpu.memref_slice %arg7[%scan3A_380, %scatter3A_1280, %scatter3A_1281] : memref<2x8x1024xf32, #tpu.memory_space<vmem>> -> memref<1x8x1024xf32, #tpu.memory_space<vmem>>
        %scatter3A_1283 = tpu.memref_squeeze %scatter3A_1282 : memref<1x8x1024xf32, #tpu.memory_space<vmem>> -> memref<8x1024xf32, #tpu.memory_space<vmem>>
        tpu.vector_store_idx %scatter3A_1283[%add3A_1279, %add3A_1253], %gather3A_1276 : memref<8x1024xf32, #tpu.memory_space<vmem>>[vector<16xi32>, vector<16xi32>], vector<16xf32>,
        %add3A_1284 = arith.constant 32 : i32
        %add3A_1285 = vector.broadcast %add3A_1284 : i32 to vector<16xi32>
        %add3A_1286 = arith.addi %and3A_79, %add3A_1285 : vector<16xi32>
        %gather3A_1287 = arith.constant 0 : i32
        %gather3A_1288 = arith.constant 0 : i32
        %gather3A_1289 = tpu.memref_slice %arg6[%scan3A_379, %gather3A_1287, %gather3A_1288] : memref<2x128x64xf32, #tpu.memory_space<vmem>> -> memref<1x128x64xf32, #tpu.memory_space<vmem>>
        %gather3A_1290 = tpu.memref_squeeze %gather3A_1289 : memref<1x128x64xf32, #tpu.memory_space<vmem>> -> memref<128x64xf32, #tpu.memory_space<vmem>>
        %gather3A_1291 = tpu.vector_load_idx %gather3A_1290[%add3A_483, %add3A_1286] : memref<128x64xf32, #tpu.memory_space<vmem>>[vector<16xi32>, vector<16xi32>], vector<16xf32>,
        %add3A_1292 = arith.constant 4 : i32
        %add3A_1293 = vector.broadcast %add3A_1292 : i32 to vector<16xi32>
        %add3A_1294 = arith.addi %shift_right_arithmetic3A_135, %add3A_1293 : vector<16xi32>
        %scatter3A_1295 = arith.constant 0 : i32
        %scatter3A_1296 = arith.constant 0 : i32
        %scatter3A_1297 = tpu.memref_slice %arg7[%scan3A_380, %scatter3A_1295, %scatter3A_1296] : memref<2x8x1024xf32, #tpu.memory_space<vmem>> -> memref<1x8x1024xf32, #tpu.memory_space<vmem>>
        %scatter3A_1298 = tpu.memref_squeeze %scatter3A_1297 : memref<1x8x1024xf32, #tpu.memory_space<vmem>> -> memref<8x1024xf32, #tpu.memory_space<vmem>>
        tpu.vector_store_idx %scatter3A_1298[%add3A_1294, %add3A_1253], %gather3A_1291 : memref<8x1024xf32, #tpu.memory_space<vmem>>[vector<16xi32>, vector<16xi32>], vector<16xf32>,
        %add3A_1299 = arith.constant 48 : i32
        %add3A_1300 = vector.broadcast %add3A_1299 : i32 to vector<16xi32>
        %add3A_1301 = arith.addi %and3A_79, %add3A_1300 : vector<16xi32>
        %gather3A_1302 = arith.constant 0 : i32
        %gather3A_1303 = arith.constant 0 : i32
        %gather3A_1304 = tpu.memref_slice %arg6[%scan3A_379, %gather3A_1302, %gather3A_1303] : memref<2x128x64xf32, #tpu.memory_space<vmem>> -> memref<1x128x64xf32, #tpu.memory_space<vmem>>
        %gather3A_1305 = tpu.memref_squeeze %gather3A_1304 : memref<1x128x64xf32, #tpu.memory_space<vmem>> -> memref<128x64xf32, #tpu.memory_space<vmem>>
        %gather3A_1306 = tpu.vector_load_idx %gather3A_1305[%add3A_483, %add3A_1301] : memref<128x64xf32, #tpu.memory_space<vmem>>[vector<16xi32>, vector<16xi32>], vector<16xf32>,
        %add3A_1307 = arith.constant 6 : i32
        %add3A_1308 = vector.broadcast %add3A_1307 : i32 to vector<16xi32>
        %add3A_1309 = arith.addi %shift_right_arithmetic3A_135, %add3A_1308 : vector<16xi32>
        %scatter3A_1310 = arith.constant 0 : i32
        %scatter3A_1311 = arith.constant 0 : i32
        %scatter3A_1312 = tpu.memref_slice %arg7[%scan3A_380, %scatter3A_1310, %scatter3A_1311] : memref<2x8x1024xf32, #tpu.memory_space<vmem>> -> memref<1x8x1024xf32, #tpu.memory_space<vmem>>
        %scatter3A_1313 = tpu.memref_squeeze %scatter3A_1312 : memref<1x8x1024xf32, #tpu.memory_space<vmem>> -> memref<8x1024xf32, #tpu.memory_space<vmem>>
        tpu.vector_store_idx %scatter3A_1313[%add3A_1309, %add3A_1253], %gather3A_1306 : memref<8x1024xf32, #tpu.memory_space<vmem>>[vector<16xi32>, vector<16xi32>], vector<16xf32>,
        %mul3A_1314 = arith.constant 16 : i32
        %mul3A_1315 = arith.muli %mul3A_1314, %scan3A_479 : i32
        %add3A_1316 = vector.broadcast %mul3A_1315 : i32 to vector<16xi32>
        %add3A_1317 = arith.addi %add3A_284, %add3A_1316 : vector<16xi32>
        %add3A_1318 = arith.constant 0 : i32
        %add3A_1319 = vector.broadcast %add3A_1318 : i32 to vector<16xi32>
        %add3A_1320 = arith.addi %and3A_85, %add3A_1319 : vector<16xi32>
        %gather3A_1321 = arith.constant 0 : i32
        %gather3A_1322 = arith.constant 0 : i32
        %gather3A_1323 = tpu.memref_slice %arg6[%scan3A_379, %gather3A_1321, %gather3A_1322] : memref<2x128x64xf32, #tpu.memory_space<vmem>> -> memref<1x128x64xf32, #tpu.memory_space<vmem>>
        %gather3A_1324 = tpu.memref_squeeze %gather3A_1323 : memref<1x128x64xf32, #tpu.memory_space<vmem>> -> memref<128x64xf32, #tpu.memory_space<vmem>>
        %gather3A_1325 = tpu.vector_load_idx %gather3A_1324[%add3A_483, %add3A_1320] : memref<128x64xf32, #tpu.memory_space<vmem>>[vector<16xi32>, vector<16xi32>], vector<16xf32>,
        %add3A_1326 = arith.constant 0 : i32
        %add3A_1327 = vector.broadcast %add3A_1326 : i32 to vector<16xi32>
        %add3A_1328 = arith.addi %shift_right_arithmetic3A_138, %add3A_1327 : vector<16xi32>
        %scatter3A_1329 = arith.constant 0 : i32
        %scatter3A_1330 = arith.constant 0 : i32
        %scatter3A_1331 = tpu.memref_slice %arg7[%scan3A_380, %scatter3A_1329, %scatter3A_1330] : memref<2x8x1024xf32, #tpu.memory_space<vmem>> -> memref<1x8x1024xf32, #tpu.memory_space<vmem>>
        %scatter3A_1332 = tpu.memref_squeeze %scatter3A_1331 : memref<1x8x1024xf32, #tpu.memory_space<vmem>> -> memref<8x1024xf32, #tpu.memory_space<vmem>>
        tpu.vector_store_idx %scatter3A_1332[%add3A_1328, %add3A_1317], %gather3A_1325 : memref<8x1024xf32, #tpu.memory_space<vmem>>[vector<16xi32>, vector<16xi32>], vector<16xf32>,
        %add3A_1333 = arith.constant 16 : i32
        %add3A_1334 = vector.broadcast %add3A_1333 : i32 to vector<16xi32>
        %add3A_1335 = arith.addi %and3A_85, %add3A_1334 : vector<16xi32>
        %gather3A_1336 = arith.constant 0 : i32
        %gather3A_1337 = arith.constant 0 : i32
        %gather3A_1338 = tpu.memref_slice %arg6[%scan3A_379, %gather3A_1336, %gather3A_1337] : memref<2x128x64xf32, #tpu.memory_space<vmem>> -> memref<1x128x64xf32, #tpu.memory_space<vmem>>
        %gather3A_1339 = tpu.memref_squeeze %gather3A_1338 : memref<1x128x64xf32, #tpu.memory_space<vmem>> -> memref<128x64xf32, #tpu.memory_space<vmem>>
        %gather3A_1340 = tpu.vector_load_idx %gather3A_1339[%add3A_483, %add3A_1335] : memref<128x64xf32, #tpu.memory_space<vmem>>[vector<16xi32>, vector<16xi32>], vector<16xf32>,
        %add3A_1341 = arith.constant 2 : i32
        %add3A_1342 = vector.broadcast %add3A_1341 : i32 to vector<16xi32>
        %add3A_1343 = arith.addi %shift_right_arithmetic3A_138, %add3A_1342 : vector<16xi32>
        %scatter3A_1344 = arith.constant 0 : i32
        %scatter3A_1345 = arith.constant 0 : i32
        %scatter3A_1346 = tpu.memref_slice %arg7[%scan3A_380, %scatter3A_1344, %scatter3A_1345] : memref<2x8x1024xf32, #tpu.memory_space<vmem>> -> memref<1x8x1024xf32, #tpu.memory_space<vmem>>
        %scatter3A_1347 = tpu.memref_squeeze %scatter3A_1346 : memref<1x8x1024xf32, #tpu.memory_space<vmem>> -> memref<8x1024xf32, #tpu.memory_space<vmem>>
        tpu.vector_store_idx %scatter3A_1347[%add3A_1343, %add3A_1317], %gather3A_1340 : memref<8x1024xf32, #tpu.memory_space<vmem>>[vector<16xi32>, vector<16xi32>], vector<16xf32>,
        %add3A_1348 = arith.constant 32 : i32
        %add3A_1349 = vector.broadcast %add3A_1348 : i32 to vector<16xi32>
        %add3A_1350 = arith.addi %and3A_85, %add3A_1349 : vector<16xi32>
        %gather3A_1351 = arith.constant 0 : i32
        %gather3A_1352 = arith.constant 0 : i32
        %gather3A_1353 = tpu.memref_slice %arg6[%scan3A_379, %gather3A_1351, %gather3A_1352] : memref<2x128x64xf32, #tpu.memory_space<vmem>> -> memref<1x128x64xf32, #tpu.memory_space<vmem>>
        %gather3A_1354 = tpu.memref_squeeze %gather3A_1353 : memref<1x128x64xf32, #tpu.memory_space<vmem>> -> memref<128x64xf32, #tpu.memory_space<vmem>>
        %gather3A_1355 = tpu.vector_load_idx %gather3A_1354[%add3A_483, %add3A_1350] : memref<128x64xf32, #tpu.memory_space<vmem>>[vector<16xi32>, vector<16xi32>], vector<16xf32>,
        %add3A_1356 = arith.constant 4 : i32
        %add3A_1357 = vector.broadcast %add3A_1356 : i32 to vector<16xi32>
        %add3A_1358 = arith.addi %shift_right_arithmetic3A_138, %add3A_1357 : vector<16xi32>
        %scatter3A_1359 = arith.constant 0 : i32
        %scatter3A_1360 = arith.constant 0 : i32
        %scatter3A_1361 = tpu.memref_slice %arg7[%scan3A_380, %scatter3A_1359, %scatter3A_1360] : memref<2x8x1024xf32, #tpu.memory_space<vmem>> -> memref<1x8x1024xf32, #tpu.memory_space<vmem>>
        %scatter3A_1362 = tpu.memref_squeeze %scatter3A_1361 : memref<1x8x1024xf32, #tpu.memory_space<vmem>> -> memref<8x1024xf32, #tpu.memory_space<vmem>>
        tpu.vector_store_idx %scatter3A_1362[%add3A_1358, %add3A_1317], %gather3A_1355 : memref<8x1024xf32, #tpu.memory_space<vmem>>[vector<16xi32>, vector<16xi32>], vector<16xf32>,
        %add3A_1363 = arith.constant 48 : i32
        %add3A_1364 = vector.broadcast %add3A_1363 : i32 to vector<16xi32>
        %add3A_1365 = arith.addi %and3A_85, %add3A_1364 : vector<16xi32>
        %gather3A_1366 = arith.constant 0 : i32
        %gather3A_1367 = arith.constant 0 : i32
        %gather3A_1368 = tpu.memref_slice %arg6[%scan3A_379, %gather3A_1366, %gather3A_1367] : memref<2x128x64xf32, #tpu.memory_space<vmem>> -> memref<1x128x64xf32, #tpu.memory_space<vmem>>
        %gather3A_1369 = tpu.memref_squeeze %gather3A_1368 : memref<1x128x64xf32, #tpu.memory_space<vmem>> -> memref<128x64xf32, #tpu.memory_space<vmem>>
        %gather3A_1370 = tpu.vector_load_idx %gather3A_1369[%add3A_483, %add3A_1365] : memref<128x64xf32, #tpu.memory_space<vmem>>[vector<16xi32>, vector<16xi32>], vector<16xf32>,
        %add3A_1371 = arith.constant 6 : i32
        %add3A_1372 = vector.broadcast %add3A_1371 : i32 to vector<16xi32>
        %add3A_1373 = arith.addi %shift_right_arithmetic3A_138, %add3A_1372 : vector<16xi32>
        %scatter3A_1374 = arith.constant 0 : i32
        %scatter3A_1375 = arith.constant 0 : i32
        %scatter3A_1376 = tpu.memref_slice %arg7[%scan3A_380, %scatter3A_1374, %scatter3A_1375] : memref<2x8x1024xf32, #tpu.memory_space<vmem>> -> memref<1x8x1024xf32, #tpu.memory_space<vmem>>
        %scatter3A_1377 = tpu.memref_squeeze %scatter3A_1376 : memref<1x8x1024xf32, #tpu.memory_space<vmem>> -> memref<8x1024xf32, #tpu.memory_space<vmem>>
        tpu.vector_store_idx %scatter3A_1377[%add3A_1373, %add3A_1317], %gather3A_1370 : memref<8x1024xf32, #tpu.memory_space<vmem>>[vector<16xi32>, vector<16xi32>], vector<16xf32>,
        %mul3A_1378 = arith.constant 16 : i32
        %mul3A_1379 = arith.muli %mul3A_1378, %scan3A_479 : i32
        %add3A_1380 = vector.broadcast %mul3A_1379 : i32 to vector<16xi32>
        %add3A_1381 = arith.addi %add3A_294, %add3A_1380 : vector<16xi32>
        %add3A_1382 = arith.constant 0 : i32
        %add3A_1383 = vector.broadcast %add3A_1382 : i32 to vector<16xi32>
        %add3A_1384 = arith.addi %and3A_91, %add3A_1383 : vector<16xi32>
        %gather3A_1385 = arith.constant 0 : i32
        %gather3A_1386 = arith.constant 0 : i32
        %gather3A_1387 = tpu.memref_slice %arg6[%scan3A_379, %gather3A_1385, %gather3A_1386] : memref<2x128x64xf32, #tpu.memory_space<vmem>> -> memref<1x128x64xf32, #tpu.memory_space<vmem>>
        %gather3A_1388 = tpu.memref_squeeze %gather3A_1387 : memref<1x128x64xf32, #tpu.memory_space<vmem>> -> memref<128x64xf32, #tpu.memory_space<vmem>>
        %gather3A_1389 = tpu.vector_load_idx %gather3A_1388[%add3A_483, %add3A_1384] : memref<128x64xf32, #tpu.memory_space<vmem>>[vector<16xi32>, vector<16xi32>], vector<16xf32>,
        %add3A_1390 = arith.constant 0 : i32
        %add3A_1391 = vector.broadcast %add3A_1390 : i32 to vector<16xi32>
        %add3A_1392 = arith.addi %shift_right_arithmetic3A_141, %add3A_1391 : vector<16xi32>
        %scatter3A_1393 = arith.constant 0 : i32
        %scatter3A_1394 = arith.constant 0 : i32
        %scatter3A_1395 = tpu.memref_slice %arg7[%scan3A_380, %scatter3A_1393, %scatter3A_1394] : memref<2x8x1024xf32, #tpu.memory_space<vmem>> -> memref<1x8x1024xf32, #tpu.memory_space<vmem>>
        %scatter3A_1396 = tpu.memref_squeeze %scatter3A_1395 : memref<1x8x1024xf32, #tpu.memory_space<vmem>> -> memref<8x1024xf32, #tpu.memory_space<vmem>>
        tpu.vector_store_idx %scatter3A_1396[%add3A_1392, %add3A_1381], %gather3A_1389 : memref<8x1024xf32, #tpu.memory_space<vmem>>[vector<16xi32>, vector<16xi32>], vector<16xf32>,
        %add3A_1397 = arith.constant 16 : i32
        %add3A_1398 = vector.broadcast %add3A_1397 : i32 to vector<16xi32>
        %add3A_1399 = arith.addi %and3A_91, %add3A_1398 : vector<16xi32>
        %gather3A_1400 = arith.constant 0 : i32
        %gather3A_1401 = arith.constant 0 : i32
        %gather3A_1402 = tpu.memref_slice %arg6[%scan3A_379, %gather3A_1400, %gather3A_1401] : memref<2x128x64xf32, #tpu.memory_space<vmem>> -> memref<1x128x64xf32, #tpu.memory_space<vmem>>
        %gather3A_1403 = tpu.memref_squeeze %gather3A_1402 : memref<1x128x64xf32, #tpu.memory_space<vmem>> -> memref<128x64xf32, #tpu.memory_space<vmem>>
        %gather3A_1404 = tpu.vector_load_idx %gather3A_1403[%add3A_483, %add3A_1399] : memref<128x64xf32, #tpu.memory_space<vmem>>[vector<16xi32>, vector<16xi32>], vector<16xf32>,
        %add3A_1405 = arith.constant 2 : i32
        %add3A_1406 = vector.broadcast %add3A_1405 : i32 to vector<16xi32>
        %add3A_1407 = arith.addi %shift_right_arithmetic3A_141, %add3A_1406 : vector<16xi32>
        %scatter3A_1408 = arith.constant 0 : i32
        %scatter3A_1409 = arith.constant 0 : i32
        %scatter3A_1410 = tpu.memref_slice %arg7[%scan3A_380, %scatter3A_1408, %scatter3A_1409] : memref<2x8x1024xf32, #tpu.memory_space<vmem>> -> memref<1x8x1024xf32, #tpu.memory_space<vmem>>
        %scatter3A_1411 = tpu.memref_squeeze %scatter3A_1410 : memref<1x8x1024xf32, #tpu.memory_space<vmem>> -> memref<8x1024xf32, #tpu.memory_space<vmem>>
        tpu.vector_store_idx %scatter3A_1411[%add3A_1407, %add3A_1381], %gather3A_1404 : memref<8x1024xf32, #tpu.memory_space<vmem>>[vector<16xi32>, vector<16xi32>], vector<16xf32>,
        %add3A_1412 = arith.constant 32 : i32
        %add3A_1413 = vector.broadcast %add3A_1412 : i32 to vector<16xi32>
        %add3A_1414 = arith.addi %and3A_91, %add3A_1413 : vector<16xi32>
        %gather3A_1415 = arith.constant 0 : i32
        %gather3A_1416 = arith.constant 0 : i32
        %gather3A_1417 = tpu.memref_slice %arg6[%scan3A_379, %gather3A_1415, %gather3A_1416] : memref<2x128x64xf32, #tpu.memory_space<vmem>> -> memref<1x128x64xf32, #tpu.memory_space<vmem>>
        %gather3A_1418 = tpu.memref_squeeze %gather3A_1417 : memref<1x128x64xf32, #tpu.memory_space<vmem>> -> memref<128x64xf32, #tpu.memory_space<vmem>>
        %gather3A_1419 = tpu.vector_load_idx %gather3A_1418[%add3A_483, %add3A_1414] : memref<128x64xf32, #tpu.memory_space<vmem>>[vector<16xi32>, vector<16xi32>], vector<16xf32>,
        %add3A_1420 = arith.constant 4 : i32
        %add3A_1421 = vector.broadcast %add3A_1420 : i32 to vector<16xi32>
        %add3A_1422 = arith.addi %shift_right_arithmetic3A_141, %add3A_1421 : vector<16xi32>
        %scatter3A_1423 = arith.constant 0 : i32
        %scatter3A_1424 = arith.constant 0 : i32
        %scatter3A_1425 = tpu.memref_slice %arg7[%scan3A_380, %scatter3A_1423, %scatter3A_1424] : memref<2x8x1024xf32, #tpu.memory_space<vmem>> -> memref<1x8x1024xf32, #tpu.memory_space<vmem>>
        %scatter3A_1426 = tpu.memref_squeeze %scatter3A_1425 : memref<1x8x1024xf32, #tpu.memory_space<vmem>> -> memref<8x1024xf32, #tpu.memory_space<vmem>>
        tpu.vector_store_idx %scatter3A_1426[%add3A_1422, %add3A_1381], %gather3A_1419 : memref<8x1024xf32, #tpu.memory_space<vmem>>[vector<16xi32>, vector<16xi32>], vector<16xf32>,
        %add3A_1427 = arith.constant 48 : i32
        %add3A_1428 = vector.broadcast %add3A_1427 : i32 to vector<16xi32>
        %add3A_1429 = arith.addi %and3A_91, %add3A_1428 : vector<16xi32>
        %gather3A_1430 = arith.constant 0 : i32
        %gather3A_1431 = arith.constant 0 : i32
        %gather3A_1432 = tpu.memref_slice %arg6[%scan3A_379, %gather3A_1430, %gather3A_1431] : memref<2x128x64xf32, #tpu.memory_space<vmem>> -> memref<1x128x64xf32, #tpu.memory_space<vmem>>
        %gather3A_1433 = tpu.memref_squeeze %gather3A_1432 : memref<1x128x64xf32, #tpu.memory_space<vmem>> -> memref<128x64xf32, #tpu.memory_space<vmem>>
        %gather3A_1434 = tpu.vector_load_idx %gather3A_1433[%add3A_483, %add3A_1429] : memref<128x64xf32, #tpu.memory_space<vmem>>[vector<16xi32>, vector<16xi32>], vector<16xf32>,
        %add3A_1435 = arith.constant 6 : i32
        %add3A_1436 = vector.broadcast %add3A_1435 : i32 to vector<16xi32>
        %add3A_1437 = arith.addi %shift_right_arithmetic3A_141, %add3A_1436 : vector<16xi32>
        %scatter3A_1438 = arith.constant 0 : i32
        %scatter3A_1439 = arith.constant 0 : i32
        %scatter3A_1440 = tpu.memref_slice %arg7[%scan3A_380, %scatter3A_1438, %scatter3A_1439] : memref<2x8x1024xf32, #tpu.memory_space<vmem>> -> memref<1x8x1024xf32, #tpu.memory_space<vmem>>
        %scatter3A_1441 = tpu.memref_squeeze %scatter3A_1440 : memref<1x8x1024xf32, #tpu.memory_space<vmem>> -> memref<8x1024xf32, #tpu.memory_space<vmem>>
        tpu.vector_store_idx %scatter3A_1441[%add3A_1437, %add3A_1381], %gather3A_1434 : memref<8x1024xf32, #tpu.memory_space<vmem>>[vector<16xi32>, vector<16xi32>], vector<16xf32>,
        %mul3A_1442 = arith.constant 16 : i32
        %mul3A_1443 = arith.muli %mul3A_1442, %scan3A_479 : i32
        %add3A_1444 = vector.broadcast %mul3A_1443 : i32 to vector<16xi32>
        %add3A_1445 = arith.addi %add3A_304, %add3A_1444 : vector<16xi32>
        %add3A_1446 = arith.constant 0 : i32
        %add3A_1447 = vector.broadcast %add3A_1446 : i32 to vector<16xi32>
        %add3A_1448 = arith.addi %and3A_97, %add3A_1447 : vector<16xi32>
        %gather3A_1449 = arith.constant 0 : i32
        %gather3A_1450 = arith.constant 0 : i32
        %gather3A_1451 = tpu.memref_slice %arg6[%scan3A_379, %gather3A_1449, %gather3A_1450] : memref<2x128x64xf32, #tpu.memory_space<vmem>> -> memref<1x128x64xf32, #tpu.memory_space<vmem>>
        %gather3A_1452 = tpu.memref_squeeze %gather3A_1451 : memref<1x128x64xf32, #tpu.memory_space<vmem>> -> memref<128x64xf32, #tpu.memory_space<vmem>>
        %gather3A_1453 = tpu.vector_load_idx %gather3A_1452[%add3A_483, %add3A_1448] : memref<128x64xf32, #tpu.memory_space<vmem>>[vector<16xi32>, vector<16xi32>], vector<16xf32>,
        %add3A_1454 = arith.constant 0 : i32
        %add3A_1455 = vector.broadcast %add3A_1454 : i32 to vector<16xi32>
        %add3A_1456 = arith.addi %shift_right_arithmetic3A_144, %add3A_1455 : vector<16xi32>
        %scatter3A_1457 = arith.constant 0 : i32
        %scatter3A_1458 = arith.constant 0 : i32
        %scatter3A_1459 = tpu.memref_slice %arg7[%scan3A_380, %scatter3A_1457, %scatter3A_1458] : memref<2x8x1024xf32, #tpu.memory_space<vmem>> -> memref<1x8x1024xf32, #tpu.memory_space<vmem>>
        %scatter3A_1460 = tpu.memref_squeeze %scatter3A_1459 : memref<1x8x1024xf32, #tpu.memory_space<vmem>> -> memref<8x1024xf32, #tpu.memory_space<vmem>>
        tpu.vector_store_idx %scatter3A_1460[%add3A_1456, %add3A_1445], %gather3A_1453 : memref<8x1024xf32, #tpu.memory_space<vmem>>[vector<16xi32>, vector<16xi32>], vector<16xf32>,
        %add3A_1461 = arith.constant 16 : i32
        %add3A_1462 = vector.broadcast %add3A_1461 : i32 to vector<16xi32>
        %add3A_1463 = arith.addi %and3A_97, %add3A_1462 : vector<16xi32>
        %gather3A_1464 = arith.constant 0 : i32
        %gather3A_1465 = arith.constant 0 : i32
        %gather3A_1466 = tpu.memref_slice %arg6[%scan3A_379, %gather3A_1464, %gather3A_1465] : memref<2x128x64xf32, #tpu.memory_space<vmem>> -> memref<1x128x64xf32, #tpu.memory_space<vmem>>
        %gather3A_1467 = tpu.memref_squeeze %gather3A_1466 : memref<1x128x64xf32, #tpu.memory_space<vmem>> -> memref<128x64xf32, #tpu.memory_space<vmem>>
        %gather3A_1468 = tpu.vector_load_idx %gather3A_1467[%add3A_483, %add3A_1463] : memref<128x64xf32, #tpu.memory_space<vmem>>[vector<16xi32>, vector<16xi32>], vector<16xf32>,
        %add3A_1469 = arith.constant 2 : i32
        %add3A_1470 = vector.broadcast %add3A_1469 : i32 to vector<16xi32>
        %add3A_1471 = arith.addi %shift_right_arithmetic3A_144, %add3A_1470 : vector<16xi32>
        %scatter3A_1472 = arith.constant 0 : i32
        %scatter3A_1473 = arith.constant 0 : i32
        %scatter3A_1474 = tpu.memref_slice %arg7[%scan3A_380, %scatter3A_1472, %scatter3A_1473] : memref<2x8x1024xf32, #tpu.memory_space<vmem>> -> memref<1x8x1024xf32, #tpu.memory_space<vmem>>
        %scatter3A_1475 = tpu.memref_squeeze %scatter3A_1474 : memref<1x8x1024xf32, #tpu.memory_space<vmem>> -> memref<8x1024xf32, #tpu.memory_space<vmem>>
        tpu.vector_store_idx %scatter3A_1475[%add3A_1471, %add3A_1445], %gather3A_1468 : memref<8x1024xf32, #tpu.memory_space<vmem>>[vector<16xi32>, vector<16xi32>], vector<16xf32>,
        %add3A_1476 = arith.constant 32 : i32
        %add3A_1477 = vector.broadcast %add3A_1476 : i32 to vector<16xi32>
        %add3A_1478 = arith.addi %and3A_97, %add3A_1477 : vector<16xi32>
        %gather3A_1479 = arith.constant 0 : i32
        %gather3A_1480 = arith.constant 0 : i32
        %gather3A_1481 = tpu.memref_slice %arg6[%scan3A_379, %gather3A_1479, %gather3A_1480] : memref<2x128x64xf32, #tpu.memory_space<vmem>> -> memref<1x128x64xf32, #tpu.memory_space<vmem>>
        %gather3A_1482 = tpu.memref_squeeze %gather3A_1481 : memref<1x128x64xf32, #tpu.memory_space<vmem>> -> memref<128x64xf32, #tpu.memory_space<vmem>>
        %gather3A_1483 = tpu.vector_load_idx %gather3A_1482[%add3A_483, %add3A_1478] : memref<128x64xf32, #tpu.memory_space<vmem>>[vector<16xi32>, vector<16xi32>], vector<16xf32>,
        %add3A_1484 = arith.constant 4 : i32
        %add3A_1485 = vector.broadcast %add3A_1484 : i32 to vector<16xi32>
        %add3A_1486 = arith.addi %shift_right_arithmetic3A_144, %add3A_1485 : vector<16xi32>
        %scatter3A_1487 = arith.constant 0 : i32
        %scatter3A_1488 = arith.constant 0 : i32
        %scatter3A_1489 = tpu.memref_slice %arg7[%scan3A_380, %scatter3A_1487, %scatter3A_1488] : memref<2x8x1024xf32, #tpu.memory_space<vmem>> -> memref<1x8x1024xf32, #tpu.memory_space<vmem>>
        %scatter3A_1490 = tpu.memref_squeeze %scatter3A_1489 : memref<1x8x1024xf32, #tpu.memory_space<vmem>> -> memref<8x1024xf32, #tpu.memory_space<vmem>>
        tpu.vector_store_idx %scatter3A_1490[%add3A_1486, %add3A_1445], %gather3A_1483 : memref<8x1024xf32, #tpu.memory_space<vmem>>[vector<16xi32>, vector<16xi32>], vector<16xf32>,
        %add3A_1491 = arith.constant 48 : i32
        %add3A_1492 = vector.broadcast %add3A_1491 : i32 to vector<16xi32>
        %add3A_1493 = arith.addi %and3A_97, %add3A_1492 : vector<16xi32>
        %gather3A_1494 = arith.constant 0 : i32
        %gather3A_1495 = arith.constant 0 : i32
        %gather3A_1496 = tpu.memref_slice %arg6[%scan3A_379, %gather3A_1494, %gather3A_1495] : memref<2x128x64xf32, #tpu.memory_space<vmem>> -> memref<1x128x64xf32, #tpu.memory_space<vmem>>
        %gather3A_1497 = tpu.memref_squeeze %gather3A_1496 : memref<1x128x64xf32, #tpu.memory_space<vmem>> -> memref<128x64xf32, #tpu.memory_space<vmem>>
        %gather3A_1498 = tpu.vector_load_idx %gather3A_1497[%add3A_483, %add3A_1493] : memref<128x64xf32, #tpu.memory_space<vmem>>[vector<16xi32>, vector<16xi32>], vector<16xf32>,
        %add3A_1499 = arith.constant 6 : i32
        %add3A_1500 = vector.broadcast %add3A_1499 : i32 to vector<16xi32>
        %add3A_1501 = arith.addi %shift_right_arithmetic3A_144, %add3A_1500 : vector<16xi32>
        %scatter3A_1502 = arith.constant 0 : i32
        %scatter3A_1503 = arith.constant 0 : i32
        %scatter3A_1504 = tpu.memref_slice %arg7[%scan3A_380, %scatter3A_1502, %scatter3A_1503] : memref<2x8x1024xf32, #tpu.memory_space<vmem>> -> memref<1x8x1024xf32, #tpu.memory_space<vmem>>
        %scatter3A_1505 = tpu.memref_squeeze %scatter3A_1504 : memref<1x8x1024xf32, #tpu.memory_space<vmem>> -> memref<8x1024xf32, #tpu.memory_space<vmem>>
        tpu.vector_store_idx %scatter3A_1505[%add3A_1501, %add3A_1445], %gather3A_1498 : memref<8x1024xf32, #tpu.memory_space<vmem>>[vector<16xi32>, vector<16xi32>], vector<16xf32>,
      }
      %scan3A_385 = arith.constant 8 : i32
      %add3A_386 = arith.addi %mul3A_2, %mul3A_358 : i32
      %shift_right_arithmetic3A_387 = arith.constant 8 : i32
      %shift_right_arithmetic3A_388 = arith.shrsi %add3A_386, %shift_right_arithmetic3A_387 : i32
      %shift_right_arithmetic3A_389 = arith.constant 3 : i32
      %shift_right_arithmetic3A_390 = arith.shrsi %add3A_386, %shift_right_arithmetic3A_389 : i32
      %and3A_391 = arith.constant 31 : i32
      %and3A_392 = arith.andi %shift_right_arithmetic3A_390, %and3A_391 : i32
      %and3A_393 = arith.constant 7 : i32
      %and3A_394 = arith.andi %add3A_386, %and3A_393 : i32
      %mul3A_395 = arith.constant 64 : i32
      %mul3A_396 = arith.muli %mul3A_395, %shift_right_arithmetic3A_388 : i32
      %mul3A_397 = arith.constant 8 : i32
      %mul3A_398 = arith.muli %mul3A_397, %and3A_394 : i32
      %add3A_399 = arith.addi %mul3A_396, %mul3A_398 : i32
      %dma_start3A_400 = arith.constant 0 : i32
      %dma_start3A_401 = arith.constant 0 : i32
      %dma_start3A_402 = arith.constant 0 : i32
      %dma_start3A_403 = tpu.memref_slice %arg7[%dma_start3A_400, %dma_start3A_401, %dma_start3A_402] : memref<2x8x1024xf32, #tpu.memory_space<vmem>> -> memref<1x8x1024xf32, #tpu.memory_space<vmem>>
      %dma_start3A_404 = tpu.memref_squeeze %dma_start3A_403 : memref<1x8x1024xf32, #tpu.memory_space<vmem>> -> memref<8x1024xf32, #tpu.memory_space<vmem>>
      %dma_start3A_405 = arith.constant 0 : i32
      %dma_start3A_406 = tpu.memref_slice %arg4[%add3A_399, %and3A_392, %dma_start3A_405] : memref<1600x32x1024xf32, #tpu.memory_space<hbm>> -> memref<8x1x1024xf32, #tpu.memory_space<hbm>>
      %dma_start3A_407 = tpu.memref_squeeze %dma_start3A_406 : memref<8x1x1024xf32, #tpu.memory_space<hbm>> -> memref<8x1024xf32, #tpu.memory_space<hbm>>
      %dma_start3A_408 = arith.constant 0 : i32
      %dma_start3A_409 = tpu.memref_slice %arg4[%add3A_399, %and3A_392, %dma_start3A_408] : memref<1600x32x1024xf32, #tpu.memory_space<hbm>> -> memref<8x1x1024xf32, #tpu.memory_space<hbm>>
      %dma_start3A_410 = tpu.memref_squeeze %dma_start3A_409 : memref<8x1x1024xf32, #tpu.memory_space<hbm>> -> memref<8x1024xf32, #tpu.memory_space<hbm>>
      %dma_start3A_411 = arith.constant 0 : i32
      %dma_start3A_412 = arith.constant 0 : i32
      %dma_start3A_413 = tpu.memref_slice %arg7[%dma_start3A_400, %dma_start3A_411, %dma_start3A_412] : memref<2x8x1024xf32, #tpu.memory_space<vmem>> -> memref<1x8x1024xf32, #tpu.memory_space<vmem>>
      %dma_start3A_414 = tpu.memref_squeeze %dma_start3A_413 : memref<1x8x1024xf32, #tpu.memory_space<vmem>> -> memref<8x1024xf32, #tpu.memory_space<vmem>>
      tpu.enqueue_dma source(%dma_start3A_414 : memref<8x1024xf32, #tpu.memory_space<vmem>>) target(%dma_start3A_410 : memref<8x1024xf32, #tpu.memory_space<hbm>>) target_semaphore(%arg10 : memref<!tpu.dma_semaphore, #tpu.memory_space<semaphore_mem>>)
      %mul3A_415 = arith.constant 2 : i32
      %mul3A_416 = arith.muli %mul3A_415, %scan3A_356 : i32
      %add3A_417 = arith.constant 1 : i32
      %add3A_418 = arith.addi %mul3A_416, %add3A_417 : i32
      %add3A_419 = arith.constant 1 : i32
      %add3A_420 = arith.addi %add3A_418, %add3A_419 : i32
      %lt3A_421 = arith.constant 200 : i32
      %lt3A_422 = arith.cmpi slt, %add3A_420, %lt3A_421 : i32
      %convert_element_type3A_423 = arith.extui %lt3A_422 : i1 to i32
      %cond3A_424 = arith.constant 0 : i32
      %cond3A_425 = arith.cmpi ne, %convert_element_type3A_423, %cond3A_424 : i32
      scf.if %cond3A_425 {
        %add3A_479 = arith.constant 1 : i32
        %add3A_480 = arith.addi %add3A_418, %add3A_479 : i32
        %dma_start3A_481 = arith.constant 0 : i32
        %dma_start3A_482 = arith.constant 0 : i32
        %dma_start3A_483 = arith.constant 0 : i32
        %dma_start3A_484 = tpu.memref_slice %arg6[%dma_start3A_481, %dma_start3A_482, %dma_start3A_483] : memref<2x128x64xf32, #tpu.memory_space<vmem>> -> memref<1x128x64xf32, #tpu.memory_space<vmem>>
        %dma_start3A_485 = tpu.memref_squeeze %dma_start3A_484 : memref<1x128x64xf32, #tpu.memory_space<vmem>> -> memref<128x64xf32, #tpu.memory_space<vmem>>
        %dma_start3A_486 = arith.constant 0 : i32
        %dma_start3A_487 = tpu.memref_slice %arg5[%add3A_480, %dma_start3A_486] : memref<200x128xi32, #tpu.memory_space<vmem>> -> memref<1x128xi32, #tpu.memory_space<vmem>>
        %dma_start3A_488 = tpu.memref_squeeze %dma_start3A_487 : memref<1x128xi32, #tpu.memory_space<vmem>> -> memref<128xi32, #tpu.memory_space<vmem>>
        %dma_start3A_489 = arith.constant 0 : i32
        %dma_start3A_490 = arith.constant 0 : i32
        %dma_start3A_491 = tpu.memref_slice %arg3[%dma_start3A_489, %dma_start3A_490] : memref<1000000x64xf32, #tpu.memory_space<hbm>> -> memref<1000000x64xf32, #tpu.memory_space<hbm>>
        tpu.enqueue_indirect_dma source(%dma_start3A_491 : memref<1000000x64xf32, #tpu.memory_space<hbm>>) target(%dma_start3A_485 : memref<128x64xf32, #tpu.memory_space<vmem>>) offsets(%dma_start3A_488 : memref<128xi32, #tpu.memory_space<vmem>>) semaphore(%arg8 : memref<!tpu.dma_semaphore, #tpu.memory_space<semaphore_mem>>)
      } else {
      }
      %ge3A_426 = arith.constant 2 : i32
      %ge3A_427 = arith.cmpi sge, %add3A_418, %ge3A_426 : i32
      %convert_element_type3A_428 = arith.extui %ge3A_427 : i1 to i32
      %cond3A_429 = arith.constant 0 : i32
      %cond3A_430 = arith.cmpi ne, %convert_element_type3A_428, %cond3A_429 : i32
      scf.if %cond3A_430 {
        %dma_wait3A_479 = arith.constant 1 : i32
        %dma_wait3A_480 = arith.constant 0 : i32
        %dma_wait3A_481 = arith.constant 0 : i32
        %dma_wait3A_482 = arith.constant 0 : i32
        %dma_wait3A_483 = tpu.memref_slice %arg7[%dma_wait3A_479, %dma_wait3A_481, %dma_wait3A_482] : memref<2x8x1024xf32, #tpu.memory_space<vmem>> -> memref<1x8x1024xf32, #tpu.memory_space<vmem>>
        %dma_wait3A_484 = tpu.memref_squeeze %dma_wait3A_483 : memref<1x8x1024xf32, #tpu.memory_space<vmem>> -> memref<8x1024xf32, #tpu.memory_space<vmem>>
        %dma_wait3A_485 = arith.constant 0 : i32
        %dma_wait3A_486 = arith.constant 0 : i32
        %dma_wait3A_487 = tpu.memref_slice %arg4[%dma_wait3A_485, %dma_wait3A_480, %dma_wait3A_486] : memref<1600x32x1024xf32, #tpu.memory_space<hbm>> -> memref<8x1x1024xf32, #tpu.memory_space<hbm>>
        %dma_wait3A_488 = tpu.memref_squeeze %dma_wait3A_487 : memref<8x1x1024xf32, #tpu.memory_space<hbm>> -> memref<8x1024xf32, #tpu.memory_space<hbm>>
        %dma_wait3A_489 = arith.constant 0 : i32
        %dma_wait3A_490 = arith.constant 0 : i32
        %dma_wait3A_491 = tpu.memref_slice %arg4[%dma_wait3A_489, %dma_wait3A_480, %dma_wait3A_490] : memref<1600x32x1024xf32, #tpu.memory_space<hbm>> -> memref<8x1x1024xf32, #tpu.memory_space<hbm>>
        %dma_wait3A_492 = tpu.memref_squeeze %dma_wait3A_491 : memref<8x1x1024xf32, #tpu.memory_space<hbm>> -> memref<8x1024xf32, #tpu.memory_space<hbm>>
        %dma_wait3A_493 = arith.constant 0 : i32
        %dma_wait3A_494 = arith.constant 0 : i32
        %dma_wait3A_495 = tpu.memref_slice %arg7[%dma_wait3A_479, %dma_wait3A_493, %dma_wait3A_494] : memref<2x8x1024xf32, #tpu.memory_space<vmem>> -> memref<1x8x1024xf32, #tpu.memory_space<vmem>>
        %dma_wait3A_496 = tpu.memref_squeeze %dma_wait3A_495 : memref<1x8x1024xf32, #tpu.memory_space<vmem>> -> memref<8x1024xf32, #tpu.memory_space<vmem>>
        tpu.wait_dma2 semaphore(%arg11 : memref<!tpu.dma_semaphore, #tpu.memory_space<semaphore_mem>>) src(%dma_wait3A_496 : memref<8x1024xf32, #tpu.memory_space<vmem>>) dst(%dma_wait3A_492 : memref<8x1024xf32, #tpu.memory_space<hbm>>)
      } else {
      }
      %dma_wait3A_431 = arith.constant 1 : i32
      %dma_wait3A_432 = arith.constant 0 : i32
      %dma_wait3A_433 = arith.constant 0 : i32
      %dma_wait3A_434 = tpu.memref_slice %arg6[%dma_wait3A_431, %dma_wait3A_432, %dma_wait3A_433] : memref<2x128x64xf32, #tpu.memory_space<vmem>> -> memref<1x128x64xf32, #tpu.memory_space<vmem>>
      %dma_wait3A_435 = tpu.memref_squeeze %dma_wait3A_434 : memref<1x128x64xf32, #tpu.memory_space<vmem>> -> memref<128x64xf32, #tpu.memory_space<vmem>>
      %dma_wait3A_436 = arith.constant 0 : i32
      %dma_wait3A_437 = tpu.memref_slice %arg5[%add3A_418, %dma_wait3A_436] : memref<200x128xi32, #tpu.memory_space<vmem>> -> memref<1x128xi32, #tpu.memory_space<vmem>>
      %dma_wait3A_438 = tpu.memref_squeeze %dma_wait3A_437 : memref<1x128xi32, #tpu.memory_space<vmem>> -> memref<128xi32, #tpu.memory_space<vmem>>
      %dma_wait3A_439 = arith.constant 0 : i32
      %dma_wait3A_440 = arith.constant 0 : i32
      %dma_wait3A_441 = tpu.memref_slice %arg3[%dma_wait3A_439, %dma_wait3A_440] : memref<1000000x64xf32, #tpu.memory_space<hbm>> -> memref<1000000x64xf32, #tpu.memory_space<hbm>>
      tpu.wait_indirect_dma semaphore(%arg9 : memref<!tpu.dma_semaphore, #tpu.memory_space<semaphore_mem>>) src(%dma_wait3A_441 : memref<1000000x64xf32, #tpu.memory_space<hbm>>) dst(%dma_wait3A_435 : memref<128x64xf32, #tpu.memory_space<vmem>>)
      %scan3A_442 = arith.constant 0 : i32
      %scan3A_443 = arith.constant 1 : i32
      %scan3A_444 = arith.constant 1 : i32
      %scan3A_445 = arith.constant 0 : i32
      %scan3A_446 = arith.constant 8 : i32
      %scan3A_447 = arith.addi %scan3A_445, %scan3A_446 : i32
      %scan3A_448 = arith.constant 1 : i32
      scf.for %scan3A_479 = %scan3A_445 to %scan3A_447 step %scan3A_448  : i32 {
        %mul3A_480 = arith.constant 16 : i32
        %mul3A_481 = arith.muli %mul3A_480, %scan3A_479 : i32
        %add3A_482 = vector.broadcast %mul3A_481 : i32 to vector<16xi32>
        %add3A_483 = arith.addi %iota3A, %add3A_482 : vector<16xi32>
        %mul3A_484 = arith.constant 16 : i32
        %mul3A_485 = arith.muli %mul3A_484, %scan3A_479 : i32
        %add3A_486 = vector.broadcast %mul3A_485 : i32 to vector<16xi32>
        %add3A_487 = arith.addi %add3A_154, %add3A_486 : vector<16xi32>
        %add3A_488 = arith.constant 0 : i32
        %add3A_489 = vector.broadcast %add3A_488 : i32 to vector<16xi32>
        %add3A_490 = arith.addi %and3A_7, %add3A_489 : vector<16xi32>
        %gather3A = arith.constant 0 : i32
        %gather3A_491 = arith.constant 0 : i32
        %gather3A_492 = tpu.memref_slice %arg6[%scan3A_443, %gather3A, %gather3A_491] : memref<2x128x64xf32, #tpu.memory_space<vmem>> -> memref<1x128x64xf32, #tpu.memory_space<vmem>>
        %gather3A_493 = tpu.memref_squeeze %gather3A_492 : memref<1x128x64xf32, #tpu.memory_space<vmem>> -> memref<128x64xf32, #tpu.memory_space<vmem>>
        %gather3A_494 = tpu.vector_load_idx %gather3A_493[%add3A_483, %add3A_490] : memref<128x64xf32, #tpu.memory_space<vmem>>[vector<16xi32>, vector<16xi32>], vector<16xf32>,
        %add3A_495 = arith.constant 0 : i32
        %add3A_496 = vector.broadcast %add3A_495 : i32 to vector<16xi32>
        %add3A_497 = arith.addi %shift_right_arithmetic3A_99, %add3A_496 : vector<16xi32>
        %scatter3A = arith.constant 0 : i32
        %scatter3A_498 = arith.constant 0 : i32
        %scatter3A_499 = tpu.memref_slice %arg7[%scan3A_444, %scatter3A, %scatter3A_498] : memref<2x8x1024xf32, #tpu.memory_space<vmem>> -> memref<1x8x1024xf32, #tpu.memory_space<vmem>>
        %scatter3A_500 = tpu.memref_squeeze %scatter3A_499 : memref<1x8x1024xf32, #tpu.memory_space<vmem>> -> memref<8x1024xf32, #tpu.memory_space<vmem>>
        tpu.vector_store_idx %scatter3A_500[%add3A_497, %add3A_487], %gather3A_494 : memref<8x1024xf32, #tpu.memory_space<vmem>>[vector<16xi32>, vector<16xi32>], vector<16xf32>,
        %add3A_501 = arith.constant 16 : i32
        %add3A_502 = vector.broadcast %add3A_501 : i32 to vector<16xi32>
        %add3A_503 = arith.addi %and3A_7, %add3A_502 : vector<16xi32>
        %gather3A_504 = arith.constant 0 : i32
        %gather3A_505 = arith.constant 0 : i32
        %gather3A_506 = tpu.memref_slice %arg6[%scan3A_443, %gather3A_504, %gather3A_505] : memref<2x128x64xf32, #tpu.memory_space<vmem>> -> memref<1x128x64xf32, #tpu.memory_space<vmem>>
        %gather3A_507 = tpu.memref_squeeze %gather3A_506 : memref<1x128x64xf32, #tpu.memory_space<vmem>> -> memref<128x64xf32, #tpu.memory_space<vmem>>
        %gather3A_508 = tpu.vector_load_idx %gather3A_507[%add3A_483, %add3A_503] : memref<128x64xf32, #tpu.memory_space<vmem>>[vector<16xi32>, vector<16xi32>], vector<16xf32>,
        %add3A_509 = arith.constant 2 : i32
        %add3A_510 = vector.broadcast %add3A_509 : i32 to vector<16xi32>
        %add3A_511 = arith.addi %shift_right_arithmetic3A_99, %add3A_510 : vector<16xi32>
        %scatter3A_512 = arith.constant 0 : i32
        %scatter3A_513 = arith.constant 0 : i32
        %scatter3A_514 = tpu.memref_slice %arg7[%scan3A_444, %scatter3A_512, %scatter3A_513] : memref<2x8x1024xf32, #tpu.memory_space<vmem>> -> memref<1x8x1024xf32, #tpu.memory_space<vmem>>
        %scatter3A_515 = tpu.memref_squeeze %scatter3A_514 : memref<1x8x1024xf32, #tpu.memory_space<vmem>> -> memref<8x1024xf32, #tpu.memory_space<vmem>>
        tpu.vector_store_idx %scatter3A_515[%add3A_511, %add3A_487], %gather3A_508 : memref<8x1024xf32, #tpu.memory_space<vmem>>[vector<16xi32>, vector<16xi32>], vector<16xf32>,
        %add3A_516 = arith.constant 32 : i32
        %add3A_517 = vector.broadcast %add3A_516 : i32 to vector<16xi32>
        %add3A_518 = arith.addi %and3A_7, %add3A_517 : vector<16xi32>
        %gather3A_519 = arith.constant 0 : i32
        %gather3A_520 = arith.constant 0 : i32
        %gather3A_521 = tpu.memref_slice %arg6[%scan3A_443, %gather3A_519, %gather3A_520] : memref<2x128x64xf32, #tpu.memory_space<vmem>> -> memref<1x128x64xf32, #tpu.memory_space<vmem>>
        %gather3A_522 = tpu.memref_squeeze %gather3A_521 : memref<1x128x64xf32, #tpu.memory_space<vmem>> -> memref<128x64xf32, #tpu.memory_space<vmem>>
        %gather3A_523 = tpu.vector_load_idx %gather3A_522[%add3A_483, %add3A_518] : memref<128x64xf32, #tpu.memory_space<vmem>>[vector<16xi32>, vector<16xi32>], vector<16xf32>,
        %add3A_524 = arith.constant 4 : i32
        %add3A_525 = vector.broadcast %add3A_524 : i32 to vector<16xi32>
        %add3A_526 = arith.addi %shift_right_arithmetic3A_99, %add3A_525 : vector<16xi32>
        %scatter3A_527 = arith.constant 0 : i32
        %scatter3A_528 = arith.constant 0 : i32
        %scatter3A_529 = tpu.memref_slice %arg7[%scan3A_444, %scatter3A_527, %scatter3A_528] : memref<2x8x1024xf32, #tpu.memory_space<vmem>> -> memref<1x8x1024xf32, #tpu.memory_space<vmem>>
        %scatter3A_530 = tpu.memref_squeeze %scatter3A_529 : memref<1x8x1024xf32, #tpu.memory_space<vmem>> -> memref<8x1024xf32, #tpu.memory_space<vmem>>
        tpu.vector_store_idx %scatter3A_530[%add3A_526, %add3A_487], %gather3A_523 : memref<8x1024xf32, #tpu.memory_space<vmem>>[vector<16xi32>, vector<16xi32>], vector<16xf32>,
        %add3A_531 = arith.constant 48 : i32
        %add3A_532 = vector.broadcast %add3A_531 : i32 to vector<16xi32>
        %add3A_533 = arith.addi %and3A_7, %add3A_532 : vector<16xi32>
        %gather3A_534 = arith.constant 0 : i32
        %gather3A_535 = arith.constant 0 : i32
        %gather3A_536 = tpu.memref_slice %arg6[%scan3A_443, %gather3A_534, %gather3A_535] : memref<2x128x64xf32, #tpu.memory_space<vmem>> -> memref<1x128x64xf32, #tpu.memory_space<vmem>>
        %gather3A_537 = tpu.memref_squeeze %gather3A_536 : memref<1x128x64xf32, #tpu.memory_space<vmem>> -> memref<128x64xf32, #tpu.memory_space<vmem>>
        %gather3A_538 = tpu.vector_load_idx %gather3A_537[%add3A_483, %add3A_533] : memref<128x64xf32, #tpu.memory_space<vmem>>[vector<16xi32>, vector<16xi32>], vector<16xf32>,
        %add3A_539 = arith.constant 6 : i32
        %add3A_540 = vector.broadcast %add3A_539 : i32 to vector<16xi32>
        %add3A_541 = arith.addi %shift_right_arithmetic3A_99, %add3A_540 : vector<16xi32>
        %scatter3A_542 = arith.constant 0 : i32
        %scatter3A_543 = arith.constant 0 : i32
        %scatter3A_544 = tpu.memref_slice %arg7[%scan3A_444, %scatter3A_542, %scatter3A_543] : memref<2x8x1024xf32, #tpu.memory_space<vmem>> -> memref<1x8x1024xf32, #tpu.memory_space<vmem>>
        %scatter3A_545 = tpu.memref_squeeze %scatter3A_544 : memref<1x8x1024xf32, #tpu.memory_space<vmem>> -> memref<8x1024xf32, #tpu.memory_space<vmem>>
        tpu.vector_store_idx %scatter3A_545[%add3A_541, %add3A_487], %gather3A_538 : memref<8x1024xf32, #tpu.memory_space<vmem>>[vector<16xi32>, vector<16xi32>], vector<16xf32>,
        %mul3A_546 = arith.constant 16 : i32
        %mul3A_547 = arith.muli %mul3A_546, %scan3A_479 : i32
        %add3A_548 = vector.broadcast %mul3A_547 : i32 to vector<16xi32>
        %add3A_549 = arith.addi %add3A_164, %add3A_548 : vector<16xi32>
        %add3A_550 = arith.constant 0 : i32
        %add3A_551 = vector.broadcast %add3A_550 : i32 to vector<16xi32>
        %add3A_552 = arith.addi %and3A_13, %add3A_551 : vector<16xi32>
        %gather3A_553 = arith.constant 0 : i32
        %gather3A_554 = arith.constant 0 : i32
        %gather3A_555 = tpu.memref_slice %arg6[%scan3A_443, %gather3A_553, %gather3A_554] : memref<2x128x64xf32, #tpu.memory_space<vmem>> -> memref<1x128x64xf32, #tpu.memory_space<vmem>>
        %gather3A_556 = tpu.memref_squeeze %gather3A_555 : memref<1x128x64xf32, #tpu.memory_space<vmem>> -> memref<128x64xf32, #tpu.memory_space<vmem>>
        %gather3A_557 = tpu.vector_load_idx %gather3A_556[%add3A_483, %add3A_552] : memref<128x64xf32, #tpu.memory_space<vmem>>[vector<16xi32>, vector<16xi32>], vector<16xf32>,
        %add3A_558 = arith.constant 0 : i32
        %add3A_559 = vector.broadcast %add3A_558 : i32 to vector<16xi32>
        %add3A_560 = arith.addi %shift_right_arithmetic3A_102, %add3A_559 : vector<16xi32>
        %scatter3A_561 = arith.constant 0 : i32
        %scatter3A_562 = arith.constant 0 : i32
        %scatter3A_563 = tpu.memref_slice %arg7[%scan3A_444, %scatter3A_561, %scatter3A_562] : memref<2x8x1024xf32, #tpu.memory_space<vmem>> -> memref<1x8x1024xf32, #tpu.memory_space<vmem>>
        %scatter3A_564 = tpu.memref_squeeze %scatter3A_563 : memref<1x8x1024xf32, #tpu.memory_space<vmem>> -> memref<8x1024xf32, #tpu.memory_space<vmem>>
        tpu.vector_store_idx %scatter3A_564[%add3A_560, %add3A_549], %gather3A_557 : memref<8x1024xf32, #tpu.memory_space<vmem>>[vector<16xi32>, vector<16xi32>], vector<16xf32>,
        %add3A_565 = arith.constant 16 : i32
        %add3A_566 = vector.broadcast %add3A_565 : i32 to vector<16xi32>
        %add3A_567 = arith.addi %and3A_13, %add3A_566 : vector<16xi32>
        %gather3A_568 = arith.constant 0 : i32
        %gather3A_569 = arith.constant 0 : i32
        %gather3A_570 = tpu.memref_slice %arg6[%scan3A_443, %gather3A_568, %gather3A_569] : memref<2x128x64xf32, #tpu.memory_space<vmem>> -> memref<1x128x64xf32, #tpu.memory_space<vmem>>
        %gather3A_571 = tpu.memref_squeeze %gather3A_570 : memref<1x128x64xf32, #tpu.memory_space<vmem>> -> memref<128x64xf32, #tpu.memory_space<vmem>>
        %gather3A_572 = tpu.vector_load_idx %gather3A_571[%add3A_483, %add3A_567] : memref<128x64xf32, #tpu.memory_space<vmem>>[vector<16xi32>, vector<16xi32>], vector<16xf32>,
        %add3A_573 = arith.constant 2 : i32
        %add3A_574 = vector.broadcast %add3A_573 : i32 to vector<16xi32>
        %add3A_575 = arith.addi %shift_right_arithmetic3A_102, %add3A_574 : vector<16xi32>
        %scatter3A_576 = arith.constant 0 : i32
        %scatter3A_577 = arith.constant 0 : i32
        %scatter3A_578 = tpu.memref_slice %arg7[%scan3A_444, %scatter3A_576, %scatter3A_577] : memref<2x8x1024xf32, #tpu.memory_space<vmem>> -> memref<1x8x1024xf32, #tpu.memory_space<vmem>>
        %scatter3A_579 = tpu.memref_squeeze %scatter3A_578 : memref<1x8x1024xf32, #tpu.memory_space<vmem>> -> memref<8x1024xf32, #tpu.memory_space<vmem>>
        tpu.vector_store_idx %scatter3A_579[%add3A_575, %add3A_549], %gather3A_572 : memref<8x1024xf32, #tpu.memory_space<vmem>>[vector<16xi32>, vector<16xi32>], vector<16xf32>,
        %add3A_580 = arith.constant 32 : i32
        %add3A_581 = vector.broadcast %add3A_580 : i32 to vector<16xi32>
        %add3A_582 = arith.addi %and3A_13, %add3A_581 : vector<16xi32>
        %gather3A_583 = arith.constant 0 : i32
        %gather3A_584 = arith.constant 0 : i32
        %gather3A_585 = tpu.memref_slice %arg6[%scan3A_443, %gather3A_583, %gather3A_584] : memref<2x128x64xf32, #tpu.memory_space<vmem>> -> memref<1x128x64xf32, #tpu.memory_space<vmem>>
        %gather3A_586 = tpu.memref_squeeze %gather3A_585 : memref<1x128x64xf32, #tpu.memory_space<vmem>> -> memref<128x64xf32, #tpu.memory_space<vmem>>
        %gather3A_587 = tpu.vector_load_idx %gather3A_586[%add3A_483, %add3A_582] : memref<128x64xf32, #tpu.memory_space<vmem>>[vector<16xi32>, vector<16xi32>], vector<16xf32>,
        %add3A_588 = arith.constant 4 : i32
        %add3A_589 = vector.broadcast %add3A_588 : i32 to vector<16xi32>
        %add3A_590 = arith.addi %shift_right_arithmetic3A_102, %add3A_589 : vector<16xi32>
        %scatter3A_591 = arith.constant 0 : i32
        %scatter3A_592 = arith.constant 0 : i32
        %scatter3A_593 = tpu.memref_slice %arg7[%scan3A_444, %scatter3A_591, %scatter3A_592] : memref<2x8x1024xf32, #tpu.memory_space<vmem>> -> memref<1x8x1024xf32, #tpu.memory_space<vmem>>
        %scatter3A_594 = tpu.memref_squeeze %scatter3A_593 : memref<1x8x1024xf32, #tpu.memory_space<vmem>> -> memref<8x1024xf32, #tpu.memory_space<vmem>>
        tpu.vector_store_idx %scatter3A_594[%add3A_590, %add3A_549], %gather3A_587 : memref<8x1024xf32, #tpu.memory_space<vmem>>[vector<16xi32>, vector<16xi32>], vector<16xf32>,
        %add3A_595 = arith.constant 48 : i32
        %add3A_596 = vector.broadcast %add3A_595 : i32 to vector<16xi32>
        %add3A_597 = arith.addi %and3A_13, %add3A_596 : vector<16xi32>
        %gather3A_598 = arith.constant 0 : i32
        %gather3A_599 = arith.constant 0 : i32
        %gather3A_600 = tpu.memref_slice %arg6[%scan3A_443, %gather3A_598, %gather3A_599] : memref<2x128x64xf32, #tpu.memory_space<vmem>> -> memref<1x128x64xf32, #tpu.memory_space<vmem>>
        %gather3A_601 = tpu.memref_squeeze %gather3A_600 : memref<1x128x64xf32, #tpu.memory_space<vmem>> -> memref<128x64xf32, #tpu.memory_space<vmem>>
        %gather3A_602 = tpu.vector_load_idx %gather3A_601[%add3A_483, %add3A_597] : memref<128x64xf32, #tpu.memory_space<vmem>>[vector<16xi32>, vector<16xi32>], vector<16xf32>,
        %add3A_603 = arith.constant 6 : i32
        %add3A_604 = vector.broadcast %add3A_603 : i32 to vector<16xi32>
        %add3A_605 = arith.addi %shift_right_arithmetic3A_102, %add3A_604 : vector<16xi32>
        %scatter3A_606 = arith.constant 0 : i32
        %scatter3A_607 = arith.constant 0 : i32
        %scatter3A_608 = tpu.memref_slice %arg7[%scan3A_444, %scatter3A_606, %scatter3A_607] : memref<2x8x1024xf32, #tpu.memory_space<vmem>> -> memref<1x8x1024xf32, #tpu.memory_space<vmem>>
        %scatter3A_609 = tpu.memref_squeeze %scatter3A_608 : memref<1x8x1024xf32, #tpu.memory_space<vmem>> -> memref<8x1024xf32, #tpu.memory_space<vmem>>
        tpu.vector_store_idx %scatter3A_609[%add3A_605, %add3A_549], %gather3A_602 : memref<8x1024xf32, #tpu.memory_space<vmem>>[vector<16xi32>, vector<16xi32>], vector<16xf32>,
        %mul3A_610 = arith.constant 16 : i32
        %mul3A_611 = arith.muli %mul3A_610, %scan3A_479 : i32
        %add3A_612 = vector.broadcast %mul3A_611 : i32 to vector<16xi32>
        %add3A_613 = arith.addi %add3A_174, %add3A_612 : vector<16xi32>
        %add3A_614 = arith.constant 0 : i32
        %add3A_615 = vector.broadcast %add3A_614 : i32 to vector<16xi32>
        %add3A_616 = arith.addi %and3A_19, %add3A_615 : vector<16xi32>
        %gather3A_617 = arith.constant 0 : i32
        %gather3A_618 = arith.constant 0 : i32
        %gather3A_619 = tpu.memref_slice %arg6[%scan3A_443, %gather3A_617, %gather3A_618] : memref<2x128x64xf32, #tpu.memory_space<vmem>> -> memref<1x128x64xf32, #tpu.memory_space<vmem>>
        %gather3A_620 = tpu.memref_squeeze %gather3A_619 : memref<1x128x64xf32, #tpu.memory_space<vmem>> -> memref<128x64xf32, #tpu.memory_space<vmem>>
        %gather3A_621 = tpu.vector_load_idx %gather3A_620[%add3A_483, %add3A_616] : memref<128x64xf32, #tpu.memory_space<vmem>>[vector<16xi32>, vector<16xi32>], vector<16xf32>,
        %add3A_622 = arith.constant 0 : i32
        %add3A_623 = vector.broadcast %add3A_622 : i32 to vector<16xi32>
        %add3A_624 = arith.addi %shift_right_arithmetic3A_105, %add3A_623 : vector<16xi32>
        %scatter3A_625 = arith.constant 0 : i32
        %scatter3A_626 = arith.constant 0 : i32
        %scatter3A_627 = tpu.memref_slice %arg7[%scan3A_444, %scatter3A_625, %scatter3A_626] : memref<2x8x1024xf32, #tpu.memory_space<vmem>> -> memref<1x8x1024xf32, #tpu.memory_space<vmem>>
        %scatter3A_628 = tpu.memref_squeeze %scatter3A_627 : memref<1x8x1024xf32, #tpu.memory_space<vmem>> -> memref<8x1024xf32, #tpu.memory_space<vmem>>
        tpu.vector_store_idx %scatter3A_628[%add3A_624, %add3A_613], %gather3A_621 : memref<8x1024xf32, #tpu.memory_space<vmem>>[vector<16xi32>, vector<16xi32>], vector<16xf32>,
        %add3A_629 = arith.constant 16 : i32
        %add3A_630 = vector.broadcast %add3A_629 : i32 to vector<16xi32>
        %add3A_631 = arith.addi %and3A_19, %add3A_630 : vector<16xi32>
        %gather3A_632 = arith.constant 0 : i32
        %gather3A_633 = arith.constant 0 : i32
        %gather3A_634 = tpu.memref_slice %arg6[%scan3A_443, %gather3A_632, %gather3A_633] : memref<2x128x64xf32, #tpu.memory_space<vmem>> -> memref<1x128x64xf32, #tpu.memory_space<vmem>>
        %gather3A_635 = tpu.memref_squeeze %gather3A_634 : memref<1x128x64xf32, #tpu.memory_space<vmem>> -> memref<128x64xf32, #tpu.memory_space<vmem>>
        %gather3A_636 = tpu.vector_load_idx %gather3A_635[%add3A_483, %add3A_631] : memref<128x64xf32, #tpu.memory_space<vmem>>[vector<16xi32>, vector<16xi32>], vector<16xf32>,
        %add3A_637 = arith.constant 2 : i32
        %add3A_638 = vector.broadcast %add3A_637 : i32 to vector<16xi32>
        %add3A_639 = arith.addi %shift_right_arithmetic3A_105, %add3A_638 : vector<16xi32>
        %scatter3A_640 = arith.constant 0 : i32
        %scatter3A_641 = arith.constant 0 : i32
        %scatter3A_642 = tpu.memref_slice %arg7[%scan3A_444, %scatter3A_640, %scatter3A_641] : memref<2x8x1024xf32, #tpu.memory_space<vmem>> -> memref<1x8x1024xf32, #tpu.memory_space<vmem>>
        %scatter3A_643 = tpu.memref_squeeze %scatter3A_642 : memref<1x8x1024xf32, #tpu.memory_space<vmem>> -> memref<8x1024xf32, #tpu.memory_space<vmem>>
        tpu.vector_store_idx %scatter3A_643[%add3A_639, %add3A_613], %gather3A_636 : memref<8x1024xf32, #tpu.memory_space<vmem>>[vector<16xi32>, vector<16xi32>], vector<16xf32>,
        %add3A_644 = arith.constant 32 : i32
        %add3A_645 = vector.broadcast %add3A_644 : i32 to vector<16xi32>
        %add3A_646 = arith.addi %and3A_19, %add3A_645 : vector<16xi32>
        %gather3A_647 = arith.constant 0 : i32
        %gather3A_648 = arith.constant 0 : i32
        %gather3A_649 = tpu.memref_slice %arg6[%scan3A_443, %gather3A_647, %gather3A_648] : memref<2x128x64xf32, #tpu.memory_space<vmem>> -> memref<1x128x64xf32, #tpu.memory_space<vmem>>
        %gather3A_650 = tpu.memref_squeeze %gather3A_649 : memref<1x128x64xf32, #tpu.memory_space<vmem>> -> memref<128x64xf32, #tpu.memory_space<vmem>>
        %gather3A_651 = tpu.vector_load_idx %gather3A_650[%add3A_483, %add3A_646] : memref<128x64xf32, #tpu.memory_space<vmem>>[vector<16xi32>, vector<16xi32>], vector<16xf32>,
        %add3A_652 = arith.constant 4 : i32
        %add3A_653 = vector.broadcast %add3A_652 : i32 to vector<16xi32>
        %add3A_654 = arith.addi %shift_right_arithmetic3A_105, %add3A_653 : vector<16xi32>
        %scatter3A_655 = arith.constant 0 : i32
        %scatter3A_656 = arith.constant 0 : i32
        %scatter3A_657 = tpu.memref_slice %arg7[%scan3A_444, %scatter3A_655, %scatter3A_656] : memref<2x8x1024xf32, #tpu.memory_space<vmem>> -> memref<1x8x1024xf32, #tpu.memory_space<vmem>>
        %scatter3A_658 = tpu.memref_squeeze %scatter3A_657 : memref<1x8x1024xf32, #tpu.memory_space<vmem>> -> memref<8x1024xf32, #tpu.memory_space<vmem>>
        tpu.vector_store_idx %scatter3A_658[%add3A_654, %add3A_613], %gather3A_651 : memref<8x1024xf32, #tpu.memory_space<vmem>>[vector<16xi32>, vector<16xi32>], vector<16xf32>,
        %add3A_659 = arith.constant 48 : i32
        %add3A_660 = vector.broadcast %add3A_659 : i32 to vector<16xi32>
        %add3A_661 = arith.addi %and3A_19, %add3A_660 : vector<16xi32>
        %gather3A_662 = arith.constant 0 : i32
        %gather3A_663 = arith.constant 0 : i32
        %gather3A_664 = tpu.memref_slice %arg6[%scan3A_443, %gather3A_662, %gather3A_663] : memref<2x128x64xf32, #tpu.memory_space<vmem>> -> memref<1x128x64xf32, #tpu.memory_space<vmem>>
        %gather3A_665 = tpu.memref_squeeze %gather3A_664 : memref<1x128x64xf32, #tpu.memory_space<vmem>> -> memref<128x64xf32, #tpu.memory_space<vmem>>
        %gather3A_666 = tpu.vector_load_idx %gather3A_665[%add3A_483, %add3A_661] : memref<128x64xf32, #tpu.memory_space<vmem>>[vector<16xi32>, vector<16xi32>], vector<16xf32>,
        %add3A_667 = arith.constant 6 : i32
        %add3A_668 = vector.broadcast %add3A_667 : i32 to vector<16xi32>
        %add3A_669 = arith.addi %shift_right_arithmetic3A_105, %add3A_668 : vector<16xi32>
        %scatter3A_670 = arith.constant 0 : i32
        %scatter3A_671 = arith.constant 0 : i32
        %scatter3A_672 = tpu.memref_slice %arg7[%scan3A_444, %scatter3A_670, %scatter3A_671] : memref<2x8x1024xf32, #tpu.memory_space<vmem>> -> memref<1x8x1024xf32, #tpu.memory_space<vmem>>
        %scatter3A_673 = tpu.memref_squeeze %scatter3A_672 : memref<1x8x1024xf32, #tpu.memory_space<vmem>> -> memref<8x1024xf32, #tpu.memory_space<vmem>>
        tpu.vector_store_idx %scatter3A_673[%add3A_669, %add3A_613], %gather3A_666 : memref<8x1024xf32, #tpu.memory_space<vmem>>[vector<16xi32>, vector<16xi32>], vector<16xf32>,
        %mul3A_674 = arith.constant 16 : i32
        %mul3A_675 = arith.muli %mul3A_674, %scan3A_479 : i32
        %add3A_676 = vector.broadcast %mul3A_675 : i32 to vector<16xi32>
        %add3A_677 = arith.addi %add3A_184, %add3A_676 : vector<16xi32>
        %add3A_678 = arith.constant 0 : i32
        %add3A_679 = vector.broadcast %add3A_678 : i32 to vector<16xi32>
        %add3A_680 = arith.addi %and3A_25, %add3A_679 : vector<16xi32>
        %gather3A_681 = arith.constant 0 : i32
        %gather3A_682 = arith.constant 0 : i32
        %gather3A_683 = tpu.memref_slice %arg6[%scan3A_443, %gather3A_681, %gather3A_682] : memref<2x128x64xf32, #tpu.memory_space<vmem>> -> memref<1x128x64xf32, #tpu.memory_space<vmem>>
        %gather3A_684 = tpu.memref_squeeze %gather3A_683 : memref<1x128x64xf32, #tpu.memory_space<vmem>> -> memref<128x64xf32, #tpu.memory_space<vmem>>
        %gather3A_685 = tpu.vector_load_idx %gather3A_684[%add3A_483, %add3A_680] : memref<128x64xf32, #tpu.memory_space<vmem>>[vector<16xi32>, vector<16xi32>], vector<16xf32>,
        %add3A_686 = arith.constant 0 : i32
        %add3A_687 = vector.broadcast %add3A_686 : i32 to vector<16xi32>
        %add3A_688 = arith.addi %shift_right_arithmetic3A_108, %add3A_687 : vector<16xi32>
        %scatter3A_689 = arith.constant 0 : i32
        %scatter3A_690 = arith.constant 0 : i32
        %scatter3A_691 = tpu.memref_slice %arg7[%scan3A_444, %scatter3A_689, %scatter3A_690] : memref<2x8x1024xf32, #tpu.memory_space<vmem>> -> memref<1x8x1024xf32, #tpu.memory_space<vmem>>
        %scatter3A_692 = tpu.memref_squeeze %scatter3A_691 : memref<1x8x1024xf32, #tpu.memory_space<vmem>> -> memref<8x1024xf32, #tpu.memory_space<vmem>>
        tpu.vector_store_idx %scatter3A_692[%add3A_688, %add3A_677], %gather3A_685 : memref<8x1024xf32, #tpu.memory_space<vmem>>[vector<16xi32>, vector<16xi32>], vector<16xf32>,
        %add3A_693 = arith.constant 16 : i32
        %add3A_694 = vector.broadcast %add3A_693 : i32 to vector<16xi32>
        %add3A_695 = arith.addi %and3A_25, %add3A_694 : vector<16xi32>
        %gather3A_696 = arith.constant 0 : i32
        %gather3A_697 = arith.constant 0 : i32
        %gather3A_698 = tpu.memref_slice %arg6[%scan3A_443, %gather3A_696, %gather3A_697] : memref<2x128x64xf32, #tpu.memory_space<vmem>> -> memref<1x128x64xf32, #tpu.memory_space<vmem>>
        %gather3A_699 = tpu.memref_squeeze %gather3A_698 : memref<1x128x64xf32, #tpu.memory_space<vmem>> -> memref<128x64xf32, #tpu.memory_space<vmem>>
        %gather3A_700 = tpu.vector_load_idx %gather3A_699[%add3A_483, %add3A_695] : memref<128x64xf32, #tpu.memory_space<vmem>>[vector<16xi32>, vector<16xi32>], vector<16xf32>,
        %add3A_701 = arith.constant 2 : i32
        %add3A_702 = vector.broadcast %add3A_701 : i32 to vector<16xi32>
        %add3A_703 = arith.addi %shift_right_arithmetic3A_108, %add3A_702 : vector<16xi32>
        %scatter3A_704 = arith.constant 0 : i32
        %scatter3A_705 = arith.constant 0 : i32
        %scatter3A_706 = tpu.memref_slice %arg7[%scan3A_444, %scatter3A_704, %scatter3A_705] : memref<2x8x1024xf32, #tpu.memory_space<vmem>> -> memref<1x8x1024xf32, #tpu.memory_space<vmem>>
        %scatter3A_707 = tpu.memref_squeeze %scatter3A_706 : memref<1x8x1024xf32, #tpu.memory_space<vmem>> -> memref<8x1024xf32, #tpu.memory_space<vmem>>
        tpu.vector_store_idx %scatter3A_707[%add3A_703, %add3A_677], %gather3A_700 : memref<8x1024xf32, #tpu.memory_space<vmem>>[vector<16xi32>, vector<16xi32>], vector<16xf32>,
        %add3A_708 = arith.constant 32 : i32
        %add3A_709 = vector.broadcast %add3A_708 : i32 to vector<16xi32>
        %add3A_710 = arith.addi %and3A_25, %add3A_709 : vector<16xi32>
        %gather3A_711 = arith.constant 0 : i32
        %gather3A_712 = arith.constant 0 : i32
        %gather3A_713 = tpu.memref_slice %arg6[%scan3A_443, %gather3A_711, %gather3A_712] : memref<2x128x64xf32, #tpu.memory_space<vmem>> -> memref<1x128x64xf32, #tpu.memory_space<vmem>>
        %gather3A_714 = tpu.memref_squeeze %gather3A_713 : memref<1x128x64xf32, #tpu.memory_space<vmem>> -> memref<128x64xf32, #tpu.memory_space<vmem>>
        %gather3A_715 = tpu.vector_load_idx %gather3A_714[%add3A_483, %add3A_710] : memref<128x64xf32, #tpu.memory_space<vmem>>[vector<16xi32>, vector<16xi32>], vector<16xf32>,
        %add3A_716 = arith.constant 4 : i32
        %add3A_717 = vector.broadcast %add3A_716 : i32 to vector<16xi32>
        %add3A_718 = arith.addi %shift_right_arithmetic3A_108, %add3A_717 : vector<16xi32>
        %scatter3A_719 = arith.constant 0 : i32
        %scatter3A_720 = arith.constant 0 : i32
        %scatter3A_721 = tpu.memref_slice %arg7[%scan3A_444, %scatter3A_719, %scatter3A_720] : memref<2x8x1024xf32, #tpu.memory_space<vmem>> -> memref<1x8x1024xf32, #tpu.memory_space<vmem>>
        %scatter3A_722 = tpu.memref_squeeze %scatter3A_721 : memref<1x8x1024xf32, #tpu.memory_space<vmem>> -> memref<8x1024xf32, #tpu.memory_space<vmem>>
        tpu.vector_store_idx %scatter3A_722[%add3A_718, %add3A_677], %gather3A_715 : memref<8x1024xf32, #tpu.memory_space<vmem>>[vector<16xi32>, vector<16xi32>], vector<16xf32>,
        %add3A_723 = arith.constant 48 : i32
        %add3A_724 = vector.broadcast %add3A_723 : i32 to vector<16xi32>
        %add3A_725 = arith.addi %and3A_25, %add3A_724 : vector<16xi32>
        %gather3A_726 = arith.constant 0 : i32
        %gather3A_727 = arith.constant 0 : i32
        %gather3A_728 = tpu.memref_slice %arg6[%scan3A_443, %gather3A_726, %gather3A_727] : memref<2x128x64xf32, #tpu.memory_space<vmem>> -> memref<1x128x64xf32, #tpu.memory_space<vmem>>
        %gather3A_729 = tpu.memref_squeeze %gather3A_728 : memref<1x128x64xf32, #tpu.memory_space<vmem>> -> memref<128x64xf32, #tpu.memory_space<vmem>>
        %gather3A_730 = tpu.vector_load_idx %gather3A_729[%add3A_483, %add3A_725] : memref<128x64xf32, #tpu.memory_space<vmem>>[vector<16xi32>, vector<16xi32>], vector<16xf32>,
        %add3A_731 = arith.constant 6 : i32
        %add3A_732 = vector.broadcast %add3A_731 : i32 to vector<16xi32>
        %add3A_733 = arith.addi %shift_right_arithmetic3A_108, %add3A_732 : vector<16xi32>
        %scatter3A_734 = arith.constant 0 : i32
        %scatter3A_735 = arith.constant 0 : i32
        %scatter3A_736 = tpu.memref_slice %arg7[%scan3A_444, %scatter3A_734, %scatter3A_735] : memref<2x8x1024xf32, #tpu.memory_space<vmem>> -> memref<1x8x1024xf32, #tpu.memory_space<vmem>>
        %scatter3A_737 = tpu.memref_squeeze %scatter3A_736 : memref<1x8x1024xf32, #tpu.memory_space<vmem>> -> memref<8x1024xf32, #tpu.memory_space<vmem>>
        tpu.vector_store_idx %scatter3A_737[%add3A_733, %add3A_677], %gather3A_730 : memref<8x1024xf32, #tpu.memory_space<vmem>>[vector<16xi32>, vector<16xi32>], vector<16xf32>,
        %mul3A_738 = arith.constant 16 : i32
        %mul3A_739 = arith.muli %mul3A_738, %scan3A_479 : i32
        %add3A_740 = vector.broadcast %mul3A_739 : i32 to vector<16xi32>
        %add3A_741 = arith.addi %add3A_194, %add3A_740 : vector<16xi32>
        %add3A_742 = arith.constant 0 : i32
        %add3A_743 = vector.broadcast %add3A_742 : i32 to vector<16xi32>
        %add3A_744 = arith.addi %and3A_31, %add3A_743 : vector<16xi32>
        %gather3A_745 = arith.constant 0 : i32
        %gather3A_746 = arith.constant 0 : i32
        %gather3A_747 = tpu.memref_slice %arg6[%scan3A_443, %gather3A_745, %gather3A_746] : memref<2x128x64xf32, #tpu.memory_space<vmem>> -> memref<1x128x64xf32, #tpu.memory_space<vmem>>
        %gather3A_748 = tpu.memref_squeeze %gather3A_747 : memref<1x128x64xf32, #tpu.memory_space<vmem>> -> memref<128x64xf32, #tpu.memory_space<vmem>>
        %gather3A_749 = tpu.vector_load_idx %gather3A_748[%add3A_483, %add3A_744] : memref<128x64xf32, #tpu.memory_space<vmem>>[vector<16xi32>, vector<16xi32>], vector<16xf32>,
        %add3A_750 = arith.constant 0 : i32
        %add3A_751 = vector.broadcast %add3A_750 : i32 to vector<16xi32>
        %add3A_752 = arith.addi %shift_right_arithmetic3A_111, %add3A_751 : vector<16xi32>
        %scatter3A_753 = arith.constant 0 : i32
        %scatter3A_754 = arith.constant 0 : i32
        %scatter3A_755 = tpu.memref_slice %arg7[%scan3A_444, %scatter3A_753, %scatter3A_754] : memref<2x8x1024xf32, #tpu.memory_space<vmem>> -> memref<1x8x1024xf32, #tpu.memory_space<vmem>>
        %scatter3A_756 = tpu.memref_squeeze %scatter3A_755 : memref<1x8x1024xf32, #tpu.memory_space<vmem>> -> memref<8x1024xf32, #tpu.memory_space<vmem>>
        tpu.vector_store_idx %scatter3A_756[%add3A_752, %add3A_741], %gather3A_749 : memref<8x1024xf32, #tpu.memory_space<vmem>>[vector<16xi32>, vector<16xi32>], vector<16xf32>,
        %add3A_757 = arith.constant 16 : i32
        %add3A_758 = vector.broadcast %add3A_757 : i32 to vector<16xi32>
        %add3A_759 = arith.addi %and3A_31, %add3A_758 : vector<16xi32>
        %gather3A_760 = arith.constant 0 : i32
        %gather3A_761 = arith.constant 0 : i32
        %gather3A_762 = tpu.memref_slice %arg6[%scan3A_443, %gather3A_760, %gather3A_761] : memref<2x128x64xf32, #tpu.memory_space<vmem>> -> memref<1x128x64xf32, #tpu.memory_space<vmem>>
        %gather3A_763 = tpu.memref_squeeze %gather3A_762 : memref<1x128x64xf32, #tpu.memory_space<vmem>> -> memref<128x64xf32, #tpu.memory_space<vmem>>
        %gather3A_764 = tpu.vector_load_idx %gather3A_763[%add3A_483, %add3A_759] : memref<128x64xf32, #tpu.memory_space<vmem>>[vector<16xi32>, vector<16xi32>], vector<16xf32>,
        %add3A_765 = arith.constant 2 : i32
        %add3A_766 = vector.broadcast %add3A_765 : i32 to vector<16xi32>
        %add3A_767 = arith.addi %shift_right_arithmetic3A_111, %add3A_766 : vector<16xi32>
        %scatter3A_768 = arith.constant 0 : i32
        %scatter3A_769 = arith.constant 0 : i32
        %scatter3A_770 = tpu.memref_slice %arg7[%scan3A_444, %scatter3A_768, %scatter3A_769] : memref<2x8x1024xf32, #tpu.memory_space<vmem>> -> memref<1x8x1024xf32, #tpu.memory_space<vmem>>
        %scatter3A_771 = tpu.memref_squeeze %scatter3A_770 : memref<1x8x1024xf32, #tpu.memory_space<vmem>> -> memref<8x1024xf32, #tpu.memory_space<vmem>>
        tpu.vector_store_idx %scatter3A_771[%add3A_767, %add3A_741], %gather3A_764 : memref<8x1024xf32, #tpu.memory_space<vmem>>[vector<16xi32>, vector<16xi32>], vector<16xf32>,
        %add3A_772 = arith.constant 32 : i32
        %add3A_773 = vector.broadcast %add3A_772 : i32 to vector<16xi32>
        %add3A_774 = arith.addi %and3A_31, %add3A_773 : vector<16xi32>
        %gather3A_775 = arith.constant 0 : i32
        %gather3A_776 = arith.constant 0 : i32
        %gather3A_777 = tpu.memref_slice %arg6[%scan3A_443, %gather3A_775, %gather3A_776] : memref<2x128x64xf32, #tpu.memory_space<vmem>> -> memref<1x128x64xf32, #tpu.memory_space<vmem>>
        %gather3A_778 = tpu.memref_squeeze %gather3A_777 : memref<1x128x64xf32, #tpu.memory_space<vmem>> -> memref<128x64xf32, #tpu.memory_space<vmem>>
        %gather3A_779 = tpu.vector_load_idx %gather3A_778[%add3A_483, %add3A_774] : memref<128x64xf32, #tpu.memory_space<vmem>>[vector<16xi32>, vector<16xi32>], vector<16xf32>,
        %add3A_780 = arith.constant 4 : i32
        %add3A_781 = vector.broadcast %add3A_780 : i32 to vector<16xi32>
        %add3A_782 = arith.addi %shift_right_arithmetic3A_111, %add3A_781 : vector<16xi32>
        %scatter3A_783 = arith.constant 0 : i32
        %scatter3A_784 = arith.constant 0 : i32
        %scatter3A_785 = tpu.memref_slice %arg7[%scan3A_444, %scatter3A_783, %scatter3A_784] : memref<2x8x1024xf32, #tpu.memory_space<vmem>> -> memref<1x8x1024xf32, #tpu.memory_space<vmem>>
        %scatter3A_786 = tpu.memref_squeeze %scatter3A_785 : memref<1x8x1024xf32, #tpu.memory_space<vmem>> -> memref<8x1024xf32, #tpu.memory_space<vmem>>
        tpu.vector_store_idx %scatter3A_786[%add3A_782, %add3A_741], %gather3A_779 : memref<8x1024xf32, #tpu.memory_space<vmem>>[vector<16xi32>, vector<16xi32>], vector<16xf32>,
        %add3A_787 = arith.constant 48 : i32
        %add3A_788 = vector.broadcast %add3A_787 : i32 to vector<16xi32>
        %add3A_789 = arith.addi %and3A_31, %add3A_788 : vector<16xi32>
        %gather3A_790 = arith.constant 0 : i32
        %gather3A_791 = arith.constant 0 : i32
        %gather3A_792 = tpu.memref_slice %arg6[%scan3A_443, %gather3A_790, %gather3A_791] : memref<2x128x64xf32, #tpu.memory_space<vmem>> -> memref<1x128x64xf32, #tpu.memory_space<vmem>>
        %gather3A_793 = tpu.memref_squeeze %gather3A_792 : memref<1x128x64xf32, #tpu.memory_space<vmem>> -> memref<128x64xf32, #tpu.memory_space<vmem>>
        %gather3A_794 = tpu.vector_load_idx %gather3A_793[%add3A_483, %add3A_789] : memref<128x64xf32, #tpu.memory_space<vmem>>[vector<16xi32>, vector<16xi32>], vector<16xf32>,
        %add3A_795 = arith.constant 6 : i32
        %add3A_796 = vector.broadcast %add3A_795 : i32 to vector<16xi32>
        %add3A_797 = arith.addi %shift_right_arithmetic3A_111, %add3A_796 : vector<16xi32>
        %scatter3A_798 = arith.constant 0 : i32
        %scatter3A_799 = arith.constant 0 : i32
        %scatter3A_800 = tpu.memref_slice %arg7[%scan3A_444, %scatter3A_798, %scatter3A_799] : memref<2x8x1024xf32, #tpu.memory_space<vmem>> -> memref<1x8x1024xf32, #tpu.memory_space<vmem>>
        %scatter3A_801 = tpu.memref_squeeze %scatter3A_800 : memref<1x8x1024xf32, #tpu.memory_space<vmem>> -> memref<8x1024xf32, #tpu.memory_space<vmem>>
        tpu.vector_store_idx %scatter3A_801[%add3A_797, %add3A_741], %gather3A_794 : memref<8x1024xf32, #tpu.memory_space<vmem>>[vector<16xi32>, vector<16xi32>], vector<16xf32>,
        %mul3A_802 = arith.constant 16 : i32
        %mul3A_803 = arith.muli %mul3A_802, %scan3A_479 : i32
        %add3A_804 = vector.broadcast %mul3A_803 : i32 to vector<16xi32>
        %add3A_805 = arith.addi %add3A_204, %add3A_804 : vector<16xi32>
        %add3A_806 = arith.constant 0 : i32
        %add3A_807 = vector.broadcast %add3A_806 : i32 to vector<16xi32>
        %add3A_808 = arith.addi %and3A_37, %add3A_807 : vector<16xi32>
        %gather3A_809 = arith.constant 0 : i32
        %gather3A_810 = arith.constant 0 : i32
        %gather3A_811 = tpu.memref_slice %arg6[%scan3A_443, %gather3A_809, %gather3A_810] : memref<2x128x64xf32, #tpu.memory_space<vmem>> -> memref<1x128x64xf32, #tpu.memory_space<vmem>>
        %gather3A_812 = tpu.memref_squeeze %gather3A_811 : memref<1x128x64xf32, #tpu.memory_space<vmem>> -> memref<128x64xf32, #tpu.memory_space<vmem>>
        %gather3A_813 = tpu.vector_load_idx %gather3A_812[%add3A_483, %add3A_808] : memref<128x64xf32, #tpu.memory_space<vmem>>[vector<16xi32>, vector<16xi32>], vector<16xf32>,
        %add3A_814 = arith.constant 0 : i32
        %add3A_815 = vector.broadcast %add3A_814 : i32 to vector<16xi32>
        %add3A_816 = arith.addi %shift_right_arithmetic3A_114, %add3A_815 : vector<16xi32>
        %scatter3A_817 = arith.constant 0 : i32
        %scatter3A_818 = arith.constant 0 : i32
        %scatter3A_819 = tpu.memref_slice %arg7[%scan3A_444, %scatter3A_817, %scatter3A_818] : memref<2x8x1024xf32, #tpu.memory_space<vmem>> -> memref<1x8x1024xf32, #tpu.memory_space<vmem>>
        %scatter3A_820 = tpu.memref_squeeze %scatter3A_819 : memref<1x8x1024xf32, #tpu.memory_space<vmem>> -> memref<8x1024xf32, #tpu.memory_space<vmem>>
        tpu.vector_store_idx %scatter3A_820[%add3A_816, %add3A_805], %gather3A_813 : memref<8x1024xf32, #tpu.memory_space<vmem>>[vector<16xi32>, vector<16xi32>], vector<16xf32>,
        %add3A_821 = arith.constant 16 : i32
        %add3A_822 = vector.broadcast %add3A_821 : i32 to vector<16xi32>
        %add3A_823 = arith.addi %and3A_37, %add3A_822 : vector<16xi32>
        %gather3A_824 = arith.constant 0 : i32
        %gather3A_825 = arith.constant 0 : i32
        %gather3A_826 = tpu.memref_slice %arg6[%scan3A_443, %gather3A_824, %gather3A_825] : memref<2x128x64xf32, #tpu.memory_space<vmem>> -> memref<1x128x64xf32, #tpu.memory_space<vmem>>
        %gather3A_827 = tpu.memref_squeeze %gather3A_826 : memref<1x128x64xf32, #tpu.memory_space<vmem>> -> memref<128x64xf32, #tpu.memory_space<vmem>>
        %gather3A_828 = tpu.vector_load_idx %gather3A_827[%add3A_483, %add3A_823] : memref<128x64xf32, #tpu.memory_space<vmem>>[vector<16xi32>, vector<16xi32>], vector<16xf32>,
        %add3A_829 = arith.constant 2 : i32
        %add3A_830 = vector.broadcast %add3A_829 : i32 to vector<16xi32>
        %add3A_831 = arith.addi %shift_right_arithmetic3A_114, %add3A_830 : vector<16xi32>
        %scatter3A_832 = arith.constant 0 : i32
        %scatter3A_833 = arith.constant 0 : i32
        %scatter3A_834 = tpu.memref_slice %arg7[%scan3A_444, %scatter3A_832, %scatter3A_833] : memref<2x8x1024xf32, #tpu.memory_space<vmem>> -> memref<1x8x1024xf32, #tpu.memory_space<vmem>>
        %scatter3A_835 = tpu.memref_squeeze %scatter3A_834 : memref<1x8x1024xf32, #tpu.memory_space<vmem>> -> memref<8x1024xf32, #tpu.memory_space<vmem>>
        tpu.vector_store_idx %scatter3A_835[%add3A_831, %add3A_805], %gather3A_828 : memref<8x1024xf32, #tpu.memory_space<vmem>>[vector<16xi32>, vector<16xi32>], vector<16xf32>,
        %add3A_836 = arith.constant 32 : i32
        %add3A_837 = vector.broadcast %add3A_836 : i32 to vector<16xi32>
        %add3A_838 = arith.addi %and3A_37, %add3A_837 : vector<16xi32>
        %gather3A_839 = arith.constant 0 : i32
        %gather3A_840 = arith.constant 0 : i32
        %gather3A_841 = tpu.memref_slice %arg6[%scan3A_443, %gather3A_839, %gather3A_840] : memref<2x128x64xf32, #tpu.memory_space<vmem>> -> memref<1x128x64xf32, #tpu.memory_space<vmem>>
        %gather3A_842 = tpu.memref_squeeze %gather3A_841 : memref<1x128x64xf32, #tpu.memory_space<vmem>> -> memref<128x64xf32, #tpu.memory_space<vmem>>
        %gather3A_843 = tpu.vector_load_idx %gather3A_842[%add3A_483, %add3A_838] : memref<128x64xf32, #tpu.memory_space<vmem>>[vector<16xi32>, vector<16xi32>], vector<16xf32>,
        %add3A_844 = arith.constant 4 : i32
        %add3A_845 = vector.broadcast %add3A_844 : i32 to vector<16xi32>
        %add3A_846 = arith.addi %shift_right_arithmetic3A_114, %add3A_845 : vector<16xi32>
        %scatter3A_847 = arith.constant 0 : i32
        %scatter3A_848 = arith.constant 0 : i32
        %scatter3A_849 = tpu.memref_slice %arg7[%scan3A_444, %scatter3A_847, %scatter3A_848] : memref<2x8x1024xf32, #tpu.memory_space<vmem>> -> memref<1x8x1024xf32, #tpu.memory_space<vmem>>
        %scatter3A_850 = tpu.memref_squeeze %scatter3A_849 : memref<1x8x1024xf32, #tpu.memory_space<vmem>> -> memref<8x1024xf32, #tpu.memory_space<vmem>>
        tpu.vector_store_idx %scatter3A_850[%add3A_846, %add3A_805], %gather3A_843 : memref<8x1024xf32, #tpu.memory_space<vmem>>[vector<16xi32>, vector<16xi32>], vector<16xf32>,
        %add3A_851 = arith.constant 48 : i32
        %add3A_852 = vector.broadcast %add3A_851 : i32 to vector<16xi32>
        %add3A_853 = arith.addi %and3A_37, %add3A_852 : vector<16xi32>
        %gather3A_854 = arith.constant 0 : i32
        %gather3A_855 = arith.constant 0 : i32
        %gather3A_856 = tpu.memref_slice %arg6[%scan3A_443, %gather3A_854, %gather3A_855] : memref<2x128x64xf32, #tpu.memory_space<vmem>> -> memref<1x128x64xf32, #tpu.memory_space<vmem>>
        %gather3A_857 = tpu.memref_squeeze %gather3A_856 : memref<1x128x64xf32, #tpu.memory_space<vmem>> -> memref<128x64xf32, #tpu.memory_space<vmem>>
        %gather3A_858 = tpu.vector_load_idx %gather3A_857[%add3A_483, %add3A_853] : memref<128x64xf32, #tpu.memory_space<vmem>>[vector<16xi32>, vector<16xi32>], vector<16xf32>,
        %add3A_859 = arith.constant 6 : i32
        %add3A_860 = vector.broadcast %add3A_859 : i32 to vector<16xi32>
        %add3A_861 = arith.addi %shift_right_arithmetic3A_114, %add3A_860 : vector<16xi32>
        %scatter3A_862 = arith.constant 0 : i32
        %scatter3A_863 = arith.constant 0 : i32
        %scatter3A_864 = tpu.memref_slice %arg7[%scan3A_444, %scatter3A_862, %scatter3A_863] : memref<2x8x1024xf32, #tpu.memory_space<vmem>> -> memref<1x8x1024xf32, #tpu.memory_space<vmem>>
        %scatter3A_865 = tpu.memref_squeeze %scatter3A_864 : memref<1x8x1024xf32, #tpu.memory_space<vmem>> -> memref<8x1024xf32, #tpu.memory_space<vmem>>
        tpu.vector_store_idx %scatter3A_865[%add3A_861, %add3A_805], %gather3A_858 : memref<8x1024xf32, #tpu.memory_space<vmem>>[vector<16xi32>, vector<16xi32>], vector<16xf32>,
        %mul3A_866 = arith.constant 16 : i32
        %mul3A_867 = arith.muli %mul3A_866, %scan3A_479 : i32
        %add3A_868 = vector.broadcast %mul3A_867 : i32 to vector<16xi32>
        %add3A_869 = arith.addi %add3A_214, %add3A_868 : vector<16xi32>
        %add3A_870 = arith.constant 0 : i32
        %add3A_871 = vector.broadcast %add3A_870 : i32 to vector<16xi32>
        %add3A_872 = arith.addi %and3A_43, %add3A_871 : vector<16xi32>
        %gather3A_873 = arith.constant 0 : i32
        %gather3A_874 = arith.constant 0 : i32
        %gather3A_875 = tpu.memref_slice %arg6[%scan3A_443, %gather3A_873, %gather3A_874] : memref<2x128x64xf32, #tpu.memory_space<vmem>> -> memref<1x128x64xf32, #tpu.memory_space<vmem>>
        %gather3A_876 = tpu.memref_squeeze %gather3A_875 : memref<1x128x64xf32, #tpu.memory_space<vmem>> -> memref<128x64xf32, #tpu.memory_space<vmem>>
        %gather3A_877 = tpu.vector_load_idx %gather3A_876[%add3A_483, %add3A_872] : memref<128x64xf32, #tpu.memory_space<vmem>>[vector<16xi32>, vector<16xi32>], vector<16xf32>,
        %add3A_878 = arith.constant 0 : i32
        %add3A_879 = vector.broadcast %add3A_878 : i32 to vector<16xi32>
        %add3A_880 = arith.addi %shift_right_arithmetic3A_117, %add3A_879 : vector<16xi32>
        %scatter3A_881 = arith.constant 0 : i32
        %scatter3A_882 = arith.constant 0 : i32
        %scatter3A_883 = tpu.memref_slice %arg7[%scan3A_444, %scatter3A_881, %scatter3A_882] : memref<2x8x1024xf32, #tpu.memory_space<vmem>> -> memref<1x8x1024xf32, #tpu.memory_space<vmem>>
        %scatter3A_884 = tpu.memref_squeeze %scatter3A_883 : memref<1x8x1024xf32, #tpu.memory_space<vmem>> -> memref<8x1024xf32, #tpu.memory_space<vmem>>
        tpu.vector_store_idx %scatter3A_884[%add3A_880, %add3A_869], %gather3A_877 : memref<8x1024xf32, #tpu.memory_space<vmem>>[vector<16xi32>, vector<16xi32>], vector<16xf32>,
        %add3A_885 = arith.constant 16 : i32
        %add3A_886 = vector.broadcast %add3A_885 : i32 to vector<16xi32>
        %add3A_887 = arith.addi %and3A_43, %add3A_886 : vector<16xi32>
        %gather3A_888 = arith.constant 0 : i32
        %gather3A_889 = arith.constant 0 : i32
        %gather3A_890 = tpu.memref_slice %arg6[%scan3A_443, %gather3A_888, %gather3A_889] : memref<2x128x64xf32, #tpu.memory_space<vmem>> -> memref<1x128x64xf32, #tpu.memory_space<vmem>>
        %gather3A_891 = tpu.memref_squeeze %gather3A_890 : memref<1x128x64xf32, #tpu.memory_space<vmem>> -> memref<128x64xf32, #tpu.memory_space<vmem>>
        %gather3A_892 = tpu.vector_load_idx %gather3A_891[%add3A_483, %add3A_887] : memref<128x64xf32, #tpu.memory_space<vmem>>[vector<16xi32>, vector<16xi32>], vector<16xf32>,
        %add3A_893 = arith.constant 2 : i32
        %add3A_894 = vector.broadcast %add3A_893 : i32 to vector<16xi32>
        %add3A_895 = arith.addi %shift_right_arithmetic3A_117, %add3A_894 : vector<16xi32>
        %scatter3A_896 = arith.constant 0 : i32
        %scatter3A_897 = arith.constant 0 : i32
        %scatter3A_898 = tpu.memref_slice %arg7[%scan3A_444, %scatter3A_896, %scatter3A_897] : memref<2x8x1024xf32, #tpu.memory_space<vmem>> -> memref<1x8x1024xf32, #tpu.memory_space<vmem>>
        %scatter3A_899 = tpu.memref_squeeze %scatter3A_898 : memref<1x8x1024xf32, #tpu.memory_space<vmem>> -> memref<8x1024xf32, #tpu.memory_space<vmem>>
        tpu.vector_store_idx %scatter3A_899[%add3A_895, %add3A_869], %gather3A_892 : memref<8x1024xf32, #tpu.memory_space<vmem>>[vector<16xi32>, vector<16xi32>], vector<16xf32>,
        %add3A_900 = arith.constant 32 : i32
        %add3A_901 = vector.broadcast %add3A_900 : i32 to vector<16xi32>
        %add3A_902 = arith.addi %and3A_43, %add3A_901 : vector<16xi32>
        %gather3A_903 = arith.constant 0 : i32
        %gather3A_904 = arith.constant 0 : i32
        %gather3A_905 = tpu.memref_slice %arg6[%scan3A_443, %gather3A_903, %gather3A_904] : memref<2x128x64xf32, #tpu.memory_space<vmem>> -> memref<1x128x64xf32, #tpu.memory_space<vmem>>
        %gather3A_906 = tpu.memref_squeeze %gather3A_905 : memref<1x128x64xf32, #tpu.memory_space<vmem>> -> memref<128x64xf32, #tpu.memory_space<vmem>>
        %gather3A_907 = tpu.vector_load_idx %gather3A_906[%add3A_483, %add3A_902] : memref<128x64xf32, #tpu.memory_space<vmem>>[vector<16xi32>, vector<16xi32>], vector<16xf32>,
        %add3A_908 = arith.constant 4 : i32
        %add3A_909 = vector.broadcast %add3A_908 : i32 to vector<16xi32>
        %add3A_910 = arith.addi %shift_right_arithmetic3A_117, %add3A_909 : vector<16xi32>
        %scatter3A_911 = arith.constant 0 : i32
        %scatter3A_912 = arith.constant 0 : i32
        %scatter3A_913 = tpu.memref_slice %arg7[%scan3A_444, %scatter3A_911, %scatter3A_912] : memref<2x8x1024xf32, #tpu.memory_space<vmem>> -> memref<1x8x1024xf32, #tpu.memory_space<vmem>>
        %scatter3A_914 = tpu.memref_squeeze %scatter3A_913 : memref<1x8x1024xf32, #tpu.memory_space<vmem>> -> memref<8x1024xf32, #tpu.memory_space<vmem>>
        tpu.vector_store_idx %scatter3A_914[%add3A_910, %add3A_869], %gather3A_907 : memref<8x1024xf32, #tpu.memory_space<vmem>>[vector<16xi32>, vector<16xi32>], vector<16xf32>,
        %add3A_915 = arith.constant 48 : i32
        %add3A_916 = vector.broadcast %add3A_915 : i32 to vector<16xi32>
        %add3A_917 = arith.addi %and3A_43, %add3A_916 : vector<16xi32>
        %gather3A_918 = arith.constant 0 : i32
        %gather3A_919 = arith.constant 0 : i32
        %gather3A_920 = tpu.memref_slice %arg6[%scan3A_443, %gather3A_918, %gather3A_919] : memref<2x128x64xf32, #tpu.memory_space<vmem>> -> memref<1x128x64xf32, #tpu.memory_space<vmem>>
        %gather3A_921 = tpu.memref_squeeze %gather3A_920 : memref<1x128x64xf32, #tpu.memory_space<vmem>> -> memref<128x64xf32, #tpu.memory_space<vmem>>
        %gather3A_922 = tpu.vector_load_idx %gather3A_921[%add3A_483, %add3A_917] : memref<128x64xf32, #tpu.memory_space<vmem>>[vector<16xi32>, vector<16xi32>], vector<16xf32>,
        %add3A_923 = arith.constant 6 : i32
        %add3A_924 = vector.broadcast %add3A_923 : i32 to vector<16xi32>
        %add3A_925 = arith.addi %shift_right_arithmetic3A_117, %add3A_924 : vector<16xi32>
        %scatter3A_926 = arith.constant 0 : i32
        %scatter3A_927 = arith.constant 0 : i32
        %scatter3A_928 = tpu.memref_slice %arg7[%scan3A_444, %scatter3A_926, %scatter3A_927] : memref<2x8x1024xf32, #tpu.memory_space<vmem>> -> memref<1x8x1024xf32, #tpu.memory_space<vmem>>
        %scatter3A_929 = tpu.memref_squeeze %scatter3A_928 : memref<1x8x1024xf32, #tpu.memory_space<vmem>> -> memref<8x1024xf32, #tpu.memory_space<vmem>>
        tpu.vector_store_idx %scatter3A_929[%add3A_925, %add3A_869], %gather3A_922 : memref<8x1024xf32, #tpu.memory_space<vmem>>[vector<16xi32>, vector<16xi32>], vector<16xf32>,
        %mul3A_930 = arith.constant 16 : i32
        %mul3A_931 = arith.muli %mul3A_930, %scan3A_479 : i32
        %add3A_932 = vector.broadcast %mul3A_931 : i32 to vector<16xi32>
        %add3A_933 = arith.addi %add3A_224, %add3A_932 : vector<16xi32>
        %add3A_934 = arith.constant 0 : i32
        %add3A_935 = vector.broadcast %add3A_934 : i32 to vector<16xi32>
        %add3A_936 = arith.addi %and3A_49, %add3A_935 : vector<16xi32>
        %gather3A_937 = arith.constant 0 : i32
        %gather3A_938 = arith.constant 0 : i32
        %gather3A_939 = tpu.memref_slice %arg6[%scan3A_443, %gather3A_937, %gather3A_938] : memref<2x128x64xf32, #tpu.memory_space<vmem>> -> memref<1x128x64xf32, #tpu.memory_space<vmem>>
        %gather3A_940 = tpu.memref_squeeze %gather3A_939 : memref<1x128x64xf32, #tpu.memory_space<vmem>> -> memref<128x64xf32, #tpu.memory_space<vmem>>
        %gather3A_941 = tpu.vector_load_idx %gather3A_940[%add3A_483, %add3A_936] : memref<128x64xf32, #tpu.memory_space<vmem>>[vector<16xi32>, vector<16xi32>], vector<16xf32>,
        %add3A_942 = arith.constant 0 : i32
        %add3A_943 = vector.broadcast %add3A_942 : i32 to vector<16xi32>
        %add3A_944 = arith.addi %shift_right_arithmetic3A_120, %add3A_943 : vector<16xi32>
        %scatter3A_945 = arith.constant 0 : i32
        %scatter3A_946 = arith.constant 0 : i32
        %scatter3A_947 = tpu.memref_slice %arg7[%scan3A_444, %scatter3A_945, %scatter3A_946] : memref<2x8x1024xf32, #tpu.memory_space<vmem>> -> memref<1x8x1024xf32, #tpu.memory_space<vmem>>
        %scatter3A_948 = tpu.memref_squeeze %scatter3A_947 : memref<1x8x1024xf32, #tpu.memory_space<vmem>> -> memref<8x1024xf32, #tpu.memory_space<vmem>>
        tpu.vector_store_idx %scatter3A_948[%add3A_944, %add3A_933], %gather3A_941 : memref<8x1024xf32, #tpu.memory_space<vmem>>[vector<16xi32>, vector<16xi32>], vector<16xf32>,
        %add3A_949 = arith.constant 16 : i32
        %add3A_950 = vector.broadcast %add3A_949 : i32 to vector<16xi32>
        %add3A_951 = arith.addi %and3A_49, %add3A_950 : vector<16xi32>
        %gather3A_952 = arith.constant 0 : i32
        %gather3A_953 = arith.constant 0 : i32
        %gather3A_954 = tpu.memref_slice %arg6[%scan3A_443, %gather3A_952, %gather3A_953] : memref<2x128x64xf32, #tpu.memory_space<vmem>> -> memref<1x128x64xf32, #tpu.memory_space<vmem>>
        %gather3A_955 = tpu.memref_squeeze %gather3A_954 : memref<1x128x64xf32, #tpu.memory_space<vmem>> -> memref<128x64xf32, #tpu.memory_space<vmem>>
        %gather3A_956 = tpu.vector_load_idx %gather3A_955[%add3A_483, %add3A_951] : memref<128x64xf32, #tpu.memory_space<vmem>>[vector<16xi32>, vector<16xi32>], vector<16xf32>,
        %add3A_957 = arith.constant 2 : i32
        %add3A_958 = vector.broadcast %add3A_957 : i32 to vector<16xi32>
        %add3A_959 = arith.addi %shift_right_arithmetic3A_120, %add3A_958 : vector<16xi32>
        %scatter3A_960 = arith.constant 0 : i32
        %scatter3A_961 = arith.constant 0 : i32
        %scatter3A_962 = tpu.memref_slice %arg7[%scan3A_444, %scatter3A_960, %scatter3A_961] : memref<2x8x1024xf32, #tpu.memory_space<vmem>> -> memref<1x8x1024xf32, #tpu.memory_space<vmem>>
        %scatter3A_963 = tpu.memref_squeeze %scatter3A_962 : memref<1x8x1024xf32, #tpu.memory_space<vmem>> -> memref<8x1024xf32, #tpu.memory_space<vmem>>
        tpu.vector_store_idx %scatter3A_963[%add3A_959, %add3A_933], %gather3A_956 : memref<8x1024xf32, #tpu.memory_space<vmem>>[vector<16xi32>, vector<16xi32>], vector<16xf32>,
        %add3A_964 = arith.constant 32 : i32
        %add3A_965 = vector.broadcast %add3A_964 : i32 to vector<16xi32>
        %add3A_966 = arith.addi %and3A_49, %add3A_965 : vector<16xi32>
        %gather3A_967 = arith.constant 0 : i32
        %gather3A_968 = arith.constant 0 : i32
        %gather3A_969 = tpu.memref_slice %arg6[%scan3A_443, %gather3A_967, %gather3A_968] : memref<2x128x64xf32, #tpu.memory_space<vmem>> -> memref<1x128x64xf32, #tpu.memory_space<vmem>>
        %gather3A_970 = tpu.memref_squeeze %gather3A_969 : memref<1x128x64xf32, #tpu.memory_space<vmem>> -> memref<128x64xf32, #tpu.memory_space<vmem>>
        %gather3A_971 = tpu.vector_load_idx %gather3A_970[%add3A_483, %add3A_966] : memref<128x64xf32, #tpu.memory_space<vmem>>[vector<16xi32>, vector<16xi32>], vector<16xf32>,
        %add3A_972 = arith.constant 4 : i32
        %add3A_973 = vector.broadcast %add3A_972 : i32 to vector<16xi32>
        %add3A_974 = arith.addi %shift_right_arithmetic3A_120, %add3A_973 : vector<16xi32>
        %scatter3A_975 = arith.constant 0 : i32
        %scatter3A_976 = arith.constant 0 : i32
        %scatter3A_977 = tpu.memref_slice %arg7[%scan3A_444, %scatter3A_975, %scatter3A_976] : memref<2x8x1024xf32, #tpu.memory_space<vmem>> -> memref<1x8x1024xf32, #tpu.memory_space<vmem>>
        %scatter3A_978 = tpu.memref_squeeze %scatter3A_977 : memref<1x8x1024xf32, #tpu.memory_space<vmem>> -> memref<8x1024xf32, #tpu.memory_space<vmem>>
        tpu.vector_store_idx %scatter3A_978[%add3A_974, %add3A_933], %gather3A_971 : memref<8x1024xf32, #tpu.memory_space<vmem>>[vector<16xi32>, vector<16xi32>], vector<16xf32>,
        %add3A_979 = arith.constant 48 : i32
        %add3A_980 = vector.broadcast %add3A_979 : i32 to vector<16xi32>
        %add3A_981 = arith.addi %and3A_49, %add3A_980 : vector<16xi32>
        %gather3A_982 = arith.constant 0 : i32
        %gather3A_983 = arith.constant 0 : i32
        %gather3A_984 = tpu.memref_slice %arg6[%scan3A_443, %gather3A_982, %gather3A_983] : memref<2x128x64xf32, #tpu.memory_space<vmem>> -> memref<1x128x64xf32, #tpu.memory_space<vmem>>
        %gather3A_985 = tpu.memref_squeeze %gather3A_984 : memref<1x128x64xf32, #tpu.memory_space<vmem>> -> memref<128x64xf32, #tpu.memory_space<vmem>>
        %gather3A_986 = tpu.vector_load_idx %gather3A_985[%add3A_483, %add3A_981] : memref<128x64xf32, #tpu.memory_space<vmem>>[vector<16xi32>, vector<16xi32>], vector<16xf32>,
        %add3A_987 = arith.constant 6 : i32
        %add3A_988 = vector.broadcast %add3A_987 : i32 to vector<16xi32>
        %add3A_989 = arith.addi %shift_right_arithmetic3A_120, %add3A_988 : vector<16xi32>
        %scatter3A_990 = arith.constant 0 : i32
        %scatter3A_991 = arith.constant 0 : i32
        %scatter3A_992 = tpu.memref_slice %arg7[%scan3A_444, %scatter3A_990, %scatter3A_991] : memref<2x8x1024xf32, #tpu.memory_space<vmem>> -> memref<1x8x1024xf32, #tpu.memory_space<vmem>>
        %scatter3A_993 = tpu.memref_squeeze %scatter3A_992 : memref<1x8x1024xf32, #tpu.memory_space<vmem>> -> memref<8x1024xf32, #tpu.memory_space<vmem>>
        tpu.vector_store_idx %scatter3A_993[%add3A_989, %add3A_933], %gather3A_986 : memref<8x1024xf32, #tpu.memory_space<vmem>>[vector<16xi32>, vector<16xi32>], vector<16xf32>,
        %mul3A_994 = arith.constant 16 : i32
        %mul3A_995 = arith.muli %mul3A_994, %scan3A_479 : i32
        %add3A_996 = vector.broadcast %mul3A_995 : i32 to vector<16xi32>
        %add3A_997 = arith.addi %add3A_234, %add3A_996 : vector<16xi32>
        %add3A_998 = arith.constant 0 : i32
        %add3A_999 = vector.broadcast %add3A_998 : i32 to vector<16xi32>
        %add3A_1000 = arith.addi %and3A_55, %add3A_999 : vector<16xi32>
        %gather3A_1001 = arith.constant 0 : i32
        %gather3A_1002 = arith.constant 0 : i32
        %gather3A_1003 = tpu.memref_slice %arg6[%scan3A_443, %gather3A_1001, %gather3A_1002] : memref<2x128x64xf32, #tpu.memory_space<vmem>> -> memref<1x128x64xf32, #tpu.memory_space<vmem>>
        %gather3A_1004 = tpu.memref_squeeze %gather3A_1003 : memref<1x128x64xf32, #tpu.memory_space<vmem>> -> memref<128x64xf32, #tpu.memory_space<vmem>>
        %gather3A_1005 = tpu.vector_load_idx %gather3A_1004[%add3A_483, %add3A_1000] : memref<128x64xf32, #tpu.memory_space<vmem>>[vector<16xi32>, vector<16xi32>], vector<16xf32>,
        %add3A_1006 = arith.constant 0 : i32
        %add3A_1007 = vector.broadcast %add3A_1006 : i32 to vector<16xi32>
        %add3A_1008 = arith.addi %shift_right_arithmetic3A_123, %add3A_1007 : vector<16xi32>
        %scatter3A_1009 = arith.constant 0 : i32
        %scatter3A_1010 = arith.constant 0 : i32
        %scatter3A_1011 = tpu.memref_slice %arg7[%scan3A_444, %scatter3A_1009, %scatter3A_1010] : memref<2x8x1024xf32, #tpu.memory_space<vmem>> -> memref<1x8x1024xf32, #tpu.memory_space<vmem>>
        %scatter3A_1012 = tpu.memref_squeeze %scatter3A_1011 : memref<1x8x1024xf32, #tpu.memory_space<vmem>> -> memref<8x1024xf32, #tpu.memory_space<vmem>>
        tpu.vector_store_idx %scatter3A_1012[%add3A_1008, %add3A_997], %gather3A_1005 : memref<8x1024xf32, #tpu.memory_space<vmem>>[vector<16xi32>, vector<16xi32>], vector<16xf32>,
        %add3A_1013 = arith.constant 16 : i32
        %add3A_1014 = vector.broadcast %add3A_1013 : i32 to vector<16xi32>
        %add3A_1015 = arith.addi %and3A_55, %add3A_1014 : vector<16xi32>
        %gather3A_1016 = arith.constant 0 : i32
        %gather3A_1017 = arith.constant 0 : i32
        %gather3A_1018 = tpu.memref_slice %arg6[%scan3A_443, %gather3A_1016, %gather3A_1017] : memref<2x128x64xf32, #tpu.memory_space<vmem>> -> memref<1x128x64xf32, #tpu.memory_space<vmem>>
        %gather3A_1019 = tpu.memref_squeeze %gather3A_1018 : memref<1x128x64xf32, #tpu.memory_space<vmem>> -> memref<128x64xf32, #tpu.memory_space<vmem>>
        %gather3A_1020 = tpu.vector_load_idx %gather3A_1019[%add3A_483, %add3A_1015] : memref<128x64xf32, #tpu.memory_space<vmem>>[vector<16xi32>, vector<16xi32>], vector<16xf32>,
        %add3A_1021 = arith.constant 2 : i32
        %add3A_1022 = vector.broadcast %add3A_1021 : i32 to vector<16xi32>
        %add3A_1023 = arith.addi %shift_right_arithmetic3A_123, %add3A_1022 : vector<16xi32>
        %scatter3A_1024 = arith.constant 0 : i32
        %scatter3A_1025 = arith.constant 0 : i32
        %scatter3A_1026 = tpu.memref_slice %arg7[%scan3A_444, %scatter3A_1024, %scatter3A_1025] : memref<2x8x1024xf32, #tpu.memory_space<vmem>> -> memref<1x8x1024xf32, #tpu.memory_space<vmem>>
        %scatter3A_1027 = tpu.memref_squeeze %scatter3A_1026 : memref<1x8x1024xf32, #tpu.memory_space<vmem>> -> memref<8x1024xf32, #tpu.memory_space<vmem>>
        tpu.vector_store_idx %scatter3A_1027[%add3A_1023, %add3A_997], %gather3A_1020 : memref<8x1024xf32, #tpu.memory_space<vmem>>[vector<16xi32>, vector<16xi32>], vector<16xf32>,
        %add3A_1028 = arith.constant 32 : i32
        %add3A_1029 = vector.broadcast %add3A_1028 : i32 to vector<16xi32>
        %add3A_1030 = arith.addi %and3A_55, %add3A_1029 : vector<16xi32>
        %gather3A_1031 = arith.constant 0 : i32
        %gather3A_1032 = arith.constant 0 : i32
        %gather3A_1033 = tpu.memref_slice %arg6[%scan3A_443, %gather3A_1031, %gather3A_1032] : memref<2x128x64xf32, #tpu.memory_space<vmem>> -> memref<1x128x64xf32, #tpu.memory_space<vmem>>
        %gather3A_1034 = tpu.memref_squeeze %gather3A_1033 : memref<1x128x64xf32, #tpu.memory_space<vmem>> -> memref<128x64xf32, #tpu.memory_space<vmem>>
        %gather3A_1035 = tpu.vector_load_idx %gather3A_1034[%add3A_483, %add3A_1030] : memref<128x64xf32, #tpu.memory_space<vmem>>[vector<16xi32>, vector<16xi32>], vector<16xf32>,
        %add3A_1036 = arith.constant 4 : i32
        %add3A_1037 = vector.broadcast %add3A_1036 : i32 to vector<16xi32>
        %add3A_1038 = arith.addi %shift_right_arithmetic3A_123, %add3A_1037 : vector<16xi32>
        %scatter3A_1039 = arith.constant 0 : i32
        %scatter3A_1040 = arith.constant 0 : i32
        %scatter3A_1041 = tpu.memref_slice %arg7[%scan3A_444, %scatter3A_1039, %scatter3A_1040] : memref<2x8x1024xf32, #tpu.memory_space<vmem>> -> memref<1x8x1024xf32, #tpu.memory_space<vmem>>
        %scatter3A_1042 = tpu.memref_squeeze %scatter3A_1041 : memref<1x8x1024xf32, #tpu.memory_space<vmem>> -> memref<8x1024xf32, #tpu.memory_space<vmem>>
        tpu.vector_store_idx %scatter3A_1042[%add3A_1038, %add3A_997], %gather3A_1035 : memref<8x1024xf32, #tpu.memory_space<vmem>>[vector<16xi32>, vector<16xi32>], vector<16xf32>,
        %add3A_1043 = arith.constant 48 : i32
        %add3A_1044 = vector.broadcast %add3A_1043 : i32 to vector<16xi32>
        %add3A_1045 = arith.addi %and3A_55, %add3A_1044 : vector<16xi32>
        %gather3A_1046 = arith.constant 0 : i32
        %gather3A_1047 = arith.constant 0 : i32
        %gather3A_1048 = tpu.memref_slice %arg6[%scan3A_443, %gather3A_1046, %gather3A_1047] : memref<2x128x64xf32, #tpu.memory_space<vmem>> -> memref<1x128x64xf32, #tpu.memory_space<vmem>>
        %gather3A_1049 = tpu.memref_squeeze %gather3A_1048 : memref<1x128x64xf32, #tpu.memory_space<vmem>> -> memref<128x64xf32, #tpu.memory_space<vmem>>
        %gather3A_1050 = tpu.vector_load_idx %gather3A_1049[%add3A_483, %add3A_1045] : memref<128x64xf32, #tpu.memory_space<vmem>>[vector<16xi32>, vector<16xi32>], vector<16xf32>,
        %add3A_1051 = arith.constant 6 : i32
        %add3A_1052 = vector.broadcast %add3A_1051 : i32 to vector<16xi32>
        %add3A_1053 = arith.addi %shift_right_arithmetic3A_123, %add3A_1052 : vector<16xi32>
        %scatter3A_1054 = arith.constant 0 : i32
        %scatter3A_1055 = arith.constant 0 : i32
        %scatter3A_1056 = tpu.memref_slice %arg7[%scan3A_444, %scatter3A_1054, %scatter3A_1055] : memref<2x8x1024xf32, #tpu.memory_space<vmem>> -> memref<1x8x1024xf32, #tpu.memory_space<vmem>>
        %scatter3A_1057 = tpu.memref_squeeze %scatter3A_1056 : memref<1x8x1024xf32, #tpu.memory_space<vmem>> -> memref<8x1024xf32, #tpu.memory_space<vmem>>
        tpu.vector_store_idx %scatter3A_1057[%add3A_1053, %add3A_997], %gather3A_1050 : memref<8x1024xf32, #tpu.memory_space<vmem>>[vector<16xi32>, vector<16xi32>], vector<16xf32>,
        %mul3A_1058 = arith.constant 16 : i32
        %mul3A_1059 = arith.muli %mul3A_1058, %scan3A_479 : i32
        %add3A_1060 = vector.broadcast %mul3A_1059 : i32 to vector<16xi32>
        %add3A_1061 = arith.addi %add3A_244, %add3A_1060 : vector<16xi32>
        %add3A_1062 = arith.constant 0 : i32
        %add3A_1063 = vector.broadcast %add3A_1062 : i32 to vector<16xi32>
        %add3A_1064 = arith.addi %and3A_61, %add3A_1063 : vector<16xi32>
        %gather3A_1065 = arith.constant 0 : i32
        %gather3A_1066 = arith.constant 0 : i32
        %gather3A_1067 = tpu.memref_slice %arg6[%scan3A_443, %gather3A_1065, %gather3A_1066] : memref<2x128x64xf32, #tpu.memory_space<vmem>> -> memref<1x128x64xf32, #tpu.memory_space<vmem>>
        %gather3A_1068 = tpu.memref_squeeze %gather3A_1067 : memref<1x128x64xf32, #tpu.memory_space<vmem>> -> memref<128x64xf32, #tpu.memory_space<vmem>>
        %gather3A_1069 = tpu.vector_load_idx %gather3A_1068[%add3A_483, %add3A_1064] : memref<128x64xf32, #tpu.memory_space<vmem>>[vector<16xi32>, vector<16xi32>], vector<16xf32>,
        %add3A_1070 = arith.constant 0 : i32
        %add3A_1071 = vector.broadcast %add3A_1070 : i32 to vector<16xi32>
        %add3A_1072 = arith.addi %shift_right_arithmetic3A_126, %add3A_1071 : vector<16xi32>
        %scatter3A_1073 = arith.constant 0 : i32
        %scatter3A_1074 = arith.constant 0 : i32
        %scatter3A_1075 = tpu.memref_slice %arg7[%scan3A_444, %scatter3A_1073, %scatter3A_1074] : memref<2x8x1024xf32, #tpu.memory_space<vmem>> -> memref<1x8x1024xf32, #tpu.memory_space<vmem>>
        %scatter3A_1076 = tpu.memref_squeeze %scatter3A_1075 : memref<1x8x1024xf32, #tpu.memory_space<vmem>> -> memref<8x1024xf32, #tpu.memory_space<vmem>>
        tpu.vector_store_idx %scatter3A_1076[%add3A_1072, %add3A_1061], %gather3A_1069 : memref<8x1024xf32, #tpu.memory_space<vmem>>[vector<16xi32>, vector<16xi32>], vector<16xf32>,
        %add3A_1077 = arith.constant 16 : i32
        %add3A_1078 = vector.broadcast %add3A_1077 : i32 to vector<16xi32>
        %add3A_1079 = arith.addi %and3A_61, %add3A_1078 : vector<16xi32>
        %gather3A_1080 = arith.constant 0 : i32
        %gather3A_1081 = arith.constant 0 : i32
        %gather3A_1082 = tpu.memref_slice %arg6[%scan3A_443, %gather3A_1080, %gather3A_1081] : memref<2x128x64xf32, #tpu.memory_space<vmem>> -> memref<1x128x64xf32, #tpu.memory_space<vmem>>
        %gather3A_1083 = tpu.memref_squeeze %gather3A_1082 : memref<1x128x64xf32, #tpu.memory_space<vmem>> -> memref<128x64xf32, #tpu.memory_space<vmem>>
        %gather3A_1084 = tpu.vector_load_idx %gather3A_1083[%add3A_483, %add3A_1079] : memref<128x64xf32, #tpu.memory_space<vmem>>[vector<16xi32>, vector<16xi32>], vector<16xf32>,
        %add3A_1085 = arith.constant 2 : i32
        %add3A_1086 = vector.broadcast %add3A_1085 : i32 to vector<16xi32>
        %add3A_1087 = arith.addi %shift_right_arithmetic3A_126, %add3A_1086 : vector<16xi32>
        %scatter3A_1088 = arith.constant 0 : i32
        %scatter3A_1089 = arith.constant 0 : i32
        %scatter3A_1090 = tpu.memref_slice %arg7[%scan3A_444, %scatter3A_1088, %scatter3A_1089] : memref<2x8x1024xf32, #tpu.memory_space<vmem>> -> memref<1x8x1024xf32, #tpu.memory_space<vmem>>
        %scatter3A_1091 = tpu.memref_squeeze %scatter3A_1090 : memref<1x8x1024xf32, #tpu.memory_space<vmem>> -> memref<8x1024xf32, #tpu.memory_space<vmem>>
        tpu.vector_store_idx %scatter3A_1091[%add3A_1087, %add3A_1061], %gather3A_1084 : memref<8x1024xf32, #tpu.memory_space<vmem>>[vector<16xi32>, vector<16xi32>], vector<16xf32>,
        %add3A_1092 = arith.constant 32 : i32
        %add3A_1093 = vector.broadcast %add3A_1092 : i32 to vector<16xi32>
        %add3A_1094 = arith.addi %and3A_61, %add3A_1093 : vector<16xi32>
        %gather3A_1095 = arith.constant 0 : i32
        %gather3A_1096 = arith.constant 0 : i32
        %gather3A_1097 = tpu.memref_slice %arg6[%scan3A_443, %gather3A_1095, %gather3A_1096] : memref<2x128x64xf32, #tpu.memory_space<vmem>> -> memref<1x128x64xf32, #tpu.memory_space<vmem>>
        %gather3A_1098 = tpu.memref_squeeze %gather3A_1097 : memref<1x128x64xf32, #tpu.memory_space<vmem>> -> memref<128x64xf32, #tpu.memory_space<vmem>>
        %gather3A_1099 = tpu.vector_load_idx %gather3A_1098[%add3A_483, %add3A_1094] : memref<128x64xf32, #tpu.memory_space<vmem>>[vector<16xi32>, vector<16xi32>], vector<16xf32>,
        %add3A_1100 = arith.constant 4 : i32
        %add3A_1101 = vector.broadcast %add3A_1100 : i32 to vector<16xi32>
        %add3A_1102 = arith.addi %shift_right_arithmetic3A_126, %add3A_1101 : vector<16xi32>
        %scatter3A_1103 = arith.constant 0 : i32
        %scatter3A_1104 = arith.constant 0 : i32
        %scatter3A_1105 = tpu.memref_slice %arg7[%scan3A_444, %scatter3A_1103, %scatter3A_1104] : memref<2x8x1024xf32, #tpu.memory_space<vmem>> -> memref<1x8x1024xf32, #tpu.memory_space<vmem>>
        %scatter3A_1106 = tpu.memref_squeeze %scatter3A_1105 : memref<1x8x1024xf32, #tpu.memory_space<vmem>> -> memref<8x1024xf32, #tpu.memory_space<vmem>>
        tpu.vector_store_idx %scatter3A_1106[%add3A_1102, %add3A_1061], %gather3A_1099 : memref<8x1024xf32, #tpu.memory_space<vmem>>[vector<16xi32>, vector<16xi32>], vector<16xf32>,
        %add3A_1107 = arith.constant 48 : i32
        %add3A_1108 = vector.broadcast %add3A_1107 : i32 to vector<16xi32>
        %add3A_1109 = arith.addi %and3A_61, %add3A_1108 : vector<16xi32>
        %gather3A_1110 = arith.constant 0 : i32
        %gather3A_1111 = arith.constant 0 : i32
        %gather3A_1112 = tpu.memref_slice %arg6[%scan3A_443, %gather3A_1110, %gather3A_1111] : memref<2x128x64xf32, #tpu.memory_space<vmem>> -> memref<1x128x64xf32, #tpu.memory_space<vmem>>
        %gather3A_1113 = tpu.memref_squeeze %gather3A_1112 : memref<1x128x64xf32, #tpu.memory_space<vmem>> -> memref<128x64xf32, #tpu.memory_space<vmem>>
        %gather3A_1114 = tpu.vector_load_idx %gather3A_1113[%add3A_483, %add3A_1109] : memref<128x64xf32, #tpu.memory_space<vmem>>[vector<16xi32>, vector<16xi32>], vector<16xf32>,
        %add3A_1115 = arith.constant 6 : i32
        %add3A_1116 = vector.broadcast %add3A_1115 : i32 to vector<16xi32>
        %add3A_1117 = arith.addi %shift_right_arithmetic3A_126, %add3A_1116 : vector<16xi32>
        %scatter3A_1118 = arith.constant 0 : i32
        %scatter3A_1119 = arith.constant 0 : i32
        %scatter3A_1120 = tpu.memref_slice %arg7[%scan3A_444, %scatter3A_1118, %scatter3A_1119] : memref<2x8x1024xf32, #tpu.memory_space<vmem>> -> memref<1x8x1024xf32, #tpu.memory_space<vmem>>
        %scatter3A_1121 = tpu.memref_squeeze %scatter3A_1120 : memref<1x8x1024xf32, #tpu.memory_space<vmem>> -> memref<8x1024xf32, #tpu.memory_space<vmem>>
        tpu.vector_store_idx %scatter3A_1121[%add3A_1117, %add3A_1061], %gather3A_1114 : memref<8x1024xf32, #tpu.memory_space<vmem>>[vector<16xi32>, vector<16xi32>], vector<16xf32>,
        %mul3A_1122 = arith.constant 16 : i32
        %mul3A_1123 = arith.muli %mul3A_1122, %scan3A_479 : i32
        %add3A_1124 = vector.broadcast %mul3A_1123 : i32 to vector<16xi32>
        %add3A_1125 = arith.addi %add3A_254, %add3A_1124 : vector<16xi32>
        %add3A_1126 = arith.constant 0 : i32
        %add3A_1127 = vector.broadcast %add3A_1126 : i32 to vector<16xi32>
        %add3A_1128 = arith.addi %and3A_67, %add3A_1127 : vector<16xi32>
        %gather3A_1129 = arith.constant 0 : i32
        %gather3A_1130 = arith.constant 0 : i32
        %gather3A_1131 = tpu.memref_slice %arg6[%scan3A_443, %gather3A_1129, %gather3A_1130] : memref<2x128x64xf32, #tpu.memory_space<vmem>> -> memref<1x128x64xf32, #tpu.memory_space<vmem>>
        %gather3A_1132 = tpu.memref_squeeze %gather3A_1131 : memref<1x128x64xf32, #tpu.memory_space<vmem>> -> memref<128x64xf32, #tpu.memory_space<vmem>>
        %gather3A_1133 = tpu.vector_load_idx %gather3A_1132[%add3A_483, %add3A_1128] : memref<128x64xf32, #tpu.memory_space<vmem>>[vector<16xi32>, vector<16xi32>], vector<16xf32>,
        %add3A_1134 = arith.constant 0 : i32
        %add3A_1135 = vector.broadcast %add3A_1134 : i32 to vector<16xi32>
        %add3A_1136 = arith.addi %shift_right_arithmetic3A_129, %add3A_1135 : vector<16xi32>
        %scatter3A_1137 = arith.constant 0 : i32
        %scatter3A_1138 = arith.constant 0 : i32
        %scatter3A_1139 = tpu.memref_slice %arg7[%scan3A_444, %scatter3A_1137, %scatter3A_1138] : memref<2x8x1024xf32, #tpu.memory_space<vmem>> -> memref<1x8x1024xf32, #tpu.memory_space<vmem>>
        %scatter3A_1140 = tpu.memref_squeeze %scatter3A_1139 : memref<1x8x1024xf32, #tpu.memory_space<vmem>> -> memref<8x1024xf32, #tpu.memory_space<vmem>>
        tpu.vector_store_idx %scatter3A_1140[%add3A_1136, %add3A_1125], %gather3A_1133 : memref<8x1024xf32, #tpu.memory_space<vmem>>[vector<16xi32>, vector<16xi32>], vector<16xf32>,
        %add3A_1141 = arith.constant 16 : i32
        %add3A_1142 = vector.broadcast %add3A_1141 : i32 to vector<16xi32>
        %add3A_1143 = arith.addi %and3A_67, %add3A_1142 : vector<16xi32>
        %gather3A_1144 = arith.constant 0 : i32
        %gather3A_1145 = arith.constant 0 : i32
        %gather3A_1146 = tpu.memref_slice %arg6[%scan3A_443, %gather3A_1144, %gather3A_1145] : memref<2x128x64xf32, #tpu.memory_space<vmem>> -> memref<1x128x64xf32, #tpu.memory_space<vmem>>
        %gather3A_1147 = tpu.memref_squeeze %gather3A_1146 : memref<1x128x64xf32, #tpu.memory_space<vmem>> -> memref<128x64xf32, #tpu.memory_space<vmem>>
        %gather3A_1148 = tpu.vector_load_idx %gather3A_1147[%add3A_483, %add3A_1143] : memref<128x64xf32, #tpu.memory_space<vmem>>[vector<16xi32>, vector<16xi32>], vector<16xf32>,
        %add3A_1149 = arith.constant 2 : i32
        %add3A_1150 = vector.broadcast %add3A_1149 : i32 to vector<16xi32>
        %add3A_1151 = arith.addi %shift_right_arithmetic3A_129, %add3A_1150 : vector<16xi32>
        %scatter3A_1152 = arith.constant 0 : i32
        %scatter3A_1153 = arith.constant 0 : i32
        %scatter3A_1154 = tpu.memref_slice %arg7[%scan3A_444, %scatter3A_1152, %scatter3A_1153] : memref<2x8x1024xf32, #tpu.memory_space<vmem>> -> memref<1x8x1024xf32, #tpu.memory_space<vmem>>
        %scatter3A_1155 = tpu.memref_squeeze %scatter3A_1154 : memref<1x8x1024xf32, #tpu.memory_space<vmem>> -> memref<8x1024xf32, #tpu.memory_space<vmem>>
        tpu.vector_store_idx %scatter3A_1155[%add3A_1151, %add3A_1125], %gather3A_1148 : memref<8x1024xf32, #tpu.memory_space<vmem>>[vector<16xi32>, vector<16xi32>], vector<16xf32>,
        %add3A_1156 = arith.constant 32 : i32
        %add3A_1157 = vector.broadcast %add3A_1156 : i32 to vector<16xi32>
        %add3A_1158 = arith.addi %and3A_67, %add3A_1157 : vector<16xi32>
        %gather3A_1159 = arith.constant 0 : i32
        %gather3A_1160 = arith.constant 0 : i32
        %gather3A_1161 = tpu.memref_slice %arg6[%scan3A_443, %gather3A_1159, %gather3A_1160] : memref<2x128x64xf32, #tpu.memory_space<vmem>> -> memref<1x128x64xf32, #tpu.memory_space<vmem>>
        %gather3A_1162 = tpu.memref_squeeze %gather3A_1161 : memref<1x128x64xf32, #tpu.memory_space<vmem>> -> memref<128x64xf32, #tpu.memory_space<vmem>>
        %gather3A_1163 = tpu.vector_load_idx %gather3A_1162[%add3A_483, %add3A_1158] : memref<128x64xf32, #tpu.memory_space<vmem>>[vector<16xi32>, vector<16xi32>], vector<16xf32>,
        %add3A_1164 = arith.constant 4 : i32
        %add3A_1165 = vector.broadcast %add3A_1164 : i32 to vector<16xi32>
        %add3A_1166 = arith.addi %shift_right_arithmetic3A_129, %add3A_1165 : vector<16xi32>
        %scatter3A_1167 = arith.constant 0 : i32
        %scatter3A_1168 = arith.constant 0 : i32
        %scatter3A_1169 = tpu.memref_slice %arg7[%scan3A_444, %scatter3A_1167, %scatter3A_1168] : memref<2x8x1024xf32, #tpu.memory_space<vmem>> -> memref<1x8x1024xf32, #tpu.memory_space<vmem>>
        %scatter3A_1170 = tpu.memref_squeeze %scatter3A_1169 : memref<1x8x1024xf32, #tpu.memory_space<vmem>> -> memref<8x1024xf32, #tpu.memory_space<vmem>>
        tpu.vector_store_idx %scatter3A_1170[%add3A_1166, %add3A_1125], %gather3A_1163 : memref<8x1024xf32, #tpu.memory_space<vmem>>[vector<16xi32>, vector<16xi32>], vector<16xf32>,
        %add3A_1171 = arith.constant 48 : i32
        %add3A_1172 = vector.broadcast %add3A_1171 : i32 to vector<16xi32>
        %add3A_1173 = arith.addi %and3A_67, %add3A_1172 : vector<16xi32>
        %gather3A_1174 = arith.constant 0 : i32
        %gather3A_1175 = arith.constant 0 : i32
        %gather3A_1176 = tpu.memref_slice %arg6[%scan3A_443, %gather3A_1174, %gather3A_1175] : memref<2x128x64xf32, #tpu.memory_space<vmem>> -> memref<1x128x64xf32, #tpu.memory_space<vmem>>
        %gather3A_1177 = tpu.memref_squeeze %gather3A_1176 : memref<1x128x64xf32, #tpu.memory_space<vmem>> -> memref<128x64xf32, #tpu.memory_space<vmem>>
        %gather3A_1178 = tpu.vector_load_idx %gather3A_1177[%add3A_483, %add3A_1173] : memref<128x64xf32, #tpu.memory_space<vmem>>[vector<16xi32>, vector<16xi32>], vector<16xf32>,
        %add3A_1179 = arith.constant 6 : i32
        %add3A_1180 = vector.broadcast %add3A_1179 : i32 to vector<16xi32>
        %add3A_1181 = arith.addi %shift_right_arithmetic3A_129, %add3A_1180 : vector<16xi32>
        %scatter3A_1182 = arith.constant 0 : i32
        %scatter3A_1183 = arith.constant 0 : i32
        %scatter3A_1184 = tpu.memref_slice %arg7[%scan3A_444, %scatter3A_1182, %scatter3A_1183] : memref<2x8x1024xf32, #tpu.memory_space<vmem>> -> memref<1x8x1024xf32, #tpu.memory_space<vmem>>
        %scatter3A_1185 = tpu.memref_squeeze %scatter3A_1184 : memref<1x8x1024xf32, #tpu.memory_space<vmem>> -> memref<8x1024xf32, #tpu.memory_space<vmem>>
        tpu.vector_store_idx %scatter3A_1185[%add3A_1181, %add3A_1125], %gather3A_1178 : memref<8x1024xf32, #tpu.memory_space<vmem>>[vector<16xi32>, vector<16xi32>], vector<16xf32>,
        %mul3A_1186 = arith.constant 16 : i32
        %mul3A_1187 = arith.muli %mul3A_1186, %scan3A_479 : i32
        %add3A_1188 = vector.broadcast %mul3A_1187 : i32 to vector<16xi32>
        %add3A_1189 = arith.addi %add3A_264, %add3A_1188 : vector<16xi32>
        %add3A_1190 = arith.constant 0 : i32
        %add3A_1191 = vector.broadcast %add3A_1190 : i32 to vector<16xi32>
        %add3A_1192 = arith.addi %and3A_73, %add3A_1191 : vector<16xi32>
        %gather3A_1193 = arith.constant 0 : i32
        %gather3A_1194 = arith.constant 0 : i32
        %gather3A_1195 = tpu.memref_slice %arg6[%scan3A_443, %gather3A_1193, %gather3A_1194] : memref<2x128x64xf32, #tpu.memory_space<vmem>> -> memref<1x128x64xf32, #tpu.memory_space<vmem>>
        %gather3A_1196 = tpu.memref_squeeze %gather3A_1195 : memref<1x128x64xf32, #tpu.memory_space<vmem>> -> memref<128x64xf32, #tpu.memory_space<vmem>>
        %gather3A_1197 = tpu.vector_load_idx %gather3A_1196[%add3A_483, %add3A_1192] : memref<128x64xf32, #tpu.memory_space<vmem>>[vector<16xi32>, vector<16xi32>], vector<16xf32>,
        %add3A_1198 = arith.constant 0 : i32
        %add3A_1199 = vector.broadcast %add3A_1198 : i32 to vector<16xi32>
        %add3A_1200 = arith.addi %shift_right_arithmetic3A_132, %add3A_1199 : vector<16xi32>
        %scatter3A_1201 = arith.constant 0 : i32
        %scatter3A_1202 = arith.constant 0 : i32
        %scatter3A_1203 = tpu.memref_slice %arg7[%scan3A_444, %scatter3A_1201, %scatter3A_1202] : memref<2x8x1024xf32, #tpu.memory_space<vmem>> -> memref<1x8x1024xf32, #tpu.memory_space<vmem>>
        %scatter3A_1204 = tpu.memref_squeeze %scatter3A_1203 : memref<1x8x1024xf32, #tpu.memory_space<vmem>> -> memref<8x1024xf32, #tpu.memory_space<vmem>>
        tpu.vector_store_idx %scatter3A_1204[%add3A_1200, %add3A_1189], %gather3A_1197 : memref<8x1024xf32, #tpu.memory_space<vmem>>[vector<16xi32>, vector<16xi32>], vector<16xf32>,
        %add3A_1205 = arith.constant 16 : i32
        %add3A_1206 = vector.broadcast %add3A_1205 : i32 to vector<16xi32>
        %add3A_1207 = arith.addi %and3A_73, %add3A_1206 : vector<16xi32>
        %gather3A_1208 = arith.constant 0 : i32
        %gather3A_1209 = arith.constant 0 : i32
        %gather3A_1210 = tpu.memref_slice %arg6[%scan3A_443, %gather3A_1208, %gather3A_1209] : memref<2x128x64xf32, #tpu.memory_space<vmem>> -> memref<1x128x64xf32, #tpu.memory_space<vmem>>
        %gather3A_1211 = tpu.memref_squeeze %gather3A_1210 : memref<1x128x64xf32, #tpu.memory_space<vmem>> -> memref<128x64xf32, #tpu.memory_space<vmem>>
        %gather3A_1212 = tpu.vector_load_idx %gather3A_1211[%add3A_483, %add3A_1207] : memref<128x64xf32, #tpu.memory_space<vmem>>[vector<16xi32>, vector<16xi32>], vector<16xf32>,
        %add3A_1213 = arith.constant 2 : i32
        %add3A_1214 = vector.broadcast %add3A_1213 : i32 to vector<16xi32>
        %add3A_1215 = arith.addi %shift_right_arithmetic3A_132, %add3A_1214 : vector<16xi32>
        %scatter3A_1216 = arith.constant 0 : i32
        %scatter3A_1217 = arith.constant 0 : i32
        %scatter3A_1218 = tpu.memref_slice %arg7[%scan3A_444, %scatter3A_1216, %scatter3A_1217] : memref<2x8x1024xf32, #tpu.memory_space<vmem>> -> memref<1x8x1024xf32, #tpu.memory_space<vmem>>
        %scatter3A_1219 = tpu.memref_squeeze %scatter3A_1218 : memref<1x8x1024xf32, #tpu.memory_space<vmem>> -> memref<8x1024xf32, #tpu.memory_space<vmem>>
        tpu.vector_store_idx %scatter3A_1219[%add3A_1215, %add3A_1189], %gather3A_1212 : memref<8x1024xf32, #tpu.memory_space<vmem>>[vector<16xi32>, vector<16xi32>], vector<16xf32>,
        %add3A_1220 = arith.constant 32 : i32
        %add3A_1221 = vector.broadcast %add3A_1220 : i32 to vector<16xi32>
        %add3A_1222 = arith.addi %and3A_73, %add3A_1221 : vector<16xi32>
        %gather3A_1223 = arith.constant 0 : i32
        %gather3A_1224 = arith.constant 0 : i32
        %gather3A_1225 = tpu.memref_slice %arg6[%scan3A_443, %gather3A_1223, %gather3A_1224] : memref<2x128x64xf32, #tpu.memory_space<vmem>> -> memref<1x128x64xf32, #tpu.memory_space<vmem>>
        %gather3A_1226 = tpu.memref_squeeze %gather3A_1225 : memref<1x128x64xf32, #tpu.memory_space<vmem>> -> memref<128x64xf32, #tpu.memory_space<vmem>>
        %gather3A_1227 = tpu.vector_load_idx %gather3A_1226[%add3A_483, %add3A_1222] : memref<128x64xf32, #tpu.memory_space<vmem>>[vector<16xi32>, vector<16xi32>], vector<16xf32>,
        %add3A_1228 = arith.constant 4 : i32
        %add3A_1229 = vector.broadcast %add3A_1228 : i32 to vector<16xi32>
        %add3A_1230 = arith.addi %shift_right_arithmetic3A_132, %add3A_1229 : vector<16xi32>
        %scatter3A_1231 = arith.constant 0 : i32
        %scatter3A_1232 = arith.constant 0 : i32
        %scatter3A_1233 = tpu.memref_slice %arg7[%scan3A_444, %scatter3A_1231, %scatter3A_1232] : memref<2x8x1024xf32, #tpu.memory_space<vmem>> -> memref<1x8x1024xf32, #tpu.memory_space<vmem>>
        %scatter3A_1234 = tpu.memref_squeeze %scatter3A_1233 : memref<1x8x1024xf32, #tpu.memory_space<vmem>> -> memref<8x1024xf32, #tpu.memory_space<vmem>>
        tpu.vector_store_idx %scatter3A_1234[%add3A_1230, %add3A_1189], %gather3A_1227 : memref<8x1024xf32, #tpu.memory_space<vmem>>[vector<16xi32>, vector<16xi32>], vector<16xf32>,
        %add3A_1235 = arith.constant 48 : i32
        %add3A_1236 = vector.broadcast %add3A_1235 : i32 to vector<16xi32>
        %add3A_1237 = arith.addi %and3A_73, %add3A_1236 : vector<16xi32>
        %gather3A_1238 = arith.constant 0 : i32
        %gather3A_1239 = arith.constant 0 : i32
        %gather3A_1240 = tpu.memref_slice %arg6[%scan3A_443, %gather3A_1238, %gather3A_1239] : memref<2x128x64xf32, #tpu.memory_space<vmem>> -> memref<1x128x64xf32, #tpu.memory_space<vmem>>
        %gather3A_1241 = tpu.memref_squeeze %gather3A_1240 : memref<1x128x64xf32, #tpu.memory_space<vmem>> -> memref<128x64xf32, #tpu.memory_space<vmem>>
        %gather3A_1242 = tpu.vector_load_idx %gather3A_1241[%add3A_483, %add3A_1237] : memref<128x64xf32, #tpu.memory_space<vmem>>[vector<16xi32>, vector<16xi32>], vector<16xf32>,
        %add3A_1243 = arith.constant 6 : i32
        %add3A_1244 = vector.broadcast %add3A_1243 : i32 to vector<16xi32>
        %add3A_1245 = arith.addi %shift_right_arithmetic3A_132, %add3A_1244 : vector<16xi32>
        %scatter3A_1246 = arith.constant 0 : i32
        %scatter3A_1247 = arith.constant 0 : i32
        %scatter3A_1248 = tpu.memref_slice %arg7[%scan3A_444, %scatter3A_1246, %scatter3A_1247] : memref<2x8x1024xf32, #tpu.memory_space<vmem>> -> memref<1x8x1024xf32, #tpu.memory_space<vmem>>
        %scatter3A_1249 = tpu.memref_squeeze %scatter3A_1248 : memref<1x8x1024xf32, #tpu.memory_space<vmem>> -> memref<8x1024xf32, #tpu.memory_space<vmem>>
        tpu.vector_store_idx %scatter3A_1249[%add3A_1245, %add3A_1189], %gather3A_1242 : memref<8x1024xf32, #tpu.memory_space<vmem>>[vector<16xi32>, vector<16xi32>], vector<16xf32>,
        %mul3A_1250 = arith.constant 16 : i32
        %mul3A_1251 = arith.muli %mul3A_1250, %scan3A_479 : i32
        %add3A_1252 = vector.broadcast %mul3A_1251 : i32 to vector<16xi32>
        %add3A_1253 = arith.addi %add3A_274, %add3A_1252 : vector<16xi32>
        %add3A_1254 = arith.constant 0 : i32
        %add3A_1255 = vector.broadcast %add3A_1254 : i32 to vector<16xi32>
        %add3A_1256 = arith.addi %and3A_79, %add3A_1255 : vector<16xi32>
        %gather3A_1257 = arith.constant 0 : i32
        %gather3A_1258 = arith.constant 0 : i32
        %gather3A_1259 = tpu.memref_slice %arg6[%scan3A_443, %gather3A_1257, %gather3A_1258] : memref<2x128x64xf32, #tpu.memory_space<vmem>> -> memref<1x128x64xf32, #tpu.memory_space<vmem>>
        %gather3A_1260 = tpu.memref_squeeze %gather3A_1259 : memref<1x128x64xf32, #tpu.memory_space<vmem>> -> memref<128x64xf32, #tpu.memory_space<vmem>>
        %gather3A_1261 = tpu.vector_load_idx %gather3A_1260[%add3A_483, %add3A_1256] : memref<128x64xf32, #tpu.memory_space<vmem>>[vector<16xi32>, vector<16xi32>], vector<16xf32>,
        %add3A_1262 = arith.constant 0 : i32
        %add3A_1263 = vector.broadcast %add3A_1262 : i32 to vector<16xi32>
        %add3A_1264 = arith.addi %shift_right_arithmetic3A_135, %add3A_1263 : vector<16xi32>
        %scatter3A_1265 = arith.constant 0 : i32
        %scatter3A_1266 = arith.constant 0 : i32
        %scatter3A_1267 = tpu.memref_slice %arg7[%scan3A_444, %scatter3A_1265, %scatter3A_1266] : memref<2x8x1024xf32, #tpu.memory_space<vmem>> -> memref<1x8x1024xf32, #tpu.memory_space<vmem>>
        %scatter3A_1268 = tpu.memref_squeeze %scatter3A_1267 : memref<1x8x1024xf32, #tpu.memory_space<vmem>> -> memref<8x1024xf32, #tpu.memory_space<vmem>>
        tpu.vector_store_idx %scatter3A_1268[%add3A_1264, %add3A_1253], %gather3A_1261 : memref<8x1024xf32, #tpu.memory_space<vmem>>[vector<16xi32>, vector<16xi32>], vector<16xf32>,
        %add3A_1269 = arith.constant 16 : i32
        %add3A_1270 = vector.broadcast %add3A_1269 : i32 to vector<16xi32>
        %add3A_1271 = arith.addi %and3A_79, %add3A_1270 : vector<16xi32>
        %gather3A_1272 = arith.constant 0 : i32
        %gather3A_1273 = arith.constant 0 : i32
        %gather3A_1274 = tpu.memref_slice %arg6[%scan3A_443, %gather3A_1272, %gather3A_1273] : memref<2x128x64xf32, #tpu.memory_space<vmem>> -> memref<1x128x64xf32, #tpu.memory_space<vmem>>
        %gather3A_1275 = tpu.memref_squeeze %gather3A_1274 : memref<1x128x64xf32, #tpu.memory_space<vmem>> -> memref<128x64xf32, #tpu.memory_space<vmem>>
        %gather3A_1276 = tpu.vector_load_idx %gather3A_1275[%add3A_483, %add3A_1271] : memref<128x64xf32, #tpu.memory_space<vmem>>[vector<16xi32>, vector<16xi32>], vector<16xf32>,
        %add3A_1277 = arith.constant 2 : i32
        %add3A_1278 = vector.broadcast %add3A_1277 : i32 to vector<16xi32>
        %add3A_1279 = arith.addi %shift_right_arithmetic3A_135, %add3A_1278 : vector<16xi32>
        %scatter3A_1280 = arith.constant 0 : i32
        %scatter3A_1281 = arith.constant 0 : i32
        %scatter3A_1282 = tpu.memref_slice %arg7[%scan3A_444, %scatter3A_1280, %scatter3A_1281] : memref<2x8x1024xf32, #tpu.memory_space<vmem>> -> memref<1x8x1024xf32, #tpu.memory_space<vmem>>
        %scatter3A_1283 = tpu.memref_squeeze %scatter3A_1282 : memref<1x8x1024xf32, #tpu.memory_space<vmem>> -> memref<8x1024xf32, #tpu.memory_space<vmem>>
        tpu.vector_store_idx %scatter3A_1283[%add3A_1279, %add3A_1253], %gather3A_1276 : memref<8x1024xf32, #tpu.memory_space<vmem>>[vector<16xi32>, vector<16xi32>], vector<16xf32>,
        %add3A_1284 = arith.constant 32 : i32
        %add3A_1285 = vector.broadcast %add3A_1284 : i32 to vector<16xi32>
        %add3A_1286 = arith.addi %and3A_79, %add3A_1285 : vector<16xi32>
        %gather3A_1287 = arith.constant 0 : i32
        %gather3A_1288 = arith.constant 0 : i32
        %gather3A_1289 = tpu.memref_slice %arg6[%scan3A_443, %gather3A_1287, %gather3A_1288] : memref<2x128x64xf32, #tpu.memory_space<vmem>> -> memref<1x128x64xf32, #tpu.memory_space<vmem>>
        %gather3A_1290 = tpu.memref_squeeze %gather3A_1289 : memref<1x128x64xf32, #tpu.memory_space<vmem>> -> memref<128x64xf32, #tpu.memory_space<vmem>>
        %gather3A_1291 = tpu.vector_load_idx %gather3A_1290[%add3A_483, %add3A_1286] : memref<128x64xf32, #tpu.memory_space<vmem>>[vector<16xi32>, vector<16xi32>], vector<16xf32>,
        %add3A_1292 = arith.constant 4 : i32
        %add3A_1293 = vector.broadcast %add3A_1292 : i32 to vector<16xi32>
        %add3A_1294 = arith.addi %shift_right_arithmetic3A_135, %add3A_1293 : vector<16xi32>
        %scatter3A_1295 = arith.constant 0 : i32
        %scatter3A_1296 = arith.constant 0 : i32
        %scatter3A_1297 = tpu.memref_slice %arg7[%scan3A_444, %scatter3A_1295, %scatter3A_1296] : memref<2x8x1024xf32, #tpu.memory_space<vmem>> -> memref<1x8x1024xf32, #tpu.memory_space<vmem>>
        %scatter3A_1298 = tpu.memref_squeeze %scatter3A_1297 : memref<1x8x1024xf32, #tpu.memory_space<vmem>> -> memref<8x1024xf32, #tpu.memory_space<vmem>>
        tpu.vector_store_idx %scatter3A_1298[%add3A_1294, %add3A_1253], %gather3A_1291 : memref<8x1024xf32, #tpu.memory_space<vmem>>[vector<16xi32>, vector<16xi32>], vector<16xf32>,
        %add3A_1299 = arith.constant 48 : i32
        %add3A_1300 = vector.broadcast %add3A_1299 : i32 to vector<16xi32>
        %add3A_1301 = arith.addi %and3A_79, %add3A_1300 : vector<16xi32>
        %gather3A_1302 = arith.constant 0 : i32
        %gather3A_1303 = arith.constant 0 : i32
        %gather3A_1304 = tpu.memref_slice %arg6[%scan3A_443, %gather3A_1302, %gather3A_1303] : memref<2x128x64xf32, #tpu.memory_space<vmem>> -> memref<1x128x64xf32, #tpu.memory_space<vmem>>
        %gather3A_1305 = tpu.memref_squeeze %gather3A_1304 : memref<1x128x64xf32, #tpu.memory_space<vmem>> -> memref<128x64xf32, #tpu.memory_space<vmem>>
        %gather3A_1306 = tpu.vector_load_idx %gather3A_1305[%add3A_483, %add3A_1301] : memref<128x64xf32, #tpu.memory_space<vmem>>[vector<16xi32>, vector<16xi32>], vector<16xf32>,
        %add3A_1307 = arith.constant 6 : i32
        %add3A_1308 = vector.broadcast %add3A_1307 : i32 to vector<16xi32>
        %add3A_1309 = arith.addi %shift_right_arithmetic3A_135, %add3A_1308 : vector<16xi32>
        %scatter3A_1310 = arith.constant 0 : i32
        %scatter3A_1311 = arith.constant 0 : i32
        %scatter3A_1312 = tpu.memref_slice %arg7[%scan3A_444, %scatter3A_1310, %scatter3A_1311] : memref<2x8x1024xf32, #tpu.memory_space<vmem>> -> memref<1x8x1024xf32, #tpu.memory_space<vmem>>
        %scatter3A_1313 = tpu.memref_squeeze %scatter3A_1312 : memref<1x8x1024xf32, #tpu.memory_space<vmem>> -> memref<8x1024xf32, #tpu.memory_space<vmem>>
        tpu.vector_store_idx %scatter3A_1313[%add3A_1309, %add3A_1253], %gather3A_1306 : memref<8x1024xf32, #tpu.memory_space<vmem>>[vector<16xi32>, vector<16xi32>], vector<16xf32>,
        %mul3A_1314 = arith.constant 16 : i32
        %mul3A_1315 = arith.muli %mul3A_1314, %scan3A_479 : i32
        %add3A_1316 = vector.broadcast %mul3A_1315 : i32 to vector<16xi32>
        %add3A_1317 = arith.addi %add3A_284, %add3A_1316 : vector<16xi32>
        %add3A_1318 = arith.constant 0 : i32
        %add3A_1319 = vector.broadcast %add3A_1318 : i32 to vector<16xi32>
        %add3A_1320 = arith.addi %and3A_85, %add3A_1319 : vector<16xi32>
        %gather3A_1321 = arith.constant 0 : i32
        %gather3A_1322 = arith.constant 0 : i32
        %gather3A_1323 = tpu.memref_slice %arg6[%scan3A_443, %gather3A_1321, %gather3A_1322] : memref<2x128x64xf32, #tpu.memory_space<vmem>> -> memref<1x128x64xf32, #tpu.memory_space<vmem>>
        %gather3A_1324 = tpu.memref_squeeze %gather3A_1323 : memref<1x128x64xf32, #tpu.memory_space<vmem>> -> memref<128x64xf32, #tpu.memory_space<vmem>>
        %gather3A_1325 = tpu.vector_load_idx %gather3A_1324[%add3A_483, %add3A_1320] : memref<128x64xf32, #tpu.memory_space<vmem>>[vector<16xi32>, vector<16xi32>], vector<16xf32>,
        %add3A_1326 = arith.constant 0 : i32
        %add3A_1327 = vector.broadcast %add3A_1326 : i32 to vector<16xi32>
        %add3A_1328 = arith.addi %shift_right_arithmetic3A_138, %add3A_1327 : vector<16xi32>
        %scatter3A_1329 = arith.constant 0 : i32
        %scatter3A_1330 = arith.constant 0 : i32
        %scatter3A_1331 = tpu.memref_slice %arg7[%scan3A_444, %scatter3A_1329, %scatter3A_1330] : memref<2x8x1024xf32, #tpu.memory_space<vmem>> -> memref<1x8x1024xf32, #tpu.memory_space<vmem>>
        %scatter3A_1332 = tpu.memref_squeeze %scatter3A_1331 : memref<1x8x1024xf32, #tpu.memory_space<vmem>> -> memref<8x1024xf32, #tpu.memory_space<vmem>>
        tpu.vector_store_idx %scatter3A_1332[%add3A_1328, %add3A_1317], %gather3A_1325 : memref<8x1024xf32, #tpu.memory_space<vmem>>[vector<16xi32>, vector<16xi32>], vector<16xf32>,
        %add3A_1333 = arith.constant 16 : i32
        %add3A_1334 = vector.broadcast %add3A_1333 : i32 to vector<16xi32>
        %add3A_1335 = arith.addi %and3A_85, %add3A_1334 : vector<16xi32>
        %gather3A_1336 = arith.constant 0 : i32
        %gather3A_1337 = arith.constant 0 : i32
        %gather3A_1338 = tpu.memref_slice %arg6[%scan3A_443, %gather3A_1336, %gather3A_1337] : memref<2x128x64xf32, #tpu.memory_space<vmem>> -> memref<1x128x64xf32, #tpu.memory_space<vmem>>
        %gather3A_1339 = tpu.memref_squeeze %gather3A_1338 : memref<1x128x64xf32, #tpu.memory_space<vmem>> -> memref<128x64xf32, #tpu.memory_space<vmem>>
        %gather3A_1340 = tpu.vector_load_idx %gather3A_1339[%add3A_483, %add3A_1335] : memref<128x64xf32, #tpu.memory_space<vmem>>[vector<16xi32>, vector<16xi32>], vector<16xf32>,
        %add3A_1341 = arith.constant 2 : i32
        %add3A_1342 = vector.broadcast %add3A_1341 : i32 to vector<16xi32>
        %add3A_1343 = arith.addi %shift_right_arithmetic3A_138, %add3A_1342 : vector<16xi32>
        %scatter3A_1344 = arith.constant 0 : i32
        %scatter3A_1345 = arith.constant 0 : i32
        %scatter3A_1346 = tpu.memref_slice %arg7[%scan3A_444, %scatter3A_1344, %scatter3A_1345] : memref<2x8x1024xf32, #tpu.memory_space<vmem>> -> memref<1x8x1024xf32, #tpu.memory_space<vmem>>
        %scatter3A_1347 = tpu.memref_squeeze %scatter3A_1346 : memref<1x8x1024xf32, #tpu.memory_space<vmem>> -> memref<8x1024xf32, #tpu.memory_space<vmem>>
        tpu.vector_store_idx %scatter3A_1347[%add3A_1343, %add3A_1317], %gather3A_1340 : memref<8x1024xf32, #tpu.memory_space<vmem>>[vector<16xi32>, vector<16xi32>], vector<16xf32>,
        %add3A_1348 = arith.constant 32 : i32
        %add3A_1349 = vector.broadcast %add3A_1348 : i32 to vector<16xi32>
        %add3A_1350 = arith.addi %and3A_85, %add3A_1349 : vector<16xi32>
        %gather3A_1351 = arith.constant 0 : i32
        %gather3A_1352 = arith.constant 0 : i32
        %gather3A_1353 = tpu.memref_slice %arg6[%scan3A_443, %gather3A_1351, %gather3A_1352] : memref<2x128x64xf32, #tpu.memory_space<vmem>> -> memref<1x128x64xf32, #tpu.memory_space<vmem>>
        %gather3A_1354 = tpu.memref_squeeze %gather3A_1353 : memref<1x128x64xf32, #tpu.memory_space<vmem>> -> memref<128x64xf32, #tpu.memory_space<vmem>>
        %gather3A_1355 = tpu.vector_load_idx %gather3A_1354[%add3A_483, %add3A_1350] : memref<128x64xf32, #tpu.memory_space<vmem>>[vector<16xi32>, vector<16xi32>], vector<16xf32>,
        %add3A_1356 = arith.constant 4 : i32
        %add3A_1357 = vector.broadcast %add3A_1356 : i32 to vector<16xi32>
        %add3A_1358 = arith.addi %shift_right_arithmetic3A_138, %add3A_1357 : vector<16xi32>
        %scatter3A_1359 = arith.constant 0 : i32
        %scatter3A_1360 = arith.constant 0 : i32
        %scatter3A_1361 = tpu.memref_slice %arg7[%scan3A_444, %scatter3A_1359, %scatter3A_1360] : memref<2x8x1024xf32, #tpu.memory_space<vmem>> -> memref<1x8x1024xf32, #tpu.memory_space<vmem>>
        %scatter3A_1362 = tpu.memref_squeeze %scatter3A_1361 : memref<1x8x1024xf32, #tpu.memory_space<vmem>> -> memref<8x1024xf32, #tpu.memory_space<vmem>>
        tpu.vector_store_idx %scatter3A_1362[%add3A_1358, %add3A_1317], %gather3A_1355 : memref<8x1024xf32, #tpu.memory_space<vmem>>[vector<16xi32>, vector<16xi32>], vector<16xf32>,
        %add3A_1363 = arith.constant 48 : i32
        %add3A_1364 = vector.broadcast %add3A_1363 : i32 to vector<16xi32>
        %add3A_1365 = arith.addi %and3A_85, %add3A_1364 : vector<16xi32>
        %gather3A_1366 = arith.constant 0 : i32
        %gather3A_1367 = arith.constant 0 : i32
        %gather3A_1368 = tpu.memref_slice %arg6[%scan3A_443, %gather3A_1366, %gather3A_1367] : memref<2x128x64xf32, #tpu.memory_space<vmem>> -> memref<1x128x64xf32, #tpu.memory_space<vmem>>
        %gather3A_1369 = tpu.memref_squeeze %gather3A_1368 : memref<1x128x64xf32, #tpu.memory_space<vmem>> -> memref<128x64xf32, #tpu.memory_space<vmem>>
        %gather3A_1370 = tpu.vector_load_idx %gather3A_1369[%add3A_483, %add3A_1365] : memref<128x64xf32, #tpu.memory_space<vmem>>[vector<16xi32>, vector<16xi32>], vector<16xf32>,
        %add3A_1371 = arith.constant 6 : i32
        %add3A_1372 = vector.broadcast %add3A_1371 : i32 to vector<16xi32>
        %add3A_1373 = arith.addi %shift_right_arithmetic3A_138, %add3A_1372 : vector<16xi32>
        %scatter3A_1374 = arith.constant 0 : i32
        %scatter3A_1375 = arith.constant 0 : i32
        %scatter3A_1376 = tpu.memref_slice %arg7[%scan3A_444, %scatter3A_1374, %scatter3A_1375] : memref<2x8x1024xf32, #tpu.memory_space<vmem>> -> memref<1x8x1024xf32, #tpu.memory_space<vmem>>
        %scatter3A_1377 = tpu.memref_squeeze %scatter3A_1376 : memref<1x8x1024xf32, #tpu.memory_space<vmem>> -> memref<8x1024xf32, #tpu.memory_space<vmem>>
        tpu.vector_store_idx %scatter3A_1377[%add3A_1373, %add3A_1317], %gather3A_1370 : memref<8x1024xf32, #tpu.memory_space<vmem>>[vector<16xi32>, vector<16xi32>], vector<16xf32>,
        %mul3A_1378 = arith.constant 16 : i32
        %mul3A_1379 = arith.muli %mul3A_1378, %scan3A_479 : i32
        %add3A_1380 = vector.broadcast %mul3A_1379 : i32 to vector<16xi32>
        %add3A_1381 = arith.addi %add3A_294, %add3A_1380 : vector<16xi32>
        %add3A_1382 = arith.constant 0 : i32
        %add3A_1383 = vector.broadcast %add3A_1382 : i32 to vector<16xi32>
        %add3A_1384 = arith.addi %and3A_91, %add3A_1383 : vector<16xi32>
        %gather3A_1385 = arith.constant 0 : i32
        %gather3A_1386 = arith.constant 0 : i32
        %gather3A_1387 = tpu.memref_slice %arg6[%scan3A_443, %gather3A_1385, %gather3A_1386] : memref<2x128x64xf32, #tpu.memory_space<vmem>> -> memref<1x128x64xf32, #tpu.memory_space<vmem>>
        %gather3A_1388 = tpu.memref_squeeze %gather3A_1387 : memref<1x128x64xf32, #tpu.memory_space<vmem>> -> memref<128x64xf32, #tpu.memory_space<vmem>>
        %gather3A_1389 = tpu.vector_load_idx %gather3A_1388[%add3A_483, %add3A_1384] : memref<128x64xf32, #tpu.memory_space<vmem>>[vector<16xi32>, vector<16xi32>], vector<16xf32>,
        %add3A_1390 = arith.constant 0 : i32
        %add3A_1391 = vector.broadcast %add3A_1390 : i32 to vector<16xi32>
        %add3A_1392 = arith.addi %shift_right_arithmetic3A_141, %add3A_1391 : vector<16xi32>
        %scatter3A_1393 = arith.constant 0 : i32
        %scatter3A_1394 = arith.constant 0 : i32
        %scatter3A_1395 = tpu.memref_slice %arg7[%scan3A_444, %scatter3A_1393, %scatter3A_1394] : memref<2x8x1024xf32, #tpu.memory_space<vmem>> -> memref<1x8x1024xf32, #tpu.memory_space<vmem>>
        %scatter3A_1396 = tpu.memref_squeeze %scatter3A_1395 : memref<1x8x1024xf32, #tpu.memory_space<vmem>> -> memref<8x1024xf32, #tpu.memory_space<vmem>>
        tpu.vector_store_idx %scatter3A_1396[%add3A_1392, %add3A_1381], %gather3A_1389 : memref<8x1024xf32, #tpu.memory_space<vmem>>[vector<16xi32>, vector<16xi32>], vector<16xf32>,
        %add3A_1397 = arith.constant 16 : i32
        %add3A_1398 = vector.broadcast %add3A_1397 : i32 to vector<16xi32>
        %add3A_1399 = arith.addi %and3A_91, %add3A_1398 : vector<16xi32>
        %gather3A_1400 = arith.constant 0 : i32
        %gather3A_1401 = arith.constant 0 : i32
        %gather3A_1402 = tpu.memref_slice %arg6[%scan3A_443, %gather3A_1400, %gather3A_1401] : memref<2x128x64xf32, #tpu.memory_space<vmem>> -> memref<1x128x64xf32, #tpu.memory_space<vmem>>
        %gather3A_1403 = tpu.memref_squeeze %gather3A_1402 : memref<1x128x64xf32, #tpu.memory_space<vmem>> -> memref<128x64xf32, #tpu.memory_space<vmem>>
        %gather3A_1404 = tpu.vector_load_idx %gather3A_1403[%add3A_483, %add3A_1399] : memref<128x64xf32, #tpu.memory_space<vmem>>[vector<16xi32>, vector<16xi32>], vector<16xf32>,
        %add3A_1405 = arith.constant 2 : i32
        %add3A_1406 = vector.broadcast %add3A_1405 : i32 to vector<16xi32>
        %add3A_1407 = arith.addi %shift_right_arithmetic3A_141, %add3A_1406 : vector<16xi32>
        %scatter3A_1408 = arith.constant 0 : i32
        %scatter3A_1409 = arith.constant 0 : i32
        %scatter3A_1410 = tpu.memref_slice %arg7[%scan3A_444, %scatter3A_1408, %scatter3A_1409] : memref<2x8x1024xf32, #tpu.memory_space<vmem>> -> memref<1x8x1024xf32, #tpu.memory_space<vmem>>
        %scatter3A_1411 = tpu.memref_squeeze %scatter3A_1410 : memref<1x8x1024xf32, #tpu.memory_space<vmem>> -> memref<8x1024xf32, #tpu.memory_space<vmem>>
        tpu.vector_store_idx %scatter3A_1411[%add3A_1407, %add3A_1381], %gather3A_1404 : memref<8x1024xf32, #tpu.memory_space<vmem>>[vector<16xi32>, vector<16xi32>], vector<16xf32>,
        %add3A_1412 = arith.constant 32 : i32
        %add3A_1413 = vector.broadcast %add3A_1412 : i32 to vector<16xi32>
        %add3A_1414 = arith.addi %and3A_91, %add3A_1413 : vector<16xi32>
        %gather3A_1415 = arith.constant 0 : i32
        %gather3A_1416 = arith.constant 0 : i32
        %gather3A_1417 = tpu.memref_slice %arg6[%scan3A_443, %gather3A_1415, %gather3A_1416] : memref<2x128x64xf32, #tpu.memory_space<vmem>> -> memref<1x128x64xf32, #tpu.memory_space<vmem>>
        %gather3A_1418 = tpu.memref_squeeze %gather3A_1417 : memref<1x128x64xf32, #tpu.memory_space<vmem>> -> memref<128x64xf32, #tpu.memory_space<vmem>>
        %gather3A_1419 = tpu.vector_load_idx %gather3A_1418[%add3A_483, %add3A_1414] : memref<128x64xf32, #tpu.memory_space<vmem>>[vector<16xi32>, vector<16xi32>], vector<16xf32>,
        %add3A_1420 = arith.constant 4 : i32
        %add3A_1421 = vector.broadcast %add3A_1420 : i32 to vector<16xi32>
        %add3A_1422 = arith.addi %shift_right_arithmetic3A_141, %add3A_1421 : vector<16xi32>
        %scatter3A_1423 = arith.constant 0 : i32
        %scatter3A_1424 = arith.constant 0 : i32
        %scatter3A_1425 = tpu.memref_slice %arg7[%scan3A_444, %scatter3A_1423, %scatter3A_1424] : memref<2x8x1024xf32, #tpu.memory_space<vmem>> -> memref<1x8x1024xf32, #tpu.memory_space<vmem>>
        %scatter3A_1426 = tpu.memref_squeeze %scatter3A_1425 : memref<1x8x1024xf32, #tpu.memory_space<vmem>> -> memref<8x1024xf32, #tpu.memory_space<vmem>>
        tpu.vector_store_idx %scatter3A_1426[%add3A_1422, %add3A_1381], %gather3A_1419 : memref<8x1024xf32, #tpu.memory_space<vmem>>[vector<16xi32>, vector<16xi32>], vector<16xf32>,
        %add3A_1427 = arith.constant 48 : i32
        %add3A_1428 = vector.broadcast %add3A_1427 : i32 to vector<16xi32>
        %add3A_1429 = arith.addi %and3A_91, %add3A_1428 : vector<16xi32>
        %gather3A_1430 = arith.constant 0 : i32
        %gather3A_1431 = arith.constant 0 : i32
        %gather3A_1432 = tpu.memref_slice %arg6[%scan3A_443, %gather3A_1430, %gather3A_1431] : memref<2x128x64xf32, #tpu.memory_space<vmem>> -> memref<1x128x64xf32, #tpu.memory_space<vmem>>
        %gather3A_1433 = tpu.memref_squeeze %gather3A_1432 : memref<1x128x64xf32, #tpu.memory_space<vmem>> -> memref<128x64xf32, #tpu.memory_space<vmem>>
        %gather3A_1434 = tpu.vector_load_idx %gather3A_1433[%add3A_483, %add3A_1429] : memref<128x64xf32, #tpu.memory_space<vmem>>[vector<16xi32>, vector<16xi32>], vector<16xf32>,
        %add3A_1435 = arith.constant 6 : i32
        %add3A_1436 = vector.broadcast %add3A_1435 : i32 to vector<16xi32>
        %add3A_1437 = arith.addi %shift_right_arithmetic3A_141, %add3A_1436 : vector<16xi32>
        %scatter3A_1438 = arith.constant 0 : i32
        %scatter3A_1439 = arith.constant 0 : i32
        %scatter3A_1440 = tpu.memref_slice %arg7[%scan3A_444, %scatter3A_1438, %scatter3A_1439] : memref<2x8x1024xf32, #tpu.memory_space<vmem>> -> memref<1x8x1024xf32, #tpu.memory_space<vmem>>
        %scatter3A_1441 = tpu.memref_squeeze %scatter3A_1440 : memref<1x8x1024xf32, #tpu.memory_space<vmem>> -> memref<8x1024xf32, #tpu.memory_space<vmem>>
        tpu.vector_store_idx %scatter3A_1441[%add3A_1437, %add3A_1381], %gather3A_1434 : memref<8x1024xf32, #tpu.memory_space<vmem>>[vector<16xi32>, vector<16xi32>], vector<16xf32>,
        %mul3A_1442 = arith.constant 16 : i32
        %mul3A_1443 = arith.muli %mul3A_1442, %scan3A_479 : i32
        %add3A_1444 = vector.broadcast %mul3A_1443 : i32 to vector<16xi32>
        %add3A_1445 = arith.addi %add3A_304, %add3A_1444 : vector<16xi32>
        %add3A_1446 = arith.constant 0 : i32
        %add3A_1447 = vector.broadcast %add3A_1446 : i32 to vector<16xi32>
        %add3A_1448 = arith.addi %and3A_97, %add3A_1447 : vector<16xi32>
        %gather3A_1449 = arith.constant 0 : i32
        %gather3A_1450 = arith.constant 0 : i32
        %gather3A_1451 = tpu.memref_slice %arg6[%scan3A_443, %gather3A_1449, %gather3A_1450] : memref<2x128x64xf32, #tpu.memory_space<vmem>> -> memref<1x128x64xf32, #tpu.memory_space<vmem>>
        %gather3A_1452 = tpu.memref_squeeze %gather3A_1451 : memref<1x128x64xf32, #tpu.memory_space<vmem>> -> memref<128x64xf32, #tpu.memory_space<vmem>>
        %gather3A_1453 = tpu.vector_load_idx %gather3A_1452[%add3A_483, %add3A_1448] : memref<128x64xf32, #tpu.memory_space<vmem>>[vector<16xi32>, vector<16xi32>], vector<16xf32>,
        %add3A_1454 = arith.constant 0 : i32
        %add3A_1455 = vector.broadcast %add3A_1454 : i32 to vector<16xi32>
        %add3A_1456 = arith.addi %shift_right_arithmetic3A_144, %add3A_1455 : vector<16xi32>
        %scatter3A_1457 = arith.constant 0 : i32
        %scatter3A_1458 = arith.constant 0 : i32
        %scatter3A_1459 = tpu.memref_slice %arg7[%scan3A_444, %scatter3A_1457, %scatter3A_1458] : memref<2x8x1024xf32, #tpu.memory_space<vmem>> -> memref<1x8x1024xf32, #tpu.memory_space<vmem>>
        %scatter3A_1460 = tpu.memref_squeeze %scatter3A_1459 : memref<1x8x1024xf32, #tpu.memory_space<vmem>> -> memref<8x1024xf32, #tpu.memory_space<vmem>>
        tpu.vector_store_idx %scatter3A_1460[%add3A_1456, %add3A_1445], %gather3A_1453 : memref<8x1024xf32, #tpu.memory_space<vmem>>[vector<16xi32>, vector<16xi32>], vector<16xf32>,
        %add3A_1461 = arith.constant 16 : i32
        %add3A_1462 = vector.broadcast %add3A_1461 : i32 to vector<16xi32>
        %add3A_1463 = arith.addi %and3A_97, %add3A_1462 : vector<16xi32>
        %gather3A_1464 = arith.constant 0 : i32
        %gather3A_1465 = arith.constant 0 : i32
        %gather3A_1466 = tpu.memref_slice %arg6[%scan3A_443, %gather3A_1464, %gather3A_1465] : memref<2x128x64xf32, #tpu.memory_space<vmem>> -> memref<1x128x64xf32, #tpu.memory_space<vmem>>
        %gather3A_1467 = tpu.memref_squeeze %gather3A_1466 : memref<1x128x64xf32, #tpu.memory_space<vmem>> -> memref<128x64xf32, #tpu.memory_space<vmem>>
        %gather3A_1468 = tpu.vector_load_idx %gather3A_1467[%add3A_483, %add3A_1463] : memref<128x64xf32, #tpu.memory_space<vmem>>[vector<16xi32>, vector<16xi32>], vector<16xf32>,
        %add3A_1469 = arith.constant 2 : i32
        %add3A_1470 = vector.broadcast %add3A_1469 : i32 to vector<16xi32>
        %add3A_1471 = arith.addi %shift_right_arithmetic3A_144, %add3A_1470 : vector<16xi32>
        %scatter3A_1472 = arith.constant 0 : i32
        %scatter3A_1473 = arith.constant 0 : i32
        %scatter3A_1474 = tpu.memref_slice %arg7[%scan3A_444, %scatter3A_1472, %scatter3A_1473] : memref<2x8x1024xf32, #tpu.memory_space<vmem>> -> memref<1x8x1024xf32, #tpu.memory_space<vmem>>
        %scatter3A_1475 = tpu.memref_squeeze %scatter3A_1474 : memref<1x8x1024xf32, #tpu.memory_space<vmem>> -> memref<8x1024xf32, #tpu.memory_space<vmem>>
        tpu.vector_store_idx %scatter3A_1475[%add3A_1471, %add3A_1445], %gather3A_1468 : memref<8x1024xf32, #tpu.memory_space<vmem>>[vector<16xi32>, vector<16xi32>], vector<16xf32>,
        %add3A_1476 = arith.constant 32 : i32
        %add3A_1477 = vector.broadcast %add3A_1476 : i32 to vector<16xi32>
        %add3A_1478 = arith.addi %and3A_97, %add3A_1477 : vector<16xi32>
        %gather3A_1479 = arith.constant 0 : i32
        %gather3A_1480 = arith.constant 0 : i32
        %gather3A_1481 = tpu.memref_slice %arg6[%scan3A_443, %gather3A_1479, %gather3A_1480] : memref<2x128x64xf32, #tpu.memory_space<vmem>> -> memref<1x128x64xf32, #tpu.memory_space<vmem>>
        %gather3A_1482 = tpu.memref_squeeze %gather3A_1481 : memref<1x128x64xf32, #tpu.memory_space<vmem>> -> memref<128x64xf32, #tpu.memory_space<vmem>>
        %gather3A_1483 = tpu.vector_load_idx %gather3A_1482[%add3A_483, %add3A_1478] : memref<128x64xf32, #tpu.memory_space<vmem>>[vector<16xi32>, vector<16xi32>], vector<16xf32>,
        %add3A_1484 = arith.constant 4 : i32
        %add3A_1485 = vector.broadcast %add3A_1484 : i32 to vector<16xi32>
        %add3A_1486 = arith.addi %shift_right_arithmetic3A_144, %add3A_1485 : vector<16xi32>
        %scatter3A_1487 = arith.constant 0 : i32
        %scatter3A_1488 = arith.constant 0 : i32
        %scatter3A_1489 = tpu.memref_slice %arg7[%scan3A_444, %scatter3A_1487, %scatter3A_1488] : memref<2x8x1024xf32, #tpu.memory_space<vmem>> -> memref<1x8x1024xf32, #tpu.memory_space<vmem>>
        %scatter3A_1490 = tpu.memref_squeeze %scatter3A_1489 : memref<1x8x1024xf32, #tpu.memory_space<vmem>> -> memref<8x1024xf32, #tpu.memory_space<vmem>>
        tpu.vector_store_idx %scatter3A_1490[%add3A_1486, %add3A_1445], %gather3A_1483 : memref<8x1024xf32, #tpu.memory_space<vmem>>[vector<16xi32>, vector<16xi32>], vector<16xf32>,
        %add3A_1491 = arith.constant 48 : i32
        %add3A_1492 = vector.broadcast %add3A_1491 : i32 to vector<16xi32>
        %add3A_1493 = arith.addi %and3A_97, %add3A_1492 : vector<16xi32>
        %gather3A_1494 = arith.constant 0 : i32
        %gather3A_1495 = arith.constant 0 : i32
        %gather3A_1496 = tpu.memref_slice %arg6[%scan3A_443, %gather3A_1494, %gather3A_1495] : memref<2x128x64xf32, #tpu.memory_space<vmem>> -> memref<1x128x64xf32, #tpu.memory_space<vmem>>
        %gather3A_1497 = tpu.memref_squeeze %gather3A_1496 : memref<1x128x64xf32, #tpu.memory_space<vmem>> -> memref<128x64xf32, #tpu.memory_space<vmem>>
        %gather3A_1498 = tpu.vector_load_idx %gather3A_1497[%add3A_483, %add3A_1493] : memref<128x64xf32, #tpu.memory_space<vmem>>[vector<16xi32>, vector<16xi32>], vector<16xf32>,
        %add3A_1499 = arith.constant 6 : i32
        %add3A_1500 = vector.broadcast %add3A_1499 : i32 to vector<16xi32>
        %add3A_1501 = arith.addi %shift_right_arithmetic3A_144, %add3A_1500 : vector<16xi32>
        %scatter3A_1502 = arith.constant 0 : i32
        %scatter3A_1503 = arith.constant 0 : i32
        %scatter3A_1504 = tpu.memref_slice %arg7[%scan3A_444, %scatter3A_1502, %scatter3A_1503] : memref<2x8x1024xf32, #tpu.memory_space<vmem>> -> memref<1x8x1024xf32, #tpu.memory_space<vmem>>
        %scatter3A_1505 = tpu.memref_squeeze %scatter3A_1504 : memref<1x8x1024xf32, #tpu.memory_space<vmem>> -> memref<8x1024xf32, #tpu.memory_space<vmem>>
        tpu.vector_store_idx %scatter3A_1505[%add3A_1501, %add3A_1445], %gather3A_1498 : memref<8x1024xf32, #tpu.memory_space<vmem>>[vector<16xi32>, vector<16xi32>], vector<16xf32>,
      }
      %scan3A_449 = arith.constant 8 : i32
      %add3A_450 = arith.addi %mul3A_2, %add3A_418 : i32
      %shift_right_arithmetic3A_451 = arith.constant 8 : i32
      %shift_right_arithmetic3A_452 = arith.shrsi %add3A_450, %shift_right_arithmetic3A_451 : i32
      %shift_right_arithmetic3A_453 = arith.constant 3 : i32
      %shift_right_arithmetic3A_454 = arith.shrsi %add3A_450, %shift_right_arithmetic3A_453 : i32
      %and3A_455 = arith.constant 31 : i32
      %and3A_456 = arith.andi %shift_right_arithmetic3A_454, %and3A_455 : i32
      %and3A_457 = arith.constant 7 : i32
      %and3A_458 = arith.andi %add3A_450, %and3A_457 : i32
      %mul3A_459 = arith.constant 64 : i32
      %mul3A_460 = arith.muli %mul3A_459, %shift_right_arithmetic3A_452 : i32
      %mul3A_461 = arith.constant 8 : i32
      %mul3A_462 = arith.muli %mul3A_461, %and3A_458 : i32
      %add3A_463 = arith.addi %mul3A_460, %mul3A_462 : i32
      %dma_start3A_464 = arith.constant 1 : i32
      %dma_start3A_465 = arith.constant 0 : i32
      %dma_start3A_466 = arith.constant 0 : i32
      %dma_start3A_467 = tpu.memref_slice %arg7[%dma_start3A_464, %dma_start3A_465, %dma_start3A_466] : memref<2x8x1024xf32, #tpu.memory_space<vmem>> -> memref<1x8x1024xf32, #tpu.memory_space<vmem>>
      %dma_start3A_468 = tpu.memref_squeeze %dma_start3A_467 : memref<1x8x1024xf32, #tpu.memory_space<vmem>> -> memref<8x1024xf32, #tpu.memory_space<vmem>>
      %dma_start3A_469 = arith.constant 0 : i32
      %dma_start3A_470 = tpu.memref_slice %arg4[%add3A_463, %and3A_456, %dma_start3A_469] : memref<1600x32x1024xf32, #tpu.memory_space<hbm>> -> memref<8x1x1024xf32, #tpu.memory_space<hbm>>
      %dma_start3A_471 = tpu.memref_squeeze %dma_start3A_470 : memref<8x1x1024xf32, #tpu.memory_space<hbm>> -> memref<8x1024xf32, #tpu.memory_space<hbm>>
      %dma_start3A_472 = arith.constant 0 : i32
      %dma_start3A_473 = tpu.memref_slice %arg4[%add3A_463, %and3A_456, %dma_start3A_472] : memref<1600x32x1024xf32, #tpu.memory_space<hbm>> -> memref<8x1x1024xf32, #tpu.memory_space<hbm>>
      %dma_start3A_474 = tpu.memref_squeeze %dma_start3A_473 : memref<8x1x1024xf32, #tpu.memory_space<hbm>> -> memref<8x1024xf32, #tpu.memory_space<hbm>>
      %dma_start3A_475 = arith.constant 0 : i32
      %dma_start3A_476 = arith.constant 0 : i32
      %dma_start3A_477 = tpu.memref_slice %arg7[%dma_start3A_464, %dma_start3A_475, %dma_start3A_476] : memref<2x8x1024xf32, #tpu.memory_space<vmem>> -> memref<1x8x1024xf32, #tpu.memory_space<vmem>>
      %dma_start3A_478 = tpu.memref_squeeze %dma_start3A_477 : memref<1x8x1024xf32, #tpu.memory_space<vmem>> -> memref<8x1024xf32, #tpu.memory_space<vmem>>
      tpu.enqueue_dma source(%dma_start3A_478 : memref<8x1024xf32, #tpu.memory_space<vmem>>) target(%dma_start3A_474 : memref<8x1024xf32, #tpu.memory_space<hbm>>) target_semaphore(%arg11 : memref<!tpu.dma_semaphore, #tpu.memory_space<semaphore_mem>>)
    }
    %scan3A_320 = arith.constant 100 : i32
    %dma_wait3A = arith.constant 0 : i32
    %dma_wait3A_321 = arith.constant 0 : i32
    %dma_wait3A_322 = arith.constant 0 : i32
    %dma_wait3A_323 = arith.constant 0 : i32
    %dma_wait3A_324 = tpu.memref_slice %arg7[%dma_wait3A, %dma_wait3A_322, %dma_wait3A_323] : memref<2x8x1024xf32, #tpu.memory_space<vmem>> -> memref<1x8x1024xf32, #tpu.memory_space<vmem>>
    %dma_wait3A_325 = tpu.memref_squeeze %dma_wait3A_324 : memref<1x8x1024xf32, #tpu.memory_space<vmem>> -> memref<8x1024xf32, #tpu.memory_space<vmem>>
    %dma_wait3A_326 = arith.constant 0 : i32
    %dma_wait3A_327 = arith.constant 0 : i32
    %dma_wait3A_328 = tpu.memref_slice %arg4[%dma_wait3A_326, %dma_wait3A_321, %dma_wait3A_327] : memref<1600x32x1024xf32, #tpu.memory_space<hbm>> -> memref<8x1x1024xf32, #tpu.memory_space<hbm>>
    %dma_wait3A_329 = tpu.memref_squeeze %dma_wait3A_328 : memref<8x1x1024xf32, #tpu.memory_space<hbm>> -> memref<8x1024xf32, #tpu.memory_space<hbm>>
    %dma_wait3A_330 = arith.constant 0 : i32
    %dma_wait3A_331 = arith.constant 0 : i32
    %dma_wait3A_332 = tpu.memref_slice %arg4[%dma_wait3A_330, %dma_wait3A_321, %dma_wait3A_331] : memref<1600x32x1024xf32, #tpu.memory_space<hbm>> -> memref<8x1x1024xf32, #tpu.memory_space<hbm>>
    %dma_wait3A_333 = tpu.memref_squeeze %dma_wait3A_332 : memref<8x1x1024xf32, #tpu.memory_space<hbm>> -> memref<8x1024xf32, #tpu.memory_space<hbm>>
    %dma_wait3A_334 = arith.constant 0 : i32
    %dma_wait3A_335 = arith.constant 0 : i32
    %dma_wait3A_336 = tpu.memref_slice %arg7[%dma_wait3A, %dma_wait3A_334, %dma_wait3A_335] : memref<2x8x1024xf32, #tpu.memory_space<vmem>> -> memref<1x8x1024xf32, #tpu.memory_space<vmem>>
    %dma_wait3A_337 = tpu.memref_squeeze %dma_wait3A_336 : memref<1x8x1024xf32, #tpu.memory_space<vmem>> -> memref<8x1024xf32, #tpu.memory_space<vmem>>
    tpu.wait_dma2 semaphore(%arg10 : memref<!tpu.dma_semaphore, #tpu.memory_space<semaphore_mem>>) src(%dma_wait3A_337 : memref<8x1024xf32, #tpu.memory_space<vmem>>) dst(%dma_wait3A_333 : memref<8x1024xf32, #tpu.memory_space<hbm>>)
    %dma_wait3A_338 = arith.constant 1 : i32
    %dma_wait3A_339 = arith.constant 0 : i32
    %dma_wait3A_340 = arith.constant 0 : i32
    %dma_wait3A_341 = arith.constant 0 : i32
    %dma_wait3A_342 = tpu.memref_slice %arg7[%dma_wait3A_338, %dma_wait3A_340, %dma_wait3A_341] : memref<2x8x1024xf32, #tpu.memory_space<vmem>> -> memref<1x8x1024xf32, #tpu.memory_space<vmem>>
    %dma_wait3A_343 = tpu.memref_squeeze %dma_wait3A_342 : memref<1x8x1024xf32, #tpu.memory_space<vmem>> -> memref<8x1024xf32, #tpu.memory_space<vmem>>
    %dma_wait3A_344 = arith.constant 0 : i32
    %dma_wait3A_345 = arith.constant 0 : i32
    %dma_wait3A_346 = tpu.memref_slice %arg4[%dma_wait3A_344, %dma_wait3A_339, %dma_wait3A_345] : memref<1600x32x1024xf32, #tpu.memory_space<hbm>> -> memref<8x1x1024xf32, #tpu.memory_space<hbm>>
    %dma_wait3A_347 = tpu.memref_squeeze %dma_wait3A_346 : memref<8x1x1024xf32, #tpu.memory_space<hbm>> -> memref<8x1024xf32, #tpu.memory_space<hbm>>
    %dma_wait3A_348 = arith.constant 0 : i32
    %dma_wait3A_349 = arith.constant 0 : i32
    %dma_wait3A_350 = tpu.memref_slice %arg4[%dma_wait3A_348, %dma_wait3A_339, %dma_wait3A_349] : memref<1600x32x1024xf32, #tpu.memory_space<hbm>> -> memref<8x1x1024xf32, #tpu.memory_space<hbm>>
    %dma_wait3A_351 = tpu.memref_squeeze %dma_wait3A_350 : memref<8x1x1024xf32, #tpu.memory_space<hbm>> -> memref<8x1024xf32, #tpu.memory_space<hbm>>
    %dma_wait3A_352 = arith.constant 0 : i32
    %dma_wait3A_353 = arith.constant 0 : i32
    %dma_wait3A_354 = tpu.memref_slice %arg7[%dma_wait3A_338, %dma_wait3A_352, %dma_wait3A_353] : memref<2x8x1024xf32, #tpu.memory_space<vmem>> -> memref<1x8x1024xf32, #tpu.memory_space<vmem>>
    %dma_wait3A_355 = tpu.memref_squeeze %dma_wait3A_354 : memref<1x8x1024xf32, #tpu.memory_space<vmem>> -> memref<8x1024xf32, #tpu.memory_space<vmem>>
    tpu.wait_dma2 semaphore(%arg11 : memref<!tpu.dma_semaphore, #tpu.memory_space<semaphore_mem>>) src(%dma_wait3A_355 : memref<8x1024xf32, #tpu.memory_space<vmem>>) dst(%dma_wait3A_351 : memref<8x1024xf32, #tpu.memory_space<hbm>>)
    return
  }
}

</mosaic_0001>

<sc_bundles>
// kernel: kernel.3.cloned.1.call-start
scs
__scs_entry_jumppad:
0x0: {  	(pc) =	sbr.rel $0x88, $3  }
0x1: {  	(tag) =	ssettag $0x0;
	lr =	simm.s32 $0x1  }
0x2: {  	[smem:$0x3F9F] =	sst lr;
	_ =	strace $0xD0000000  }
0x3: {  	_ = 	snop  }
0x4: {  	_ = 	snop  }
0x5: {  	_ = 	snop  }
0x6: {  	_ = 	snop  }
0x7: {  	_ = 	snop  }
__scs_overlays_trampoline_lowered:
0x8: {  	[smem:$0x3FAE] =	sst s0  }
0x9: {  	[smem:$0x3FAF] =	sst s1  }
0xa: {  	[smem:$0x3FB0] =	sst s2  }
0xb: {  	[smem:$0x3FB1] =	sst s3  }
0xc: {  	[smem:$0x3FB2] =	sst s4  }
0xd: {  	[smem:$0x3FB3] =	sst s5  }
0xe: {  	[smem:$0x3FB4] =	sst s6  }
0xf: {  	[smem:$0x3FB5] =	sst s7  }
0x10: {  	[smem:$0x3FB6] =	sst s8  }
0x11: {  	[smem:$0x3FB7] =	sst s9;
	s0 =	simm.s32 @!p0 $0x0  }
0x12: {  	s1 =	sld [smem:$0x3F9D];
	s0 =	simm.s32 @p0 $0x1  }
0x13: {  	[smem:$0x3FB8] =	sst s0;
	s0 =	simm.s32 @!p1 $0x0  }
0x14: {  	s2 =	sld [smem:$0x3F9C];
	s0 =	simm.s32 @p1 $0x1  }
0x15: {  	[smem:$0x3FB9] =	sst s0;
	s0 =	simm.s32 @!p2 $0x0  }
0x16: {  	s3 =	sld [smem:$0x3FDB];
	s0 =	simm.s32 @p2 $0x1  }
0x17: {  	s4 =	simm.s32 $0x1BF5;
	[smem:$0x3FBB] =	sst s0  }
0x18: {  	s0 =	sld [smem:$0x3F9E];
	_ =	swait.ge [sflag:s4], $0x0  }
0x19: {  	s7 =	sld [smem:$0x3F9F]  }
0x1a: {  	s8 =	sadd.s32 $0xFFFFE003, lr  }
0x1b: {  	s9 =	sadd.s32 $0xFFFFFEF7, lr;
	s5 =	simm.s32 $0xFFFFFFFF;
	p2 =	slt.u32 s8, $0xFFFFF086  }
0x1c: {  	p1 =	slt.u32 s9, $0xF7A;
	s5 =	simm.s32 @!p2 $0x0  }
0x1d: {  	s5 =	simm.s32 @p1 $0x1;
	p0 =	seq.s32 s7, s2  }
0x1e: {  	s7 =	smul.u32 @!p0 $0xF7A, s2;
	p2 =	seq.s32 @!p0 s5, $0x0  }
0x1f: {  	s9 =	smul.u32 $0xF7A, s1;
	s8 =	simm.s32 @!p0 $0x1BF5;
	p2 =	por !p2, p0  }
0x20: {  	[sflag:s8] =	ssyncset.s32 @!p0 $0xFFFFF086;
	s6 =	sadd.s32 @!p0 s3, s7;
	s7 =	simm.s32 @!p0 $0x108  }
0x21: {  	s3 =	sadd.s32 s3, s9;
	s6 =	sadd.s32 @!p0 $0x88, s6;
	s7 =	simm.s32 @p2 $0x1082  }
0x22: {  	[simem:s7], [sflag:s8] =	dma.local @!p0 [hbm:s6], $0xF7A  }
0x23: {  	s9 =	sor.u32 $0xD0000000, s2;
	s6 =	simm.s32 $0x108;
	_ =	swait.ge @!p0 [sflag:s8], $0x0  }
0x24: {  	s3 =	sadd.s32 $0x88, s3;
	s6 =	simm.s32 @!p1 $0x1082;
	[sflag:s4] =	ssyncset.s32 $0xFFFFF086  }
0x25: {  	[simem:s6], [sflag:s4] =	dma.local [hbm:s3], $0xF7A  }
0x26: {  	[smem:$0x3F9F] =	sst s1;
	(tag) =	ssettag s2;
	_ =	strace s9  }
0x27: {  	s1 =	sld [smem:$0x3FAF]  }
0x28: {  	s2 =	sld [smem:$0x3FB0]  }
0x29: {  	s4 =	sld [smem:$0x3FB2]  }
0x2a: {  	p0 =	seq.s32 s5, $0x0;
	s5 =	sld [smem:$0x3FB3]  }
0x2b: {  	s6 =	sld [smem:$0x3FB4]  }
0x2c: {  	s7 =	sld [smem:$0x3FB5]  }
0x2d: {  	s3 =	simm.s32 $0x108;
	s8 =	sld [smem:$0x3FB6]  }
0x2e: {  	s3 =	simm.s32 @!p0 $0x1082;
	s9 =	sld [smem:$0x3FB7]  }
0x2f: {  	lr =	sadd.s32 s0, s3;
	s0 =	sld [smem:$0x3FAE]  }
0x30: {  	s3 =	sld [smem:$0x3FB1]  }
0x31: {  	[smem:$0x3FBA] =	sst s10  }
0x32: {  	s10 =	sld [smem:$0x3FB8];
	_ =	sdelay $0x3  }
0x33: {  	p0 =	seq.s32 s10, $0x1;
	s10 =	sld [smem:$0x3FBA];
	_ =	sdelay $0x3  }
0x34: {  	[smem:$0x3FBA] =	sst s10  }
0x35: {  	s10 =	sld [smem:$0x3FB9];
	_ =	sdelay $0x3  }
0x36: {  	p1 =	seq.s32 s10, $0x1;
	s10 =	sld [smem:$0x3FBA];
	_ =	sdelay $0x3  }
0x37: {  	[smem:$0x3FBA] =	sst s10  }
0x38: {  	s10 =	sld [smem:$0x3FBB]  }
0x39: {  	_ = 	snop;
	(pc) =	sbr.ind lr, $3  }
0x3a: {  	_ = 	snop  }
0x3b: {  	_ = 	snop  }
0x3c: {  	p2 =	seq.s32 s10, $0x1;
	s10 =	sld [smem:$0x3FBA]  }
0x3d: {  	_ =	shalt  }
0x3e: {  	_ =	shalt  }
0x3f: {  	_ =	shalt  }
0x40: {  	_ =	shalt  }
0x41: {  	_ =	shalt  }
0x42: {  	_ =	shalt  }
0x43: {  	_ =	shalt  }
0x44: {  	_ =	shalt  }
0x45: {  	_ =	shalt  }
0x46: {  	_ =	shalt  }
0x47: {  	_ =	shalt  }
0x48: {  	_ =	shalt  }
0x49: {  	_ =	shalt  }
0x4a: {  	_ =	shalt  }
0x4b: {  	_ =	shalt  }
0x4c: {  	_ =	shalt  }
0x4d: {  	_ =	shalt  }
0x4e: {  	_ =	shalt  }
0x4f: {  	_ =	shalt  }
0x50: {  	_ =	shalt  }
0x51: {  	_ =	shalt  }
0x52: {  	_ =	shalt  }
0x53: {  	_ =	shalt  }
0x54: {  	_ =	shalt  }
0x55: {  	_ =	shalt  }
0x56: {  	_ =	shalt  }
0x57: {  	_ =	shalt  }
0x58: {  	_ =	shalt  }
0x59: {  	_ =	shalt  }
0x5a: {  	_ =	shalt  }
0x5b: {  	_ =	shalt  }
0x5c: {  	_ =	shalt  }
0x5d: {  	_ =	shalt  }
0x5e: {  	_ =	shalt  }
0x5f: {  	_ =	shalt  }
0x60: {  	_ =	shalt  }
0x61: {  	_ =	shalt  }
0x62: {  	_ =	shalt  }
0x63: {  	_ =	shalt  }
0x64: {  	_ =	shalt  }
0x65: {  	_ =	shalt  }
0x66: {  	_ =	shalt  }
0x67: {  	_ =	shalt  }
0x68: {  	_ =	shalt  }
0x69: {  	_ =	shalt  }
0x6a: {  	_ =	shalt  }
0x6b: {  	_ =	shalt  }
0x6c: {  	_ =	shalt  }
0x6d: {  	_ =	shalt  }
0x6e: {  	_ =	shalt  }
0x6f: {  	_ =	shalt  }
0x70: {  	_ =	shalt  }
0x71: {  	_ =	shalt  }
0x72: {  	_ =	shalt  }
0x73: {  	_ =	shalt  }
0x74: {  	_ =	shalt  }
0x75: {  	_ =	shalt  }
0x76: {  	_ =	shalt  }
0x77: {  	_ =	shalt  }
0x78: {  	_ =	shalt  }
0x79: {  	_ =	shalt  }
0x7a: {  	_ =	shalt  }
0x7b: {  	_ =	shalt  }
0x7c: {  	_ =	shalt  }
0x7d: {  	_ =	shalt  }
0x7e: {  	_ =	shalt  }
0x7f: {  	_ =	shalt  }
0x80: {  	_ =	shalt  }
0x81: {  	_ =	shalt  }
0x82: {  	_ =	shalt  }
0x83: {  	_ =	shalt  }
0x84: {  	_ =	shalt  }
0x85: {  	_ =	shalt  }
0x86: {  	_ =	shalt  }
0x87: {  	_ =	shalt  }
.Lfunc_end0:
.L_simem_size_0:
called_computation_lowered:
.L_overlay_start_0:
0x88: {  	s2 =	sld [smem:$0x3FD9]  }
0x89: {  	s3 =	sld [smem:$0x3FFE];
	_ =	sdelay $0x1  }
0x8a: {  	s1 =	srdreg.scid  }
0x8b: {  	s0 =	sand.u32 $0x1, s1  }
0x8c: {  	s17 =	sshll.u32 s0, $0xA;
	s2 =	sadd.s32 s3, s2  }
0x8d: {  	s2 =	sadd.s32 s2, s17  }
0x8e: {  	[smem:$0x3FC6] =	sst s2  }
0x8f: {  	_ = 	snop  }
0x90: {  	s2 =	sld [smem:$0x3FC9]  }
0x91: {  	s18 =	sld [smem:$0x3FD0];
	(tm) =	ssettm $0x1  }
0x92: {  	s4 =	sld [smem:$0x3FFB];
	_ =	sdelay $0x3  }
0x93: {  	_ =	strace s4  }
0x94: {  	s4 =	sld [smem:$0x3FFC];
	_ =	sdelay $0x3  }
0x95: {  	_ =	strace s4  }
0x96: {  	s4 =	sld [smem:$0x3FFD];
	_ =	sdelay $0x3  }
0x97: {  	_ =	strace s4  }
0x98: {  	_ =	strace $0x8FFFFFFF  }
0x99: {  	s19 =	sld [smem:$0x3FDB];
	_ =	sdelay $0x1  }
0x9a: {  	s5 =	simm.s32 $_scs_section_size  }
0x9b: {  	s6 =	simm.s32 $_size__tile_overlayer_lowered;
	s7 =	simm.s32 $_tile_overlayer_lowered  }
0x9c: {  	s22 =	simm.s32 $0x1BFF;
	s21 =	sshll.u32 s7, $0x1;
	s4 =	sadd.s32 s5, s19  }
0x9d: {  	s8 =	simm.s32 $0x0;
	s20 =	sshll.u32 s6, $0x1;
	s6 =	sadd.s32 s21, s4  }
0x9e: {  	[timem:s8], [sflag:s22] =	dma.local [hbm:s6], s20  }
0x9f: {  	_ =	swait.ge [sflag:s22], s20  }
0xa0: {  	s5 =	ssub.s32 $0x0, s20;
	[sflag:s22] =	ssyncset.done $0x0  }
0xa1: {  	[sflag:s22] =	ssyncadd.s32 s5;
	_ =	sdelay $0x1  }
0xa2: {  	s23 =	simm.s32 $0x1B8B  }
0xa3: {  	_ =	swait.ge [sflag:s23], $0x1  }
0xa4: {  	[sflag:s23] =	ssyncset.done $0x0  }
0xa5: {  	s25 =	simm.s32 $0x1B8E;
	s24 =	sld [smem:$0x3FFE];
	[sflag:s23] =	ssyncadd.s32 $0xFFFFFFFF  }
0xa6: {  	s26 =	simm.s32 $execute0_lowered;
	[smem:$0x3FD2] =	sst s25  }
0xa7: {  	s6 =	sshll.u32 s26, $0x1;
	_ =	strace $0x80000046;
	[dreg:$0x1] =	wrdreg $0xFFFFFFFF  }
0xa8: {  	s28 =	simm.s32 $_size_execute0_lowered;
	s4 =	sadd.s32 s4, s6;
	[dreg:$0x0] =	wrdreg $0x0  }
0xa9: {  	s6 =	sshll.u32 s28, $0x1;
	[dreg:$0x2] =	wrdreg s4  }
0xaa: {  	[dreg:$0x3] =	wrdreg s6  }
0xab: {  	[dreg:$0x4] =	wrdreg $0xC0  }
0xac: {  	_ =	task [dreg:s8], $0x5FFFF  }
0xad: {  	[dreg:$0x1] =	wrdreg $0xFFFFFFFF  }
0xae: {  	[dreg:$0x0] =	wrdreg $0x60  }
0xaf: {  	[dreg:$0x2] =	wrdreg s2  }
0xb0: {  	[dreg:$0x3] =	wrdreg s24  }
0xb1: {  	[dreg:$0x4] =	wrdreg s18  }
0xb2: {  	[dreg:$0x5] =	wrdreg $0x9  }
0xb3: {  	_ =	task.clear_ibuf [dreg:s8], $0x6FFFF;
	_ =	strace $0x90000046  }
0xb4: {  	s29 =	simm.s32 $0x9;
	_ =	strace $0x80000048  }
0xb5: {  	_ =	swait.ge [sflag:s29], $0x1  }
0xb6: {  	[sflag:s29] =	ssyncadd.s32 $0xFFFFFFFF  }
0xb7: {  	_ =	strace $0x90000048  }
0xb8: {  	_ =	sfence  }
0xb9: {  	s30 =	sld [smem:$0x0];
	_ =	sdelay $0x2  }
0xba: {  	s31 =	sshll.u32 s1, $0xD;
	s1 =	sshrl.u32 s1, $0x2  }
0xbb: {  	s3 =	sand.u32 $0x4000, s31;
	s1 =	sadd.s32 s1, s30  }
0xbc: {  	s0 =	sor.u32 s3, s0;
	s1 =	sshll.u32 s1, $0x11  }
0xbd: {  	s0 =	sor.u32 s1, s0  }
0xbe: {  	s0 =	sadd.s32 $0x8F2B, s0  }
0xbf: {  	[sflag:s0] =	ssyncadd.remote.s32 $0x1  }
0xc0: {  	_ =	sfence.sel $0xFFFF  }
0xc1: {  	[dreg:$0x0] =	wrdreg $0xFFFFFFFF;
	(pc) =	sbr.abs _section_cstart, $3  }
0xc2: {  	[dreg:$0x1] =	wrdreg $0xFFFFFFFF  }
0xc3: {  	_ =	task.clear_ibuf [dreg:s8], $0x2FFFF;
	_ =	strace $0x9FFFFFFF  }
0xc4: {  	(tm) =	ssettm $0x7FFFFFFF  }
0xc5: {  	_ =	shalt  }
tec
execute0_lowered:
.L_overlay_start_1:
0x0: {  	(tag) =	ssettag $0x1  }
0x1: {  	vm14 =	vcmask $0x300;
	v0 =	vimm.s32 $0xF;
	v1 =	vimm.s32 $0xFEDCBA9  }
0x2: {  	vm13 =	vcmask $0x704;
	vm12 =	vcmask $0xB08;
	v2 =	vimm.s32 $0x87654321  }
0x3: {  	vm11 =	vcmask $0xF0C;
	vm10 =	vcmask $0x1310;
	vm9 =	vcmask $0x1714  }
0x4: {  	vm8 =	vcmask $0x1B18;
	vm7 =	vcmask $0x1F1C;
	vm5 =	vcmask $0x2320  }
0x5: {  	vm6 =	vcmask $0x2724;
	vm3 =	vcmask $0x2B28;
	vm4 =	vcmask $0x2F2C  }
0x6: {  	vm1 =	vcmask $0x3330;
	vm2 =	vcmask $0x3734;
	vm0 =	vcmask $0x3B38  }
0x7: {  	v3 =	vimm.s32 $0x98765432;
	v5 =	vimm.s32 $0x110F;
	v6 =	vimm.s32 $0x190F  }
0x8: {  	v7 =	vimm.s32 $0x18F;
	v8 =	vimm.s32 $0x98F;
	v9 =	vimm.s32 $0x118F  }
0x9: {  	v10 =	vimm.s32 $0x198F;
	v11 =	vimm.s32 $0x20F;
	v12 =	vimm.s32 $0xA0F  }
0xa: {  	v13 =	vimm.s32 $0x120F;
	v14 =	vimm.s32 $0x1A0F;
	v15 =	vimm.s32 $0x28F  }
0xb: {  	v16 =	vimm.s32 $0xA8F;
	v17 =	vimm.s32 $0x128F;
	v18 =	vimm.s32 $0x1A8F  }
0xc: {  	v19 =	vimm.s32 $0xFEDCBA98;
	v20 =	vimm.s32 $0x76543210;
	v21 =	vimm.s32 $0x30F  }
0xd: {  	v22 =	vimm.s32 $0xB0F;
	v23 =	vimm.s32 $0x130F;
	v24 =	vimm.s32 $0x1B0F  }
0xe: {  	v25 =	vimm.s32 $0x138F;
	v26 =	vimm.s32 $0x1B8F;
	v27 =	vimm.s32 $0x40F  }
0xf: {  	v28 =	vimm.s32 $0xC0F;
	v29 =	vimm.s32 $0x140F;
	v30 =	vimm.s32 $0x1C0F  }
0x10: {  	v31 =	vimm.s32 $0x48F;
	v32 =	vimm.s32 $0xC8F;
	v33 =	vimm.s32 $0x148F  }
0x11: {  	v34 =	vimm.s32 $0x1C8F;
	v35 =	vimm.s32 $0x50F;
	v36 =	vimm.s32 $0xD0F  }
0x12: {  	v37 =	vimm.s32 $0x150F;
	v38 =	vimm.s32 $0x1D0F;
	v39 =	vimm.s32 $0x58F  }
0x13: {  	v40 =	vimm.s32 $0xD8F;
	v41 =	vimm.s32 $0x158F;
	v42 =	vimm.s32 $0x1D8F  }
0x14: {  	v43 =	vimm.s32 $0x60F;
	v44 =	vimm.s32 $0xE0F;
	v45 =	vimm.s32 $0x160F  }
0x15: {  	v46 =	vimm.s32 $0x1E0F;
	v47 =	vimm.s32 $0x68F;
	v48 =	vimm.s32 $0xE8F  }
0x16: {  	v49 =	vimm.s32 $0x168F;
	v50 =	vimm.s32 $0x1E8F;
	v51 =	vimm.s32 $0x70F  }
0x17: {  	v52 =	vimm.s32 $0xF0F;
	v53 =	vimm.s32 $0x170F;
	v54 =	vimm.s32 $0x1F0F  }
0x18: {  	v55 =	vimm.s32 $0x15141312;
	v60 =	vimm.s32 $0x19181716;
	v0 =	vsel vm14, $0x80, v0  }
0x19: {  	v1 =	vunpack.c.l.s4.s8 v1;
	v2 =	vunpack.c.l.s4.s8 v2;
	v3 =	vunpack.c.l.s4.s8 v3  }
0x1a: {  	v5 =	vsel vm14, $0x1180, v5;
	v6 =	vsel vm14, $0x1980, v6;
	v7 =	vsel vm14, $0x200, v7  }
0x1b: {  	v8 =	vsel vm14, $0xA00, v8;
	v9 =	vsel vm14, $0x1200, v9;
	v10 =	vsel vm14, $0x1A00, v10  }
0x1c: {  	v11 =	vsel vm14, $0x280, v11;
	v12 =	vsel vm14, $0xA80, v12;
	v13 =	vsel vm14, $0x1280, v13  }
0x1d: {  	v14 =	vsel vm14, $0x1A80, v14;
	v15 =	vsel vm14, $0x300, v15;
	v16 =	vsel vm14, $0xB00, v16  }
0x1e: {  	v17 =	vsel vm14, $0x1300, v17;
	v18 =	vsel vm14, $0x1B00, v18;
	v19 =	vunpack.c.l.s4.s8 v19  }
0x1f: {  	v20 =	vunpack.c.l.s4.s8 v20;
	v21 =	vsel vm14, $0x380, v21;
	v22 =	vsel vm14, $0xB80, v22  }
0x20: {  	v23 =	vsel vm14, $0x1380, v23;
	v24 =	vsel vm14, $0x1B80, v24;
	v25 =	vsel vm14, $0x1400, v25  }
0x21: {  	v26 =	vsel vm14, $0x1C00, v26;
	v27 =	vsel vm14, $0x480, v27;
	v28 =	vsel vm14, $0xC80, v28  }
0x22: {  	v29 =	vsel vm14, $0x1480, v29;
	v30 =	vsel vm14, $0x1C80, v30;
	v31 =	vsel vm14, $0x500, v31  }
0x23: {  	v32 =	vsel vm14, $0xD00, v32;
	v33 =	vsel vm14, $0x1500, v33;
	v34 =	vsel vm14, $0x1D00, v34  }
0x24: {  	v35 =	vsel vm14, $0x580, v35;
	v36 =	vsel vm14, $0xD80, v36;
	v37 =	vsel vm14, $0x1580, v37  }
0x25: {  	v38 =	vsel vm14, $0x1D80, v38;
	v39 =	vsel vm14, $0x600, v39;
	v40 =	vsel vm14, $0xE00, v40  }
0x26: {  	v41 =	vsel vm14, $0x1600, v41;
	v42 =	vsel vm14, $0x1E00, v42;
	v43 =	vsel vm14, $0x680, v43  }
0x27: {  	v44 =	vsel vm14, $0xE80, v44;
	v45 =	vsel vm14, $0x1680, v45;
	v46 =	vsel vm14, $0x1E80, v46  }
0x28: {  	v47 =	vsel vm14, $0x700, v47;
	v48 =	vsel vm14, $0xF00, v48;
	v49 =	vsel vm14, $0x1700, v49  }
0x29: {  	v50 =	vsel vm14, $0x1F00, v50;
	v51 =	vsel vm14, $0x780, v51;
	v52 =	vsel vm14, $0xF80, v52  }
0x2a: {  	v53 =	vsel vm14, $0x1780, v53;
	v54 =	vsel vm14, $0x1F80, v54;
	v63 =	vunpack.c.0.s8.s32 v55  }
0x2b: {  	v55 =	vunpack.c.0.s8.s32 v60;
	v60 =	vimm.s32 $0x2D2C2B2A;
	v0 =	vsel vm13, $0x101, v0  }
0x2c: {  	v5 =	vsel vm13, $0x1201, v5;
	v6 =	vsel vm13, $0x1A01, v6;
	v7 =	vsel vm13, $0x281, v7  }
0x2d: {  	v8 =	vsel vm13, $0xA81, v8;
	v9 =	vsel vm13, $0x1281, v9;
	v10 =	vsel vm13, $0x1A81, v10  }
0x2e: {  	v11 =	vsel vm13, $0x301, v11;
	v12 =	vsel vm13, $0xB01, v12;
	v13 =	vsel vm13, $0x1301, v13  }
0x2f: {  	v14 =	vsel vm13, $0x1B01, v14;
	v15 =	vsel vm13, $0x381, v15;
	v16 =	vsel vm13, $0xB81, v16  }
0x30: {  	v17 =	vsel vm13, $0x1381, v17;
	v18 =	vsel vm13, $0x1B81, v18;
	v21 =	vsel vm13, $0x401, v21  }
0x31: {  	v22 =	vsel vm13, $0xC01, v22;
	v23 =	vsel vm13, $0x1401, v23;
	v24 =	vsel vm13, $0x1C01, v24  }
0x32: {  	v25 =	vsel vm13, $0x1481, v25;
	v26 =	vsel vm13, $0x1C81, v26;
	v27 =	vsel vm13, $0x501, v27  }
0x33: {  	v28 =	vsel vm13, $0xD01, v28;
	v29 =	vsel vm13, $0x1501, v29;
	v30 =	vsel vm13, $0x1D01, v30  }
0x34: {  	v31 =	vsel vm13, $0x581, v31;
	v32 =	vsel vm13, $0xD81, v32;
	v33 =	vsel vm13, $0x1581, v33  }
0x35: {  	v34 =	vsel vm13, $0x1D81, v34;
	v35 =	vsel vm13, $0x601, v35;
	v36 =	vsel vm13, $0xE01, v36  }
0x36: {  	v37 =	vsel vm13, $0x1601, v37;
	v38 =	vsel vm13, $0x1E01, v38;
	v39 =	vsel vm13, $0x681, v39  }
0x37: {  	v40 =	vsel vm13, $0xE81, v40;
	v41 =	vsel vm13, $0x1681, v41;
	v42 =	vsel vm13, $0x1E81, v42  }
0x38: {  	v43 =	vsel vm13, $0x701, v43;
	v44 =	vsel vm13, $0xF01, v44;
	v45 =	vsel vm13, $0x1701, v45  }
0x39: {  	v46 =	vsel vm13, $0x1F01, v46;
	v47 =	vsel vm13, $0x781, v47;
	v48 =	vsel vm13, $0xF81, v48  }
0x3a: {  	v49 =	vsel vm13, $0x1781, v49;
	v50 =	vsel vm13, $0x1F81, v50;
	v51 =	vsel vm13, $0x1, v51  }
0x3b: {  	v52 =	vsel vm13, $0x801, v52;
	v53 =	vsel vm13, $0x1001, v53;
	v54 =	vsel vm13, $0x1801, v54  }
0x3c: {  	v0 =	vsel vm12, $0x182, v0;
	v1 =	vunpack.c.0.s8.s32 v1;
	v2 =	vunpack.c.0.s8.s32 v2  }
0x3d: {  	v3 =	vunpack.c.0.s8.s32 v3;
	v19 =	vunpack.c.0.s8.s32 v19;
	v20 =	vunpack.c.0.s8.s32 v20  }
0x3e: {  	v61 =	vsel vm12, $0x1802, v50;
	v62 =	vsel vm12, $0x82, v51;
	v0 =	vsel vm11, $0x203, v0  }
0x3f: {  	v57 =	vsel vm12, $0x882, v52;
	v58 =	vsel vm12, $0x1082, v53;
	v0 =	vsel vm10, $0x284, v0  }
0x40: {  	v59 =	vsel vm12, $0x1882, v54;
	v54 =	vunpack.c.0.s8.s32 v60;
	v0 =	vsel vm9, $0x305, v0  }
0x41: {  	v50 =	vsel vm11, $0x103, v62;
	v51 =	vsel vm11, $0x903, v57;
	v0 =	vsel vm8, $0x386, v0  }
0x42: {  	v52 =	vsel vm11, $0x1103, v58;
	v53 =	vsel vm11, $0x1903, v59;
	v0 =	vsel vm7, $0x407, v0  }
0x43: {  	v62 =	vimm.s32 $0x25242322;
	v57 =	vimm.s32 $0x29282726;
	[tilespmem:$0x1F690] =	vst v1;
	v0 =	vsel vm5, $0x488, v0  }
0x44: {  	[tilespmem:$0x1F6A0] =	vst v2;
	v1 =	vcombine.low v2, v1;
	v2 =	vimm.s32 $0x80F;
	v0 =	vsel vm6, $0x509, v0  }
0x45: {  	v58 =	vimm.s32 $0x3D3C3B3A;
	v2 =	vsel vm14, $0x880, v2;
	v0 =	vsel vm3, $0x58A, v0  }
0x46: {  	v19 =	vand.u32 $0xF, v19;
	v2 =	vsel vm13, $0x901, v2;
	v0 =	vsel vm4, $0x60B, v0  }
0x47: {  	v50 =	vsel vm10, $0x184, v50;
	v2 =	vsel vm12, $0x982, v2;
	v0 =	vsel vm1, $0x68C, v0  }
0x48: {  	v51 =	vsel vm10, $0x984, v51;
	v2 =	vsel vm11, $0xA03, v2;
	v0 =	vsel vm2, $0x70D, v0  }
0x49: {  	v52 =	vsel vm10, $0x1184, v52;
	v2 =	vsel vm10, $0xA84, v2;
	v0 =	vsel vm0, $0x78E, v0  }
0x4a: {  	v53 =	vsel vm10, $0x1984, v53;
	v19 =	vcombine.low v19, v20;
	[tilespmem:$0x1F820] =	vst v0;
	v0 =	vsel vm9, $0xB05, v2  }
0x4b: {  	v20 =	vimm.s32 $0xB8F;
	v50 =	vsel vm9, $0x205, v50;
	v0 =	vsel vm8, $0xB86, v0  }
0x4c: {  	v51 =	vsel vm9, $0xA05, v51;
	v52 =	vsel vm9, $0x1205, v52;
	v0 =	vsel vm7, $0xC07, v0  }
0x4d: {  	v53 =	vsel vm9, $0x1A05, v53;
	v1 =	vand.u32 $0xF, v1;
	v0 =	vsel vm5, $0xC88, v0  }
0x4e: {  	v20 =	vsel vm14, $0xC00, v20;
	[tilespmem:$0x1F840] =	vst v1;
	v1 =	vimm.s32 $0x1C1B1A19;
	v0 =	vsel vm6, $0xD09, v0  }
0x4f: {  	v50 =	vsel vm8, $0x286, v50;
	v1 =	vunpack.c.0.s8.s32 v1;
	v0 =	vsel vm3, $0xD8A, v0  }
0x50: {  	v51 =	vsel vm8, $0xA86, v51;
	v2 =	vimm.s32 $0x100F;
	v0 =	vsel vm4, $0xE0B, v0  }
0x51: {  	v52 =	vsel vm8, $0x1286, v52;
	[tilespmem:$0x1FA80] =	vst v1;
	v1 =	vsel vm14, $0x1080, v2;
	v0 =	vsel vm1, $0xE8C, v0  }
0x52: {  	v53 =	vsel vm8, $0x1A86, v53;
	v1 =	vsel vm13, $0x1101, v1;
	v0 =	vsel vm2, $0xF0D, v0  }
0x53: {  	[tilespmem:$0x1F7A0] =	vst v19;
	v19 =	vimm.s32 $0x38F;
	v1 =	vsel vm12, $0x1182, v1;
	v0 =	vsel vm0, $0xF8E, v0  }
0x54: {  	v20 =	vsel vm13, $0xC81, v20;
	v1 =	vsel vm11, $0x1203, v1;
	[tilespmem:$0x1F810] =	vst v0;
	v0 =	vimm.s32 $0x2C2B2A29  }
0x55: {  	v56 =	vsel vm7, $0x1307, v52;
	v1 =	vsel vm10, $0x1284, v1;
	v0 =	vunpack.c.0.s8.s32 v0  }
0x56: {  	v19 =	vsel vm14, $0x400, v19;
	v20 =	vsel vm12, $0xD02, v20;
	v1 =	vsel vm9, $0x1305, v1  }
0x57: {  	v19 =	vsel vm13, $0x481, v19;
	v1 =	vsel vm8, $0x1386, v1;
	[tilespmem:$0x1FAC0] =	vst v0;
	v0 =	vimm.s32 $0x202F2E2D  }
0x58: {  	v20 =	vsel vm11, $0xD83, v20;
	v1 =	vsel vm7, $0x1407, v1;
	v0 =	vunpack.c.0.s8.s32 v0  }
0x59: {  	v19 =	vsel vm12, $0x502, v19;
	v2 =	vimm.s32 $0x101F1E1D;
	v1 =	vsel vm5, $0x1488, v1  }
0x5a: {  	v20 =	vsel vm10, $0xE04, v20;
	v2 =	vunpack.c.0.s8.s32 v2;
	[tilespmem:$0x1FAD0] =	vst v0;
	v0 =	vsel vm6, $0x1509, v1  }
0x5b: {  	v19 =	vsel vm11, $0x583, v19;
	v20 =	vsel vm9, $0xE85, v20;
	v0 =	vsel vm3, $0x158A, v0  }
0x5c: {  	v19 =	vsel vm10, $0x604, v19;
	[tilespmem:$0x1FA90] =	vst v2;
	v2 =	vimm.s32 $0x14131211;
	v0 =	vsel vm4, $0x160B, v0  }
0x5d: {  	v20 =	vsel vm8, $0xF06, v20;
	v2 =	vunpack.c.0.s8.s32 v2;
	v0 =	vsel vm1, $0x168C, v0  }
0x5e: {  	v19 =	vsel vm9, $0x685, v19;
	v20 =	vsel vm7, $0xF87, v20;
	v0 =	vsel vm2, $0x170D, v0  }
0x5f: {  	v19 =	vsel vm8, $0x706, v19;
	[tilespmem:$0x1FAA0] =	vst v2;
	v2 =	vimm.s32 $0x18171615;
	v0 =	vsel vm0, $0x178E, v0  }
0x60: {  	v20 =	vsel vm5, $0x808, v20;
	v2 =	vunpack.c.0.s8.s32 v2;
	[tilespmem:$0x1F6B0] =	vst v0;
	v0 =	vimm.s32 $0x3C3B3A39  }
0x61: {  	v19 =	vsel vm7, $0x787, v19;
	v1 =	vimm.s32 $0x180F;
	v0 =	vunpack.c.0.s8.s32 v0  }
0x62: {  	v20 =	vsel vm6, $0x889, v20;
	[tilespmem:$0x1FAB0] =	vst v2;
	v2 =	vimm.s32 $0x24232221;
	v1 =	vsel vm14, $0x1880, v1  }
0x63: {  	v2 =	vunpack.c.0.s8.s32 v2;
	v1 =	vsel vm13, $0x1901, v1;
	[tilespmem:$0x1FB60] =	vst v0;
	v0 =	vimm.s32 $0x303F3E3D  }
0x64: {  	v19 =	vsel vm5, $0x8, v19;
	v1 =	vsel vm12, $0x1982, v1;
	v0 =	vunpack.c.0.s8.s32 v0  }
0x65: {  	v20 =	vsel vm3, $0x90A, v20;
	[tilespmem:$0x1FAE0] =	vst v2;
	v2 =	vimm.s32 $0x28272625;
	v1 =	vsel vm11, $0x1A03, v1  }
0x66: {  	v2 =	vunpack.c.0.s8.s32 v2;
	v1 =	vsel vm10, $0x1A84, v1;
	[tilespmem:$0x1FB70] =	vst v0;
	v0 =	vimm.s32 $0x34333231  }
0x67: {  	v19 =	vsel vm6, $0x89, v19;
	v1 =	vsel vm9, $0x1B05, v1;
	v0 =	vunpack.c.0.s8.s32 v0  }
0x68: {  	v20 =	vsel vm4, $0x98B, v20;
	v19 =	vsel vm3, $0x10A, v19;
	[tilespmem:$0x1FAF0] =	vst v2;
	v1 =	vsel vm8, $0x1B86, v1  }
0x69: {  	v2 =	vimm.s32 $0x38373635;
	[tilespmem:$0x1FB80] =	vst v0;
	v0 =	vsel vm7, $0x1C07, v1;
	v1 =	vimm.s32 $0x8F  }
0x6a: {  	v19 =	vsel vm4, $0x18B, v19;
	v2 =	vunpack.c.0.s8.s32 v2;
	v1 =	vsel vm14, $0x100, v1  }
0x6b: {  	v20 =	vsel vm1, $0xA0C, v20;
	v19 =	vsel vm1, $0x20C, v19;
	v1 =	vsel vm13, $0x181, v1  }
0x6c: {  	[tilespmem:$0x1FB90] =	vst v2;
	v2 =	vimm.s32 $0x10FEDCBA;
	v0 =	vsel vm5, $0x1C88, v0;
	v1 =	vsel vm12, $0x202, v1  }
0x6d: {  	v2 =	vunpack.c.l.s4.s8 v2;
	v0 =	vsel vm6, $0x1D09, v0;
	v1 =	vsel vm11, $0x283, v1  }
0x6e: {  	v19 =	vsel vm2, $0x28D, v19;
	v0 =	vsel vm3, $0x1D8A, v0;
	v1 =	vsel vm10, $0x304, v1  }
0x6f: {  	v4 =	vunpack.c.0.s8.s32 v2;
	v0 =	vsel vm4, $0x1E0B, v0;
	v1 =	vsel vm9, $0x385, v1  }
0x70: {  	v2 =	vimm.s32 $0x88F;
	v0 =	vsel vm1, $0x1E8C, v0;
	v1 =	vsel vm8, $0x406, v1  }
0x71: {  	[tilespmem:$0x1F6D0] =	vst v3;
	v2 =	vsel vm14, $0x900, v2;
	v0 =	vsel vm2, $0x1F0D, v0;
	v1 =	vsel vm7, $0x487, v1  }
0x72: {  	[tilespmem:$0x1F6C0] =	vst v4;
	v3 =	vcombine.low v3, v4;
	v0 =	vsel vm0, $0x1F8E, v0;
	v1 =	vsel vm5, $0x508, v1  }
0x73: {  	v2 =	vsel vm13, $0x981, v2;
	v4 =	vimm.s32 $0x90F;
	[tilespmem:$0x1F6E0] =	vst v0;
	v0 =	vsel vm6, $0x589, v1  }
0x74: {  	v4 =	vsel vm14, $0x980, v4;
	v1 =	vsel vm12, $0xA02, v2;
	v0 =	vsel vm3, $0x60A, v0  }
0x75: {  	v2 =	vand.u32 $0xF, v3;
	v1 =	vsel vm11, $0xA83, v1;
	v0 =	vsel vm4, $0x68B, v0  }
0x76: {  	[tilespmem:$0x1F6F0] =	vst v2;
	v2 =	vimm.s32 $0x108F;
	v1 =	vsel vm10, $0xB04, v1;
	v0 =	vsel vm1, $0x70C, v0  }
0x77: {  	v2 =	vsel vm14, $0x1100, v2;
	v1 =	vsel vm9, $0xB85, v1;
	v0 =	vsel vm2, $0x78D, v0  }
0x78: {  	v2 =	vsel vm13, $0x1181, v2;
	v1 =	vsel vm8, $0xC06, v1;
	v0 =	vsel vm0, $0xE, v0  }
0x79: {  	[tilespmem:$0x1F700] =	vst v0;
	v0 =	vsel vm7, $0xC87, v1;
	v1 =	vsel vm12, $0x1202, v2;
	v2 =	vimm.s32 $0x1D1C1B1A  }
0x7a: {  	v4 =	vsel vm13, $0xA01, v4;
	v0 =	vsel vm5, $0xD08, v0;
	v2 =	vunpack.c.0.s8.s32 v2  }
0x7b: {  	v3 =	vimm.s32 $0x10F;
	v1 =	vsel vm11, $0x1283, v1;
	v0 =	vsel vm6, $0xD89, v0  }
0x7c: {  	v1 =	vsel vm10, $0x1304, v1;
	[tilespmem:$0x1FBA0] =	vst v2;
	v2 =	vimm.s32 $0x11101F1E;
	v0 =	vsel vm3, $0xE0A, v0  }
0x7d: {  	v1 =	vsel vm9, $0x1385, v1;
	v2 =	vunpack.c.0.s8.s32 v2;
	v0 =	vsel vm4, $0xE8B, v0  }
0x7e: {  	v3 =	vsel vm14, $0x180, v3;
	v1 =	vsel vm8, $0x1406, v1;
	v0 =	vsel vm1, $0xF0C, v0  }
0x7f: {  	v1 =	vsel vm7, $0x1487, v1;
	[tilespmem:$0x1FBB0] =	vst v2;
	v2 =	vimm.s32 $0x188F;
	v0 =	vsel vm2, $0xF8D, v0  }
0x80: {  	v1 =	vsel vm5, $0x1508, v1;
	v2 =	vsel vm14, $0x1900, v2;
	v0 =	vsel vm0, $0x80E, v0  }
0x81: {  	v3 =	vsel vm13, $0x201, v3;
	v2 =	vsel vm13, $0x1981, v2;
	[tilespmem:$0x1F710] =	vst v0;
	v0 =	vsel vm6, $0x1589, v1  }
0x82: {  	v1 =	vsel vm12, $0x1A02, v2;
	v2 =	vsel vm12, $0x282, v3;
	v3 =	vsel vm12, $0xA82, v4  }
0x83: {  	v4 =	vsel vm12, $0x1282, v5;
	v5 =	vsel vm12, $0x1A82, v6;
	v6 =	vsel vm12, $0x302, v7  }
0x84: {  	v7 =	vsel vm12, $0xB02, v8;
	v8 =	vsel vm12, $0x1302, v9;
	v9 =	vsel vm12, $0x1B02, v10  }
0x85: {  	v10 =	vsel vm12, $0x382, v11;
	v11 =	vsel vm12, $0xB82, v12;
	v12 =	vsel vm12, $0x1382, v13  }
0x86: {  	v13 =	vsel vm12, $0x1B82, v14;
	v14 =	vsel vm12, $0x402, v15;
	v15 =	vsel vm12, $0xC02, v16  }
0x87: {  	v16 =	vsel vm12, $0x1402, v17;
	v17 =	vsel vm12, $0x1C02, v18;
	v18 =	vsel vm12, $0x482, v21  }
0x88: {  	v21 =	vsel vm12, $0xC82, v22;
	v22 =	vsel vm12, $0x1482, v23;
	v23 =	vsel vm12, $0x1C82, v24  }
0x89: {  	v24 =	vsel vm12, $0x1502, v25;
	v25 =	vsel vm12, $0x1D02, v26;
	v26 =	vsel vm12, $0x582, v27  }
0x8a: {  	v27 =	vsel vm12, $0xD82, v28;
	v28 =	vsel vm12, $0x1582, v29;
	v29 =	vsel vm12, $0x1D82, v30  }
0x8b: {  	v30 =	vsel vm12, $0x602, v31;
	v31 =	vsel vm12, $0xE02, v32;
	v32 =	vsel vm12, $0x1602, v33  }
0x8c: {  	v33 =	vsel vm12, $0x1E02, v34;
	v34 =	vsel vm12, $0x682, v35;
	v35 =	vsel vm12, $0xE82, v36  }
0x8d: {  	v36 =	vsel vm12, $0x1682, v37;
	v37 =	vsel vm12, $0x1E82, v38;
	v38 =	vsel vm12, $0x702, v39  }
0x8e: {  	v39 =	vsel vm12, $0xF02, v40;
	v40 =	vsel vm12, $0x1702, v41;
	v41 =	vsel vm12, $0x1F02, v42  }
0x8f: {  	v42 =	vsel vm12, $0x782, v43;
	v43 =	vsel vm12, $0xF82, v44;
	v44 =	vsel vm12, $0x1782, v45  }
0x90: {  	v45 =	vsel vm12, $0x1F82, v46;
	v46 =	vsel vm12, $0x2, v47;
	v47 =	vsel vm12, $0x802, v48  }
0x91: {  	v48 =	vsel vm12, $0x1002, v49;
	v0 =	vsel vm3, $0x160A, v0;
	v49 =	vsel vm11, $0x1883, v61  }
0x92: {  	v61 =	vimm.s32 $0x21202F2E;
	v1 =	vsel vm11, $0x1A83, v1;
	v2 =	vsel vm11, $0x303, v2  }
0x93: {  	v3 =	vsel vm11, $0xB03, v3;
	v4 =	vsel vm11, $0x1303, v4;
	v5 =	vsel vm11, $0x1B03, v5  }
0x94: {  	v6 =	vsel vm11, $0x383, v6;
	v7 =	vsel vm11, $0xB83, v7;
	v8 =	vsel vm11, $0x1383, v8  }
0x95: {  	v9 =	vsel vm11, $0x1B83, v9;
	v10 =	vsel vm11, $0x403, v10;
	v11 =	vsel vm11, $0xC03, v11  }
0x96: {  	v12 =	vsel vm11, $0x1403, v12;
	v13 =	vsel vm11, $0x1C03, v13;
	v14 =	vsel vm11, $0x483, v14  }
0x97: {  	v15 =	vsel vm11, $0xC83, v15;
	v16 =	vsel vm11, $0x1483, v16;
	v17 =	vsel vm11, $0x1C83, v17  }
0x98: {  	v18 =	vsel vm11, $0x503, v18;
	v21 =	vsel vm11, $0xD03, v21;
	v22 =	vsel vm11, $0x1503, v22  }
0x99: {  	v23 =	vsel vm11, $0x1D03, v23;
	v24 =	vsel vm11, $0x1583, v24;
	v25 =	vsel vm11, $0x1D83, v25  }
0x9a: {  	v26 =	vsel vm11, $0x603, v26;
	v27 =	vsel vm11, $0xE03, v27;
	v28 =	vsel vm11, $0x1603, v28  }
0x9b: {  	v29 =	vsel vm11, $0x1E03, v29;
	v30 =	vsel vm11, $0x683, v30;
	v31 =	vsel vm11, $0xE83, v31  }
0x9c: {  	v32 =	vsel vm11, $0x1683, v32;
	v33 =	vsel vm11, $0x1E83, v33;
	v34 =	vsel vm11, $0x703, v34  }
0x9d: {  	v35 =	vsel vm11, $0xF03, v35;
	v36 =	vsel vm11, $0x1703, v36;
	v37 =	vsel vm11, $0x1F03, v37  }
0x9e: {  	v38 =	vsel vm11, $0x783, v38;
	v39 =	vsel vm11, $0xF83, v39;
	v40 =	vsel vm11, $0x1783, v40  }
0x9f: {  	v41 =	vsel vm11, $0x1F83, v41;
	v42 =	vsel vm11, $0x3, v42;
	v43 =	vsel vm11, $0x803, v43  }
0xa0: {  	v44 =	vsel vm11, $0x1003, v44;
	v45 =	vsel vm11, $0x1803, v45;
	v46 =	vsel vm11, $0x83, v46  }
0xa1: {  	[tilespmem:$0x1FC20] =	vst v54;
	v47 =	vsel vm11, $0x883, v47;
	v48 =	vsel vm11, $0x1083, v48;
	v54 =	vunpack.c.0.s8.s32 v61  }
0xa2: {  	v0 =	vsel vm4, $0x168B, v0;
	v49 =	vsel vm10, $0x1904, v49;
	v61 =	vsel vm7, $0x307, v50  }
0xa3: {  	v1 =	vsel vm10, $0x1B04, v1;
	v2 =	vsel vm10, $0x384, v2;
	v3 =	vsel vm10, $0xB84, v3  }
0xa4: {  	v4 =	vsel vm10, $0x1384, v4;
	v5 =	vsel vm10, $0x1B84, v5;
	v6 =	vsel vm10, $0x404, v6  }
0xa5: {  	v7 =	vsel vm10, $0xC04, v7;
	v8 =	vsel vm10, $0x1404, v8;
	v9 =	vsel vm10, $0x1C04, v9  }
0xa6: {  	v10 =	vsel vm10, $0x484, v10;
	v11 =	vsel vm10, $0xC84, v11;
	v12 =	vsel vm10, $0x1484, v12  }
0xa7: {  	v13 =	vsel vm10, $0x1C84, v13;
	v14 =	vsel vm10, $0x504, v14;
	v15 =	vsel vm10, $0xD04, v15  }
0xa8: {  	v16 =	vsel vm10, $0x1504, v16;
	v17 =	vsel vm10, $0x1D04, v17;
	v18 =	vsel vm10, $0x584, v18  }
0xa9: {  	v21 =	vsel vm10, $0xD84, v21;
	v22 =	vsel vm10, $0x1584, v22;
	v23 =	vsel vm10, $0x1D84, v23  }
0xaa: {  	v24 =	vsel vm10, $0x1604, v24;
	v25 =	vsel vm10, $0x1E04, v25;
	v26 =	vsel vm10, $0x684, v26  }
0xab: {  	v27 =	vsel vm10, $0xE84, v27;
	v28 =	vsel vm10, $0x1684, v28;
	v29 =	vsel vm10, $0x1E84, v29  }
0xac: {  	v30 =	vsel vm10, $0x704, v30;
	v31 =	vsel vm10, $0xF04, v31;
	v32 =	vsel vm10, $0x1704, v32  }
0xad: {  	v33 =	vsel vm10, $0x1F04, v33;
	v34 =	vsel vm10, $0x784, v34;
	v35 =	vsel vm10, $0xF84, v35  }
0xae: {  	v36 =	vsel vm10, $0x1784, v36;
	v37 =	vsel vm10, $0x1F84, v37;
	v38 =	vsel vm10, $0x4, v38  }
0xaf: {  	v39 =	vsel vm10, $0x804, v39;
	v40 =	vsel vm10, $0x1004, v40;
	v41 =	vsel vm10, $0x1804, v41  }
0xb0: {  	v42 =	vsel vm10, $0x84, v42;
	v43 =	vsel vm10, $0x884, v43;
	v44 =	vsel vm10, $0x1084, v44  }
0xb1: {  	v45 =	vsel vm10, $0x1884, v45;
	v46 =	vsel vm10, $0x104, v46;
	v47 =	vsel vm10, $0x904, v47  }
0xb2: {  	v48 =	vsel vm10, $0x1104, v48;
	v0 =	vsel vm1, $0x170C, v0;
	v49 =	vsel vm9, $0x1985, v49  }
0xb3: {  	[tilespmem:$0x1FC30] =	vst v54;
	v1 =	vsel vm9, $0x1B85, v1;
	v54 =	vunpack.c.0.s8.s32 v62;
	v2 =	vsel vm9, $0x405, v2  }
0xb4: {  	v3 =	vsel vm9, $0xC05, v3;
	v4 =	vsel vm9, $0x1405, v4;
	v5 =	vsel vm9, $0x1C05, v5  }
0xb5: {  	v6 =	vsel vm9, $0x485, v6;
	v7 =	vsel vm9, $0xC85, v7;
	v8 =	vsel vm9, $0x1485, v8  }
0xb6: {  	v9 =	vsel vm9, $0x1C85, v9;
	v10 =	vsel vm9, $0x505, v10;
	v11 =	vsel vm9, $0xD05, v11  }
0xb7: {  	v12 =	vsel vm9, $0x1505, v12;
	v13 =	vsel vm9, $0x1D05, v13;
	v14 =	vsel vm9, $0x585, v14  }
0xb8: {  	v15 =	vsel vm9, $0xD85, v15;
	v16 =	vsel vm9, $0x1585, v16;
	v17 =	vsel vm9, $0x1D85, v17  }
0xb9: {  	v18 =	vsel vm9, $0x605, v18;
	v21 =	vsel vm9, $0xE05, v21;
	v22 =	vsel vm9, $0x1605, v22  }
0xba: {  	v23 =	vsel vm9, $0x1E05, v23;
	v24 =	vsel vm9, $0x1685, v24;
	v25 =	vsel vm9, $0x1E85, v25  }
0xbb: {  	v26 =	vsel vm9, $0x705, v26;
	v27 =	vsel vm9, $0xF05, v27;
	v28 =	vsel vm9, $0x1705, v28  }
0xbc: {  	v29 =	vsel vm9, $0x1F05, v29;
	v30 =	vsel vm9, $0x785, v30;
	v31 =	vsel vm9, $0xF85, v31  }
0xbd: {  	v32 =	vsel vm9, $0x1785, v32;
	v33 =	vsel vm9, $0x1F85, v33;
	v34 =	vsel vm9, $0x5, v34  }
0xbe: {  	v35 =	vsel vm9, $0x805, v35;
	v36 =	vsel vm9, $0x1005, v36;
	v37 =	vsel vm9, $0x1805, v37  }
0xbf: {  	v38 =	vsel vm9, $0x85, v38;
	v39 =	vsel vm9, $0x885, v39;
	v40 =	vsel vm9, $0x1085, v40  }
0xc0: {  	v41 =	vsel vm9, $0x1885, v41;
	v42 =	vsel vm9, $0x105, v42;
	v43 =	vsel vm9, $0x905, v43  }
0xc1: {  	v44 =	vsel vm9, $0x1105, v44;
	v45 =	vsel vm9, $0x1905, v45;
	v46 =	vsel vm9, $0x185, v46  }
0xc2: {  	v47 =	vsel vm9, $0x985, v47;
	v48 =	vsel vm9, $0x1185, v48;
	v0 =	vsel vm2, $0x178D, v0  }
0xc3: {  	v49 =	vsel vm8, $0x1A06, v49;
	v62 =	vsel vm7, $0xB07, v51;
	v51 =	vsel vm5, $0x1388, v56  }
0xc4: {  	v56 =	vimm.s32 $0x39383736;
	v1 =	vsel vm8, $0x1C06, v1;
	v2 =	vsel vm8, $0x486, v2  }
0xc5: {  	v3 =	vsel vm8, $0xC86, v3;
	v4 =	vsel vm8, $0x1486, v4;
	v5 =	vsel vm8, $0x1C86, v5  }
0xc6: {  	v6 =	vsel vm8, $0x506, v6;
	v7 =	vsel vm8, $0xD06, v7;
	v8 =	vsel vm8, $0x1506, v8  }
0xc7: {  	v9 =	vsel vm8, $0x1D06, v9;
	v10 =	vsel vm8, $0x586, v10;
	v11 =	vsel vm8, $0xD86, v11  }
0xc8: {  	v12 =	vsel vm8, $0x1586, v12;
	v13 =	vsel vm8, $0x1D86, v13;
	v14 =	vsel vm8, $0x606, v14  }
0xc9: {  	v15 =	vsel vm8, $0xE06, v15;
	v16 =	vsel vm8, $0x1606, v16;
	v17 =	vsel vm8, $0x1E06, v17  }
0xca: {  	v18 =	vsel vm8, $0x686, v18;
	v21 =	vsel vm8, $0xE86, v21;
	v22 =	vsel vm8, $0x1686, v22  }
0xcb: {  	v23 =	vsel vm8, $0x1E86, v23;
	v24 =	vsel vm8, $0x1706, v24;
	v25 =	vsel vm8, $0x1F06, v25  }
0xcc: {  	v26 =	vsel vm8, $0x786, v26;
	v27 =	vsel vm8, $0xF86, v27;
	v28 =	vsel vm8, $0x1786, v28  }
0xcd: {  	v29 =	vsel vm8, $0x1F86, v29;
	v30 =	vsel vm8, $0x6, v30;
	v31 =	vsel vm8, $0x806, v31  }
0xce: {  	v32 =	vsel vm8, $0x1006, v32;
	v33 =	vsel vm8, $0x1806, v33;
	v34 =	vsel vm8, $0x86, v34  }
0xcf: {  	v35 =	vsel vm8, $0x886, v35;
	v36 =	vsel vm8, $0x1086, v36;
	v37 =	vsel vm8, $0x1886, v37  }
0xd0: {  	v38 =	vsel vm8, $0x106, v38;
	v39 =	vsel vm8, $0x906, v39;
	v40 =	vsel vm8, $0x1106, v40  }
0xd1: {  	v41 =	vsel vm8, $0x1906, v41;
	v42 =	vsel vm8, $0x186, v42;
	v43 =	vsel vm8, $0x986, v43  }
0xd2: {  	v44 =	vsel vm8, $0x1186, v44;
	v45 =	vsel vm8, $0x1986, v45;
	v46 =	vsel vm8, $0x206, v46  }
0xd3: {  	v47 =	vsel vm8, $0xA06, v47;
	v48 =	vsel vm8, $0x1206, v48;
	v0 =	vsel vm0, $0x100E, v0  }
0xd4: {  	v60 =	vsel vm7, $0x1A87, v49;
	v49 =	vsel vm5, $0x388, v61;
	v50 =	vsel vm5, $0xB88, v62  }
0xd5: {  	v51 =	vsel vm6, $0x1409, v51;
	v61 =	vimm.s32 $0x35343332;
	v62 =	vunpack.c.0.s8.s32 v56;
	[tilespmem:$0x1FC40] =	vst v54  }
0xd6: {  	v1 =	vsel vm7, $0x1C87, v1;
	v54 =	vunpack.c.0.s8.s32 v57;
	[tilespmem:$0x1F720] =	vst v0;
	v0 =	vunpack.c.0.s8.s32 v58  }
0xd7: {  	v59 =	vsel vm7, $0x1287, v48;
	v57 =	vsel vm7, $0x1B07, v53;
	v58 =	vimm.s32 $0x31303F3E  }
0xd8: {  	v48 =	vsel vm5, $0x1B08, v60;
	v50 =	vsel vm6, $0xC09, v50;
	v60 =	vimm.s32 $0xA9876543  }
0xd9: {  	[tilespmem:$0x1FBD0] =	vst v55;
	v51 =	vsel vm3, $0x148A, v51;
	v55 =	vunpack.c.0.s8.s32 v61;
	v1 =	vsel vm5, $0x1D08, v1  }
0xda: {  	v53 =	vunpack.c.0.s8.s32 v58;
	v52 =	vsel vm5, $0x1B88, v57;
	v50 =	vsel vm3, $0xC8A, v50  }
0xdb: {  	v51 =	vsel vm4, $0x150B, v51;
	v1 =	vsel vm6, $0x1D89, v1;
	v52 =	vsel vm6, $0x1C09, v52  }
0xdc: {  	[tilespmem:$0x1FC50] =	vst v54;
	v54 =	vunpack.c.l.s4.s8 v60;
	v50 =	vsel vm4, $0xD0B, v50;
	v1 =	vsel vm3, $0x1E0A, v1  }
0xdd: {  	[tilespmem:$0x1FC60] =	vst v0;
	v52 =	vsel vm3, $0x1C8A, v52;
	v0 =	vsel vm4, $0x1E8B, v1;
	v1 =	vsel vm7, $0x507, v2  }
0xde: {  	v2 =	vsel vm7, $0xD07, v3;
	v3 =	vsel vm7, $0x1507, v4;
	v4 =	vsel vm7, $0x1D07, v5  }
0xdf: {  	v5 =	vsel vm7, $0x587, v6;
	v6 =	vsel vm7, $0xD87, v7;
	v7 =	vsel vm7, $0x1587, v8  }
0xe0: {  	v8 =	vsel vm7, $0x1D87, v9;
	v9 =	vsel vm7, $0x607, v10;
	v10 =	vsel vm7, $0xE07, v11  }
0xe1: {  	v11 =	vsel vm7, $0x1607, v12;
	v12 =	vsel vm7, $0x1E07, v13;
	v13 =	vsel vm7, $0x687, v14  }
0xe2: {  	v14 =	vsel vm7, $0xE87, v15;
	v15 =	vsel vm7, $0x1687, v16;
	v16 =	vsel vm7, $0x1E87, v17  }
0xe3: {  	v17 =	vsel vm7, $0x707, v18;
	v18 =	vsel vm7, $0xF07, v21;
	v21 =	vsel vm7, $0x1707, v22  }
0xe4: {  	v22 =	vsel vm7, $0x1F07, v23;
	v23 =	vsel vm7, $0x1787, v24;
	v24 =	vsel vm7, $0x1F87, v25  }
0xe5: {  	v25 =	vsel vm7, $0x7, v26;
	v26 =	vsel vm7, $0x807, v27;
	v27 =	vsel vm7, $0x1007, v28  }
0xe6: {  	v28 =	vsel vm7, $0x1807, v29;
	v29 =	vsel vm7, $0x87, v30;
	v30 =	vsel vm7, $0x887, v31  }
0xe7: {  	v31 =	vsel vm7, $0x1087, v32;
	v32 =	vsel vm7, $0x1887, v33;
	v33 =	vsel vm7, $0x107, v34  }
0xe8: {  	v34 =	vsel vm7, $0x907, v35;
	v35 =	vsel vm7, $0x1107, v36;
	v36 =	vsel vm7, $0x1907, v37  }
0xe9: {  	v37 =	vsel vm7, $0x187, v38;
	v38 =	vsel vm7, $0x987, v39;
	v39 =	vsel vm7, $0x1187, v40  }
0xea: {  	v40 =	vsel vm7, $0x1987, v41;
	v41 =	vsel vm7, $0x207, v42;
	v42 =	vsel vm7, $0xA07, v43  }
0xeb: {  	v43 =	vsel vm7, $0x1207, v44;
	v44 =	vsel vm7, $0x1A07, v45;
	v45 =	vsel vm7, $0x287, v46  }
0xec: {  	v46 =	vsel vm7, $0xA87, v47;
	v47 =	vsel vm5, $0x1308, v59;
	v59 =	vimm.s32 $0x210FEDCB  }
0xed: {  	v0 =	vsel vm1, $0x1F0C, v0;
	v1 =	vsel vm5, $0x588, v1;
	v2 =	vsel vm5, $0xD88, v2  }
0xee: {  	v3 =	vsel vm5, $0x1588, v3;
	v4 =	vsel vm5, $0x1D88, v4;
	v5 =	vsel vm5, $0x608, v5  }
0xef: {  	v6 =	vsel vm5, $0xE08, v6;
	v7 =	vsel vm5, $0x1608, v7;
	v8 =	vsel vm5, $0x1E08, v8  }
0xf0: {  	v9 =	vsel vm5, $0x688, v9;
	v10 =	vsel vm5, $0xE88, v10;
	v11 =	vsel vm5, $0x1688, v11  }
0xf1: {  	v12 =	vsel vm5, $0x1E88, v12;
	v13 =	vsel vm5, $0x708, v13;
	v14 =	vsel vm5, $0xF08, v14  }
0xf2: {  	v15 =	vsel vm5, $0x1708, v15;
	v16 =	vsel vm5, $0x1F08, v16;
	v17 =	vsel vm5, $0x788, v17  }
0xf3: {  	v18 =	vsel vm5, $0xF88, v18;
	v21 =	vsel vm5, $0x1788, v21;
	v22 =	vsel vm5, $0x1F88, v22  }
0xf4: {  	v23 =	vsel vm5, $0x1008, v23;
	v24 =	vsel vm5, $0x1808, v24;
	v25 =	vsel vm5, $0x88, v25  }
0xf5: {  	v26 =	vsel vm5, $0x888, v26;
	v27 =	vsel vm5, $0x1088, v27;
	v28 =	vsel vm5, $0x1888, v28  }
0xf6: {  	v29 =	vsel vm5, $0x108, v29;
	v30 =	vsel vm5, $0x908, v30;
	v31 =	vsel vm5, $0x1108, v31  }
0xf7: {  	v32 =	vsel vm5, $0x1908, v32;
	v33 =	vsel vm5, $0x188, v33;
	v34 =	vsel vm5, $0x988, v34  }
0xf8: {  	v35 =	vsel vm5, $0x1188, v35;
	v36 =	vsel vm5, $0x1988, v36;
	v37 =	vsel vm5, $0x208, v37  }
0xf9: {  	v38 =	vsel vm5, $0xA08, v38;
	v39 =	vsel vm5, $0x1208, v39;
	v40 =	vsel vm5, $0x1A08, v40  }
0xfa: {  	v41 =	vsel vm5, $0x288, v41;
	v42 =	vsel vm5, $0xA88, v42;
	v43 =	vsel vm5, $0x1288, v43  }
0xfb: {  	v44 =	vsel vm5, $0x1A88, v44;
	v45 =	vsel vm5, $0x308, v45;
	v46 =	vsel vm5, $0xB08, v46  }
0xfc: {  	[tilespmem:$0x1FC70] =	vst v53;
	v53 =	vunpack.c.l.s4.s8 v59;
	v0 =	vsel vm2, $0x1F8D, v0;
	v1 =	vsel vm6, $0x609, v1  }
0xfd: {  	v2 =	vsel vm6, $0xE09, v2;
	v3 =	vsel vm6, $0x1609, v3;
	v4 =	vsel vm6, $0x1E09, v4  }
0xfe: {  	v5 =	vsel vm6, $0x689, v5;
	v6 =	vsel vm6, $0xE89, v6;
	v7 =	vsel vm6, $0x1689, v7  }
0xff: {  	v8 =	vsel vm6, $0x1E89, v8;
	v9 =	vsel vm6, $0x709, v9;
	v10 =	vsel vm6, $0xF09, v10  }
0x100: {  	v11 =	vsel vm6, $0x1709, v11;
	v12 =	vsel vm6, $0x1F09, v12;
	v13 =	vsel vm6, $0x789, v13  }
0x101: {  	v14 =	vsel vm6, $0xF89, v14;
	v15 =	vsel vm6, $0x1789, v15;
	v16 =	vsel vm6, $0x1F89, v16  }
0x102: {  	v17 =	vsel vm6, $0x9, v17;
	v18 =	vsel vm6, $0x809, v18;
	v21 =	vsel vm6, $0x1009, v21  }
0x103: {  	v22 =	vsel vm6, $0x1809, v22;
	v23 =	vsel vm6, $0x1089, v23;
	v24 =	vsel vm6, $0x1889, v24  }
0x104: {  	v25 =	vsel vm6, $0x109, v25;
	v26 =	vsel vm6, $0x909, v26;
	v27 =	vsel vm6, $0x1109, v27  }
0x105: {  	v28 =	vsel vm6, $0x1909, v28;
	v29 =	vsel vm6, $0x189, v29;
	v30 =	vsel vm6, $0x989, v30  }
0x106: {  	v31 =	vsel vm6, $0x1189, v31;
	v32 =	vsel vm6, $0x1989, v32;
	v33 =	vsel vm6, $0x209, v33  }
0x107: {  	v34 =	vsel vm6, $0xA09, v34;
	v35 =	vsel vm6, $0x1209, v35;
	v36 =	vsel vm6, $0x1A09, v36  }
0x108: {  	v37 =	vsel vm6, $0x289, v37;
	v38 =	vsel vm6, $0xA89, v38;
	v39 =	vsel vm6, $0x1289, v39  }
0x109: {  	v40 =	vsel vm6, $0x1A89, v40;
	v41 =	vsel vm6, $0x309, v41;
	v42 =	vsel vm6, $0xB09, v42  }
0x10a: {  	v43 =	vsel vm6, $0x1309, v43;
	v44 =	vsel vm6, $0x1B09, v44;
	v45 =	vsel vm6, $0x389, v45  }
0x10b: {  	v46 =	vsel vm6, $0xB89, v46;
	v1 =	vsel vm3, $0x68A, v1;
	v2 =	vsel vm3, $0xE8A, v2  }
0x10c: {  	v3 =	vsel vm3, $0x168A, v3;
	v4 =	vsel vm3, $0x1E8A, v4;
	v5 =	vsel vm3, $0x70A, v5  }
0x10d: {  	v6 =	vsel vm3, $0xF0A, v6;
	v7 =	vsel vm3, $0x170A, v7;
	v8 =	vsel vm3, $0x1F0A, v8  }
0x10e: {  	v9 =	vsel vm3, $0x78A, v9;
	v10 =	vsel vm3, $0xF8A, v10;
	v11 =	vsel vm3, $0x178A, v11  }
0x10f: {  	v12 =	vsel vm3, $0x1F8A, v12;
	v13 =	vsel vm3, $0xA, v13;
	v14 =	vsel vm3, $0x80A, v14  }
0x110: {  	v15 =	vsel vm3, $0x100A, v15;
	v16 =	vsel vm3, $0x180A, v16;
	v17 =	vsel vm3, $0x8A, v17  }
0x111: {  	v18 =	vsel vm3, $0x88A, v18;
	v21 =	vsel vm3, $0x108A, v21;
	v22 =	vsel vm3, $0x188A, v22  }
0x112: {  	v23 =	vsel vm3, $0x110A, v23;
	v24 =	vsel vm3, $0x190A, v24;
	v25 =	vsel vm3, $0x18A, v25  }
0x113: {  	v26 =	vsel vm3, $0x98A, v26;
	v27 =	vsel vm3, $0x118A, v27;
	v28 =	vsel vm3, $0x198A, v28  }
0x114: {  	v29 =	vsel vm3, $0x20A, v29;
	v30 =	vsel vm3, $0xA0A, v30;
	v31 =	vsel vm3, $0x120A, v31  }
0x115: {  	v32 =	vsel vm3, $0x1A0A, v32;
	v33 =	vsel vm3, $0x28A, v33;
	v34 =	vsel vm3, $0xA8A, v34  }
0x116: {  	v35 =	vsel vm3, $0x128A, v35;
	v36 =	vsel vm3, $0x1A8A, v36;
	v37 =	vsel vm3, $0x30A, v37  }
0x117: {  	v38 =	vsel vm3, $0xB0A, v38;
	v39 =	vsel vm3, $0x130A, v39;
	v40 =	vsel vm3, $0x1B0A, v40  }
0x118: {  	v41 =	vsel vm3, $0x38A, v41;
	v42 =	vsel vm3, $0xB8A, v42;
	v43 =	vsel vm3, $0x138A, v43  }
0x119: {  	v44 =	vsel vm3, $0x1B8A, v44;
	v45 =	vsel vm3, $0x40A, v45;
	v46 =	vsel vm3, $0xC0A, v46  }
0x11a: {  	v0 =	vsel vm0, $0x180E, v0;
	v1 =	vsel vm4, $0x70B, v1;
	v2 =	vsel vm4, $0xF0B, v2  }
0x11b: {  	v3 =	vsel vm4, $0x170B, v3;
	v4 =	vsel vm4, $0x1F0B, v4;
	v5 =	vsel vm4, $0x78B, v5  }
0x11c: {  	v6 =	vsel vm4, $0xF8B, v6;
	v7 =	vsel vm4, $0x178B, v7;
	v8 =	vsel vm4, $0x1F8B, v8  }
0x11d: {  	v9 =	vsel vm4, $0xB, v9;
	v10 =	vsel vm4, $0x80B, v10;
	v11 =	vsel vm4, $0x100B, v11  }
0x11e: {  	v12 =	vsel vm4, $0x180B, v12;
	v13 =	vsel vm4, $0x8B, v13;
	v14 =	vsel vm4, $0x88B, v14  }
0x11f: {  	v15 =	vsel vm4, $0x108B, v15;
	v16 =	vsel vm4, $0x188B, v16;
	v17 =	vsel vm4, $0x10B, v17  }
0x120: {  	v18 =	vsel vm4, $0x90B, v18;
	v21 =	vsel vm4, $0x110B, v21;
	v22 =	vsel vm4, $0x190B, v22  }
0x121: {  	v23 =	vsel vm4, $0x118B, v23;
	v24 =	vsel vm4, $0x198B, v24;
	v25 =	vsel vm4, $0x20B, v25  }
0x122: {  	v26 =	vsel vm4, $0xA0B, v26;
	v27 =	vsel vm4, $0x120B, v27;
	v28 =	vsel vm4, $0x1A0B, v28  }
0x123: {  	v29 =	vsel vm4, $0x28B, v29;
	v30 =	vsel vm4, $0xA8B, v30;
	v31 =	vsel vm4, $0x128B, v31  }
0x124: {  	v32 =	vsel vm4, $0x1A8B, v32;
	v33 =	vsel vm4, $0x30B, v33;
	v34 =	vsel vm4, $0xB0B, v34  }
0x125: {  	v35 =	vsel vm4, $0x130B, v35;
	v36 =	vsel vm4, $0x1B0B, v36;
	v37 =	vsel vm4, $0x38B, v37  }
0x126: {  	v38 =	vsel vm4, $0xB8B, v38;
	v39 =	vsel vm4, $0x138B, v39;
	v40 =	vsel vm4, $0x1B8B, v40  }
0x127: {  	v41 =	vsel vm4, $0x40B, v41;
	v42 =	vsel vm4, $0xC0B, v42;
	v43 =	vsel vm4, $0x140B, v43  }
0x128: {  	v44 =	vsel vm4, $0x1C0B, v44;
	v45 =	vsel vm4, $0x48B, v45;
	[tilespmem:$0x1F730] =	vst v0;
	v0 =	vunpack.c.0.s8.s32 v53  }
0x129: {  	[tilespmem:$0x1FC80] =	vst v55;
	v46 =	vsel vm4, $0xC8B, v46;
	v53 =	vsel vm1, $0x38C, v33;
	v55 =	vsel vm1, $0xB8C, v34  }
0x12a: {  	v59 =	vsel vm1, $0x138C, v35;
	v36 =	vsel vm1, $0x1B8C, v36;
	[tilespmem:$0x1F740] =	vst v0;
	v0 =	vunpack.c.0.s8.s32 v54  }
0x12b: {  	v34 =	vsel vm1, $0x1C0C, v40;
	v35 =	vsel vm1, $0x48C, v41;
	v54 =	vsel vm2, $0xA8D, v20  }
0x12c: {  	v33 =	vsel vm2, $0xC0D, v55;
	v55 =	vsel vm1, $0xC0C, v38;
	[tilespmem:$0x1F750] =	vst v0;
	v0 =	vsel vm1, $0x78C, v1  }
0x12d: {  	v1 =	vsel vm1, $0xF8C, v2;
	v2 =	vsel vm1, $0x178C, v3;
	v3 =	vsel vm1, $0x1F8C, v4  }
0x12e: {  	v4 =	vsel vm1, $0xC, v5;
	v5 =	vsel vm1, $0x80C, v6;
	v6 =	vsel vm1, $0x100C, v7  }
0x12f: {  	v7 =	vsel vm1, $0x180C, v8;
	v8 =	vsel vm1, $0x8C, v9;
	v9 =	vsel vm1, $0x88C, v10  }
0x130: {  	v10 =	vsel vm1, $0x108C, v11;
	v11 =	vsel vm1, $0x188C, v12;
	v12 =	vsel vm1, $0x10C, v13  }
0x131: {  	v13 =	vsel vm1, $0x90C, v14;
	v14 =	vsel vm1, $0x110C, v15;
	v15 =	vsel vm1, $0x190C, v16  }
0x132: {  	v16 =	vsel vm1, $0x18C, v17;
	v17 =	vsel vm1, $0x98C, v18;
	v18 =	vsel vm1, $0x118C, v21  }
0x133: {  	v21 =	vsel vm1, $0x198C, v22;
	v22 =	vsel vm1, $0x120C, v23;
	v23 =	vsel vm1, $0x1A0C, v24  }
0x134: {  	v24 =	vsel vm1, $0x28C, v25;
	v25 =	vsel vm1, $0xA8C, v26;
	v26 =	vsel vm1, $0x128C, v27  }
0x135: {  	v27 =	vsel vm1, $0x1A8C, v28;
	v28 =	vsel vm1, $0x30C, v29;
	v29 =	vsel vm1, $0xB0C, v30  }
0x136: {  	v30 =	vsel vm1, $0x130C, v31;
	v31 =	vsel vm1, $0x1B0C, v32;
	v32 =	vsel vm2, $0x40D, v53  }
0x137: {  	v53 =	vsel vm1, $0x40C, v37;
	v37 =	vsel vm2, $0xC8D, v55;
	v55 =	vsel vm1, $0x148C, v43  }
0x138: {  	v0 =	vsel vm2, $0xD, v0;
	v1 =	vsel vm2, $0x80D, v1;
	v61 =	vsel vm2, $0x180D, v3  }
0x139: {  	v6 =	vsel vm2, $0x108D, v6;
	v3 =	vsel vm2, $0x188D, v7;
	v10 =	vsel vm2, $0x110D, v10  }
0x13a: {  	v12 =	vsel vm2, $0x18D, v12;
	v7 =	vsel vm2, $0x98D, v13;
	v14 =	vsel vm2, $0x118D, v14  }
0x13b: {  	v15 =	vsel vm2, $0x198D, v15;
	v57 =	vsel vm2, $0x20D, v16;
	v56 =	vsel vm2, $0x120D, v18  }
0x13c: {  	v58 =	vsel vm2, $0x1B0D, v27;
	v27 =	vsel vm2, $0x140D, v59;
	v16 =	vsel vm2, $0x1C0D, v36  }
0x13d: {  	v36 =	vsel vm2, $0x48D, v53;
	v59 =	vsel vm1, $0x140C, v39;
	v39 =	vsel vm2, $0x1C8D, v34  }
0x13e: {  	v53 =	vsel vm1, $0xC8C, v42;
	v18 =	vsel vm2, $0x50D, v35;
	v42 =	vsel vm2, $0x150D, v55  }
0x13f: {  	v34 =	vsel vm1, $0x50C, v45;
	v35 =	vsel vm1, $0xD0C, v46;
	v55 =	vsel vm1, $0x158C, v51  }
0x140: {  	v38 =	vsel vm2, $0x148D, v59;
	v41 =	vsel vm2, $0xD0D, v53;
	v59 =	vsel vm1, $0x1C8C, v44  }
0x141: {  	v44 =	vsel vm2, $0x58D, v34;
	v53 =	vsel vm1, $0xD8C, v50;
	v34 =	vimm.s32 $0x1E1D1C1B  }
0x142: {  	v50 =	vsel vm2, $0x160D, v55;
	v55 =	vsel vm0, $0x8E, v0;
	v0 =	vunpack.c.0.s8.s32 v34  }
0x143: {  	v17 =	vsel vm2, $0xA0D, v17;
	v45 =	vsel vm2, $0xD8D, v35;
	v35 =	vimm.s32 $0x1211101F  }
0x144: {  	v20 =	vsel vm2, $0x1A8D, v23;
	v28 =	vsel vm2, $0x38D, v28;
	[tilespmem:$0x1F760] =	vst v0;
	v0 =	vunpack.c.0.s8.s32 v35  }
0x145: {  	v29 =	vsel vm2, $0xB8D, v29;
	v30 =	vsel vm2, $0x138D, v30;
	v23 =	vsel vm0, $0x1A0E, v15  }
0x146: {  	v15 =	vsel vm0, $0x30E, v19;
	v13 =	vsel vm2, $0x1D0D, v59;
	[tilespmem:$0x1F770] =	vst v0;
	v0 =	vsel vm0, $0x88E, v1  }
0x147: {  	[tilespmem:$0x1FC90] =	vst v62;
	v1 =	vsel vm0, $0x188E, v61;
	v61 =	vsel vm0, $0x110E, v6;
	v6 =	vsel vm0, $0x118E, v10  }
0x148: {  	v34 =	vsel vm0, $0xA0E, v7;
	v7 =	vsel vm0, $0xC0E, v29;
	[tilespmem:$0x1F780] =	vst v6;
	v6 =	vsel vm0, $0x20E, v12  }
0x149: {  	v29 =	vsel vm0, $0x140E, v30;
	v30 =	vmovc v15;
	v15 =	vmovc v0;
	v0 =	vimm.s32 $0x16151413;
	[tilespmem:$0x1F790] =	vst v6;
	v6 =	vsel vm0, $0x120E, v14  }
0x14a: {  	[tilespmem:$0x1F7B0] =	vst v6;
	v6 =	vsel vm0, $0xA8E, v17;
	v17 =	vsel vm0, $0x40E, v28;
	v28 =	vsel vm0, $0xD8E, v41  }
0x14b: {  	v52 =	vsel vm4, $0x1D0B, v52;
	v0 =	vunpack.c.0.s8.s32 v0;
	[tilespmem:$0x1F800] =	vst v28;
	v28 =	vsel vm0, $0x1D8E, v13  }
0x14c: {  	v62 =	vsel vm2, $0x100D, v2;
	[tilespmem:$0x1F830] =	vst v28;
	v28 =	vsel vm0, $0x60E, v44;
	v44 =	vmovc v1;
	v1 =	vimm.s32 $0x1A191817  }
0x14d: {  	v2 =	vsel vm2, $0x88D, v5;
	v59 =	vsel vm1, $0x1D8C, v52;
	[tilespmem:$0x1F850] =	vst v0;
	v0 =	vunpack.c.0.s8.s32 v1  }
0x14e: {  	v51 =	vsel vm2, $0x1E0D, v59;
	v59 =	vsel vm0, $0x90E, v2;
	v2 =	vimm.s32 $0x2E2D2C2B  }
0x14f: {  	[tilespmem:$0x1F860] =	vst v0;
	v0 =	vunpack.c.0.s8.s32 v2;
	_ =	sdelay $0x1  }
0x150: {  	[tilespmem:$0x1F870] =	vst v0;
	v0 =	vimm.s32 $0x2221202F  }
0x151: {  	v0 =	vunpack.c.0.s8.s32 v0  }
0x152: {  	v1 =	vimm.s32 $0x26252423  }
0x153: {  	[tilespmem:$0x1F880] =	vst v0;
	v0 =	vunpack.c.0.s8.s32 v1  }
0x154: {  	v2 =	vimm.s32 $0x2A292827  }
0x155: {  	[tilespmem:$0x1F890] =	vst v0;
	v0 =	vunpack.c.0.s8.s32 v2;
	_ =	sdelay $0x1  }
0x156: {  	[tilespmem:$0x1F8A0] =	vst v0;
	v0 =	vimm.s32 $0x3E3D3C3B  }
0x157: {  	v49 =	vsel vm6, $0x409, v49;
	v0 =	vunpack.c.0.s8.s32 v0  }
0x158: {  	v48 =	vsel vm6, $0x1B89, v48;
	v49 =	vsel vm3, $0x48A, v49;
	v1 =	vimm.s32 $0x3231303F  }
0x159: {  	v48 =	vsel vm3, $0x1C0A, v48;
	v47 =	vsel vm6, $0x1389, v47;
	[tilespmem:$0x1F8B0] =	vst v0;
	v0 =	vunpack.c.0.s8.s32 v1  }
0x15a: {  	v49 =	vsel vm4, $0x50B, v49;
	v47 =	vsel vm3, $0x140A, v47;
	v2 =	vimm.s32 $0x3210FEDC  }
0x15b: {  	v47 =	vsel vm4, $0x148B, v47;
	v1 =	vimm.s32 $0x36353433;
	[tilespmem:$0x1F8C0] =	vst v0;
	v0 =	vunpack.c.l.s4.s8 v2  }
0x15c: {  	v48 =	vsel vm4, $0x1C8B, v48;
	v40 =	vsel vm1, $0x150C, v47;
	v1 =	vunpack.c.0.s8.s32 v1  }
0x15d: {  	v47 =	vsel vm1, $0x58C, v49;
	v43 =	vsel vm1, $0x1D0C, v48;
	v0 =	vunpack.c.0.s8.s32 v0  }
0x15e: {  	v48 =	vsel vm2, $0x60D, v47;
	v22 =	vsel vm2, $0x128D, v22;
	v2 =	vimm.s32 $0x3A393837;
	[tilespmem:$0x1F8D0] =	vst v1  }
0x15f: {  	v3 =	vsel vm0, $0x190E, v3;
	v1 =	vunpack.c.0.s8.s32 v2;
	[tilespmem:$0x1F8F0] =	vst v0;
	v0 =	vimm.s32 $0x1F1E1D1C  }
0x160: {  	v47 =	vsel vm0, $0x28E, v57;
	v57 =	vsel vm0, $0x130E, v22;
	v0 =	vunpack.c.0.s8.s32 v0  }
0x161: {  	v22 =	vsel vm0, $0x1C8E, v16;
	v16 =	vmovc v3;
	v3 =	vimm.s32 $0xBA987654;
	v2 =	vimm.s32 $0x13121110;
	[tilespmem:$0x1F8E0] =	vst v1  }
0x162: {  	v1 =	vunpack.c.l.s4.s8 v3;
	[tilespmem:$0x1F910] =	vst v0;
	v0 =	vunpack.c.0.s8.s32 v2;
	_ =	sdelay $0x1  }
0x163: {  	v1 =	vunpack.c.0.s8.s32 v1;
	[tilespmem:$0x1F920] =	vst v0;
	v0 =	vimm.s32 $0x17161514  }
0x164: {  	v0 =	vunpack.c.0.s8.s32 v0  }
0x165: {  	[tilespmem:$0x1F900] =	vst v1;
	v1 =	vimm.s32 $0x1B1A1918  }
0x166: {  	[tilespmem:$0x1F930] =	vst v0;
	v0 =	vunpack.c.0.s8.s32 v1  }
0x167: {  	v2 =	vimm.s32 $0x2F2E2D2C  }
0x168: {  	[tilespmem:$0x1F940] =	vst v0;
	v0 =	vunpack.c.0.s8.s32 v2;
	_ =	sdelay $0x1  }
0x169: {  	[tilespmem:$0x1F950] =	vst v0;
	v0 =	vimm.s32 $0x23222120  }
0x16a: {  	v0 =	vunpack.c.0.s8.s32 v0  }
0x16b: {  	v1 =	vimm.s32 $0x27262524  }
0x16c: {  	[tilespmem:$0x1F960] =	vst v0;
	v0 =	vunpack.c.0.s8.s32 v1  }
0x16d: {  	v2 =	vimm.s32 $0x2B2A2928  }
0x16e: {  	[tilespmem:$0x1F970] =	vst v0;
	v0 =	vunpack.c.0.s8.s32 v2;
	_ =	sdelay $0x1  }
0x16f: {  	[tilespmem:$0x1F980] =	vst v0;
	v0 =	vimm.s32 $0x3F3E3D3C  }
0x170: {  	v0 =	vunpack.c.0.s8.s32 v0  }
0x171: {  	v4 =	vsel vm2, $0x8D, v4;
	v9 =	vsel vm2, $0x90D, v9;
	v1 =	vimm.s32 $0x43210FED  }
0x172: {  	v21 =	vsel vm2, $0x1A0D, v21;
	v24 =	vsel vm2, $0x30D, v24;
	[tilespmem:$0x1F990] =	vst v0;
	v0 =	vunpack.c.l.s4.s8 v1  }
0x173: {  	v25 =	vsel vm2, $0xB0D, v25;
	v46 =	vsel vm2, $0x158D, v40;
	v2 =	vimm.s32 $0xCBA98765  }
0x174: {  	v1 =	vunpack.c.l.s4.s8 v2;
	v2 =	vimm.s32 $0x33323130;
	v0 =	vunpack.c.0.s8.s32 v0  }
0x175: {  	v19 =	vsel vm0, $0x38E, v24;
	v24 =	vsel vm0, $0x50E, v36;
	v2 =	vunpack.c.0.s8.s32 v2  }
0x176: {  	v52 =	vsel vm0, $0x108E, v62;
	v62 =	vsel vm0, $0x10E, v4;
	[tilespmem:$0x1F9D0] =	vst v0;
	v0 =	vunpack.c.0.s8.s32 v1  }
0x177: {  	v4 =	vsel vm0, $0x98E, v9;
	v36 =	vsel vm0, $0xE0E, v45;
	v3 =	vimm.s32 $0x37363534;
	[tilespmem:$0x1F9A0] =	vst v2  }
0x178: {  	v45 =	vsel vm0, $0x160E, v46;
	v2 =	vunpack.c.0.s8.s32 v3;
	[tilespmem:$0x1F9E0] =	vst v0;
	v0 =	vimm.s32 $0x543210FE  }
0x179: {  	[tilespmem:$0x1F7E0] =	vst v24;
	v46 =	vsel vm0, $0x1E8E, v51;
	v51 =	vmovc v4;
	v4 =	vimm.s32 $0x3B3A3938;
	v0 =	vunpack.c.l.s4.s8 v0  }
0x17a: {  	v9 =	vsel vm0, $0x1A8E, v21;
	v21 =	vsel vm0, $0xB8E, v25;
	[tilespmem:$0x1F9B0] =	vst v2;
	v2 =	vunpack.c.0.s8.s32 v4  }
0x17b: {  	[tilespmem:$0x1F7C0] =	vst v21;
	v1 =	vimm.s32 $0xDCBA9876;
	v0 =	vunpack.c.0.s8.s32 v0  }
0x17c: {  	v3 =	vimm.s32 $0xEDCBA987;
	v1 =	vunpack.c.l.s4.s8 v1;
	[tilespmem:$0x1F9C0] =	vst v2  }
0x17d: {  	v2 =	vimm.s32 $0x6543210F;
	[tilespmem:$0x1F9F0] =	vst v0;
	v0 =	vunpack.c.l.s4.s8 v3  }
0x17e: {  	[tilespmem:$0x1F7D0] =	vst v7;
	v14 =	vsel vm0, $0x1D0E, v39;
	v1 =	vunpack.c.0.s8.s32 v1;
	v2 =	vunpack.c.l.s4.s8 v2  }
0x17f: {  	[tilespmem:$0x1F7F0] =	vst v14;
	v0 =	vunpack.c.0.s8.s32 v0  }
0x180: {  	[tilespmem:$0x1FA00] =	vst v1;
	v1 =	vunpack.c.0.s8.s32 v2;
	v3 =	vlaneseq.u32  }
0x181: {  	[tilespmem:$0x1FA20] =	vst v0;
	v0 =	vmul.u32 $0x40, v3  }
0x182: {  	s6 =	rddreg [dreg:$0x0];
	v8 =	vsel vm2, $0x10D, v8;
	v60 =	vsel vm2, $0x190D, v11;
	[tilespmem:$0x1FA10] =	vst v1  }
0x183: {  	s4 =	rddreg [dreg:$0x1];
	v11 =	vsel vm0, $0x198E, v60;
	v60 =	vld [tilespmem:$0x1F810];
	v1 =	vmul.u32 $0x81, v3;
	[tilespmem:$0x1FA30] =	vst v0;
	v0 =	vor.u32 $0x10, v3  }
0x184: {  	s1 =	rddreg [dreg:$0x2];
	s3 =	simm.s32 $0x0;
	v40 =	vsel vm0, $0x128E, v56;
	v56 =	vsel vm0, $0x1B0E, v20;
	v20 =	vld [tilespmem:$0x1F840];
	[tilespmem:$0x1FA40] =	vst v0;
	v0 =	vor.u32 $0x20, v3  }
0x185: {  	[smem:$0x7FF] =	sst s3;
	v26 =	vsel vm2, $0x130D, v26;
	v31 =	vsel vm2, $0x1B8D, v31;
	v21 =	vld [tilespmem:$0x1F820];
	[tilespmem:$0x1FA50] =	vst v0;
	v0 =	vor.u32 $0x1000, v1  }
0x186: {  	s0 =	rddreg [dreg:$0x3];
	v5 =	vsel vm2, $0x1D8D, v43;
	v35 =	vld [tilespmem:$0x1F7A0];
	_ =	strace $0x80000047;
	[tilespmem:$0x1FA60] =	vst v0;
	v0 =	vor.u32 $0x30, v3  }
0x187: {  	v43 =	vsel vm0, $0x18E, v8;
	v8 =	vsel vm0, $0x1B8E, v58;
	v49 =	vsel vm2, $0xE0D, v53;
	[tilespmem:$0x1FA70] =	vst v0;
	v0 =	vld [tilespmem:$0x1FA80]  }
0x188: {  	v25 =	vsel vm0, $0x138E, v26;
	v53 =	vsel vm0, $0x1C0E, v31;
	v10 =	vsel vm0, $0xB0E, v54;
	v2 =	vld [tilespmem:$0x1FA90]  }
0x189: {  	v31 =	vsel vm0, $0x48E, v32;
	v24 =	vsel vm0, $0xD0E, v37;
	v32 =	vsel vm0, $0x58E, v18  }
0x18a: {  	v37 =	vsel vm0, $0x68E, v48;
	v7 =	vsel vm0, $0x168E, v50;
	v54 =	vsel vm0, $0xC8E, v33  }
0x18b: {  	v12 =	vsel vm0, $0x148E, v27;
	v27 =	vsel vm0, $0x150E, v38;
	v38 =	vsel vm0, $0x1E0E, v5;
	v13 =	vmovc v10;
	v10 =	vmovc v6;
	[tilespmem:$0x1FBC0] =	vst v63  }
0x18c: {  	v41 =	vsel vm0, $0x158E, v42;
	v42 =	vsel vm0, $0xE8E, v49;
	vm0 =	vcmask $0x1F10;
	[tilespmem:$0x1FCF0] =	vst v10;
	v4 =	vld [tilespmem:$0x1FAB0]  }
0x18d: {  	[tilespmem:$0x1FD00] =	vst v40;
	v0 =	vsel vm0, v2, v0;
	v2 =	vld [tilespmem:$0x1FAA0]  }
0x18e: {  	[tilespmem:$0x1FD10] =	vst v9  }
0x18f: {  	[tilespmem:$0x1FD20] =	vst v30  }
0x190: {  	v39 =	vmov v57;
	[tilespmem:$0x1FD30] =	vst v13  }
0x191: {  	[tilespmem:$0x1FD40] =	vst v39;
	v6 =	vld [tilespmem:$0x1FAD0]  }
0x192: {  	[tilespmem:$0x1FD50] =	vst v56;
	v2 =	vsel vm0, v4, v2;
	v4 =	vld [tilespmem:$0x1FAC0]  }
0x193: {  	[tilespmem:$0x1FD60] =	vst v19  }
0x194: {  	[tilespmem:$0x1FD70] =	vst v22  }
0x195: {  	[tilespmem:$0x1FD80] =	vst v36  }
0x196: {  	[tilespmem:$0x1FD90] =	vst v45;
	v14 =	vld [tilespmem:$0x1FAF0]  }
0x197: {  	[tilespmem:$0x1FDA0] =	vst v46;
	v4 =	vsel vm0, v6, v4;
	v6 =	vld [tilespmem:$0x1FAE0]  }
0x198: {  	v26 =	vor.u32 $0x800, v1;
	[tilespmem:$0x1FDB0] =	vst v1  }
0x199: {  	[tilespmem:$0x1FDE0] =	vst v26  }
0x19a: {  	[tilespmem:$0x1FE00] =	vst v25  }
0x19b: {  	[tilespmem:$0x1FB00] =	vst v0;
	v0 =	vcombine.low v2, v0  }
0x19c: {  	[tilespmem:$0x1FE10] =	vst v43;
	v6 =	vsel vm0, v14, v6  }
0x19d: {  	[tilespmem:$0x1FB20] =	vst v0;
	v0 =	vcombine.low v6, v4  }
0x19e: {  	[tilespmem:$0x1FB10] =	vst v2;
	v2 =	vld [tilespmem:$0x1FB70]  }
0x19f: {  	[tilespmem:$0x1FB50] =	vst v0;
	v0 =	vld [tilespmem:$0x1FB60]  }
0x1a0: {  	[tilespmem:$0x1FE20] =	vst v62  }
0x1a1: {  	[tilespmem:$0x1FE30] =	vst v61  }
0x1a2: {  	[tilespmem:$0x1FE40] =	vst v24  }
0x1a3: {  	[tilespmem:$0x1FB30] =	vst v4;
	v4 =	vld [tilespmem:$0x1FB90]  }
0x1a4: {  	[tilespmem:$0x1FE50] =	vst v55;
	v0 =	vsel vm0, v2, v0;
	v2 =	vld [tilespmem:$0x1FB80]  }
0x1a5: {  	[tilespmem:$0x1FE60] =	vst v7  }
0x1a6: {  	[tilespmem:$0x1FE80] =	vst v52  }
0x1a7: {  	[tilespmem:$0x1FE90] =	vst v44  }
0x1a8: {  	[tilespmem:$0x1FB40] =	vst v6;
	v6 =	vld [tilespmem:$0x1FBB0]  }
0x1a9: {  	[tilespmem:$0x1FEA0] =	vst v28;
	v2 =	vsel vm0, v4, v2;
	v4 =	vld [tilespmem:$0x1FBA0]  }
0x1aa: {  	[tilespmem:$0x1FEB0] =	vst v59  }
0x1ab: {  	[tilespmem:$0x1FEC0] =	vst v16  }
0x1ac: {  	[tilespmem:$0x1FED0] =	vst v41  }
0x1ad: {  	[tilespmem:$0x1FEE0] =	vst v38  }
0x1ae: {  	[tilespmem:$0x1FEF0] =	vst v37;
	v4 =	vsel vm0, v6, v4;
	v6 =	vld [tilespmem:$0x1FBD0]  }
0x1af: {  	[tilespmem:$0x1FF00] =	vst v32  }
0x1b0: {  	[tilespmem:$0x1FF10] =	vst v42  }
0x1b1: {  	[tilespmem:$0x1FF20] =	vst v15  }
0x1b2: {  	[tilespmem:$0x1FF30] =	vst v51  }
0x1b3: {  	[tilespmem:$0x1FBF0] =	vst v2;
	v14 =	vcombine.low v2, v0;
	v2 =	vld [tilespmem:$0x1FC20];
	v6 =	vsel vm0, v6, v63  }
0x1b4: {  	[tilespmem:$0x1FC00] =	vst v4;
	v18 =	vcombine.low v6, v4;
	v4 =	vld [tilespmem:$0x1FC30]  }
0x1b5: {  	[tilespmem:$0x1FF40] =	vst v11  }
0x1b6: {  	[tilespmem:$0x1FF50] =	vst v34  }
0x1b7: {  	[tilespmem:$0x1FF60] =	vst v47  }
0x1b8: {  	[tilespmem:$0x1FC10] =	vst v6;
	v6 =	vld [tilespmem:$0x1FC50]  }
0x1b9: {  	[tilespmem:$0x1FF70] =	vst v23;
	v2 =	vsel vm0, v4, v2;
	v4 =	vld [tilespmem:$0x1FC40]  }
0x1ba: {  	[tilespmem:$0x1FF80] =	vst v29  }
0x1bb: {  	[tilespmem:$0x1FF90] =	vst v8  }
0x1bc: {  	[tilespmem:$0x1FFA0] =	vst v17  }
0x1bd: {  	[tilespmem:$0x1FFB0] =	vst v31;
	v5 =	vld [tilespmem:$0x1FC70]  }
0x1be: {  	[tilespmem:$0x1FFC0] =	vst v53;
	v4 =	vsel vm0, v6, v4;
	v6 =	vld [tilespmem:$0x1FC60]  }
0x1bf: {  	[tilespmem:$0x1FFD0] =	vst v12  }
0x1c0: {  	[tilespmem:$0x1FFE0] =	vst v54  }
0x1c1: {  	[tilespmem:$0x1FFF0] =	vst v27  }
0x1c2: {  	[tilespmem:$0x1FBE0] =	vst v0;
	v0 =	vld [tilespmem:$0x1FC80]  }
0x1c3: {  	s5 =	srdreg.scid;
	s2 =	stileid.u32;
	[tilespmem:$0x1FDC0] =	vst v14;
	v6 =	vsel vm0, v5, v6;
	v5 =	vld [tilespmem:$0x1FC90]  }
0x1c4: {  	s10 =	simm.s32 $0x6400;
	s11 =	simm.s32 $0x8400;
	s12 =	simm.s32 $0x1;
	[tilespmem:$0x1FE70] =	vst v18  }
0x1c5: {  	s13 =	simm.s32 $0xA400;
	s14 =	simm.s32 $0x400;
	s15 =	simm.s32 $0x8000;
	[tilespmem:$0x1FCA0] =	vst v2;
	v2 =	vcombine.low v4, v2  }
0x1c6: {  	s16 =	simm.s32 $0x2;
	s17 =	simm.s32 $0xC400;
	s18 =	simm.s32 $0x3;
	[tilespmem:$0x1FCB0] =	vst v4  }
0x1c7: {  	s19 =	simm.s32 $0x4;
	s5 =	sand.u32 $0x1, s5;
	s7 =	sshll.u32 s2, $0x1;
	[tilespmem:$0x1FCC0] =	vst v2  }
0x1c8: {  	s20 =	simm.s32 $0x0;
	s8 =	ssub.s32 $0x2, s5;
	s5 =	sor.u32 s5, s7;
	[tilespmem:$0x1FCD0] =	vst v6;
	v0 =	vsel vm0, v5, v0  }
0x1c9: {  	s4 =	sadd.s32 $0xF42800, s4;
	s31 =	sshrl.u32 s8, $0x1;
	s9 =	smul.u32 $0xC80, s5;
	v5 =	vor.u32 $0x1800, v1;
	[tilespmem:$0x1FCE0] =	vst v0;
	v4 =	vcombine.low v0, v6  }
0x1ca: {  	s5 =	smul.u32 $0xC8, s5;
	s7 =	ssub.s32 s8, s31;
	s8 =	simm.s32 $0x5;
	[tilespmem:$0x1FDD0] =	vst v5  }
0x1cb: {  	s6 =	sadd.s32 s6, s9;
	s7 =	smax.u32 s7, $0x1;
	s9 =	simm.s32 $0x80;
	v49 =	vmov v19;
	[tilespmem:$0x1FDF0] =	vst v4  }
.LBB2_1:
0x1cc: {  	[tilespmem:s3], [sflag:$0x5] =	stream.linear.gather [hbm4b:s6+s3], $0x6400, $0x38;
	[tilespmem:$0xE400] =	vst v63  }
0x1cd: {  	_ =	swait.ge [sflag:s8], $0x6400  }
0x1ce: {  	[sflag:s8] =	ssyncset.done $0x0  }
0x1cf: {  	s21 =	simm.s32 $0x0;
	[sflag:s8] =	ssyncadd.s32 $0xFFFF9C00  }
0x1d0: {  	v42 =	vmov v53;
	v12 =	vmov v32;
	v50 =	vmov v36;
	[tilespmem:s10], [sflag:$0x1] =	stream.indirect.gather [hbm4b:s4+s9], $0x40, s3, s9, $0xb8;
	[tilespmem:$0xE400] =	vst v63  }
.LBB2_2:
0x1d1: {  	s22 =	sshllo.u32 s21, $0x1  }
0x1d2: {  	p0 =	seq.s32 s21, $0x0;
	s23 =	sshll.u32 s22, $0x7  }
0x1d3: {  	s24 =	simm.s32 @!p0 $0x3;
	s23 =	sand.u32 $0x3FFFFF80, s23  }
0x1d4: {  	[tilespmem:s11], [sflag:$0x2] =	stream.indirect.gather [hbm4b:s4+s9], $0x40, s23, s9, $0xb8;
	[tilespmem:$0xE400] =	vst v63  }
0x1d5: {  	_ =	swait.ge @!p0 [sflag:s24], $0x2000  }
0x1d6: {  	v2 =	vld [tilespmem:$0x1FA30];
	_ =	sdelay $0x1  }
0x1d7: {  	s23 =	simm.s32 $0x0  }
0x1d8: {  	v0 =	vmov s23  }
0x1d9: {  	v0 =	vshll.u32 v0, $0x6;
	[sflag:s24] =	ssyncset.done @!p0 $0x0  }
0x1da: {  	[sflag:s24] =	ssyncadd.s32 @!p0 $0xFFFFE000;
	v2 =	vor.u32 v2, v0  }
0x1db: {  	_ =	swait.ge [sflag:s12], $0x2000;
	v0 =	vor.u32 v3, v2  }
0x1dc: {  	v3 =	vld [tilespmem:$0x1FA40];
	_ =	sdelay $0x1  }
0x1dd: {  	[sflag:s12] =	ssyncset.done $0x0  }
0x1de: {  	[sflag:s12] =	ssyncadd.s32 $0xFFFFE000  }
0x1df: {  	v1 =	vor.u32 s23, v1;
	v0 =	vld.idx.msk [tilespmem:v0+s10+$0x0], $0xffff  }
0x1e0: {  	v3 =	vor.u32 v3, v2;
	_ =	sdelay $0x3  }
0x1e1: {  	[tilespmem:v1+s13+$0x0] =	vst.idx.msk $0xffff, v0  }
0x1e2: {  	v0 =	vld.idx.msk [tilespmem:v3+s10+$0x0], $0xffff  }
0x1e3: {  	v3 =	vld [tilespmem:$0x1FA50];
	_ =	sdelay $0x3  }
0x1e4: {  	v1 =	vor.u32 s23, v26  }
0x1e5: {  	v3 =	vor.u32 v3, v2;
	_ =	sdelay $0x3  }
0x1e6: {  	[tilespmem:v1+s13+$0x0] =	vst.idx.msk $0xffff, v0;
	v1 =	vld [tilespmem:$0x1FA60]  }
0x1e7: {  	v0 =	vld.idx.msk [tilespmem:v3+s10+$0x0], $0xffff  }
0x1e8: {  	v3 =	vld [tilespmem:$0x1FA70];
	_ =	sdelay $0x3  }
0x1e9: {  	v1 =	vor.u32 s23, v1  }
0x1ea: {  	v3 =	vor.u32 v3, v2;
	_ =	sdelay $0x3  }
0x1eb: {  	[tilespmem:v1+s13+$0x0] =	vst.idx.msk $0xffff, v0  }
0x1ec: {  	v1 =	vor.u32 s23, v5;
	v0 =	vld.idx.msk [tilespmem:v3+s10+$0x0], $0xffff  }
0x1ed: {  	v3 =	vor.u32 v20, v2;
	_ =	sdelay $0x3  }
0x1ee: {  	[tilespmem:v1+s13+$0x0] =	vst.idx.msk $0xffff, v0  }
0x1ef: {  	v0 =	vld.idx.msk [tilespmem:v3+s10+$0x0], $0xffff  }
0x1f0: {  	v3 =	vld [tilespmem:$0x1FB20];
	_ =	sdelay $0x3  }
0x1f1: {  	v1 =	vor.u32 s23, v21  }
0x1f2: {  	v3 =	vor.u32 v3, v2;
	_ =	sdelay $0x3  }
0x1f3: {  	[tilespmem:v1+s13+$0x0] =	vst.idx.msk $0xffff, v0  }
0x1f4: {  	v0 =	vld.idx.msk [tilespmem:v3+s10+$0x0], $0xffff  }
0x1f5: {  	v1 =	vor.u32 s23, v60;
	v3 =	vld [tilespmem:$0x1FB50];
	_ =	sdelay $0x4  }
0x1f6: {  	v3 =	vor.u32 v3, v2;
	[tilespmem:v1+s13+$0x0] =	vst.idx.msk $0xffff, v0;
	v1 =	vld [tilespmem:$0x1F6B0];
	_ =	sdelay $0x4  }
0x1f7: {  	v0 =	vld.idx.msk [tilespmem:v3+s10+$0x0], $0xffff;
	v1 =	vor.u32 s23, v1;
	_ =	sdelay $0x3  }
0x1f8: {  	v3 =	vor.u32 v14, v2  }
0x1f9: {  	[tilespmem:v1+s13+$0x0] =	vst.idx.msk $0xffff, v0;
	v1 =	vld [tilespmem:$0x1F6E0];
	_ =	sdelay $0x3  }
0x1fa: {  	v0 =	vld.idx.msk [tilespmem:v3+s10+$0x0], $0xffff  }
0x1fb: {  	v3 =	vld [tilespmem:$0x1F6F0];
	v1 =	vor.u32 s23, v1;
	_ =	sdelay $0x4  }
0x1fc: {  	v3 =	vor.u32 v3, v2;
	[tilespmem:v1+s13+$0x0] =	vst.idx.msk $0xffff, v0;
	v1 =	vld [tilespmem:$0x1F700];
	_ =	sdelay $0x4  }
0x1fd: {  	v0 =	vld.idx.msk [tilespmem:v3+s10+$0x0], $0xffff;
	v1 =	vor.u32 s23, v1;
	_ =	sdelay $0x3  }
0x1fe: {  	v3 =	vor.u32 v18, v2  }
0x1ff: {  	[tilespmem:v1+s13+$0x0] =	vst.idx.msk $0xffff, v0;
	v1 =	vld [tilespmem:$0x1F710];
	_ =	sdelay $0x3  }
0x200: {  	v0 =	vld.idx.msk [tilespmem:v3+s10+$0x0], $0xffff  }
0x201: {  	v3 =	vld [tilespmem:$0x1FCC0];
	v1 =	vor.u32 s23, v1;
	_ =	sdelay $0x4  }
0x202: {  	v3 =	vor.u32 v3, v2;
	[tilespmem:v1+s13+$0x0] =	vst.idx.msk $0xffff, v0;
	v1 =	vld [tilespmem:$0x1F720];
	_ =	sdelay $0x4  }
0x203: {  	v0 =	vld.idx.msk [tilespmem:v3+s10+$0x0], $0xffff;
	v1 =	vor.u32 s23, v1;
	_ =	sdelay $0x1  }
0x204: {  	v6 =	vld [tilespmem:$0x1F740]  }
0x205: {  	v3 =	vor.u32 v4, v2;
	v4 =	vld [tilespmem:$0x1F750];
	_ =	sdelay $0x1  }
0x206: {  	[tilespmem:v1+s13+$0x0] =	vst.idx.msk $0xffff, v0;
	v1 =	vld [tilespmem:$0x1F730]  }
0x207: {  	v57 =	vmov v27;
	v27 =	vmov v8;
	v8 =	vld [tilespmem:$0x1F850]  }
0x208: {  	v22 =	vld [tilespmem:$0x1F860]  }
0x209: {  	v26 =	vmov v13;
	v13 =	vld [tilespmem:$0x1F770];
	v4 =	vcombine.low v4, v6  }
0x20a: {  	v6 =	vld [tilespmem:$0x1F760]  }
0x20b: {  	v0 =	vld.idx.msk [tilespmem:v3+s10+$0x0], $0xffff;
	v3 =	vand.u32 $0xF, v4;
	v1 =	vor.u32 s23, v1  }
0x20c: {  	[tilespmem:$0x1F300] =	vst v3;
	v3 =	vor.u32 v3, v2  }
0x20d: {  	v32 =	vmov v25;
	v25 =	vld [tilespmem:$0x1F870]  }
0x20e: {  	v33 =	vld [tilespmem:$0x1F880]  }
0x20f: {  	v36 =	vld [tilespmem:$0x1F8A0]  }
0x210: {  	v18 =	vmov v9;
	v9 =	vld [tilespmem:$0x1F890];
	v7 =	vsel vm0, v13, v6;
	v4 =	vsel vm0, v22, v8;
	[tilespmem:v1+s13+$0x0] =	vst.idx.msk $0xffff, v0  }
0x211: {  	[tilespmem:$0x1F4D0] =	vst v4;
	v4 =	vcombine.low v4, v7;
	v1 =	vor.u32 s23, v55;
	v0 =	vld.idx.msk [tilespmem:v3+s10+$0x0], $0xffff;
	_ =	sdelay $0x1  }
0x212: {  	v37 =	vld [tilespmem:$0x1F8B0];
	v3 =	vor.u32 v4, v2  }
0x213: {  	v38 =	vld [tilespmem:$0x1F8C0];
	[tilespmem:$0x1F4E0] =	vst v7  }
0x214: {  	v41 =	vld [tilespmem:$0x1F8E0];
	v7 =	vsel vm0, v33, v25;
	[tilespmem:$0x1F310] =	vst v4  }
0x215: {  	v4 =	vsel vm0, v36, v9;
	[tilespmem:v1+s13+$0x0] =	vst.idx.msk $0xffff, v0;
	v1 =	vor.u32 s23, v15;
	v15 =	vmov v39;
	v39 =	vld [tilespmem:$0x1F8D0]  }
0x216: {  	[tilespmem:$0x1F4F0] =	vst v4;
	v4 =	vcombine.low v4, v7  }
0x217: {  	v0 =	vld.idx.msk [tilespmem:v3+s10+$0x0], $0xffff  }
0x218: {  	[tilespmem:$0x1F500] =	vst v7;
	v7 =	vsel vm0, v38, v37;
	v3 =	vor.u32 v4, v2  }
0x219: {  	[tilespmem:$0x1F520] =	vst v7  }
0x21a: {  	[tilespmem:$0x1F320] =	vst v4;
	v4 =	vsel vm0, v41, v39  }
0x21b: {  	[tilespmem:$0x1F510] =	vst v4  }
0x21c: {  	[tilespmem:v1+s13+$0x0] =	vst.idx.msk $0xffff, v0;
	v4 =	vcombine.low v4, v7;
	v7 =	vld [tilespmem:$0x1F900]  }
0x21d: {  	v0 =	vld.idx.msk [tilespmem:v3+s10+$0x0], $0xffff  }
0x21e: {  	[tilespmem:$0x1F330] =	vst v4;
	v3 =	vor.u32 v4, v2;
	v4 =	vld [tilespmem:$0x1F8F0]  }
0x21f: {  	v1 =	vor.u32 s23, v52;
	_ =	sdelay $0x1  }
0x220: {  	v45 =	vld [tilespmem:$0x1F920]  }
0x221: {  	v46 =	vld [tilespmem:$0x1F930]  }
0x222: {  	v19 =	vmov v51;
	v51 =	vld [tilespmem:$0x1F940];
	v4 =	vcombine.low v7, v4  }
0x223: {  	[tilespmem:v1+s13+$0x0] =	vst.idx.msk $0xffff, v0;
	v1 =	vor.u32 s23, v44;
	v44 =	vld [tilespmem:$0x1F910]  }
0x224: {  	v0 =	vld.idx.msk [tilespmem:v3+s10+$0x0], $0xffff;
	v3 =	vand.u32 $0xF, v4  }
0x225: {  	[tilespmem:$0x1F340] =	vst v3;
	v3 =	vor.u32 v3, v2  }
0x226: {  	v53 =	vld [tilespmem:$0x1F950]  }
0x227: {  	v63 =	vmov v29;
	v29 =	vmov v56;
	v56 =	vld [tilespmem:$0x1F980]  }
0x228: {  	v55 =	vld [tilespmem:$0x1F970]  }
0x229: {  	v52 =	vmov v54;
	v54 =	vld [tilespmem:$0x1F960];
	v4 =	vsel vm0, v51, v46;
	v7 =	vsel vm0, v45, v44;
	[tilespmem:v1+s13+$0x0] =	vst.idx.msk $0xffff, v0  }
0x22a: {  	[tilespmem:$0x1F530] =	vst v4;
	v4 =	vcombine.low v4, v7;
	v1 =	vor.u32 s23, v62;
	v0 =	vld.idx.msk [tilespmem:v3+s10+$0x0], $0xffff;
	_ =	sdelay $0x1  }
0x22b: {  	v3 =	vor.u32 v4, v2  }
0x22c: {  	v28 =	vld [tilespmem:$0x1F9B0];
	[tilespmem:$0x1F540] =	vst v7  }
0x22d: {  	v48 =	vmov v10;
	v10 =	vmov v60;
	v60 =	vld [tilespmem:$0x1F9A0];
	[tilespmem:$0x1F350] =	vst v4  }
0x22e: {  	v7 =	vsel vm0, v54, v53;
	v4 =	vsel vm0, v56, v55;
	[tilespmem:v1+s13+$0x0] =	vst.idx.msk $0xffff, v0;
	v1 =	vor.u32 s23, v59;
	v59 =	vld [tilespmem:$0x1F990]  }
0x22f: {  	v58 =	vld [tilespmem:$0x1F9C0];
	[tilespmem:$0x1F550] =	vst v4;
	v4 =	vcombine.low v4, v7  }
0x230: {  	v0 =	vld.idx.msk [tilespmem:v3+s10+$0x0], $0xffff  }
0x231: {  	v3 =	vor.u32 v4, v2  }
0x232: {  	[tilespmem:$0x1F560] =	vst v7  }
0x233: {  	[tilespmem:$0x1F360] =	vst v4;
	v4 =	vsel vm0, v60, v59  }
0x234: {  	v24 =	vsel vm0, v58, v28;
	[tilespmem:$0x1F570] =	vst v4  }
0x235: {  	v7 =	vld [tilespmem:$0x1F9D0];
	[tilespmem:v1+s13+$0x0] =	vst.idx.msk $0xffff, v0;
	v4 =	vcombine.low v24, v4  }
0x236: {  	v0 =	vld.idx.msk [tilespmem:v3+s10+$0x0], $0xffff  }
0x237: {  	v1 =	vor.u32 s23, v61;
	[tilespmem:$0x1F370] =	vst v4;
	v3 =	vor.u32 v4, v2;
	v4 =	vld [tilespmem:$0x1F9E0];
	_ =	sdelay $0x4  }
0x238: {  	v14 =	vmov v5;
	v5 =	vld [tilespmem:$0x1FAA0];
	[tilespmem:v1+s13+$0x0] =	vst.idx.msk $0xffff, v0;
	v4 =	vcombine.low v4, v7  }
0x239: {  	v0 =	vld.idx.msk [tilespmem:v3+s10+$0x0], $0xffff  }
0x23a: {  	v3 =	vand.u32 $0xF, v4;
	v4 =	vld [tilespmem:$0x1FA90];
	_ =	sdelay $0x4  }
0x23b: {  	v7 =	vsel vm0, v5, v4;
	v4 =	vld [tilespmem:$0x1FA80]  }
0x23c: {  	v1 =	vor.u32 s23, v16;
	v5 =	vld [tilespmem:$0x1FAB0]  }
0x23d: {  	[tilespmem:$0x1F380] =	vst v3;
	v3 =	vor.u32 v3, v2;
	_ =	sdelay $0x3  }
0x23e: {  	[tilespmem:v1+s13+$0x0] =	vst.idx.msk $0xffff, v0;
	v4 =	vsel vm0, v4, v5  }
0x23f: {  	v0 =	vld.idx.msk [tilespmem:v3+s10+$0x0], $0xffff;
	[tilespmem:$0x1F580] =	vst v4;
	v4 =	vcombine.low v4, v7  }
0x240: {  	v5 =	vld [tilespmem:$0x1FAE0]  }
0x241: {  	[tilespmem:$0x1F390] =	vst v4;
	v3 =	vor.u32 v4, v2;
	v4 =	vld [tilespmem:$0x1FAD0];
	_ =	sdelay $0x4  }
0x242: {  	[tilespmem:$0x1F590] =	vst v7;
	v7 =	vsel vm0, v5, v4;
	v4 =	vld [tilespmem:$0x1FAC0]  }
0x243: {  	v1 =	vor.u32 s23, v43;
	v5 =	vld [tilespmem:$0x1FAF0];
	_ =	sdelay $0x4  }
0x244: {  	[tilespmem:v1+s13+$0x0] =	vst.idx.msk $0xffff, v0;
	v4 =	vsel vm0, v4, v5  }
0x245: {  	v0 =	vld.idx.msk [tilespmem:v3+s10+$0x0], $0xffff;
	[tilespmem:$0x1F5A0] =	vst v4;
	v4 =	vcombine.low v4, v7  }
0x246: {  	v5 =	vld [tilespmem:$0x1FB80]  }
0x247: {  	[tilespmem:$0x1F3A0] =	vst v4;
	v3 =	vor.u32 v4, v2;
	v4 =	vld [tilespmem:$0x1FB70];
	_ =	sdelay $0x2  }
0x248: {  	v1 =	vor.u32 s23, v19;
	_ =	sdelay $0x1  }
0x249: {  	[tilespmem:$0x1F5B0] =	vst v7;
	v7 =	vsel vm0, v5, v4;
	v4 =	vld [tilespmem:$0x1FB60]  }
0x24a: {  	v5 =	vld [tilespmem:$0x1FB90];
	_ =	sdelay $0x1  }
0x24b: {  	[tilespmem:v1+s13+$0x0] =	vst.idx.msk $0xffff, v0;
	v1 =	vld [tilespmem:$0x1F780];
	_ =	sdelay $0x2  }
0x24c: {  	v4 =	vsel vm0, v4, v5  }
0x24d: {  	v0 =	vld.idx.msk [tilespmem:v3+s10+$0x0], $0xffff;
	[tilespmem:$0x1F5C0] =	vst v4;
	v4 =	vcombine.low v4, v7  }
0x24e: {  	v1 =	vor.u32 s23, v1;
	v5 =	vld [tilespmem:$0x1F9F0]  }
0x24f: {  	[tilespmem:$0x1F3B0] =	vst v4;
	v3 =	vor.u32 v4, v2;
	v4 =	vld [tilespmem:$0x1FA00];
	_ =	sdelay $0x3  }
0x250: {  	[tilespmem:v1+s13+$0x0] =	vst.idx.msk $0xffff, v0  }
0x251: {  	v4 =	vcombine.low v4, v5;
	v0 =	vld.idx.msk [tilespmem:v3+s10+$0x0], $0xffff  }
0x252: {  	v5 =	vld [tilespmem:$0x1FBC0]  }
0x253: {  	v3 =	vand.u32 $0xF, v4;
	v4 =	vld [tilespmem:$0x1FBB0];
	_ =	sdelay $0x4  }
0x254: {  	[tilespmem:$0x1F5D0] =	vst v7;
	v7 =	vsel vm0, v5, v4;
	v4 =	vld [tilespmem:$0x1FBA0]  }
0x255: {  	v1 =	vor.u32 s23, v11;
	v5 =	vld [tilespmem:$0x1FBD0]  }
0x256: {  	[tilespmem:$0x1F3C0] =	vst v3;
	v3 =	vor.u32 v3, v2;
	_ =	sdelay $0x3  }
0x257: {  	[tilespmem:v1+s13+$0x0] =	vst.idx.msk $0xffff, v0;
	v4 =	vsel vm0, v4, v5  }
0x258: {  	v0 =	vld.idx.msk [tilespmem:v3+s10+$0x0], $0xffff;
	[tilespmem:$0x1F5E0] =	vst v4;
	v4 =	vcombine.low v4, v7  }
0x259: {  	v5 =	vld [tilespmem:$0x1FC40]  }
0x25a: {  	[tilespmem:$0x1F3D0] =	vst v4;
	v3 =	vor.u32 v4, v2;
	v4 =	vld [tilespmem:$0x1FC30]  }
0x25b: {  	v1 =	vld [tilespmem:$0x1F790];
	_ =	sdelay $0x3  }
0x25c: {  	[tilespmem:$0x1F5F0] =	vst v7;
	v7 =	vsel vm0, v5, v4;
	v4 =	vld [tilespmem:$0x1FC20]  }
0x25d: {  	v1 =	vor.u32 s23, v1;
	v5 =	vld [tilespmem:$0x1FC50];
	_ =	sdelay $0x4  }
0x25e: {  	[tilespmem:v1+s13+$0x0] =	vst.idx.msk $0xffff, v0;
	v4 =	vsel vm0, v4, v5  }
0x25f: {  	v0 =	vld.idx.msk [tilespmem:v3+s10+$0x0], $0xffff;
	[tilespmem:$0x1F600] =	vst v4;
	v4 =	vcombine.low v4, v7  }
0x260: {  	v5 =	vld [tilespmem:$0x1FC80]  }
0x261: {  	[tilespmem:$0x1F3E0] =	vst v4;
	v3 =	vor.u32 v4, v2;
	v4 =	vld [tilespmem:$0x1FC70];
	_ =	sdelay $0x4  }
0x262: {  	v1 =	vor.u32 s23, v34;
	[tilespmem:$0x1F610] =	vst v7;
	v7 =	vsel vm0, v5, v4;
	v4 =	vld [tilespmem:$0x1FC60]  }
0x263: {  	v5 =	vld [tilespmem:$0x1FC90];
	_ =	sdelay $0x3  }
0x264: {  	[tilespmem:v1+s13+$0x0] =	vst.idx.msk $0xffff, v0;
	v1 =	vld [tilespmem:$0x1F7B0]  }
0x265: {  	v4 =	vsel vm0, v4, v5  }
0x266: {  	v0 =	vld.idx.msk [tilespmem:v3+s10+$0x0], $0xffff;
	[tilespmem:$0x1F620] =	vst v4;
	v4 =	vcombine.low v4, v7  }
0x267: {  	v5 =	vld [tilespmem:$0x1FA10]  }
0x268: {  	[tilespmem:$0x1F3F0] =	vst v4;
	v3 =	vor.u32 v4, v2;
	v4 =	vld [tilespmem:$0x1FA20]  }
0x269: {  	v1 =	vor.u32 s23, v1;
	_ =	sdelay $0x3  }
0x26a: {  	v4 =	vcombine.low v4, v5  }
0x26b: {  	[tilespmem:v1+s13+$0x0] =	vst.idx.msk $0xffff, v0  }
0x26c: {  	v1 =	vor.u32 s23, v23;
	v0 =	vld.idx.msk [tilespmem:v3+s10+$0x0], $0xffff;
	v3 =	vand.u32 $0xF, v4  }
0x26d: {  	[tilespmem:$0x1F400] =	vst v3;
	v3 =	vor.u32 v3, v2;
	_ =	sdelay $0x1  }
0x26e: {  	v4 =	vsel vm0, v6, v22  }
0x26f: {  	v5 =	vsel vm0, v8, v13;
	[tilespmem:$0x1F640] =	vst v4  }
0x270: {  	v4 =	vcombine.low v4, v5;
	[tilespmem:v1+s13+$0x0] =	vst.idx.msk $0xffff, v0  }
0x271: {  	v1 =	vor.u32 s23, v47;
	v0 =	vld.idx.msk [tilespmem:v3+s10+$0x0], $0xffff  }
0x272: {  	v3 =	vor.u32 v4, v2  }
0x273: {  	[tilespmem:$0x1F650] =	vst v5  }
0x274: {  	[tilespmem:$0x1F410] =	vst v4;
	v4 =	vsel vm0, v25, v36  }
0x275: {  	v5 =	vsel vm0, v9, v33;
	[tilespmem:$0x1F660] =	vst v4  }
0x276: {  	v4 =	vcombine.low v4, v5;
	[tilespmem:v1+s13+$0x0] =	vst.idx.msk $0xffff, v0  }
0x277: {  	v1 =	vor.u32 s23, v48;
	v0 =	vld.idx.msk [tilespmem:v3+s10+$0x0], $0xffff  }
0x278: {  	v3 =	vor.u32 v4, v2;
	_ =	sdelay $0x2  }
0x279: {  	v36 =	vmov v5;
	v5 =	vsel vm0, v37, v41;
	[tilespmem:$0x1F420] =	vst v4;
	v4 =	vsel vm0, v39, v38  }
0x27a: {  	[tilespmem:v1+s13+$0x0] =	vst.idx.msk $0xffff, v0;
	v0 =	vcombine.low v5, v4  }
0x27b: {  	v1 =	vld.idx.msk [tilespmem:v3+s10+$0x0], $0xffff;
	v3 =	vor.u32 s23, v40  }
0x27c: {  	[tilespmem:$0x1F680] =	vst v4;
	v4 =	vor.u32 v0, v2;
	_ =	sdelay $0x3  }
0x27d: {  	[tilespmem:v3+s13+$0x0] =	vst.idx.msk $0xffff, v1  }
0x27e: {  	v3 =	vor.u32 s23, v18;
	v1 =	vld.idx.msk [tilespmem:v4+s10+$0x0], $0xffff  }
0x27f: {  	v4 =	vor.u32 v35, v2;
	_ =	sdelay $0x1  }
0x280: {  	[tilespmem:$0x1F670] =	vst v5  }
0x281: {  	v6 =	vsel vm0, v44, v51;
	v5 =	vsel vm0, v46, v45;
	[tilespmem:$0x1F430] =	vst v0  }
0x282: {  	v0 =	vcombine.low v6, v5;
	[tilespmem:v3+s13+$0x0] =	vst.idx.msk $0xffff, v1  }
0x283: {  	v3 =	vld.idx.msk [tilespmem:v4+s10+$0x0], $0xffff;
	v4 =	vor.u32 s23, v30  }
0x284: {  	v5 =	vor.u32 v0, v2;
	_ =	sdelay $0x2  }
0x285: {  	v6 =	vsel vm0, v55, v54;
	[tilespmem:$0x1F440] =	vst v0;
	v0 =	vsel vm0, v53, v56  }
0x286: {  	v0 =	vcombine.low v0, v6;
	[tilespmem:v4+s13+$0x0] =	vst.idx.msk $0xffff, v3  }
0x287: {  	v3 =	vld.idx.msk [tilespmem:v5+s10+$0x0], $0xffff;
	v5 =	vor.u32 s23, v26  }
0x288: {  	v6 =	vor.u32 v0, v2;
	_ =	sdelay $0x2  }
0x289: {  	v8 =	vld [tilespmem:$0x1F690];
	v9 =	vsel vm0, v59, v58;
	[tilespmem:$0x1F450] =	vst v0;
	v0 =	vsel vm0, v28, v60  }
0x28a: {  	v0 =	vcombine.low v9, v0;
	v9 =	vld [tilespmem:$0x1F6A0];
	[tilespmem:v5+s13+$0x0] =	vst.idx.msk $0xffff, v3  }
0x28b: {  	v3 =	vld.idx.msk [tilespmem:v6+s10+$0x0], $0xffff;
	v6 =	vor.u32 s23, v15  }
0x28c: {  	[tilespmem:$0x1F460] =	vst v0;
	v0 =	vor.u32 v0, v2;
	_ =	sdelay $0x2  }
0x28d: {  	v9 =	vcombine.low v8, v9  }
0x28e: {  	[tilespmem:v6+s13+$0x0] =	vst.idx.msk $0xffff, v3  }
0x28f: {  	v6 =	vor.u32 s23, v29;
	v3 =	vld.idx.msk [tilespmem:v0+s10+$0x0], $0xffff;
	v0 =	vand.u32 $0xF, v9  }
0x290: {  	v9 =	vor.u32 v0, v2  }
0x291: {  	v1 =	vld [tilespmem:$0x1FB10]  }
0x292: {  	[tilespmem:$0x1F470] =	vst v0;
	v0 =	vld [tilespmem:$0x1FB00];
	_ =	sdelay $0x1  }
0x293: {  	[tilespmem:v6+s13+$0x0] =	vst.idx.msk $0xffff, v3  }
0x294: {  	v3 =	vld.idx.msk [tilespmem:v9+s10+$0x0], $0xffff;
	v9 =	vor.u32 s23, v49;
	_ =	sdelay $0x1  }
0x295: {  	v0 =	vcombine.low v0, v1;
	_ =	sdelay $0x1  }
0x296: {  	v1 =	vld [tilespmem:$0x1FB30];
	[tilespmem:$0x1F480] =	vst v0  }
0x297: {  	v0 =	vor.u32 v0, v2;
	[tilespmem:v9+s13+$0x0] =	vst.idx.msk $0xffff, v3;
	v3 =	vld [tilespmem:$0x1FB40];
	_ =	sdelay $0x4  }
0x298: {  	v1 =	vcombine.low v1, v3;
	v3 =	vld.idx.msk [tilespmem:v0+s10+$0x0], $0xffff  }
0x299: {  	v0 =	vld [tilespmem:$0x1F7C0];
	_ =	sdelay $0x4  }
0x29a: {  	v0 =	vor.u32 s23, v0;
	_ =	sdelay $0x4  }
0x29b: {  	[tilespmem:v0+s13+$0x0] =	vst.idx.msk $0xffff, v3;
	v0 =	vld [tilespmem:$0x1FBE0]  }
0x29c: {  	v3 =	vld [tilespmem:$0x1FBF0]  }
0x29d: {  	[tilespmem:$0x1F490] =	vst v1;
	v1 =	vor.u32 v1, v2;
	_ =	sdelay $0x3  }
0x29e: {  	v0 =	vcombine.low v0, v3  }
0x29f: {  	v3 =	vld.idx.msk [tilespmem:v1+s10+$0x0], $0xffff;
	v1 =	vor.u32 s23, v32  }
0x2a0: {  	v4 =	vor.u32 v0, v2;
	_ =	sdelay $0x1  }
0x2a1: {  	v13 =	vld [tilespmem:$0x1F6D0]  }
0x2a2: {  	v8 =	vld [tilespmem:$0x1F6C0]  }
0x2a3: {  	[tilespmem:v1+s13+$0x0] =	vst.idx.msk $0xffff, v3  }
0x2a4: {  	v1 =	vor.u32 s23, v27;
	v3 =	vld.idx.msk [tilespmem:v4+s10+$0x0], $0xffff;
	_ =	sdelay $0x2  }
0x2a5: {  	v5 =	vcombine.low v8, v13  }
0x2a6: {  	[tilespmem:$0x1F4A0] =	vst v0  }
0x2a7: {  	v0 =	vand.u32 $0xF, v5;
	[tilespmem:v1+s13+$0x0] =	vst.idx.msk $0xffff, v3;
	v1 =	vld [tilespmem:$0x1FC00]  }
0x2a8: {  	v4 =	vor.u32 v0, v2;
	v3 =	vld [tilespmem:$0x1FC10];
	_ =	sdelay $0x4  }
0x2a9: {  	[tilespmem:$0x1F4B0] =	vst v0;
	v0 =	vcombine.low v1, v3;
	v3 =	vld.idx.msk [tilespmem:v4+s10+$0x0], $0xffff;
	v1 =	vor.u32 s23, v17;
	_ =	sdelay $0x3  }
0x2aa: {  	[tilespmem:$0x1F4C0] =	vst v0;
	v5 =	vor.u32 v0, v2;
	v0 =	vld [tilespmem:$0x1F7D0]  }
0x2ab: {  	[tilespmem:v1+s13+$0x0] =	vst.idx.msk $0xffff, v3;
	v1 =	vld [tilespmem:$0x1FCA0]  }
0x2ac: {  	v3 =	vld [tilespmem:$0x1FCB0];
	_ =	sdelay $0x4  }
0x2ad: {  	v4 =	vcombine.low v1, v3;
	v3 =	vld.idx.msk [tilespmem:v5+s10+$0x0], $0xffff;
	v1 =	vor.u32 s23, v0;
	_ =	sdelay $0x4  }
0x2ae: {  	[tilespmem:v1+s13+$0x0] =	vst.idx.msk $0xffff, v3;
	v1 =	vld [tilespmem:$0x1FCD0]  }
0x2af: {  	v3 =	vld [tilespmem:$0x1FCE0]  }
0x2b0: {  	v6 =	vor.u32 v4, v2;
	_ =	sdelay $0x3  }
0x2b1: {  	v62 =	vcombine.low v1, v3  }
0x2b2: {  	v8 =	vld.idx.msk [tilespmem:v6+s10+$0x0], $0xffff;
	v1 =	vor.u32 s23, v63  }
0x2b3: {  	v3 =	vor.u32 v62, v2  }
0x2b4: {  	v0 =	vld [tilespmem:$0x1F750]  }
0x2b5: {  	v16 =	vmov v4;
	v4 =	vld [tilespmem:$0x1F740];
	_ =	sdelay $0x1  }
0x2b6: {  	[tilespmem:v1+s13+$0x0] =	vst.idx.msk $0xffff, v8  }
0x2b7: {  	v1 =	vor.u32 s23, v42;
	v3 =	vld.idx.msk [tilespmem:v3+s10+$0x0], $0xffff;
	_ =	sdelay $0x1  }
0x2b8: {  	v6 =	vcombine.low v4, v0;
	_ =	sdelay $0x1  }
0x2b9: {  	v22 =	vmov v10;
	v0 =	vld [tilespmem:$0x1F4D0];
	v10 =	vand.u32 $0xF, v6  }
0x2ba: {  	v6 =	vor.u32 v10, v2;
	[tilespmem:v1+s13+$0x0] =	vst.idx.msk $0xffff, v3;
	v1 =	vld [tilespmem:$0x1F4E0];
	_ =	sdelay $0x4  }
0x2bb: {  	v3 =	vld.idx.msk [tilespmem:v6+s10+$0x0], $0xffff;
	v9 =	vcombine.low v1, v0;
	v1 =	vor.u32 s23, v31;
	_ =	sdelay $0x3  }
0x2bc: {  	v0 =	vld [tilespmem:$0x1F4F0]  }
0x2bd: {  	v6 =	vor.u32 v9, v2;
	[tilespmem:v1+s13+$0x0] =	vst.idx.msk $0xffff, v3;
	v1 =	vld [tilespmem:$0x1F500];
	_ =	sdelay $0x4  }
0x2be: {  	v46 =	vmov v15;
	v3 =	vld.idx.msk [tilespmem:v6+s10+$0x0], $0xffff;
	v15 =	vcombine.low v1, v0;
	v1 =	vor.u32 s23, v52;
	_ =	sdelay $0x3  }
0x2bf: {  	v0 =	vld [tilespmem:$0x1F510]  }
0x2c0: {  	[tilespmem:v1+s13+$0x0] =	vst.idx.msk $0xffff, v3;
	v1 =	vld [tilespmem:$0x1F520]  }
0x2c1: {  	v38 =	vmov v18;
	v18 =	vmov v12;
	v12 =	vld [tilespmem:$0x1FFD0];
	v6 =	vor.u32 v15, v2;
	_ =	sdelay $0x3  }
0x2c2: {  	v4 =	vcombine.low v1, v0  }
0x2c3: {  	v3 =	vld.idx.msk [tilespmem:v6+s10+$0x0], $0xffff;
	v1 =	vor.u32 s23, v12  }
0x2c4: {  	v61 =	vld [tilespmem:$0x1FD70];
	v6 =	vor.u32 v4, v2;
	_ =	sdelay $0x3  }
0x2c5: {  	[tilespmem:v1+s13+$0x0] =	vst.idx.msk $0xffff, v3  }
0x2c6: {  	v1 =	vor.u32 s23, v61;
	v3 =	vld.idx.msk [tilespmem:v6+s10+$0x0], $0xffff;
	_ =	sdelay $0x1  }
0x2c7: {  	v8 =	vld [tilespmem:$0x1F900]  }
0x2c8: {  	v0 =	vld [tilespmem:$0x1F8F0];
	_ =	sdelay $0x1  }
0x2c9: {  	[tilespmem:v1+s13+$0x0] =	vst.idx.msk $0xffff, v3;
	v1 =	vld [tilespmem:$0x1F530]  }
0x2ca: {  	v3 =	vld [tilespmem:$0x1F540];
	_ =	sdelay $0x1  }
0x2cb: {  	v8 =	vcombine.low v0, v8;
	_ =	sdelay $0x1  }
0x2cc: {  	v0 =	vand.u32 $0xF, v8  }
0x2cd: {  	v54 =	vmov v34;
	v6 =	vor.u32 v0, v2;
	v34 =	vcombine.low v3, v1;
	v1 =	vld [tilespmem:$0x1F7E0];
	_ =	sdelay $0x4  }
0x2ce: {  	v3 =	vld.idx.msk [tilespmem:v6+s10+$0x0], $0xffff;
	v1 =	vor.u32 s23, v1;
	_ =	sdelay $0x4  }
0x2cf: {  	[tilespmem:v1+s13+$0x0] =	vst.idx.msk $0xffff, v3;
	v1 =	vld [tilespmem:$0x1F550]  }
0x2d0: {  	v6 =	vor.u32 v34, v2;
	v3 =	vld [tilespmem:$0x1F560];
	_ =	sdelay $0x4  }
0x2d1: {  	v1 =	vcombine.low v3, v1;
	v3 =	vld.idx.msk [tilespmem:v6+s10+$0x0], $0xffff  }
0x2d2: {  	v6 =	vld [tilespmem:$0x1FE40];
	_ =	sdelay $0x4  }
0x2d3: {  	[tilespmem:$0x1F630] =	vst v7;
	v7 =	vmovc v19;
	v19 =	vmov v47;
	v47 =	vmov v6;
	v6 =	vor.u32 s23, v6;
	_ =	sdelay $0x4  }
0x2d4: {  	v8 =	vor.u32 v1, v2;
	[tilespmem:v6+s13+$0x0] =	vst.idx.msk $0xffff, v3;
	v3 =	vld [tilespmem:$0x1F570];
	_ =	sdelay $0x4  }
0x2d5: {  	v25 =	vmov v23;
	v6 =	vor.u32 s23, v57;
	v23 =	vcombine.low v3, v24;
	v3 =	vld.idx.msk [tilespmem:v8+s10+$0x0], $0xffff;
	_ =	sdelay $0x4  }
0x2d6: {  	v8 =	vor.u32 v23, v2;
	[tilespmem:v6+s13+$0x0] =	vst.idx.msk $0xffff, v3;
	v6 =	vld [tilespmem:$0x1F7F0];
	_ =	sdelay $0x1  }
0x2d7: {  	v53 =	vmov v11;
	v11 =	vld [tilespmem:$0x1F9E0]  }
0x2d8: {  	v13 =	vld [tilespmem:$0x1F9D0];
	_ =	sdelay $0x1  }
0x2d9: {  	v3 =	vld.idx.msk [tilespmem:v8+s10+$0x0], $0xffff;
	v6 =	vor.u32 s23, v6;
	_ =	sdelay $0x2  }
0x2da: {  	v13 =	vcombine.low v13, v11;
	_ =	sdelay $0x1  }
0x2db: {  	v45 =	vmov v26;
	v26 =	vand.u32 $0xF, v13;
	[tilespmem:v6+s13+$0x0] =	vst.idx.msk $0xffff, v3;
	v3 =	vld [tilespmem:$0x1F580]  }
0x2dc: {  	v8 =	vor.u32 v26, v2;
	v6 =	vld [tilespmem:$0x1F590];
	_ =	sdelay $0x4  }
0x2dd: {  	v24 =	vcombine.low v6, v3;
	v3 =	vld.idx.msk [tilespmem:v8+s10+$0x0], $0xffff;
	v8 =	vor.u32 s23, v18;
	_ =	sdelay $0x3  }
0x2de: {  	v6 =	vld [tilespmem:$0x1F5B0]  }
0x2df: {  	[tilespmem:v8+s13+$0x0] =	vst.idx.msk $0xffff, v3;
	v3 =	vld [tilespmem:$0x1F5A0];
	_ =	sdelay $0x4  }
0x2e0: {  	v44 =	vmovc v30;
	v30 =	vmov v50;
	v13 =	vor.u32 v24, v2;
	v50 =	vcombine.low v6, v3;
	v6 =	vld [tilespmem:$0x1F800];
	_ =	sdelay $0x4  }
0x2e1: {  	v3 =	vld.idx.msk [tilespmem:v13+s10+$0x0], $0xffff;
	v8 =	vor.u32 s23, v6;
	_ =	sdelay $0x2  }
0x2e2: {  	v13 =	vor.u32 v50, v2  }
0x2e3: {  	v6 =	vld [tilespmem:$0x1F5D0]  }
0x2e4: {  	[tilespmem:v8+s13+$0x0] =	vst.idx.msk $0xffff, v3;
	v3 =	vld [tilespmem:$0x1F5C0];
	_ =	sdelay $0x1  }
0x2e5: {  	v55 =	vmov v29;
	v29 =	vld [tilespmem:$0x1FED0]  }
0x2e6: {  	v51 =	vmov v43;
	v43 =	vmov v18;
	v18 =	vld.idx.msk [tilespmem:v13+s10+$0x0], $0xffff  }
0x2e7: {  	v13 =	vld [tilespmem:$0x1F9F0]  }
0x2e8: {  	v27 =	vcombine.low v6, v3;
	v6 =	vld [tilespmem:$0x1FA00];
	_ =	sdelay $0x3  }
0x2e9: {  	v8 =	vor.u32 s23, v29  }
0x2ea: {  	v3 =	vor.u32 v27, v2;
	v13 =	vcombine.low v13, v6;
	v6 =	vld [tilespmem:$0x1F830];
	_ =	sdelay $0x3  }
0x2eb: {  	[tilespmem:v8+s13+$0x0] =	vst.idx.msk $0xffff, v18  }
0x2ec: {  	v3 =	vld.idx.msk [tilespmem:v3+s10+$0x0], $0xffff;
	v8 =	vor.u32 s23, v6;
	_ =	sdelay $0x3  }
0x2ed: {  	v6 =	vld [tilespmem:$0x1F5F0]  }
0x2ee: {  	[tilespmem:v8+s13+$0x0] =	vst.idx.msk $0xffff, v3;
	v3 =	vld [tilespmem:$0x1F5E0];
	_ =	sdelay $0x3  }
0x2ef: {  	v28 =	vmov v48;
	v48 =	vand.u32 $0xF, v13  }
0x2f0: {  	v60 =	vmovc v52;
	v52 =	vmov v29;
	v13 =	vor.u32 v48, v2;
	v29 =	vcombine.low v6, v3;
	v6 =	vld [tilespmem:$0x1FEA0];
	_ =	sdelay $0x4  }
0x2f1: {  	v3 =	vld.idx.msk [tilespmem:v13+s10+$0x0], $0xffff;
	v8 =	vor.u32 s23, v6;
	_ =	sdelay $0x3  }
0x2f2: {  	v39 =	vmov v6;
	v6 =	vld [tilespmem:$0x1F610]  }
0x2f3: {  	v13 =	vor.u32 v29, v2;
	[tilespmem:v8+s13+$0x0] =	vst.idx.msk $0xffff, v3;
	v3 =	vld [tilespmem:$0x1F600];
	_ =	sdelay $0x4  }
0x2f4: {  	v56 =	vmov v49;
	v8 =	vor.u32 s23, v30;
	v49 =	vcombine.low v6, v3;
	v3 =	vld.idx.msk [tilespmem:v13+s10+$0x0], $0xffff;
	_ =	sdelay $0x2  }
0x2f5: {  	v5 =	vld [tilespmem:$0x1FD90]  }
0x2f6: {  	v6 =	vld [tilespmem:$0x1F630]  }
0x2f7: {  	[tilespmem:v8+s13+$0x0] =	vst.idx.msk $0xffff, v3;
	v3 =	vld [tilespmem:$0x1F620];
	_ =	sdelay $0x3  }
0x2f8: {  	v59 =	vmovc v42;
	v42 =	vmov v5;
	v13 =	vor.u32 v49, v2;
	v8 =	vor.u32 s23, v5;
	v5 =	vld [tilespmem:$0x1FA20]  }
0x2f9: {  	v18 =	vmov v30;
	v30 =	vcombine.low v6, v3;
	v6 =	vld [tilespmem:$0x1FA10];
	_ =	sdelay $0x3  }
0x2fa: {  	v58 =	vmov v17;
	v17 =	vmov v31;
	v31 =	vld.idx.msk [tilespmem:v13+s10+$0x0], $0xffff  }
0x2fb: {  	v3 =	vor.u32 v30, v2;
	v13 =	vcombine.low v6, v5;
	v6 =	vld [tilespmem:$0x1FEE0];
	_ =	sdelay $0x3  }
0x2fc: {  	[tilespmem:v8+s13+$0x0] =	vst.idx.msk $0xffff, v31  }
0x2fd: {  	v3 =	vld.idx.msk [tilespmem:v3+s10+$0x0], $0xffff;
	v8 =	vor.u32 s23, v6;
	_ =	sdelay $0x3  }
0x2fe: {  	v5 =	vmov v6;
	v6 =	vld [tilespmem:$0x1F650]  }
0x2ff: {  	[tilespmem:v8+s13+$0x0] =	vst.idx.msk $0xffff, v3;
	v3 =	vld [tilespmem:$0x1F640];
	_ =	sdelay $0x3  }
0x300: {  	v33 =	vmovc v40;
	v40 =	vmov v63;
	v63 =	vmov v57;
	v57 =	vand.u32 $0xF, v13  }
0x301: {  	v13 =	vor.u32 v57, v2;
	v31 =	vcombine.low v6, v3;
	v6 =	vld [tilespmem:$0x1FEF0];
	_ =	sdelay $0x4  }
0x302: {  	v3 =	vld.idx.msk [tilespmem:v13+s10+$0x0], $0xffff;
	v8 =	vor.u32 s23, v6;
	_ =	sdelay $0x4  }
0x303: {  	[tilespmem:v8+s13+$0x0] =	vst.idx.msk $0xffff, v3;
	v3 =	vld [tilespmem:$0x1F660];
	_ =	sdelay $0x4  }
0x304: {  	v13 =	vor.u32 v31, v2;
	v32 =	vcombine.low v36, v3;
	v3 =	vld [tilespmem:$0x1FF10];
	_ =	sdelay $0x4  }
0x305: {  	v37 =	vmov v6;
	v6 =	vld.idx.msk [tilespmem:v13+s10+$0x0], $0xffff;
	v8 =	vor.u32 s23, v3  }
0x306: {  	v41 =	vmov v35;
	v35 =	vmov v3;
	v3 =	vor.u32 v32, v2;
	_ =	sdelay $0x3  }
0x307: {  	[tilespmem:v8+s13+$0x0] =	vst.idx.msk $0xffff, v6  }
0x308: {  	v13 =	vld.idx.msk [tilespmem:v3+s10+$0x0], $0xffff  }
0x309: {  	v3 =	vld [tilespmem:$0x1FE60];
	_ =	sdelay $0x1  }
0x30a: {  	v6 =	vld [tilespmem:$0x1F670]  }
0x30b: {  	v8 =	vld [tilespmem:$0x1F680];
	_ =	sdelay $0x1  }
0x30c: {  	v36 =	vmov v3;
	v3 =	vor.u32 s23, v3;
	_ =	sdelay $0x2  }
0x30d: {  	v6 =	vcombine.low v8, v6  }
0x30e: {  	s24 =	simm.s32 $0x10  }
0x30f: {  	s25 =	sshll.u32 s21, $0x1;
	s26 =	simm.s32 $0x20;
	v11 =	vld [tilespmem:$0x1FDA0];
	v2 =	vor.u32 v6, v2;
	[tilespmem:v3+s13+$0x0] =	vst.idx.msk $0xffff, v13;
	v3 =	vmov s24  }
.LBB2_3:
0x310: {  	_ =	sdelay $0x3  }
0x311: {  	v8 =	vld.idx.msk [tilespmem:v2+s10+$0x0], $0xffff  }
0x312: {  	v2 =	vld [tilespmem:$0x1FA30];
	_ =	sdelay $0x3  }
0x313: {  	v3 =	vshll.u32 v3, $0x6  }
0x314: {  	v13 =	vlaneseq.u32;
	v2 =	vor.u32 v2, v3;
	v3 =	vor.u32 s23, v11  }
0x315: {  	v13 =	vor.u32 v13, v2;
	_ =	sdelay $0x3  }
0x316: {  	[tilespmem:v3+s13+$0x0] =	vst.idx.msk $0xffff, v8;
	v8 =	vld [tilespmem:$0x1FDB0]  }
0x317: {  	v3 =	vld.idx.msk [tilespmem:v13+s10+$0x0], $0xffff  }
0x318: {  	v13 =	vld [tilespmem:$0x1FA40];
	_ =	sdelay $0x2  }
0x319: {  	s23 =	smov.u32 s24  }
0x31a: {  	v8 =	vor.u32 s23, v8  }
0x31b: {  	v13 =	vor.u32 v13, v2;
	_ =	sdelay $0x3  }
0x31c: {  	[tilespmem:v8+s13+$0x0] =	vst.idx.msk $0xffff, v3;
	v8 =	vld [tilespmem:$0x1FDE0]  }
0x31d: {  	v3 =	vld.idx.msk [tilespmem:v13+s10+$0x0], $0xffff  }
0x31e: {  	v13 =	vld [tilespmem:$0x1FA50];
	_ =	sdelay $0x3  }
0x31f: {  	v8 =	vor.u32 s23, v8  }
0x320: {  	v13 =	vor.u32 v13, v2;
	_ =	sdelay $0x3  }
0x321: {  	[tilespmem:v8+s13+$0x0] =	vst.idx.msk $0xffff, v3;
	v8 =	vld [tilespmem:$0x1FA60]  }
0x322: {  	v3 =	vld.idx.msk [tilespmem:v13+s10+$0x0], $0xffff  }
0x323: {  	v13 =	vld [tilespmem:$0x1FA70];
	_ =	sdelay $0x3  }
0x324: {  	v8 =	vor.u32 s23, v8  }
0x325: {  	v13 =	vor.u32 v13, v2;
	_ =	sdelay $0x3  }
0x326: {  	[tilespmem:v8+s13+$0x0] =	vst.idx.msk $0xffff, v3  }
0x327: {  	v8 =	vor.u32 s23, v14;
	v3 =	vld.idx.msk [tilespmem:v13+s10+$0x0], $0xffff  }
0x328: {  	v13 =	vor.u32 v20, v2;
	_ =	sdelay $0x3  }
0x329: {  	[tilespmem:v8+s13+$0x0] =	vst.idx.msk $0xffff, v3  }
0x32a: {  	v3 =	vld.idx.msk [tilespmem:v13+s10+$0x0], $0xffff  }
0x32b: {  	v13 =	vld [tilespmem:$0x1FB20];
	_ =	sdelay $0x3  }
0x32c: {  	v8 =	vor.u32 s23, v21  }
0x32d: {  	v13 =	vor.u32 v13, v2;
	_ =	sdelay $0x3  }
0x32e: {  	[tilespmem:v8+s13+$0x0] =	vst.idx.msk $0xffff, v3  }
0x32f: {  	v3 =	vld.idx.msk [tilespmem:v13+s10+$0x0], $0xffff  }
0x330: {  	v13 =	vld [tilespmem:$0x1FB50];
	_ =	sdelay $0x3  }
0x331: {  	v8 =	vor.u32 s23, v22  }
0x332: {  	v13 =	vor.u32 v13, v2;
	_ =	sdelay $0x3  }
0x333: {  	[tilespmem:v8+s13+$0x0] =	vst.idx.msk $0xffff, v3;
	v8 =	vld [tilespmem:$0x1F6B0]  }
0x334: {  	v3 =	vld.idx.msk [tilespmem:v13+s10+$0x0], $0xffff  }
0x335: {  	v13 =	vld [tilespmem:$0x1FDC0];
	_ =	sdelay $0x3  }
0x336: {  	v8 =	vor.u32 s23, v8  }
0x337: {  	v13 =	vor.u32 v13, v2;
	_ =	sdelay $0x3  }
0x338: {  	[tilespmem:v8+s13+$0x0] =	vst.idx.msk $0xffff, v3;
	v8 =	vld [tilespmem:$0x1F6E0]  }
0x339: {  	v3 =	vld.idx.msk [tilespmem:v13+s10+$0x0], $0xffff  }
0x33a: {  	v13 =	vld [tilespmem:$0x1F6F0];
	_ =	sdelay $0x3  }
0x33b: {  	v8 =	vor.u32 s23, v8  }
0x33c: {  	v13 =	vor.u32 v13, v2;
	_ =	sdelay $0x3  }
0x33d: {  	[tilespmem:v8+s13+$0x0] =	vst.idx.msk $0xffff, v3;
	v8 =	vld [tilespmem:$0x1F700]  }
0x33e: {  	v3 =	vld.idx.msk [tilespmem:v13+s10+$0x0], $0xffff  }
0x33f: {  	v13 =	vld [tilespmem:$0x1FE70];
	_ =	sdelay $0x3  }
0x340: {  	v8 =	vor.u32 s23, v8  }
0x341: {  	v13 =	vor.u32 v13, v2;
	_ =	sdelay $0x3  }
0x342: {  	[tilespmem:v8+s13+$0x0] =	vst.idx.msk $0xffff, v3;
	v8 =	vld [tilespmem:$0x1F710]  }
0x343: {  	v3 =	vld.idx.msk [tilespmem:v13+s10+$0x0], $0xffff  }
0x344: {  	v13 =	vld [tilespmem:$0x1FCC0];
	_ =	sdelay $0x3  }
0x345: {  	v8 =	vor.u32 s23, v8  }
0x346: {  	v13 =	vor.u32 v13, v2;
	_ =	sdelay $0x3  }
0x347: {  	[tilespmem:v8+s13+$0x0] =	vst.idx.msk $0xffff, v3;
	v8 =	vld [tilespmem:$0x1F720]  }
0x348: {  	v3 =	vld.idx.msk [tilespmem:v13+s10+$0x0], $0xffff  }
0x349: {  	v13 =	vld [tilespmem:$0x1FDF0];
	_ =	sdelay $0x3  }
0x34a: {  	v8 =	vor.u32 s23, v8  }
0x34b: {  	v13 =	vor.u32 v13, v2;
	_ =	sdelay $0x3  }
0x34c: {  	[tilespmem:v8+s13+$0x0] =	vst.idx.msk $0xffff, v3;
	v8 =	vld [tilespmem:$0x1F730]  }
0x34d: {  	v3 =	vld.idx.msk [tilespmem:v13+s10+$0x0], $0xffff  }
0x34e: {  	v13 =	vld [tilespmem:$0x1F300];
	_ =	sdelay $0x3  }
0x34f: {  	v8 =	vor.u32 s23, v8  }
0x350: {  	v13 =	vor.u32 v13, v2;
	_ =	sdelay $0x3  }
0x351: {  	[tilespmem:v8+s13+$0x0] =	vst.idx.msk $0xffff, v3;
	v8 =	vld [tilespmem:$0x1FE50]  }
0x352: {  	v3 =	vld.idx.msk [tilespmem:v13+s10+$0x0], $0xffff  }
0x353: {  	v13 =	vld [tilespmem:$0x1F310];
	_ =	sdelay $0x3  }
0x354: {  	v8 =	vor.u32 s23, v8  }
0x355: {  	v13 =	vor.u32 v13, v2;
	_ =	sdelay $0x3  }
0x356: {  	[tilespmem:v8+s13+$0x0] =	vst.idx.msk $0xffff, v3;
	v8 =	vld [tilespmem:$0x1FF20]  }
0x357: {  	v3 =	vld.idx.msk [tilespmem:v13+s10+$0x0], $0xffff  }
0x358: {  	v13 =	vld [tilespmem:$0x1F320];
	_ =	sdelay $0x3  }
0x359: {  	v8 =	vor.u32 s23, v8  }
0x35a: {  	v13 =	vor.u32 v13, v2;
	_ =	sdelay $0x3  }
0x35b: {  	[tilespmem:v8+s13+$0x0] =	vst.idx.msk $0xffff, v3;
	v8 =	vld [tilespmem:$0x1FE80]  }
0x35c: {  	v3 =	vld.idx.msk [tilespmem:v13+s10+$0x0], $0xffff  }
0x35d: {  	v13 =	vld [tilespmem:$0x1F330];
	_ =	sdelay $0x3  }
0x35e: {  	v8 =	vor.u32 s23, v8  }
0x35f: {  	v13 =	vor.u32 v13, v2;
	_ =	sdelay $0x3  }
0x360: {  	[tilespmem:v8+s13+$0x0] =	vst.idx.msk $0xffff, v3;
	v8 =	vld [tilespmem:$0x1FE90]  }
0x361: {  	v3 =	vld.idx.msk [tilespmem:v13+s10+$0x0], $0xffff  }
0x362: {  	v13 =	vld [tilespmem:$0x1F340];
	_ =	sdelay $0x3  }
0x363: {  	v8 =	vor.u32 s23, v8  }
0x364: {  	v13 =	vor.u32 v13, v2;
	_ =	sdelay $0x3  }
0x365: {  	[tilespmem:v8+s13+$0x0] =	vst.idx.msk $0xffff, v3;
	v8 =	vld [tilespmem:$0x1FE20]  }
0x366: {  	v3 =	vld.idx.msk [tilespmem:v13+s10+$0x0], $0xffff  }
0x367: {  	v13 =	vld [tilespmem:$0x1F350];
	_ =	sdelay $0x3  }
0x368: {  	v8 =	vor.u32 s23, v8  }
0x369: {  	v13 =	vor.u32 v13, v2;
	_ =	sdelay $0x3  }
0x36a: {  	[tilespmem:v8+s13+$0x0] =	vst.idx.msk $0xffff, v3;
	v8 =	vld [tilespmem:$0x1FEB0]  }
0x36b: {  	v3 =	vld.idx.msk [tilespmem:v13+s10+$0x0], $0xffff  }
0x36c: {  	v13 =	vld [tilespmem:$0x1F360];
	_ =	sdelay $0x3  }
0x36d: {  	v8 =	vor.u32 s23, v8  }
0x36e: {  	v13 =	vor.u32 v13, v2;
	_ =	sdelay $0x3  }
0x36f: {  	[tilespmem:v8+s13+$0x0] =	vst.idx.msk $0xffff, v3;
	v8 =	vld [tilespmem:$0x1FE30]  }
0x370: {  	v3 =	vld.idx.msk [tilespmem:v13+s10+$0x0], $0xffff  }
0x371: {  	v13 =	vld [tilespmem:$0x1F370];
	_ =	sdelay $0x3  }
0x372: {  	v8 =	vor.u32 s23, v8  }
0x373: {  	v13 =	vor.u32 v13, v2;
	_ =	sdelay $0x3  }
0x374: {  	[tilespmem:v8+s13+$0x0] =	vst.idx.msk $0xffff, v3;
	v8 =	vld [tilespmem:$0x1FEC0]  }
0x375: {  	v3 =	vld.idx.msk [tilespmem:v13+s10+$0x0], $0xffff  }
0x376: {  	v13 =	vld [tilespmem:$0x1F380];
	_ =	sdelay $0x3  }
0x377: {  	v8 =	vor.u32 s23, v8  }
0x378: {  	v13 =	vor.u32 v13, v2;
	_ =	sdelay $0x3  }
0x379: {  	[tilespmem:v8+s13+$0x0] =	vst.idx.msk $0xffff, v3  }
0x37a: {  	v3 =	vld.idx.msk [tilespmem:v13+s10+$0x0], $0xffff  }
0x37b: {  	v13 =	vld [tilespmem:$0x1F390];
	_ =	sdelay $0x3  }
0x37c: {  	v8 =	vor.u32 s23, v51  }
0x37d: {  	v13 =	vor.u32 v13, v2;
	_ =	sdelay $0x3  }
0x37e: {  	[tilespmem:v8+s13+$0x0] =	vst.idx.msk $0xffff, v3  }
0x37f: {  	v3 =	vld.idx.msk [tilespmem:v13+s10+$0x0], $0xffff  }
0x380: {  	v13 =	vld [tilespmem:$0x1F3A0];
	_ =	sdelay $0x3  }
0x381: {  	v8 =	vor.u32 s23, v7  }
0x382: {  	v13 =	vor.u32 v13, v2;
	_ =	sdelay $0x3  }
0x383: {  	[tilespmem:v8+s13+$0x0] =	vst.idx.msk $0xffff, v3;
	v8 =	vld [tilespmem:$0x1F780]  }
0x384: {  	v3 =	vld.idx.msk [tilespmem:v13+s10+$0x0], $0xffff  }
0x385: {  	v13 =	vld [tilespmem:$0x1F3B0];
	_ =	sdelay $0x3  }
0x386: {  	v8 =	vor.u32 s23, v8  }
0x387: {  	v13 =	vor.u32 v13, v2;
	_ =	sdelay $0x3  }
0x388: {  	[tilespmem:v8+s13+$0x0] =	vst.idx.msk $0xffff, v3  }
0x389: {  	v3 =	vld.idx.msk [tilespmem:v13+s10+$0x0], $0xffff  }
0x38a: {  	v13 =	vld [tilespmem:$0x1F3C0];
	_ =	sdelay $0x3  }
0x38b: {  	v8 =	vor.u32 s23, v53  }
0x38c: {  	v13 =	vor.u32 v13, v2;
	_ =	sdelay $0x3  }
0x38d: {  	[tilespmem:v8+s13+$0x0] =	vst.idx.msk $0xffff, v3;
	v8 =	vld [tilespmem:$0x1F790]  }
0x38e: {  	v3 =	vld.idx.msk [tilespmem:v13+s10+$0x0], $0xffff  }
0x38f: {  	v13 =	vld [tilespmem:$0x1F3D0];
	_ =	sdelay $0x3  }
0x390: {  	v8 =	vor.u32 s23, v8  }
0x391: {  	v13 =	vor.u32 v13, v2;
	_ =	sdelay $0x3  }
0x392: {  	[tilespmem:v8+s13+$0x0] =	vst.idx.msk $0xffff, v3  }
0x393: {  	v3 =	vld.idx.msk [tilespmem:v13+s10+$0x0], $0xffff  }
0x394: {  	v13 =	vld [tilespmem:$0x1F3E0];
	_ =	sdelay $0x3  }
0x395: {  	v8 =	vor.u32 s23, v54  }
0x396: {  	v13 =	vor.u32 v13, v2;
	_ =	sdelay $0x3  }
0x397: {  	[tilespmem:v8+s13+$0x0] =	vst.idx.msk $0xffff, v3;
	v8 =	vld [tilespmem:$0x1F7B0]  }
0x398: {  	v3 =	vld.idx.msk [tilespmem:v13+s10+$0x0], $0xffff  }
0x399: {  	v13 =	vld [tilespmem:$0x1F3F0];
	_ =	sdelay $0x3  }
0x39a: {  	v8 =	vor.u32 s23, v8  }
0x39b: {  	v13 =	vor.u32 v13, v2;
	_ =	sdelay $0x3  }
0x39c: {  	[tilespmem:v8+s13+$0x0] =	vst.idx.msk $0xffff, v3  }
0x39d: {  	v3 =	vld.idx.msk [tilespmem:v13+s10+$0x0], $0xffff  }
0x39e: {  	v13 =	vld [tilespmem:$0x1F400];
	_ =	sdelay $0x3  }
0x39f: {  	v8 =	vor.u32 s23, v25  }
0x3a0: {  	v13 =	vor.u32 v13, v2;
	_ =	sdelay $0x3  }
0x3a1: {  	[tilespmem:v8+s13+$0x0] =	vst.idx.msk $0xffff, v3  }
0x3a2: {  	v3 =	vld.idx.msk [tilespmem:v13+s10+$0x0], $0xffff  }
0x3a3: {  	v13 =	vld [tilespmem:$0x1F410];
	_ =	sdelay $0x3  }
0x3a4: {  	v8 =	vor.u32 s23, v19  }
0x3a5: {  	v13 =	vor.u32 v13, v2;
	_ =	sdelay $0x3  }
0x3a6: {  	[tilespmem:v8+s13+$0x0] =	vst.idx.msk $0xffff, v3  }
0x3a7: {  	v3 =	vld.idx.msk [tilespmem:v13+s10+$0x0], $0xffff  }
0x3a8: {  	v13 =	vld [tilespmem:$0x1F420];
	_ =	sdelay $0x3  }
0x3a9: {  	v8 =	vor.u32 s23, v28  }
0x3aa: {  	v13 =	vor.u32 v13, v2;
	_ =	sdelay $0x3  }
0x3ab: {  	[tilespmem:v8+s13+$0x0] =	vst.idx.msk $0xffff, v3  }
0x3ac: {  	v3 =	vld.idx.msk [tilespmem:v13+s10+$0x0], $0xffff  }
0x3ad: {  	v13 =	vld [tilespmem:$0x1F430];
	_ =	sdelay $0x3  }
0x3ae: {  	v8 =	vor.u32 s23, v33  }
0x3af: {  	v13 =	vor.u32 v13, v2;
	_ =	sdelay $0x3  }
0x3b0: {  	[tilespmem:v8+s13+$0x0] =	vst.idx.msk $0xffff, v3  }
0x3b1: {  	v8 =	vor.u32 s23, v38;
	v3 =	vld.idx.msk [tilespmem:v13+s10+$0x0], $0xffff  }
0x3b2: {  	v13 =	vor.u32 v41, v2;
	_ =	sdelay $0x3  }
0x3b3: {  	[tilespmem:v8+s13+$0x0] =	vst.idx.msk $0xffff, v3  }
0x3b4: {  	v3 =	vld.idx.msk [tilespmem:v13+s10+$0x0], $0xffff  }
0x3b5: {  	v13 =	vld [tilespmem:$0x1F440];
	_ =	sdelay $0x3  }
0x3b6: {  	v8 =	vor.u32 s23, v44  }
0x3b7: {  	v13 =	vor.u32 v13, v2;
	_ =	sdelay $0x3  }
0x3b8: {  	[tilespmem:v8+s13+$0x0] =	vst.idx.msk $0xffff, v3  }
0x3b9: {  	v3 =	vld.idx.msk [tilespmem:v13+s10+$0x0], $0xffff  }
0x3ba: {  	v13 =	vld [tilespmem:$0x1F450];
	_ =	sdelay $0x3  }
0x3bb: {  	v8 =	vor.u32 s23, v45  }
0x3bc: {  	v13 =	vor.u32 v13, v2;
	_ =	sdelay $0x3  }
0x3bd: {  	[tilespmem:v8+s13+$0x0] =	vst.idx.msk $0xffff, v3  }
0x3be: {  	v3 =	vld.idx.msk [tilespmem:v13+s10+$0x0], $0xffff  }
0x3bf: {  	v13 =	vld [tilespmem:$0x1F460];
	_ =	sdelay $0x3  }
0x3c0: {  	v8 =	vor.u32 s23, v46  }
0x3c1: {  	v13 =	vor.u32 v13, v2;
	_ =	sdelay $0x3  }
0x3c2: {  	[tilespmem:v8+s13+$0x0] =	vst.idx.msk $0xffff, v3  }
0x3c3: {  	v3 =	vld.idx.msk [tilespmem:v13+s10+$0x0], $0xffff  }
0x3c4: {  	v13 =	vld [tilespmem:$0x1F470];
	_ =	sdelay $0x3  }
0x3c5: {  	v8 =	vor.u32 s23, v55  }
0x3c6: {  	v13 =	vor.u32 v13, v2;
	_ =	sdelay $0x3  }
0x3c7: {  	[tilespmem:v8+s13+$0x0] =	vst.idx.msk $0xffff, v3  }
0x3c8: {  	v3 =	vld.idx.msk [tilespmem:v13+s10+$0x0], $0xffff  }
0x3c9: {  	v13 =	vld [tilespmem:$0x1F480];
	_ =	sdelay $0x3  }
0x3ca: {  	v8 =	vor.u32 s23, v56  }
0x3cb: {  	v13 =	vor.u32 v13, v2;
	_ =	sdelay $0x3  }
0x3cc: {  	[tilespmem:v8+s13+$0x0] =	vst.idx.msk $0xffff, v3;
	v8 =	vld [tilespmem:$0x1F7C0]  }
0x3cd: {  	v3 =	vld.idx.msk [tilespmem:v13+s10+$0x0], $0xffff  }
0x3ce: {  	v13 =	vld [tilespmem:$0x1F490];
	_ =	sdelay $0x3  }
0x3cf: {  	v8 =	vor.u32 s23, v8  }
0x3d0: {  	v13 =	vor.u32 v13, v2;
	_ =	sdelay $0x3  }
0x3d1: {  	[tilespmem:v8+s13+$0x0] =	vst.idx.msk $0xffff, v3;
	v8 =	vld [tilespmem:$0x1FE00]  }
0x3d2: {  	v3 =	vld.idx.msk [tilespmem:v13+s10+$0x0], $0xffff  }
0x3d3: {  	v13 =	vld [tilespmem:$0x1F4A0];
	_ =	sdelay $0x3  }
0x3d4: {  	v8 =	vor.u32 s23, v8  }
0x3d5: {  	v13 =	vor.u32 v13, v2;
	_ =	sdelay $0x3  }
0x3d6: {  	[tilespmem:v8+s13+$0x0] =	vst.idx.msk $0xffff, v3;
	v8 =	vld [tilespmem:$0x1FF90]  }
0x3d7: {  	v3 =	vld.idx.msk [tilespmem:v13+s10+$0x0], $0xffff  }
0x3d8: {  	v13 =	vld [tilespmem:$0x1F4B0];
	_ =	sdelay $0x3  }
0x3d9: {  	v8 =	vor.u32 s23, v8  }
0x3da: {  	v13 =	vor.u32 v13, v2;
	_ =	sdelay $0x3  }
0x3db: {  	[tilespmem:v8+s13+$0x0] =	vst.idx.msk $0xffff, v3  }
0x3dc: {  	v3 =	vld.idx.msk [tilespmem:v13+s10+$0x0], $0xffff  }
0x3dd: {  	v8 =	vor.u32 s23, v58;
	v13 =	vld [tilespmem:$0x1F4C0];
	_ =	sdelay $0x4  }
0x3de: {  	v13 =	vor.u32 v13, v2;
	[tilespmem:v8+s13+$0x0] =	vst.idx.msk $0xffff, v3;
	v8 =	vld [tilespmem:$0x1F7D0];
	_ =	sdelay $0x4  }
0x3df: {  	v3 =	vld.idx.msk [tilespmem:v13+s10+$0x0], $0xffff;
	v8 =	vor.u32 s23, v8  }
0x3e0: {  	v13 =	vor.u32 v16, v2;
	_ =	sdelay $0x3  }
0x3e1: {  	[tilespmem:v8+s13+$0x0] =	vst.idx.msk $0xffff, v3  }
0x3e2: {  	v8 =	vor.u32 s23, v40;
	v3 =	vld.idx.msk [tilespmem:v13+s10+$0x0], $0xffff  }
0x3e3: {  	v13 =	vor.u32 v62, v2;
	_ =	sdelay $0x3  }
0x3e4: {  	[tilespmem:v8+s13+$0x0] =	vst.idx.msk $0xffff, v3  }
0x3e5: {  	v8 =	vor.u32 s23, v59;
	v3 =	vld.idx.msk [tilespmem:v13+s10+$0x0], $0xffff  }
0x3e6: {  	v13 =	vor.u32 v10, v2;
	_ =	sdelay $0x3  }
0x3e7: {  	[tilespmem:v8+s13+$0x0] =	vst.idx.msk $0xffff, v3  }
0x3e8: {  	v8 =	vor.u32 s23, v17;
	v3 =	vld.idx.msk [tilespmem:v13+s10+$0x0], $0xffff  }
0x3e9: {  	v13 =	vor.u32 v9, v2;
	_ =	sdelay $0x3  }
0x3ea: {  	[tilespmem:v8+s13+$0x0] =	vst.idx.msk $0xffff, v3  }
0x3eb: {  	v8 =	vor.u32 s23, v60;
	v3 =	vld.idx.msk [tilespmem:v13+s10+$0x0], $0xffff  }
0x3ec: {  	v13 =	vor.u32 v15, v2;
	_ =	sdelay $0x3  }
0x3ed: {  	[tilespmem:v8+s13+$0x0] =	vst.idx.msk $0xffff, v3  }
0x3ee: {  	v8 =	vor.u32 s23, v12;
	v3 =	vld.idx.msk [tilespmem:v13+s10+$0x0], $0xffff  }
0x3ef: {  	v13 =	vor.u32 v4, v2;
	_ =	sdelay $0x3  }
0x3f0: {  	[tilespmem:v8+s13+$0x0] =	vst.idx.msk $0xffff, v3  }
0x3f1: {  	v8 =	vor.u32 s23, v61;
	v3 =	vld.idx.msk [tilespmem:v13+s10+$0x0], $0xffff;
	_ =	sdelay $0x4  }
0x3f2: {  	v13 =	vor.u32 v0, v2;
	[tilespmem:v8+s13+$0x0] =	vst.idx.msk $0xffff, v3;
	v8 =	vld [tilespmem:$0x1F7E0];
	_ =	sdelay $0x4  }
0x3f3: {  	v3 =	vld.idx.msk [tilespmem:v13+s10+$0x0], $0xffff;
	v8 =	vor.u32 s23, v8  }
0x3f4: {  	v13 =	vor.u32 v34, v2;
	_ =	sdelay $0x3  }
0x3f5: {  	[tilespmem:v8+s13+$0x0] =	vst.idx.msk $0xffff, v3  }
0x3f6: {  	v8 =	vor.u32 s23, v47;
	v3 =	vld.idx.msk [tilespmem:v13+s10+$0x0], $0xffff  }
0x3f7: {  	v13 =	vor.u32 v1, v2;
	_ =	sdelay $0x3  }
0x3f8: {  	[tilespmem:v8+s13+$0x0] =	vst.idx.msk $0xffff, v3  }
0x3f9: {  	v8 =	vor.u32 s23, v63;
	v3 =	vld.idx.msk [tilespmem:v13+s10+$0x0], $0xffff;
	_ =	sdelay $0x4  }
0x3fa: {  	v13 =	vor.u32 v23, v2;
	[tilespmem:v8+s13+$0x0] =	vst.idx.msk $0xffff, v3;
	v8 =	vld [tilespmem:$0x1F7F0];
	_ =	sdelay $0x4  }
0x3fb: {  	v3 =	vld.idx.msk [tilespmem:v13+s10+$0x0], $0xffff;
	v8 =	vor.u32 s23, v8  }
0x3fc: {  	v13 =	vor.u32 v26, v2;
	_ =	sdelay $0x3  }
0x3fd: {  	[tilespmem:v8+s13+$0x0] =	vst.idx.msk $0xffff, v3  }
0x3fe: {  	v8 =	vor.u32 s23, v43;
	v3 =	vld.idx.msk [tilespmem:v13+s10+$0x0], $0xffff;
	_ =	sdelay $0x4  }
0x3ff: {  	v13 =	vor.u32 v24, v2;
	[tilespmem:v8+s13+$0x0] =	vst.idx.msk $0xffff, v3;
	v8 =	vld [tilespmem:$0x1F800];
	_ =	sdelay $0x4  }
0x400: {  	v3 =	vld.idx.msk [tilespmem:v13+s10+$0x0], $0xffff;
	v8 =	vor.u32 s23, v8  }
0x401: {  	v13 =	vor.u32 v50, v2;
	_ =	sdelay $0x3  }
0x402: {  	[tilespmem:v8+s13+$0x0] =	vst.idx.msk $0xffff, v3  }
0x403: {  	v8 =	vor.u32 s23, v52;
	v3 =	vld.idx.msk [tilespmem:v13+s10+$0x0], $0xffff;
	_ =	sdelay $0x4  }
0x404: {  	v13 =	vor.u32 v27, v2;
	[tilespmem:v8+s13+$0x0] =	vst.idx.msk $0xffff, v3;
	v8 =	vld [tilespmem:$0x1F830];
	_ =	sdelay $0x4  }
0x405: {  	v3 =	vld.idx.msk [tilespmem:v13+s10+$0x0], $0xffff;
	v8 =	vor.u32 s23, v8  }
0x406: {  	v13 =	vor.u32 v48, v2;
	_ =	sdelay $0x3  }
0x407: {  	[tilespmem:v8+s13+$0x0] =	vst.idx.msk $0xffff, v3  }
0x408: {  	v8 =	vor.u32 s23, v39;
	v3 =	vld.idx.msk [tilespmem:v13+s10+$0x0], $0xffff  }
0x409: {  	v13 =	vor.u32 v29, v2;
	_ =	sdelay $0x3  }
0x40a: {  	[tilespmem:v8+s13+$0x0] =	vst.idx.msk $0xffff, v3  }
0x40b: {  	v8 =	vor.u32 s23, v18;
	v3 =	vld.idx.msk [tilespmem:v13+s10+$0x0], $0xffff  }
0x40c: {  	v13 =	vor.u32 v49, v2;
	_ =	sdelay $0x3  }
0x40d: {  	[tilespmem:v8+s13+$0x0] =	vst.idx.msk $0xffff, v3  }
0x40e: {  	v8 =	vor.u32 s23, v42;
	v3 =	vld.idx.msk [tilespmem:v13+s10+$0x0], $0xffff  }
0x40f: {  	v13 =	vor.u32 v30, v2;
	_ =	sdelay $0x3  }
0x410: {  	[tilespmem:v8+s13+$0x0] =	vst.idx.msk $0xffff, v3  }
0x411: {  	v8 =	vor.u32 s23, v5;
	v3 =	vld.idx.msk [tilespmem:v13+s10+$0x0], $0xffff  }
0x412: {  	v13 =	vor.u32 v57, v2;
	_ =	sdelay $0x3  }
0x413: {  	[tilespmem:v8+s13+$0x0] =	vst.idx.msk $0xffff, v3  }
0x414: {  	v8 =	vor.u32 s23, v37;
	v3 =	vld.idx.msk [tilespmem:v13+s10+$0x0], $0xffff  }
0x415: {  	v13 =	vor.u32 v31, v2;
	_ =	sdelay $0x3  }
0x416: {  	[tilespmem:v8+s13+$0x0] =	vst.idx.msk $0xffff, v3  }
0x417: {  	v8 =	vor.u32 s23, v35;
	v3 =	vld.idx.msk [tilespmem:v13+s10+$0x0], $0xffff  }
0x418: {  	v13 =	vor.u32 v32, v2;
	_ =	sdelay $0x3  }
0x419: {  	[tilespmem:v8+s13+$0x0] =	vst.idx.msk $0xffff, v3  }
0x41a: {  	p0 =	sne.s32 s26, $0x70;
	v8 =	vld.idx.msk [tilespmem:v13+s10+$0x0], $0xffff;
	v13 =	vor.u32 s23, v36  }
.Ltmp0:
0x41b: {  	_ = 	snop;
	(pc) =	sbr.rel @p0 .LBB2_3-.Ltmp0, $3  }
0x41c: {  	_ =	sdelay $0x1  }
0x41d: {  	s24 =	smov.u32 s26  }
0x41e: {  	s26 =	sadd.s32 $0x10, s26;
	v2 =	vor.u32 v6, v2;
	v3 =	vmov s24;
	[tilespmem:v13+s13+$0x0] =	vst.idx.msk $0xffff, v8  }
0x41f: {  	_ =	sdelay $0x3  }
0x420: {  	v8 =	vld.idx.msk [tilespmem:v2+s10+$0x0], $0xffff  }
0x421: {  	v2 =	vld [tilespmem:$0x1FA30];
	_ =	sdelay $0x3  }
0x422: {  	v3 =	vshll.u32 v3, $0x6  }
0x423: {  	v2 =	vor.u32 v2, v3;
	v3 =	vor.u32 s23, v11;
	_ =	sdelay $0x3  }
0x424: {  	v13 =	vlaneseq.u32  }
0x425: {  	v13 =	vor.u32 v13, v2;
	[tilespmem:v3+s13+$0x0] =	vst.idx.msk $0xffff, v8;
	v8 =	vld [tilespmem:$0x1FDB0];
	_ =	sdelay $0x3  }
0x426: {  	v11 =	vld [tilespmem:$0x1FA40]  }
0x427: {  	v3 =	vld.idx.msk [tilespmem:v13+s10+$0x0], $0xffff;
	v8 =	vor.u32 s24, v8;
	_ =	sdelay $0x4  }
0x428: {  	v13 =	vor.u32 v11, v2;
	[tilespmem:v8+s13+$0x0] =	vst.idx.msk $0xffff, v3;
	v8 =	vld [tilespmem:$0x1FDE0];
	_ =	sdelay $0x3  }
0x429: {  	v11 =	vld [tilespmem:$0x1FA50]  }
0x42a: {  	v3 =	vld.idx.msk [tilespmem:v13+s10+$0x0], $0xffff;
	v8 =	vor.u32 s24, v8;
	_ =	sdelay $0x4  }
0x42b: {  	v13 =	vor.u32 v11, v2;
	[tilespmem:v8+s13+$0x0] =	vst.idx.msk $0xffff, v3;
	v8 =	vld [tilespmem:$0x1FA60]  }
0x42c: {  	v11 =	vld [tilespmem:$0x1FA70];
	_ =	sdelay $0x3  }
0x42d: {  	v3 =	vld.idx.msk [tilespmem:v13+s10+$0x0], $0xffff;
	v8 =	vor.u32 s24, v8  }
0x42e: {  	v13 =	vor.u32 v11, v2;
	_ =	sdelay $0x3  }
0x42f: {  	[tilespmem:v8+s13+$0x0] =	vst.idx.msk $0xffff, v3  }
0x430: {  	v8 =	vor.u32 s24, v14;
	v3 =	vld.idx.msk [tilespmem:v13+s10+$0x0], $0xffff  }
0x431: {  	v13 =	vor.u32 v20, v2  }
0x432: {  	v11 =	vld [tilespmem:$0x1FB20];
	_ =	sdelay $0x2  }
0x433: {  	[tilespmem:v8+s13+$0x0] =	vst.idx.msk $0xffff, v3  }
0x434: {  	v8 =	vor.u32 s24, v21;
	v3 =	vld.idx.msk [tilespmem:v13+s10+$0x0], $0xffff  }
0x435: {  	v13 =	vor.u32 v11, v2;
	_ =	sdelay $0x3  }
0x436: {  	v11 =	vld [tilespmem:$0x1FB50];
	[tilespmem:v8+s13+$0x0] =	vst.idx.msk $0xffff, v3  }
0x437: {  	v8 =	vor.u32 s24, v22;
	v3 =	vld.idx.msk [tilespmem:v13+s10+$0x0], $0xffff;
	_ =	sdelay $0x4  }
0x438: {  	v13 =	vor.u32 v11, v2;
	[tilespmem:v8+s13+$0x0] =	vst.idx.msk $0xffff, v3;
	v8 =	vld [tilespmem:$0x1F6B0];
	_ =	sdelay $0x3  }
0x439: {  	v11 =	vld [tilespmem:$0x1FDC0]  }
0x43a: {  	v3 =	vld.idx.msk [tilespmem:v13+s10+$0x0], $0xffff;
	v8 =	vor.u32 s24, v8;
	_ =	sdelay $0x4  }
0x43b: {  	v13 =	vor.u32 v11, v2;
	[tilespmem:v8+s13+$0x0] =	vst.idx.msk $0xffff, v3;
	v8 =	vld [tilespmem:$0x1F6E0];
	_ =	sdelay $0x3  }
0x43c: {  	v11 =	vld [tilespmem:$0x1F6F0]  }
0x43d: {  	v3 =	vld.idx.msk [tilespmem:v13+s10+$0x0], $0xffff;
	v8 =	vor.u32 s24, v8;
	_ =	sdelay $0x4  }
0x43e: {  	v13 =	vor.u32 v11, v2;
	[tilespmem:v8+s13+$0x0] =	vst.idx.msk $0xffff, v3;
	v8 =	vld [tilespmem:$0x1F700];
	_ =	sdelay $0x3  }
0x43f: {  	v11 =	vld [tilespmem:$0x1FE70]  }
0x440: {  	v3 =	vld.idx.msk [tilespmem:v13+s10+$0x0], $0xffff;
	v8 =	vor.u32 s24, v8;
	_ =	sdelay $0x4  }
0x441: {  	v13 =	vor.u32 v11, v2;
	[tilespmem:v8+s13+$0x0] =	vst.idx.msk $0xffff, v3;
	v8 =	vld [tilespmem:$0x1F710];
	_ =	sdelay $0x3  }
0x442: {  	v11 =	vld [tilespmem:$0x1FCC0]  }
0x443: {  	v3 =	vld.idx.msk [tilespmem:v13+s10+$0x0], $0xffff;
	v8 =	vor.u32 s24, v8;
	_ =	sdelay $0x4  }
0x444: {  	v13 =	vor.u32 v11, v2;
	[tilespmem:v8+s13+$0x0] =	vst.idx.msk $0xffff, v3;
	v8 =	vld [tilespmem:$0x1F720];
	_ =	sdelay $0x3  }
0x445: {  	v11 =	vld [tilespmem:$0x1FDF0]  }
0x446: {  	v3 =	vld.idx.msk [tilespmem:v13+s10+$0x0], $0xffff;
	v8 =	vor.u32 s24, v8;
	_ =	sdelay $0x4  }
0x447: {  	v13 =	vor.u32 v11, v2;
	[tilespmem:v8+s13+$0x0] =	vst.idx.msk $0xffff, v3;
	v8 =	vld [tilespmem:$0x1F730];
	_ =	sdelay $0x3  }
0x448: {  	v11 =	vld [tilespmem:$0x1F300]  }
0x449: {  	v3 =	vld.idx.msk [tilespmem:v13+s10+$0x0], $0xffff;
	v8 =	vor.u32 s24, v8;
	_ =	sdelay $0x4  }
0x44a: {  	v13 =	vor.u32 v11, v2;
	[tilespmem:v8+s13+$0x0] =	vst.idx.msk $0xffff, v3;
	v8 =	vld [tilespmem:$0x1FE50];
	_ =	sdelay $0x3  }
0x44b: {  	v11 =	vld [tilespmem:$0x1F310]  }
0x44c: {  	v3 =	vld.idx.msk [tilespmem:v13+s10+$0x0], $0xffff;
	v8 =	vor.u32 s24, v8;
	_ =	sdelay $0x4  }
0x44d: {  	v13 =	vor.u32 v11, v2;
	[tilespmem:v8+s13+$0x0] =	vst.idx.msk $0xffff, v3;
	v8 =	vld [tilespmem:$0x1FF20];
	_ =	sdelay $0x3  }
0x44e: {  	v11 =	vld [tilespmem:$0x1F320]  }
0x44f: {  	v3 =	vld.idx.msk [tilespmem:v13+s10+$0x0], $0xffff;
	v8 =	vor.u32 s24, v8;
	_ =	sdelay $0x4  }
0x450: {  	v13 =	vor.u32 v11, v2;
	[tilespmem:v8+s13+$0x0] =	vst.idx.msk $0xffff, v3;
	v8 =	vld [tilespmem:$0x1FE80];
	_ =	sdelay $0x3  }
0x451: {  	v11 =	vld [tilespmem:$0x1F330]  }
0x452: {  	v3 =	vld.idx.msk [tilespmem:v13+s10+$0x0], $0xffff;
	v8 =	vor.u32 s24, v8;
	_ =	sdelay $0x4  }
0x453: {  	v13 =	vor.u32 v11, v2;
	[tilespmem:v8+s13+$0x0] =	vst.idx.msk $0xffff, v3;
	v8 =	vld [tilespmem:$0x1FE90];
	_ =	sdelay $0x3  }
0x454: {  	v11 =	vld [tilespmem:$0x1F340]  }
0x455: {  	v3 =	vld.idx.msk [tilespmem:v13+s10+$0x0], $0xffff;
	v8 =	vor.u32 s24, v8;
	_ =	sdelay $0x4  }
0x456: {  	v13 =	vor.u32 v11, v2;
	[tilespmem:v8+s13+$0x0] =	vst.idx.msk $0xffff, v3;
	v8 =	vld [tilespmem:$0x1FE20]  }
0x457: {  	v11 =	vld [tilespmem:$0x1F350];
	_ =	sdelay $0x3  }
0x458: {  	v3 =	vld.idx.msk [tilespmem:v13+s10+$0x0], $0xffff;
	v8 =	vor.u32 s24, v8  }
0x459: {  	v22 =	vld [tilespmem:$0x1FEB0];
	v13 =	vor.u32 v11, v2;
	_ =	sdelay $0x3  }
0x45a: {  	v11 =	vld [tilespmem:$0x1F360];
	[tilespmem:v8+s13+$0x0] =	vst.idx.msk $0xffff, v3  }
0x45b: {  	v8 =	vor.u32 s24, v22;
	v3 =	vld.idx.msk [tilespmem:v13+s10+$0x0], $0xffff;
	_ =	sdelay $0x4  }
0x45c: {  	v13 =	vor.u32 v11, v2;
	[tilespmem:v8+s13+$0x0] =	vst.idx.msk $0xffff, v3;
	v8 =	vld [tilespmem:$0x1FE30]  }
0x45d: {  	v11 =	vld [tilespmem:$0x1F370];
	_ =	sdelay $0x3  }
0x45e: {  	v3 =	vld.idx.msk [tilespmem:v13+s10+$0x0], $0xffff;
	v8 =	vor.u32 s24, v8  }
0x45f: {  	v14 =	vld [tilespmem:$0x1FEC0];
	v13 =	vor.u32 v11, v2  }
0x460: {  	v11 =	vld [tilespmem:$0x1F380];
	_ =	sdelay $0x2  }
0x461: {  	[tilespmem:v8+s13+$0x0] =	vst.idx.msk $0xffff, v3  }
0x462: {  	v8 =	vor.u32 s24, v14;
	v3 =	vld.idx.msk [tilespmem:v13+s10+$0x0], $0xffff  }
0x463: {  	v13 =	vor.u32 v11, v2  }
0x464: {  	v11 =	vld [tilespmem:$0x1F390];
	_ =	sdelay $0x2  }
0x465: {  	[tilespmem:v8+s13+$0x0] =	vst.idx.msk $0xffff, v3  }
0x466: {  	v8 =	vor.u32 s24, v51;
	v3 =	vld.idx.msk [tilespmem:v13+s10+$0x0], $0xffff  }
0x467: {  	v13 =	vor.u32 v11, v2;
	_ =	sdelay $0x3  }
0x468: {  	v11 =	vld [tilespmem:$0x1F3A0];
	[tilespmem:v8+s13+$0x0] =	vst.idx.msk $0xffff, v3  }
0x469: {  	v8 =	vor.u32 s24, v7;
	v3 =	vld.idx.msk [tilespmem:v13+s10+$0x0], $0xffff;
	_ =	sdelay $0x4  }
0x46a: {  	v13 =	vor.u32 v11, v2;
	[tilespmem:v8+s13+$0x0] =	vst.idx.msk $0xffff, v3;
	v8 =	vld [tilespmem:$0x1F780]  }
0x46b: {  	v11 =	vld [tilespmem:$0x1F3B0];
	_ =	sdelay $0x3  }
0x46c: {  	v3 =	vld.idx.msk [tilespmem:v13+s10+$0x0], $0xffff;
	v8 =	vor.u32 s24, v8  }
0x46d: {  	v13 =	vor.u32 v11, v2  }
0x46e: {  	v11 =	vld [tilespmem:$0x1F3C0];
	_ =	sdelay $0x2  }
0x46f: {  	[tilespmem:v8+s13+$0x0] =	vst.idx.msk $0xffff, v3  }
0x470: {  	v8 =	vor.u32 s24, v53;
	v3 =	vld.idx.msk [tilespmem:v13+s10+$0x0], $0xffff  }
0x471: {  	v21 =	vld [tilespmem:$0x1F790];
	v13 =	vor.u32 v11, v2  }
0x472: {  	v11 =	vld [tilespmem:$0x1F3D0];
	_ =	sdelay $0x2  }
0x473: {  	[tilespmem:v8+s13+$0x0] =	vst.idx.msk $0xffff, v3  }
0x474: {  	v8 =	vor.u32 s24, v21;
	v3 =	vld.idx.msk [tilespmem:v13+s10+$0x0], $0xffff  }
0x475: {  	v13 =	vor.u32 v11, v2  }
0x476: {  	v11 =	vld [tilespmem:$0x1F3E0];
	_ =	sdelay $0x2  }
0x477: {  	[tilespmem:v8+s13+$0x0] =	vst.idx.msk $0xffff, v3  }
0x478: {  	v8 =	vor.u32 s24, v54;
	v3 =	vld.idx.msk [tilespmem:v13+s10+$0x0], $0xffff  }
0x479: {  	v20 =	vld [tilespmem:$0x1F7B0];
	v13 =	vor.u32 v11, v2  }
0x47a: {  	v11 =	vld [tilespmem:$0x1F3F0];
	_ =	sdelay $0x2  }
0x47b: {  	[tilespmem:v8+s13+$0x0] =	vst.idx.msk $0xffff, v3  }
0x47c: {  	v8 =	vor.u32 s24, v20;
	v3 =	vld.idx.msk [tilespmem:v13+s10+$0x0], $0xffff  }
0x47d: {  	v13 =	vor.u32 v11, v2  }
0x47e: {  	v11 =	vld [tilespmem:$0x1F400];
	_ =	sdelay $0x2  }
0x47f: {  	[tilespmem:v8+s13+$0x0] =	vst.idx.msk $0xffff, v3  }
0x480: {  	v8 =	vor.u32 s24, v25;
	v3 =	vld.idx.msk [tilespmem:v13+s10+$0x0], $0xffff  }
0x481: {  	v13 =	vor.u32 v11, v2  }
0x482: {  	v11 =	vld [tilespmem:$0x1F410];
	_ =	sdelay $0x2  }
0x483: {  	[tilespmem:v8+s13+$0x0] =	vst.idx.msk $0xffff, v3  }
0x484: {  	v8 =	vor.u32 s24, v19;
	v3 =	vld.idx.msk [tilespmem:v13+s10+$0x0], $0xffff  }
0x485: {  	v13 =	vor.u32 v11, v2  }
0x486: {  	v11 =	vld [tilespmem:$0x1F420];
	_ =	sdelay $0x2  }
0x487: {  	[tilespmem:v8+s13+$0x0] =	vst.idx.msk $0xffff, v3  }
0x488: {  	v8 =	vor.u32 s24, v28;
	v3 =	vld.idx.msk [tilespmem:v13+s10+$0x0], $0xffff  }
0x489: {  	v13 =	vor.u32 v11, v2  }
0x48a: {  	v11 =	vld [tilespmem:$0x1F430];
	_ =	sdelay $0x2  }
0x48b: {  	[tilespmem:v8+s13+$0x0] =	vst.idx.msk $0xffff, v3  }
0x48c: {  	v8 =	vor.u32 s24, v33;
	v3 =	vld.idx.msk [tilespmem:v13+s10+$0x0], $0xffff  }
0x48d: {  	v13 =	vor.u32 v11, v2;
	_ =	sdelay $0x3  }
0x48e: {  	[tilespmem:v8+s13+$0x0] =	vst.idx.msk $0xffff, v3  }
0x48f: {  	v8 =	vor.u32 s24, v38;
	v3 =	vld.idx.msk [tilespmem:v13+s10+$0x0], $0xffff  }
0x490: {  	v13 =	vor.u32 v41, v2  }
0x491: {  	v11 =	vld [tilespmem:$0x1F440];
	_ =	sdelay $0x2  }
0x492: {  	[tilespmem:v8+s13+$0x0] =	vst.idx.msk $0xffff, v3  }
0x493: {  	v8 =	vor.u32 s24, v44;
	v3 =	vld.idx.msk [tilespmem:v13+s10+$0x0], $0xffff  }
0x494: {  	v13 =	vor.u32 v11, v2  }
0x495: {  	v11 =	vld [tilespmem:$0x1F450];
	_ =	sdelay $0x2  }
0x496: {  	[tilespmem:v8+s13+$0x0] =	vst.idx.msk $0xffff, v3  }
0x497: {  	v8 =	vor.u32 s24, v45;
	v3 =	vld.idx.msk [tilespmem:v13+s10+$0x0], $0xffff  }
0x498: {  	v13 =	vor.u32 v11, v2  }
0x499: {  	v11 =	vld [tilespmem:$0x1F460];
	_ =	sdelay $0x2  }
0x49a: {  	[tilespmem:v8+s13+$0x0] =	vst.idx.msk $0xffff, v3  }
0x49b: {  	v8 =	vor.u32 s24, v46;
	v3 =	vld.idx.msk [tilespmem:v13+s10+$0x0], $0xffff  }
0x49c: {  	v13 =	vor.u32 v11, v2  }
0x49d: {  	v11 =	vld [tilespmem:$0x1F470];
	_ =	sdelay $0x2  }
0x49e: {  	[tilespmem:v8+s13+$0x0] =	vst.idx.msk $0xffff, v3  }
0x49f: {  	v8 =	vor.u32 s24, v55;
	v3 =	vld.idx.msk [tilespmem:v13+s10+$0x0], $0xffff  }
0x4a0: {  	v13 =	vor.u32 v11, v2;
	_ =	sdelay $0x3  }
0x4a1: {  	v11 =	vld [tilespmem:$0x1F480];
	[tilespmem:v8+s13+$0x0] =	vst.idx.msk $0xffff, v3  }
0x4a2: {  	v8 =	vor.u32 s24, v56;
	v3 =	vld.idx.msk [tilespmem:v13+s10+$0x0], $0xffff;
	_ =	sdelay $0x4  }
0x4a3: {  	v13 =	vor.u32 v11, v2;
	[tilespmem:v8+s13+$0x0] =	vst.idx.msk $0xffff, v3;
	v8 =	vld [tilespmem:$0x1F7C0];
	_ =	sdelay $0x3  }
0x4a4: {  	v11 =	vld [tilespmem:$0x1F490]  }
0x4a5: {  	v3 =	vld.idx.msk [tilespmem:v13+s10+$0x0], $0xffff;
	v8 =	vor.u32 s24, v8;
	_ =	sdelay $0x4  }
0x4a6: {  	v13 =	vor.u32 v11, v2;
	[tilespmem:v8+s13+$0x0] =	vst.idx.msk $0xffff, v3;
	v8 =	vld [tilespmem:$0x1FE00];
	_ =	sdelay $0x3  }
0x4a7: {  	v11 =	vld [tilespmem:$0x1F4A0]  }
0x4a8: {  	v3 =	vld.idx.msk [tilespmem:v13+s10+$0x0], $0xffff;
	v8 =	vor.u32 s24, v8;
	_ =	sdelay $0x4  }
0x4a9: {  	v13 =	vor.u32 v11, v2;
	[tilespmem:v8+s13+$0x0] =	vst.idx.msk $0xffff, v3;
	v8 =	vld [tilespmem:$0x1FF90]  }
0x4aa: {  	v11 =	vld [tilespmem:$0x1F4B0];
	_ =	sdelay $0x3  }
0x4ab: {  	v3 =	vld.idx.msk [tilespmem:v13+s10+$0x0], $0xffff;
	v8 =	vor.u32 s24, v8  }
0x4ac: {  	v13 =	vor.u32 v11, v2  }
0x4ad: {  	v11 =	vld [tilespmem:$0x1F4C0];
	_ =	sdelay $0x2  }
0x4ae: {  	[tilespmem:v8+s13+$0x0] =	vst.idx.msk $0xffff, v3  }
0x4af: {  	v8 =	vor.u32 s24, v58;
	v3 =	vld.idx.msk [tilespmem:v13+s10+$0x0], $0xffff  }
0x4b0: {  	v13 =	vor.u32 v11, v2;
	v11 =	vld [tilespmem:$0x1F7D0];
	_ =	sdelay $0x3  }
0x4b1: {  	[tilespmem:v8+s13+$0x0] =	vst.idx.msk $0xffff, v3  }
0x4b2: {  	v8 =	vor.u32 s24, v11;
	v3 =	vld.idx.msk [tilespmem:v13+s10+$0x0], $0xffff  }
0x4b3: {  	v13 =	vor.u32 v16, v2;
	_ =	sdelay $0x3  }
0x4b4: {  	[tilespmem:v8+s13+$0x0] =	vst.idx.msk $0xffff, v3  }
0x4b5: {  	v8 =	vor.u32 s24, v40;
	v3 =	vld.idx.msk [tilespmem:v13+s10+$0x0], $0xffff  }
0x4b6: {  	v13 =	vor.u32 v62, v2;
	_ =	sdelay $0x3  }
0x4b7: {  	[tilespmem:v8+s13+$0x0] =	vst.idx.msk $0xffff, v3  }
0x4b8: {  	v8 =	vor.u32 s24, v59;
	v3 =	vld.idx.msk [tilespmem:v13+s10+$0x0], $0xffff  }
0x4b9: {  	v13 =	vor.u32 v10, v2;
	_ =	sdelay $0x3  }
0x4ba: {  	[tilespmem:v8+s13+$0x0] =	vst.idx.msk $0xffff, v3  }
0x4bb: {  	v8 =	vor.u32 s24, v17;
	v3 =	vld.idx.msk [tilespmem:v13+s10+$0x0], $0xffff  }
0x4bc: {  	v13 =	vor.u32 v9, v2;
	_ =	sdelay $0x3  }
0x4bd: {  	[tilespmem:v8+s13+$0x0] =	vst.idx.msk $0xffff, v3  }
0x4be: {  	v8 =	vor.u32 s24, v60;
	v3 =	vld.idx.msk [tilespmem:v13+s10+$0x0], $0xffff  }
0x4bf: {  	v13 =	vor.u32 v15, v2;
	_ =	sdelay $0x3  }
0x4c0: {  	[tilespmem:v8+s13+$0x0] =	vst.idx.msk $0xffff, v3  }
0x4c1: {  	v8 =	vor.u32 s24, v12;
	v3 =	vld.idx.msk [tilespmem:v13+s10+$0x0], $0xffff  }
0x4c2: {  	v13 =	vor.u32 v4, v2;
	_ =	sdelay $0x3  }
0x4c3: {  	[tilespmem:v8+s13+$0x0] =	vst.idx.msk $0xffff, v3  }
0x4c4: {  	v8 =	vor.u32 s24, v61;
	v3 =	vld.idx.msk [tilespmem:v13+s10+$0x0], $0xffff  }
0x4c5: {  	[tilespmem:$0x1F220] =	vst v0;
	v13 =	vor.u32 v0, v2;
	v0 =	vld [tilespmem:$0x1F7E0];
	_ =	sdelay $0x3  }
0x4c6: {  	[tilespmem:v8+s13+$0x0] =	vst.idx.msk $0xffff, v3  }
0x4c7: {  	v8 =	vor.u32 s24, v0;
	v3 =	vld.idx.msk [tilespmem:v13+s10+$0x0], $0xffff  }
0x4c8: {  	v13 =	vor.u32 v34, v2;
	_ =	sdelay $0x3  }
0x4c9: {  	[tilespmem:v8+s13+$0x0] =	vst.idx.msk $0xffff, v3  }
0x4ca: {  	v8 =	vor.u32 s24, v47;
	v3 =	vld.idx.msk [tilespmem:v13+s10+$0x0], $0xffff  }
0x4cb: {  	v13 =	vor.u32 v1, v2;
	_ =	sdelay $0x3  }
0x4cc: {  	[tilespmem:v8+s13+$0x0] =	vst.idx.msk $0xffff, v3  }
0x4cd: {  	v8 =	vor.u32 s24, v63;
	v3 =	vld.idx.msk [tilespmem:v13+s10+$0x0], $0xffff  }
0x4ce: {  	[tilespmem:$0x1F210] =	vst v4;
	v4 =	vld [tilespmem:$0x1F7F0];
	v13 =	vor.u32 v23, v2;
	_ =	sdelay $0x3  }
0x4cf: {  	[tilespmem:v8+s13+$0x0] =	vst.idx.msk $0xffff, v3  }
0x4d0: {  	v8 =	vor.u32 s24, v4;
	v3 =	vld.idx.msk [tilespmem:v13+s10+$0x0], $0xffff  }
0x4d1: {  	v13 =	vor.u32 v26, v2;
	_ =	sdelay $0x3  }
0x4d2: {  	[tilespmem:v8+s13+$0x0] =	vst.idx.msk $0xffff, v3  }
0x4d3: {  	v8 =	vor.u32 s24, v43;
	v3 =	vld.idx.msk [tilespmem:v13+s10+$0x0], $0xffff  }
0x4d4: {  	[tilespmem:$0x1F260] =	vst v24;
	v13 =	vor.u32 v24, v2;
	v24 =	vld [tilespmem:$0x1F800];
	_ =	sdelay $0x3  }
0x4d5: {  	[tilespmem:v8+s13+$0x0] =	vst.idx.msk $0xffff, v3  }
0x4d6: {  	v8 =	vor.u32 s24, v24;
	v3 =	vld.idx.msk [tilespmem:v13+s10+$0x0], $0xffff  }
0x4d7: {  	v13 =	vor.u32 v50, v2;
	_ =	sdelay $0x3  }
0x4d8: {  	[tilespmem:v8+s13+$0x0] =	vst.idx.msk $0xffff, v3  }
0x4d9: {  	v8 =	vor.u32 s24, v52;
	v3 =	vld.idx.msk [tilespmem:v13+s10+$0x0], $0xffff  }
0x4da: {  	v38 =	vld [tilespmem:$0x1F830];
	v13 =	vor.u32 v27, v2;
	_ =	sdelay $0x3  }
0x4db: {  	[tilespmem:v8+s13+$0x0] =	vst.idx.msk $0xffff, v3  }
0x4dc: {  	v8 =	vor.u32 s24, v38;
	v3 =	vld.idx.msk [tilespmem:v13+s10+$0x0], $0xffff  }
0x4dd: {  	v13 =	vor.u32 v48, v2;
	_ =	sdelay $0x3  }
0x4de: {  	[tilespmem:v8+s13+$0x0] =	vst.idx.msk $0xffff, v3  }
0x4df: {  	v8 =	vor.u32 s24, v39;
	v3 =	vld.idx.msk [tilespmem:v13+s10+$0x0], $0xffff  }
0x4e0: {  	v13 =	vor.u32 v29, v2;
	_ =	sdelay $0x3  }
0x4e1: {  	[tilespmem:v8+s13+$0x0] =	vst.idx.msk $0xffff, v3  }
0x4e2: {  	v8 =	vor.u32 s24, v18;
	v3 =	vld.idx.msk [tilespmem:v13+s10+$0x0], $0xffff  }
0x4e3: {  	v13 =	vor.u32 v49, v2;
	_ =	sdelay $0x3  }
0x4e4: {  	[tilespmem:v8+s13+$0x0] =	vst.idx.msk $0xffff, v3  }
0x4e5: {  	v8 =	vor.u32 s24, v42;
	v3 =	vld.idx.msk [tilespmem:v13+s10+$0x0], $0xffff  }
0x4e6: {  	v13 =	vor.u32 v30, v2;
	_ =	sdelay $0x3  }
0x4e7: {  	[tilespmem:v8+s13+$0x0] =	vst.idx.msk $0xffff, v3  }
0x4e8: {  	v8 =	vor.u32 s24, v5;
	v3 =	vld.idx.msk [tilespmem:v13+s10+$0x0], $0xffff  }
0x4e9: {  	v13 =	vor.u32 v57, v2;
	_ =	sdelay $0x3  }
0x4ea: {  	[tilespmem:v8+s13+$0x0] =	vst.idx.msk $0xffff, v3  }
0x4eb: {  	v8 =	vor.u32 s24, v37;
	v3 =	vld.idx.msk [tilespmem:v13+s10+$0x0], $0xffff  }
0x4ec: {  	v13 =	vor.u32 v31, v2;
	_ =	sdelay $0x3  }
0x4ed: {  	[tilespmem:v8+s13+$0x0] =	vst.idx.msk $0xffff, v3  }
0x4ee: {  	v8 =	vor.u32 s24, v35;
	v3 =	vld.idx.msk [tilespmem:v13+s10+$0x0], $0xffff  }
0x4ef: {  	v13 =	vor.u32 v32, v2;
	_ =	sdelay $0x3  }
0x4f0: {  	[tilespmem:v8+s13+$0x0] =	vst.idx.msk $0xffff, v3  }
0x4f1: {  	v8 =	vor.u32 s24, v36;
	v3 =	vld.idx.msk [tilespmem:v13+s10+$0x0], $0xffff  }
0x4f2: {  	[tilespmem:$0x1F1C0] =	vst v16  }
0x4f3: {  	[tilespmem:$0x1F1D0] =	vst v62  }
0x4f4: {  	[tilespmem:$0x1F1E0] =	vst v10  }
0x4f5: {  	[tilespmem:$0x1F1F0] =	vst v9;
	v51 =	vmovc v53;
	v53 =	vmovc v54;
	v54 =	vmov v25;
	v25 =	vmov v19;
	v19 =	vmov v14;
	v14 =	vld [tilespmem:$0x1FA70]  }
0x4f6: {  	v2 =	vor.u32 v6, v2;
	[tilespmem:v8+s13+$0x0] =	vst.idx.msk $0xffff, v3;
	v3 =	vld [tilespmem:$0x1FDA0]  }
0x4f7: {  	[tilespmem:$0x1F200] =	vst v15;
	v46 =	vld [tilespmem:$0x1FCC0]  }
0x4f8: {  	[tilespmem:$0x1F230] =	vst v34;
	v58 =	vld [tilespmem:$0x1FA40]  }
0x4f9: {  	[tilespmem:$0x1F240] =	vst v23;
	s29 =	sadd.s32 s5, s25;
	v40 =	vld [tilespmem:$0x1FB20]  }
0x4fa: {  	[tilespmem:$0x1F250] =	vst v26;
	s26 =	sshll.u32 s21, $0x4;
	s25 =	sshrl.u32 s29, $0x2;
	v15 =	vld [tilespmem:$0x1F340]  }
0x4fb: {  	[tilespmem:$0x1F270] =	vst v50;
	s31 =	sand.u32 $0x30, s26;
	s30 =	sand.u32 $0x1FFC0, s25;
	v2 =	vld.idx.msk [tilespmem:v2+s10+$0x0], $0xffff;
	v3 =	vor.u32 s24, v3  }
0x4fc: {  	[tilespmem:$0x1F280] =	vst v27;
	s23 =	sshll.u32 s29, $0x7;
	v33 =	vmov v12;
	v12 =	vld [tilespmem:$0x1F320];
	s24 =	sor.u32 s31, s30  }
0x4fd: {  	[tilespmem:$0x1F290] =	vst v48;
	s23 =	sand.u32 $0x7C00, s23;
	v34 =	vmov v22;
	v22 =	vld [tilespmem:$0x1F350];
	s24 =	sshll.u32 s24, $0xF  }
0x4fe: {  	[tilespmem:$0x1F2A0] =	vst v29;
	v47 =	vld [tilespmem:$0x1F370];
	s23 =	sor.u32 s23, s24  }
0x4ff: {  	[tilespmem:$0x1F2B0] =	vst v49;
	v23 =	vld [tilespmem:$0x1F300];
	s23 =	sshrl.u32 s23, $0x3  }
0x500: {  	p0 =	seq.s32 s21, $0x63;
	v9 =	vmov v25;
	v25 =	vmov v4;
	v4 =	vld [tilespmem:$0x1FA60];
	s23 =	sadd.s32 s1, s23;
	[tilespmem:v3+s13+$0x0] =	vst.idx.msk $0xffff, v2  }
0x501: {  	v10 =	vmov v17;
	v43 =	vld [tilespmem:$0x1FB50];
	[hbm4b:s23+s14] =	stream.strided.scatter [tilespmem:s13], [sflag:$0x3], $0x2000, s15, s14, $0x38  }
0x502: {  	[tilespmem:$0x1F2C0] =	vst v57;
	v50 =	vmov v10;
	v10 =	vld [tilespmem:$0x1F310];
	s23 =	sshll.u32 @!p0 s21, $0x8  }
0x503: {  	[tilespmem:$0x1F2D0] =	vst v31;
	p1 =	seq.s32 @!p0 s21, $0x0;
	v52 =	vld [tilespmem:$0x1F360];
	s23 =	sand.u32 @!p0 $0x3FFFFF00, s23  }
0x504: {  	[tilespmem:$0x1F2E0] =	vst v32;
	s25 =	simm.s32 @!p0 $0x6400;
	v48 =	vmov v11;
	v11 =	vld [tilespmem:$0x1F330];
	s24 =	simm.s32 @!p0 $0x80;
	s23 =	sadd.s32 @!p0 $0x100, s23  }
0x505: {  	v18 =	vld [tilespmem:$0x1FF20];
	[tilespmem:s25], [sflag:$0x1] =	stream.indirect.gather @!p0 [hbm4b:s4+s24], $0x40, s23, s24, $0xb8  }
0x506: {  	[tilespmem:$0x1F2F0] =	vst v6;
	v42 =	vld [tilespmem:$0x1FE90];
	p0 =	por p0, !p1  }
0x507: {  	v32 =	vmov v20;
	v20 =	vld [tilespmem:$0x1FE70];
	_ =	swait.ge @p0 [sflag:s19], $0x2000  }
0x508: {  	v3 =	vld [tilespmem:$0x1FA30];
	_ =	sdelay $0x1  }
0x509: {  	s23 =	simm.s32 $0x0  }
0x50a: {  	v2 =	vmov s23;
	[sflag:s19] =	ssyncset.done @p0 $0x0  }
0x50b: {  	v2 =	vshll.u32 v2, $0x6;
	[sflag:s19] =	ssyncadd.s32 @p0 $0xFFFFE000  }
0x50c: {  	v41 =	vmov v1;
	v1 =	vlaneseq.u32;
	_ =	swait.ge [sflag:s16], $0x2000;
	v2 =	vor.u32 v3, v2  }
0x50d: {  	v8 =	vld [tilespmem:$0x1FDB0];
	v0 =	vmov v3;
	v3 =	vor.u32 v1, v2;
	_ =	sdelay $0x2  }
0x50e: {  	[sflag:s16] =	ssyncset.done $0x0  }
0x50f: {  	[sflag:s16] =	ssyncadd.s32 $0xFFFFE000  }
0x510: {  	v1 =	vmov v8;
	v8 =	vor.u32 s23, v8;
	v3 =	vld.idx.msk [tilespmem:v3+s11+$0x0], $0xffff;
	_ =	sdelay $0x4  }
0x511: {  	v13 =	vor.u32 v58, v2;
	[tilespmem:v8+s17+$0x0] =	vst.idx.msk $0xffff, v3;
	v8 =	vld [tilespmem:$0x1FDE0]  }
0x512: {  	v5 =	vld [tilespmem:$0x1FA50];
	_ =	sdelay $0x3  }
0x513: {  	v3 =	vld.idx.msk [tilespmem:v13+s11+$0x0], $0xffff;
	v55 =	vmov v8;
	v8 =	vor.u32 s23, v8  }
0x514: {  	v13 =	vor.u32 v5, v2;
	_ =	sdelay $0x3  }
0x515: {  	[tilespmem:v8+s17+$0x0] =	vst.idx.msk $0xffff, v3  }
0x516: {  	v8 =	vor.u32 s23, v4;
	v3 =	vld.idx.msk [tilespmem:v13+s11+$0x0], $0xffff;
	_ =	sdelay $0x3  }
0x517: {  	v13 =	vor.u32 v14, v2  }
0x518: {  	[tilespmem:v8+s17+$0x0] =	vst.idx.msk $0xffff, v3;
	v8 =	vld [tilespmem:$0x1FDD0];
	_ =	sdelay $0x3  }
0x519: {  	v3 =	vld.idx.msk [tilespmem:v13+s11+$0x0], $0xffff  }
0x51a: {  	v13 =	vld [tilespmem:$0x1F840];
	v8 =	vor.u32 s23, v8;
	_ =	sdelay $0x4  }
0x51b: {  	v13 =	vor.u32 v13, v2;
	[tilespmem:v8+s17+$0x0] =	vst.idx.msk $0xffff, v3;
	v8 =	vld [tilespmem:$0x1F820];
	_ =	sdelay $0x4  }
0x51c: {  	v3 =	vld.idx.msk [tilespmem:v13+s11+$0x0], $0xffff;
	v8 =	vor.u32 s23, v8;
	_ =	sdelay $0x4  }
0x51d: {  	v13 =	vor.u32 v40, v2;
	[tilespmem:v8+s17+$0x0] =	vst.idx.msk $0xffff, v3;
	v8 =	vld [tilespmem:$0x1F810];
	_ =	sdelay $0x3  }
0x51e: {  	v17 =	vmov v7;
	v7 =	vld [tilespmem:$0x1F6B0]  }
0x51f: {  	v3 =	vld.idx.msk [tilespmem:v13+s11+$0x0], $0xffff;
	v8 =	vor.u32 s23, v8  }
0x520: {  	v13 =	vor.u32 v43, v2;
	_ =	sdelay $0x3  }
0x521: {  	[tilespmem:v8+s17+$0x0] =	vst.idx.msk $0xffff, v3;
	v8 =	vor.u32 s23, v7;
	v7 =	vld [tilespmem:$0x1FDC0]  }
0x522: {  	v3 =	vld.idx.msk [tilespmem:v13+s11+$0x0], $0xffff;
	_ =	sdelay $0x3  }
0x523: {  	v13 =	vor.u32 v7, v2  }
0x524: {  	[tilespmem:v8+s17+$0x0] =	vst.idx.msk $0xffff, v3;
	v8 =	vld [tilespmem:$0x1F6E0];
	_ =	sdelay $0x3  }
0x525: {  	v3 =	vld.idx.msk [tilespmem:v13+s11+$0x0], $0xffff  }
0x526: {  	v13 =	vld [tilespmem:$0x1F6F0];
	v8 =	vor.u32 s23, v8;
	_ =	sdelay $0x4  }
0x527: {  	v13 =	vor.u32 v13, v2;
	[tilespmem:v8+s17+$0x0] =	vst.idx.msk $0xffff, v3;
	v8 =	vld [tilespmem:$0x1F700];
	_ =	sdelay $0x4  }
0x528: {  	v3 =	vld.idx.msk [tilespmem:v13+s11+$0x0], $0xffff;
	v8 =	vor.u32 s23, v8;
	_ =	sdelay $0x4  }
0x529: {  	v13 =	vor.u32 v20, v2;
	[tilespmem:v8+s17+$0x0] =	vst.idx.msk $0xffff, v3;
	v8 =	vld [tilespmem:$0x1F710];
	_ =	sdelay $0x4  }
0x52a: {  	v3 =	vld.idx.msk [tilespmem:v13+s11+$0x0], $0xffff;
	v8 =	vor.u32 s23, v8;
	_ =	sdelay $0x4  }
0x52b: {  	v13 =	vor.u32 v46, v2;
	[tilespmem:v8+s17+$0x0] =	vst.idx.msk $0xffff, v3;
	v8 =	vld [tilespmem:$0x1F720];
	_ =	sdelay $0x3  }
0x52c: {  	v7 =	vld [tilespmem:$0x1FDF0]  }
0x52d: {  	v3 =	vld.idx.msk [tilespmem:v13+s11+$0x0], $0xffff;
	v8 =	vor.u32 s23, v8;
	_ =	sdelay $0x4  }
0x52e: {  	v13 =	vor.u32 v7, v2;
	[tilespmem:v8+s17+$0x0] =	vst.idx.msk $0xffff, v3;
	v8 =	vld [tilespmem:$0x1F730];
	_ =	sdelay $0x4  }
0x52f: {  	v3 =	vld.idx.msk [tilespmem:v13+s11+$0x0], $0xffff;
	v8 =	vor.u32 s23, v8  }
0x530: {  	v7 =	vld [tilespmem:$0x1FE50];
	v13 =	vor.u32 v23, v2;
	_ =	sdelay $0x3  }
0x531: {  	[tilespmem:v8+s17+$0x0] =	vst.idx.msk $0xffff, v3  }
0x532: {  	v8 =	vor.u32 s23, v7;
	v3 =	vld.idx.msk [tilespmem:v13+s11+$0x0], $0xffff  }
0x533: {  	v13 =	vor.u32 v10, v2;
	_ =	sdelay $0x3  }
0x534: {  	[tilespmem:v8+s17+$0x0] =	vst.idx.msk $0xffff, v3  }
0x535: {  	v8 =	vor.u32 s23, v18;
	v3 =	vld.idx.msk [tilespmem:v13+s11+$0x0], $0xffff  }
0x536: {  	v7 =	vld [tilespmem:$0x1FE80];
	v13 =	vor.u32 v12, v2;
	_ =	sdelay $0x3  }
0x537: {  	[tilespmem:v8+s17+$0x0] =	vst.idx.msk $0xffff, v3  }
0x538: {  	v8 =	vor.u32 s23, v7;
	v3 =	vld.idx.msk [tilespmem:v13+s11+$0x0], $0xffff  }
0x539: {  	v13 =	vor.u32 v11, v2;
	_ =	sdelay $0x3  }
0x53a: {  	[tilespmem:v8+s17+$0x0] =	vst.idx.msk $0xffff, v3  }
0x53b: {  	v8 =	vor.u32 s23, v42;
	v3 =	vld.idx.msk [tilespmem:v13+s11+$0x0], $0xffff  }
0x53c: {  	v7 =	vld [tilespmem:$0x1FE20];
	v13 =	vor.u32 v15, v2;
	_ =	sdelay $0x3  }
0x53d: {  	[tilespmem:v8+s17+$0x0] =	vst.idx.msk $0xffff, v3  }
0x53e: {  	v8 =	vor.u32 s23, v7;
	v3 =	vld.idx.msk [tilespmem:v13+s11+$0x0], $0xffff  }
0x53f: {  	v13 =	vor.u32 v22, v2;
	_ =	sdelay $0x3  }
0x540: {  	[tilespmem:v8+s17+$0x0] =	vst.idx.msk $0xffff, v3  }
0x541: {  	v8 =	vor.u32 s23, v34;
	v3 =	vld.idx.msk [tilespmem:v13+s11+$0x0], $0xffff  }
0x542: {  	v7 =	vld [tilespmem:$0x1FE30];
	v13 =	vor.u32 v52, v2;
	_ =	sdelay $0x3  }
0x543: {  	[tilespmem:v8+s17+$0x0] =	vst.idx.msk $0xffff, v3  }
0x544: {  	v8 =	vor.u32 s23, v7;
	v3 =	vld.idx.msk [tilespmem:v13+s11+$0x0], $0xffff  }
0x545: {  	v13 =	vor.u32 v47, v2  }
0x546: {  	v61 =	vmov v5;
	v5 =	vld [tilespmem:$0x1F380];
	_ =	sdelay $0x2  }
0x547: {  	[tilespmem:v8+s17+$0x0] =	vst.idx.msk $0xffff, v3  }
0x548: {  	v8 =	vor.u32 s23, v19;
	v3 =	vld.idx.msk [tilespmem:v13+s11+$0x0], $0xffff  }
0x549: {  	v7 =	vld [tilespmem:$0x1FE10];
	v13 =	vor.u32 v5, v2  }
0x54a: {  	v5 =	vld [tilespmem:$0x1F390];
	_ =	sdelay $0x2  }
0x54b: {  	[tilespmem:v8+s17+$0x0] =	vst.idx.msk $0xffff, v3  }
0x54c: {  	v8 =	vor.u32 s23, v7;
	v3 =	vld.idx.msk [tilespmem:v13+s11+$0x0], $0xffff  }
0x54d: {  	v13 =	vor.u32 v5, v2  }
0x54e: {  	v5 =	vld [tilespmem:$0x1F3A0];
	_ =	sdelay $0x2  }
0x54f: {  	[tilespmem:v8+s17+$0x0] =	vst.idx.msk $0xffff, v3  }
0x550: {  	v8 =	vor.u32 s23, v17;
	v3 =	vld.idx.msk [tilespmem:v13+s11+$0x0], $0xffff  }
0x551: {  	v7 =	vld [tilespmem:$0x1F780];
	v13 =	vor.u32 v5, v2  }
0x552: {  	v5 =	vld [tilespmem:$0x1F3B0];
	_ =	sdelay $0x2  }
0x553: {  	[tilespmem:v8+s17+$0x0] =	vst.idx.msk $0xffff, v3  }
0x554: {  	v8 =	vor.u32 s23, v7;
	v3 =	vld.idx.msk [tilespmem:v13+s11+$0x0], $0xffff  }
0x555: {  	v13 =	vor.u32 v5, v2  }
0x556: {  	v5 =	vld [tilespmem:$0x1F3C0];
	_ =	sdelay $0x2  }
0x557: {  	[tilespmem:v8+s17+$0x0] =	vst.idx.msk $0xffff, v3  }
0x558: {  	v8 =	vor.u32 s23, v51;
	v3 =	vld.idx.msk [tilespmem:v13+s11+$0x0], $0xffff  }
0x559: {  	v13 =	vor.u32 v5, v2  }
0x55a: {  	v56 =	vld [tilespmem:$0x1F3D0];
	_ =	sdelay $0x2  }
0x55b: {  	v44 =	vmovc v59;
	v59 =	vmov v60;
	v60 =	vmov v30;
	v30 =	vmov v21;
	[tilespmem:v8+s17+$0x0] =	vst.idx.msk $0xffff, v3  }
0x55c: {  	v8 =	vor.u32 s23, v30;
	v3 =	vld.idx.msk [tilespmem:v13+s11+$0x0], $0xffff  }
0x55d: {  	v13 =	vor.u32 v56, v2  }
0x55e: {  	v31 =	vld [tilespmem:$0x1F3E0];
	_ =	sdelay $0x2  }
0x55f: {  	[tilespmem:v8+s17+$0x0] =	vst.idx.msk $0xffff, v3  }
0x560: {  	v8 =	vor.u32 s23, v53;
	v3 =	vld.idx.msk [tilespmem:v13+s11+$0x0], $0xffff  }
0x561: {  	v13 =	vor.u32 v31, v2  }
0x562: {  	v45 =	vmov v63;
	v63 =	vld [tilespmem:$0x1F3F0];
	_ =	sdelay $0x2  }
0x563: {  	[tilespmem:v8+s17+$0x0] =	vst.idx.msk $0xffff, v3  }
0x564: {  	v8 =	vor.u32 s23, v32;
	v3 =	vld.idx.msk [tilespmem:v13+s11+$0x0], $0xffff  }
0x565: {  	v13 =	vor.u32 v63, v2  }
0x566: {  	v5 =	vld [tilespmem:$0x1F400];
	_ =	sdelay $0x2  }
0x567: {  	[tilespmem:v8+s17+$0x0] =	vst.idx.msk $0xffff, v3  }
0x568: {  	v8 =	vor.u32 s23, v54;
	v3 =	vld.idx.msk [tilespmem:v13+s11+$0x0], $0xffff  }
0x569: {  	v13 =	vor.u32 v5, v2  }
0x56a: {  	v35 =	vld [tilespmem:$0x1F410];
	_ =	sdelay $0x2  }
0x56b: {  	v28 =	vmov v5;
	v5 =	vld [tilespmem:$0x1FCF0];
	[tilespmem:v8+s17+$0x0] =	vst.idx.msk $0xffff, v3  }
0x56c: {  	v8 =	vor.u32 s23, v9;
	v3 =	vld.idx.msk [tilespmem:v13+s11+$0x0], $0xffff  }
0x56d: {  	v13 =	vor.u32 v35, v2  }
0x56e: {  	v36 =	vld [tilespmem:$0x1F420];
	_ =	sdelay $0x2  }
0x56f: {  	[tilespmem:v8+s17+$0x0] =	vst.idx.msk $0xffff, v3;
	v8 =	vor.u32 s23, v5;
	v5 =	vld [tilespmem:$0x1FD00]  }
0x570: {  	v3 =	vld.idx.msk [tilespmem:v13+s11+$0x0], $0xffff  }
0x571: {  	v13 =	vor.u32 v36, v2;
	_ =	sdelay $0x2  }
0x572: {  	v37 =	vld [tilespmem:$0x1F430]  }
0x573: {  	[tilespmem:v8+s17+$0x0] =	vst.idx.msk $0xffff, v3;
	v8 =	vor.u32 s23, v5;
	v5 =	vld [tilespmem:$0x1FD10]  }
0x574: {  	v3 =	vld.idx.msk [tilespmem:v13+s11+$0x0], $0xffff;
	_ =	sdelay $0x3  }
0x575: {  	v13 =	vor.u32 v37, v2  }
0x576: {  	[tilespmem:v8+s17+$0x0] =	vst.idx.msk $0xffff, v3;
	v8 =	vor.u32 s23, v5;
	v5 =	vld [tilespmem:$0x1F7A0];
	_ =	sdelay $0x3  }
0x577: {  	v3 =	vld.idx.msk [tilespmem:v13+s11+$0x0], $0xffff  }
0x578: {  	v13 =	vor.u32 v5, v2  }
0x579: {  	v5 =	vld [tilespmem:$0x1FD20]  }
0x57a: {  	v39 =	vld [tilespmem:$0x1F440];
	_ =	sdelay $0x1  }
0x57b: {  	[tilespmem:v8+s17+$0x0] =	vst.idx.msk $0xffff, v3  }
0x57c: {  	v3 =	vld.idx.msk [tilespmem:v13+s11+$0x0], $0xffff  }
0x57d: {  	v8 =	vor.u32 s23, v5;
	v5 =	vld [tilespmem:$0x1FD30]  }
0x57e: {  	v13 =	vor.u32 v39, v2;
	_ =	sdelay $0x2  }
0x57f: {  	v40 =	vld [tilespmem:$0x1F450]  }
0x580: {  	[tilespmem:v8+s17+$0x0] =	vst.idx.msk $0xffff, v3;
	v8 =	vor.u32 s23, v5;
	v5 =	vld [tilespmem:$0x1FD40]  }
0x581: {  	v3 =	vld.idx.msk [tilespmem:v13+s11+$0x0], $0xffff;
	_ =	sdelay $0x3  }
0x582: {  	v13 =	vor.u32 v40, v2  }
0x583: {  	[tilespmem:v8+s17+$0x0] =	vst.idx.msk $0xffff, v3;
	v8 =	vor.u32 s23, v5;
	v5 =	vld [tilespmem:$0x1F460];
	_ =	sdelay $0x3  }
0x584: {  	v3 =	vld.idx.msk [tilespmem:v13+s11+$0x0], $0xffff  }
0x585: {  	v13 =	vor.u32 v5, v2;
	v5 =	vld [tilespmem:$0x1FD50];
	_ =	sdelay $0x4  }
0x586: {  	[tilespmem:v8+s17+$0x0] =	vst.idx.msk $0xffff, v3;
	v8 =	vor.u32 s23, v5;
	v5 =	vld [tilespmem:$0x1F470];
	_ =	sdelay $0x3  }
0x587: {  	v3 =	vld.idx.msk [tilespmem:v13+s11+$0x0], $0xffff  }
0x588: {  	v7 =	vld [tilespmem:$0x1FD60];
	v13 =	vor.u32 v5, v2  }
0x589: {  	v43 =	vld [tilespmem:$0x1F480];
	_ =	sdelay $0x2  }
0x58a: {  	v4 =	vld [tilespmem:$0x1F7C0];
	[tilespmem:v8+s17+$0x0] =	vst.idx.msk $0xffff, v3  }
0x58b: {  	v8 =	vor.u32 s23, v7;
	v3 =	vld.idx.msk [tilespmem:v13+s11+$0x0], $0xffff  }
0x58c: {  	v13 =	vor.u32 v43, v2  }
0x58d: {  	v9 =	vld [tilespmem:$0x1F490];
	_ =	sdelay $0x2  }
0x58e: {  	v21 =	vmov v4;
	[tilespmem:v8+s17+$0x0] =	vst.idx.msk $0xffff, v3;
	v8 =	vor.u32 s23, v4;
	v4 =	vld [tilespmem:$0x1FE00]  }
0x58f: {  	v3 =	vld.idx.msk [tilespmem:v13+s11+$0x0], $0xffff  }
0x590: {  	v13 =	vor.u32 v9, v2  }
0x591: {  	v5 =	vld [tilespmem:$0x1F4A0];
	_ =	sdelay $0x2  }
0x592: {  	v6 =	vmov v4;
	[tilespmem:v8+s17+$0x0] =	vst.idx.msk $0xffff, v3;
	v8 =	vor.u32 s23, v4;
	v4 =	vld [tilespmem:$0x1FF90]  }
0x593: {  	v3 =	vld.idx.msk [tilespmem:v13+s11+$0x0], $0xffff  }
0x594: {  	v13 =	vor.u32 v5, v2;
	_ =	sdelay $0x2  }
0x595: {  	v14 =	vmov v47;
	v47 =	vld [tilespmem:$0x1F4B0]  }
0x596: {  	v16 =	vmov v4;
	[tilespmem:v8+s17+$0x0] =	vst.idx.msk $0xffff, v3;
	v8 =	vor.u32 s23, v4;
	v4 =	vld [tilespmem:$0x1FFA0]  }
0x597: {  	v3 =	vld.idx.msk [tilespmem:v13+s11+$0x0], $0xffff;
	_ =	sdelay $0x3  }
0x598: {  	v13 =	vor.u32 v47, v2  }
0x599: {  	v17 =	vmov v4;
	[tilespmem:v8+s17+$0x0] =	vst.idx.msk $0xffff, v3;
	v8 =	vor.u32 s23, v4;
	v4 =	vld [tilespmem:$0x1F4C0];
	_ =	sdelay $0x3  }
0x59a: {  	v3 =	vld.idx.msk [tilespmem:v13+s11+$0x0], $0xffff  }
0x59b: {  	v13 =	vor.u32 v4, v2  }
0x59c: {  	v29 =	vmov v4;
	v4 =	vld [tilespmem:$0x1F1C0];
	_ =	sdelay $0x2  }
0x59d: {  	[tilespmem:v8+s17+$0x0] =	vst.idx.msk $0xffff, v3  }
0x59e: {  	v3 =	vld.idx.msk [tilespmem:v13+s11+$0x0], $0xffff  }
0x59f: {  	v8 =	vor.u32 s23, v48;
	v26 =	vmov v4;
	v13 =	vor.u32 v4, v2;
	v4 =	vld [tilespmem:$0x1FF80];
	_ =	sdelay $0x4  }
0x5a0: {  	[tilespmem:v8+s17+$0x0] =	vst.idx.msk $0xffff, v3;
	v8 =	vor.u32 s23, v4;
	v4 =	vld [tilespmem:$0x1F1D0];
	_ =	sdelay $0x3  }
0x5a1: {  	v3 =	vld.idx.msk [tilespmem:v13+s11+$0x0], $0xffff  }
0x5a2: {  	v13 =	vor.u32 v4, v2;
	_ =	sdelay $0x3  }
0x5a3: {  	v49 =	vld [tilespmem:$0x1F1E0];
	[tilespmem:v8+s17+$0x0] =	vst.idx.msk $0xffff, v3  }
0x5a4: {  	v8 =	vor.u32 s23, v44;
	v3 =	vld.idx.msk [tilespmem:v13+s11+$0x0], $0xffff;
	_ =	sdelay $0x3  }
0x5a5: {  	v13 =	vor.u32 v49, v2  }
0x5a6: {  	[tilespmem:v8+s17+$0x0] =	vst.idx.msk $0xffff, v3;
	v8 =	vor.u32 s23, v50;
	v50 =	vld [tilespmem:$0x1F1F0];
	_ =	sdelay $0x3  }
0x5a7: {  	v3 =	vld.idx.msk [tilespmem:v13+s11+$0x0], $0xffff  }
0x5a8: {  	v13 =	vor.u32 v50, v2  }
0x5a9: {  	v27 =	vmov v4;
	v4 =	vld [tilespmem:$0x1F200];
	_ =	sdelay $0x2  }
0x5aa: {  	[tilespmem:v8+s17+$0x0] =	vst.idx.msk $0xffff, v3  }
0x5ab: {  	v8 =	vor.u32 s23, v59;
	v3 =	vld.idx.msk [tilespmem:v13+s11+$0x0], $0xffff  }
0x5ac: {  	v13 =	vor.u32 v4, v2  }
0x5ad: {  	v51 =	vld [tilespmem:$0x1F210];
	_ =	sdelay $0x2  }
0x5ae: {  	[tilespmem:v8+s17+$0x0] =	vst.idx.msk $0xffff, v3  }
0x5af: {  	v8 =	vor.u32 s23, v33;
	v3 =	vld.idx.msk [tilespmem:v13+s11+$0x0], $0xffff  }
0x5b0: {  	v4 =	vld [tilespmem:$0x1FD70];
	v13 =	vor.u32 v51, v2  }
0x5b1: {  	v54 =	vld [tilespmem:$0x1F220];
	_ =	sdelay $0x2  }
0x5b2: {  	[tilespmem:v8+s17+$0x0] =	vst.idx.msk $0xffff, v3  }
0x5b3: {  	v8 =	vor.u32 s23, v4;
	v3 =	vld.idx.msk [tilespmem:v13+s11+$0x0], $0xffff  }
0x5b4: {  	v4 =	vld [tilespmem:$0x1F7E0];
	v13 =	vor.u32 v54, v2  }
0x5b5: {  	v53 =	vld [tilespmem:$0x1F230];
	_ =	sdelay $0x2  }
0x5b6: {  	[tilespmem:v8+s17+$0x0] =	vst.idx.msk $0xffff, v3  }
0x5b7: {  	v8 =	vor.u32 s23, v4;
	v3 =	vld.idx.msk [tilespmem:v13+s11+$0x0], $0xffff  }
0x5b8: {  	v4 =	vld [tilespmem:$0x1FE40];
	v13 =	vor.u32 v53, v2;
	_ =	sdelay $0x3  }
0x5b9: {  	[tilespmem:v8+s17+$0x0] =	vst.idx.msk $0xffff, v3  }
0x5ba: {  	v8 =	vor.u32 s23, v4;
	v3 =	vld.idx.msk [tilespmem:v13+s11+$0x0], $0xffff  }
0x5bb: {  	v13 =	vor.u32 v41, v2  }
0x5bc: {  	v57 =	vld [tilespmem:$0x1F240];
	_ =	sdelay $0x2  }
0x5bd: {  	[tilespmem:v8+s17+$0x0] =	vst.idx.msk $0xffff, v3  }
0x5be: {  	v8 =	vor.u32 s23, v45;
	v3 =	vld.idx.msk [tilespmem:v13+s11+$0x0], $0xffff  }
0x5bf: {  	v13 =	vor.u32 v57, v2;
	_ =	sdelay $0x2  }
0x5c0: {  	v62 =	vld [tilespmem:$0x1F250]  }
0x5c1: {  	v4 =	vld [tilespmem:$0x1FF00];
	[tilespmem:v8+s17+$0x0] =	vst.idx.msk $0xffff, v3  }
0x5c2: {  	v8 =	vor.u32 s23, v25;
	v3 =	vld.idx.msk [tilespmem:v13+s11+$0x0], $0xffff;
	_ =	sdelay $0x3  }
0x5c3: {  	v13 =	vor.u32 v62, v2  }
0x5c4: {  	[tilespmem:v8+s17+$0x0] =	vst.idx.msk $0xffff, v3;
	v8 =	vor.u32 s23, v4;
	v4 =	vld [tilespmem:$0x1F260];
	_ =	sdelay $0x3  }
0x5c5: {  	v3 =	vld.idx.msk [tilespmem:v13+s11+$0x0], $0xffff  }
0x5c6: {  	v13 =	vor.u32 v4, v2  }
0x5c7: {  	v4 =	vld [tilespmem:$0x1F270];
	_ =	sdelay $0x2  }
0x5c8: {  	[tilespmem:v8+s17+$0x0] =	vst.idx.msk $0xffff, v3  }
0x5c9: {  	v8 =	vor.u32 s23, v24;
	v3 =	vld.idx.msk [tilespmem:v13+s11+$0x0], $0xffff  }
0x5ca: {  	v13 =	vor.u32 v4, v2;
	v4 =	vld [tilespmem:$0x1FED0]  }
0x5cb: {  	v33 =	vld [tilespmem:$0x1F280];
	_ =	sdelay $0x2  }
0x5cc: {  	[tilespmem:v8+s17+$0x0] =	vst.idx.msk $0xffff, v3  }
0x5cd: {  	v8 =	vor.u32 s23, v4;
	v3 =	vld.idx.msk [tilespmem:v13+s11+$0x0], $0xffff  }
0x5ce: {  	v13 =	vor.u32 v33, v2;
	_ =	sdelay $0x3  }
0x5cf: {  	v44 =	vld [tilespmem:$0x1F290];
	[tilespmem:v8+s17+$0x0] =	vst.idx.msk $0xffff, v3  }
0x5d0: {  	v8 =	vor.u32 s23, v38;
	v3 =	vld.idx.msk [tilespmem:v13+s11+$0x0], $0xffff;
	_ =	sdelay $0x4  }
0x5d1: {  	v13 =	vor.u32 v44, v2;
	[tilespmem:v8+s17+$0x0] =	vst.idx.msk $0xffff, v3;
	v8 =	vld [tilespmem:$0x1FEA0];
	_ =	sdelay $0x3  }
0x5d2: {  	v4 =	vmov v38;
	v38 =	vld [tilespmem:$0x1F2A0]  }
0x5d3: {  	v3 =	vld.idx.msk [tilespmem:v13+s11+$0x0], $0xffff;
	v8 =	vor.u32 s23, v8;
	_ =	sdelay $0x4  }
0x5d4: {  	v13 =	vor.u32 v38, v2;
	[tilespmem:v8+s17+$0x0] =	vst.idx.msk $0xffff, v3;
	v8 =	vld [tilespmem:$0x1FD80];
	_ =	sdelay $0x3  }
0x5d5: {  	v59 =	vld [tilespmem:$0x1F2B0]  }
0x5d6: {  	v3 =	vld.idx.msk [tilespmem:v13+s11+$0x0], $0xffff;
	v8 =	vor.u32 s23, v8;
	_ =	sdelay $0x4  }
0x5d7: {  	v13 =	vor.u32 v59, v2;
	[tilespmem:v8+s17+$0x0] =	vst.idx.msk $0xffff, v3;
	v8 =	vld [tilespmem:$0x1FD90];
	_ =	sdelay $0x4  }
0x5d8: {  	v3 =	vld.idx.msk [tilespmem:v13+s11+$0x0], $0xffff;
	v8 =	vor.u32 s23, v8;
	_ =	sdelay $0x2  }
0x5d9: {  	v13 =	vor.u32 v60, v2;
	_ =	sdelay $0x1  }
0x5da: {  	[tilespmem:v8+s17+$0x0] =	vst.idx.msk $0xffff, v3;
	v8 =	vld [tilespmem:$0x1FEE0];
	_ =	sdelay $0x2  }
0x5db: {  	v3 =	vld.idx.msk [tilespmem:v13+s11+$0x0], $0xffff  }
0x5dc: {  	v13 =	vld [tilespmem:$0x1F2C0]  }
0x5dd: {  	v8 =	vor.u32 s23, v8;
	_ =	sdelay $0x3  }
0x5de: {  	v13 =	vor.u32 v13, v2  }
0x5df: {  	[tilespmem:v8+s17+$0x0] =	vst.idx.msk $0xffff, v3;
	v8 =	vld [tilespmem:$0x1FEF0];
	_ =	sdelay $0x3  }
0x5e0: {  	v3 =	vld.idx.msk [tilespmem:v13+s11+$0x0], $0xffff  }
0x5e1: {  	v13 =	vld [tilespmem:$0x1F2D0];
	v8 =	vor.u32 s23, v8;
	_ =	sdelay $0x4  }
0x5e2: {  	v13 =	vor.u32 v13, v2;
	[tilespmem:v8+s17+$0x0] =	vst.idx.msk $0xffff, v3;
	v8 =	vld [tilespmem:$0x1FF10];
	_ =	sdelay $0x3  }
0x5e3: {  	v45 =	vld [tilespmem:$0x1F2E0]  }
0x5e4: {  	v3 =	vld.idx.msk [tilespmem:v13+s11+$0x0], $0xffff;
	v8 =	vor.u32 s23, v8;
	_ =	sdelay $0x4  }
0x5e5: {  	v13 =	vor.u32 v45, v2;
	[tilespmem:v8+s17+$0x0] =	vst.idx.msk $0xffff, v3;
	v8 =	vld [tilespmem:$0x1FE60];
	_ =	sdelay $0x3  }
0x5e6: {  	v7 =	vmov v24;
	v24 =	vld [tilespmem:$0x1F2F0]  }
0x5e7: {  	v3 =	vld.idx.msk [tilespmem:v13+s11+$0x0], $0xffff;
	v8 =	vor.u32 s23, v8;
	_ =	sdelay $0x3  }
0x5e8: {  	s24 =	simm.s32 $0x10  }
0x5e9: {  	s25 =	simm.s32 $0x20;
	v25 =	vld [tilespmem:$0x1FDA0];
	v2 =	vor.u32 v24, v2;
	[tilespmem:v8+s17+$0x0] =	vst.idx.msk $0xffff, v3;
	v3 =	vmov s24  }
.LBB2_5:
0x5ea: {  	_ =	sdelay $0x2  }
0x5eb: {  	v3 =	vshll.u32 v3, $0x6  }
0x5ec: {  	v8 =	vld.idx.msk [tilespmem:v2+s11+$0x0], $0xffff;
	v13 =	vlaneseq.u32;
	v2 =	vor.u32 v0, v3;
	v3 =	vor.u32 s23, v25  }
0x5ed: {  	v13 =	vor.u32 v13, v2;
	_ =	sdelay $0x3  }
0x5ee: {  	s23 =	smov.u32 s24;
	[tilespmem:v3+s17+$0x0] =	vst.idx.msk $0xffff, v8  }
0x5ef: {  	v8 =	vor.u32 s23, v1;
	v3 =	vld.idx.msk [tilespmem:v13+s11+$0x0], $0xffff  }
0x5f0: {  	v13 =	vor.u32 v58, v2;
	_ =	sdelay $0x3  }
0x5f1: {  	[tilespmem:v8+s17+$0x0] =	vst.idx.msk $0xffff, v3  }
0x5f2: {  	v8 =	vor.u32 s23, v55;
	v3 =	vld.idx.msk [tilespmem:v13+s11+$0x0], $0xffff  }
0x5f3: {  	v13 =	vor.u32 v61, v2;
	_ =	sdelay $0x3  }
0x5f4: {  	[tilespmem:v8+s17+$0x0] =	vst.idx.msk $0xffff, v3;
	v8 =	vld [tilespmem:$0x1FA60]  }
0x5f5: {  	v3 =	vld.idx.msk [tilespmem:v13+s11+$0x0], $0xffff  }
0x5f6: {  	v13 =	vld [tilespmem:$0x1FA70];
	_ =	sdelay $0x3  }
0x5f7: {  	v8 =	vor.u32 s23, v8  }
0x5f8: {  	v13 =	vor.u32 v13, v2;
	_ =	sdelay $0x3  }
0x5f9: {  	[tilespmem:v8+s17+$0x0] =	vst.idx.msk $0xffff, v3;
	v8 =	vld [tilespmem:$0x1FDD0]  }
0x5fa: {  	v3 =	vld.idx.msk [tilespmem:v13+s11+$0x0], $0xffff  }
0x5fb: {  	v13 =	vld [tilespmem:$0x1F840];
	_ =	sdelay $0x3  }
0x5fc: {  	v8 =	vor.u32 s23, v8  }
0x5fd: {  	v13 =	vor.u32 v13, v2;
	_ =	sdelay $0x3  }
0x5fe: {  	[tilespmem:v8+s17+$0x0] =	vst.idx.msk $0xffff, v3;
	v8 =	vld [tilespmem:$0x1F820]  }
0x5ff: {  	v3 =	vld.idx.msk [tilespmem:v13+s11+$0x0], $0xffff  }
0x600: {  	v13 =	vld [tilespmem:$0x1FB20];
	_ =	sdelay $0x2  }
0x601: {  	v8 =	vor.u32 s23, v8;
	_ =	sdelay $0x1  }
0x602: {  	v13 =	vor.u32 v13, v2;
	_ =	sdelay $0x2  }
0x603: {  	[tilespmem:v8+s17+$0x0] =	vst.idx.msk $0xffff, v3;
	v8 =	vld [tilespmem:$0x1F810];
	_ =	sdelay $0x1  }
0x604: {  	v3 =	vld.idx.msk [tilespmem:v13+s11+$0x0], $0xffff  }
0x605: {  	v13 =	vld [tilespmem:$0x1FB50];
	_ =	sdelay $0x1  }
0x606: {  	v8 =	vor.u32 s23, v8;
	_ =	sdelay $0x2  }
0x607: {  	v13 =	vor.u32 v13, v2;
	_ =	sdelay $0x1  }
0x608: {  	[tilespmem:v8+s17+$0x0] =	vst.idx.msk $0xffff, v3;
	v8 =	vld [tilespmem:$0x1F6B0];
	_ =	sdelay $0x2  }
0x609: {  	v3 =	vld.idx.msk [tilespmem:v13+s11+$0x0], $0xffff  }
0x60a: {  	v13 =	vld [tilespmem:$0x1FDC0]  }
0x60b: {  	v8 =	vor.u32 s23, v8;
	_ =	sdelay $0x3  }
0x60c: {  	v13 =	vor.u32 v13, v2  }
0x60d: {  	[tilespmem:v8+s17+$0x0] =	vst.idx.msk $0xffff, v3;
	v8 =	vld [tilespmem:$0x1F6E0];
	_ =	sdelay $0x3  }
0x60e: {  	v3 =	vld.idx.msk [tilespmem:v13+s11+$0x0], $0xffff  }
0x60f: {  	v13 =	vld [tilespmem:$0x1F6F0];
	v8 =	vor.u32 s23, v8;
	_ =	sdelay $0x4  }
0x610: {  	v13 =	vor.u32 v13, v2;
	[tilespmem:v8+s17+$0x0] =	vst.idx.msk $0xffff, v3;
	v8 =	vld [tilespmem:$0x1F700];
	_ =	sdelay $0x4  }
0x611: {  	v3 =	vld.idx.msk [tilespmem:v13+s11+$0x0], $0xffff;
	v8 =	vor.u32 s23, v8;
	_ =	sdelay $0x4  }
0x612: {  	v13 =	vor.u32 v20, v2;
	[tilespmem:v8+s17+$0x0] =	vst.idx.msk $0xffff, v3;
	v8 =	vld [tilespmem:$0x1F710];
	_ =	sdelay $0x4  }
0x613: {  	v3 =	vld.idx.msk [tilespmem:v13+s11+$0x0], $0xffff;
	v8 =	vor.u32 s23, v8;
	_ =	sdelay $0x3  }
0x614: {  	v13 =	vor.u32 v46, v2  }
0x615: {  	[tilespmem:v8+s17+$0x0] =	vst.idx.msk $0xffff, v3;
	v8 =	vld [tilespmem:$0x1F720];
	_ =	sdelay $0x3  }
0x616: {  	v3 =	vld.idx.msk [tilespmem:v13+s11+$0x0], $0xffff  }
0x617: {  	v13 =	vld [tilespmem:$0x1FDF0];
	v8 =	vor.u32 s23, v8;
	_ =	sdelay $0x4  }
0x618: {  	v13 =	vor.u32 v13, v2;
	[tilespmem:v8+s17+$0x0] =	vst.idx.msk $0xffff, v3;
	v8 =	vld [tilespmem:$0x1F730];
	_ =	sdelay $0x4  }
0x619: {  	v3 =	vld.idx.msk [tilespmem:v13+s11+$0x0], $0xffff;
	v8 =	vor.u32 s23, v8;
	_ =	sdelay $0x4  }
0x61a: {  	v13 =	vor.u32 v23, v2;
	[tilespmem:v8+s17+$0x0] =	vst.idx.msk $0xffff, v3;
	v8 =	vld [tilespmem:$0x1FE50];
	_ =	sdelay $0x4  }
0x61b: {  	v3 =	vld.idx.msk [tilespmem:v13+s11+$0x0], $0xffff;
	v8 =	vor.u32 s23, v8  }
0x61c: {  	v13 =	vor.u32 v10, v2;
	_ =	sdelay $0x3  }
0x61d: {  	[tilespmem:v8+s17+$0x0] =	vst.idx.msk $0xffff, v3  }
0x61e: {  	v8 =	vor.u32 s23, v18;
	v3 =	vld.idx.msk [tilespmem:v13+s11+$0x0], $0xffff;
	_ =	sdelay $0x4  }
0x61f: {  	v13 =	vor.u32 v12, v2;
	[tilespmem:v8+s17+$0x0] =	vst.idx.msk $0xffff, v3;
	v8 =	vld [tilespmem:$0x1FE80];
	_ =	sdelay $0x4  }
0x620: {  	v3 =	vld.idx.msk [tilespmem:v13+s11+$0x0], $0xffff;
	v8 =	vor.u32 s23, v8  }
0x621: {  	v13 =	vor.u32 v11, v2;
	_ =	sdelay $0x3  }
0x622: {  	[tilespmem:v8+s17+$0x0] =	vst.idx.msk $0xffff, v3  }
0x623: {  	v8 =	vor.u32 s23, v42;
	v3 =	vld.idx.msk [tilespmem:v13+s11+$0x0], $0xffff;
	_ =	sdelay $0x4  }
0x624: {  	v13 =	vor.u32 v15, v2;
	[tilespmem:v8+s17+$0x0] =	vst.idx.msk $0xffff, v3;
	v8 =	vld [tilespmem:$0x1FE20];
	_ =	sdelay $0x4  }
0x625: {  	v3 =	vld.idx.msk [tilespmem:v13+s11+$0x0], $0xffff;
	v8 =	vor.u32 s23, v8  }
0x626: {  	v13 =	vor.u32 v22, v2;
	_ =	sdelay $0x3  }
0x627: {  	[tilespmem:v8+s17+$0x0] =	vst.idx.msk $0xffff, v3  }
0x628: {  	v8 =	vor.u32 s23, v34;
	v3 =	vld.idx.msk [tilespmem:v13+s11+$0x0], $0xffff;
	_ =	sdelay $0x4  }
0x629: {  	v13 =	vor.u32 v52, v2;
	[tilespmem:v8+s17+$0x0] =	vst.idx.msk $0xffff, v3;
	v8 =	vld [tilespmem:$0x1FE30];
	_ =	sdelay $0x4  }
0x62a: {  	v3 =	vld.idx.msk [tilespmem:v13+s11+$0x0], $0xffff;
	v8 =	vor.u32 s23, v8  }
0x62b: {  	v13 =	vor.u32 v14, v2;
	_ =	sdelay $0x3  }
0x62c: {  	[tilespmem:v8+s17+$0x0] =	vst.idx.msk $0xffff, v3  }
0x62d: {  	v3 =	vld.idx.msk [tilespmem:v13+s11+$0x0], $0xffff  }
0x62e: {  	v13 =	vld [tilespmem:$0x1F380];
	_ =	sdelay $0x3  }
0x62f: {  	v8 =	vor.u32 s23, v19  }
0x630: {  	v13 =	vor.u32 v13, v2;
	_ =	sdelay $0x3  }
0x631: {  	[tilespmem:v8+s17+$0x0] =	vst.idx.msk $0xffff, v3;
	v8 =	vld [tilespmem:$0x1FE10]  }
0x632: {  	v3 =	vld.idx.msk [tilespmem:v13+s11+$0x0], $0xffff  }
0x633: {  	v13 =	vld [tilespmem:$0x1F390];
	_ =	sdelay $0x3  }
0x634: {  	v8 =	vor.u32 s23, v8  }
0x635: {  	v13 =	vor.u32 v13, v2;
	_ =	sdelay $0x3  }
0x636: {  	[tilespmem:v8+s17+$0x0] =	vst.idx.msk $0xffff, v3;
	v8 =	vld [tilespmem:$0x1FF30]  }
0x637: {  	v3 =	vld.idx.msk [tilespmem:v13+s11+$0x0], $0xffff  }
0x638: {  	v13 =	vld [tilespmem:$0x1F3A0];
	_ =	sdelay $0x3  }
0x639: {  	v8 =	vor.u32 s23, v8  }
0x63a: {  	v13 =	vor.u32 v13, v2;
	_ =	sdelay $0x3  }
0x63b: {  	[tilespmem:v8+s17+$0x0] =	vst.idx.msk $0xffff, v3;
	v8 =	vld [tilespmem:$0x1F780]  }
0x63c: {  	v3 =	vld.idx.msk [tilespmem:v13+s11+$0x0], $0xffff  }
0x63d: {  	v13 =	vld [tilespmem:$0x1F3B0];
	_ =	sdelay $0x3  }
0x63e: {  	v8 =	vor.u32 s23, v8  }
0x63f: {  	v13 =	vor.u32 v13, v2;
	_ =	sdelay $0x3  }
0x640: {  	[tilespmem:v8+s17+$0x0] =	vst.idx.msk $0xffff, v3;
	v8 =	vld [tilespmem:$0x1FF40]  }
0x641: {  	v3 =	vld.idx.msk [tilespmem:v13+s11+$0x0], $0xffff  }
0x642: {  	v13 =	vld [tilespmem:$0x1F3C0];
	_ =	sdelay $0x3  }
0x643: {  	v8 =	vor.u32 s23, v8  }
0x644: {  	v13 =	vor.u32 v13, v2;
	_ =	sdelay $0x3  }
0x645: {  	[tilespmem:v8+s17+$0x0] =	vst.idx.msk $0xffff, v3  }
0x646: {  	v8 =	vor.u32 s23, v30;
	v3 =	vld.idx.msk [tilespmem:v13+s11+$0x0], $0xffff;
	_ =	sdelay $0x4  }
0x647: {  	v13 =	vor.u32 v56, v2;
	[tilespmem:v8+s17+$0x0] =	vst.idx.msk $0xffff, v3;
	v8 =	vld [tilespmem:$0x1FF50];
	_ =	sdelay $0x4  }
0x648: {  	v3 =	vld.idx.msk [tilespmem:v13+s11+$0x0], $0xffff;
	v8 =	vor.u32 s23, v8  }
0x649: {  	v13 =	vor.u32 v31, v2;
	_ =	sdelay $0x3  }
0x64a: {  	[tilespmem:v8+s17+$0x0] =	vst.idx.msk $0xffff, v3  }
0x64b: {  	v8 =	vor.u32 s23, v32;
	v3 =	vld.idx.msk [tilespmem:v13+s11+$0x0], $0xffff;
	_ =	sdelay $0x4  }
0x64c: {  	v13 =	vor.u32 v63, v2;
	[tilespmem:v8+s17+$0x0] =	vst.idx.msk $0xffff, v3;
	v8 =	vld [tilespmem:$0x1FF70];
	_ =	sdelay $0x4  }
0x64d: {  	v3 =	vld.idx.msk [tilespmem:v13+s11+$0x0], $0xffff;
	v8 =	vor.u32 s23, v8;
	_ =	sdelay $0x4  }
0x64e: {  	v13 =	vor.u32 v28, v2;
	[tilespmem:v8+s17+$0x0] =	vst.idx.msk $0xffff, v3;
	v8 =	vld [tilespmem:$0x1FF60];
	_ =	sdelay $0x4  }
0x64f: {  	v3 =	vld.idx.msk [tilespmem:v13+s11+$0x0], $0xffff;
	v8 =	vor.u32 s23, v8;
	_ =	sdelay $0x4  }
0x650: {  	v13 =	vor.u32 v35, v2;
	[tilespmem:v8+s17+$0x0] =	vst.idx.msk $0xffff, v3;
	v8 =	vld [tilespmem:$0x1FCF0];
	_ =	sdelay $0x4  }
0x651: {  	v3 =	vld.idx.msk [tilespmem:v13+s11+$0x0], $0xffff;
	v8 =	vor.u32 s23, v8;
	_ =	sdelay $0x4  }
0x652: {  	v13 =	vor.u32 v36, v2;
	[tilespmem:v8+s17+$0x0] =	vst.idx.msk $0xffff, v3;
	v8 =	vld [tilespmem:$0x1FD00];
	_ =	sdelay $0x4  }
0x653: {  	v3 =	vld.idx.msk [tilespmem:v13+s11+$0x0], $0xffff;
	v8 =	vor.u32 s23, v8;
	_ =	sdelay $0x3  }
0x654: {  	v13 =	vor.u32 v37, v2  }
0x655: {  	[tilespmem:v8+s17+$0x0] =	vst.idx.msk $0xffff, v3;
	v8 =	vld [tilespmem:$0x1FD10];
	_ =	sdelay $0x3  }
0x656: {  	v3 =	vld.idx.msk [tilespmem:v13+s11+$0x0], $0xffff  }
0x657: {  	v13 =	vld [tilespmem:$0x1F7A0];
	v8 =	vor.u32 s23, v8;
	_ =	sdelay $0x4  }
0x658: {  	v13 =	vor.u32 v13, v2;
	[tilespmem:v8+s17+$0x0] =	vst.idx.msk $0xffff, v3;
	v8 =	vld [tilespmem:$0x1FD20];
	_ =	sdelay $0x4  }
0x659: {  	v3 =	vld.idx.msk [tilespmem:v13+s11+$0x0], $0xffff;
	v8 =	vor.u32 s23, v8;
	_ =	sdelay $0x4  }
0x65a: {  	v13 =	vor.u32 v39, v2;
	[tilespmem:v8+s17+$0x0] =	vst.idx.msk $0xffff, v3;
	v8 =	vld [tilespmem:$0x1FD30];
	_ =	sdelay $0x4  }
0x65b: {  	v3 =	vld.idx.msk [tilespmem:v13+s11+$0x0], $0xffff;
	v8 =	vor.u32 s23, v8;
	_ =	sdelay $0x2  }
0x65c: {  	v13 =	vor.u32 v40, v2;
	_ =	sdelay $0x1  }
0x65d: {  	[tilespmem:v8+s17+$0x0] =	vst.idx.msk $0xffff, v3;
	v8 =	vld [tilespmem:$0x1FD40];
	_ =	sdelay $0x2  }
0x65e: {  	v3 =	vld.idx.msk [tilespmem:v13+s11+$0x0], $0xffff  }
0x65f: {  	v13 =	vld [tilespmem:$0x1F460]  }
0x660: {  	v8 =	vor.u32 s23, v8;
	_ =	sdelay $0x3  }
0x661: {  	v13 =	vor.u32 v13, v2  }
0x662: {  	[tilespmem:v8+s17+$0x0] =	vst.idx.msk $0xffff, v3;
	v8 =	vld [tilespmem:$0x1FD50];
	_ =	sdelay $0x3  }
0x663: {  	v3 =	vld.idx.msk [tilespmem:v13+s11+$0x0], $0xffff  }
0x664: {  	v13 =	vld [tilespmem:$0x1F470];
	v8 =	vor.u32 s23, v8;
	_ =	sdelay $0x4  }
0x665: {  	v13 =	vor.u32 v13, v2;
	[tilespmem:v8+s17+$0x0] =	vst.idx.msk $0xffff, v3;
	v8 =	vld [tilespmem:$0x1FD60];
	_ =	sdelay $0x4  }
0x666: {  	v3 =	vld.idx.msk [tilespmem:v13+s11+$0x0], $0xffff;
	v8 =	vor.u32 s23, v8  }
0x667: {  	v13 =	vor.u32 v43, v2;
	_ =	sdelay $0x3  }
0x668: {  	[tilespmem:v8+s17+$0x0] =	vst.idx.msk $0xffff, v3  }
0x669: {  	v8 =	vor.u32 s23, v21;
	v3 =	vld.idx.msk [tilespmem:v13+s11+$0x0], $0xffff  }
0x66a: {  	v13 =	vor.u32 v9, v2;
	_ =	sdelay $0x3  }
0x66b: {  	[tilespmem:v8+s17+$0x0] =	vst.idx.msk $0xffff, v3  }
0x66c: {  	v8 =	vor.u32 s23, v6;
	v3 =	vld.idx.msk [tilespmem:v13+s11+$0x0], $0xffff  }
0x66d: {  	v13 =	vor.u32 v5, v2;
	_ =	sdelay $0x3  }
0x66e: {  	[tilespmem:v8+s17+$0x0] =	vst.idx.msk $0xffff, v3  }
0x66f: {  	v8 =	vor.u32 s23, v16;
	v3 =	vld.idx.msk [tilespmem:v13+s11+$0x0], $0xffff  }
0x670: {  	v13 =	vor.u32 v47, v2;
	_ =	sdelay $0x3  }
0x671: {  	[tilespmem:v8+s17+$0x0] =	vst.idx.msk $0xffff, v3  }
0x672: {  	v8 =	vor.u32 s23, v17;
	v3 =	vld.idx.msk [tilespmem:v13+s11+$0x0], $0xffff  }
0x673: {  	v13 =	vor.u32 v29, v2;
	_ =	sdelay $0x3  }
0x674: {  	[tilespmem:v8+s17+$0x0] =	vst.idx.msk $0xffff, v3  }
0x675: {  	v8 =	vor.u32 s23, v48;
	v3 =	vld.idx.msk [tilespmem:v13+s11+$0x0], $0xffff;
	_ =	sdelay $0x4  }
0x676: {  	v13 =	vor.u32 v26, v2;
	[tilespmem:v8+s17+$0x0] =	vst.idx.msk $0xffff, v3;
	v8 =	vld [tilespmem:$0x1FF80];
	_ =	sdelay $0x4  }
0x677: {  	v3 =	vld.idx.msk [tilespmem:v13+s11+$0x0], $0xffff;
	v8 =	vor.u32 s23, v8;
	_ =	sdelay $0x4  }
0x678: {  	v13 =	vor.u32 v27, v2;
	[tilespmem:v8+s17+$0x0] =	vst.idx.msk $0xffff, v3;
	v8 =	vld [tilespmem:$0x1FFC0];
	_ =	sdelay $0x4  }
0x679: {  	v3 =	vld.idx.msk [tilespmem:v13+s11+$0x0], $0xffff;
	v8 =	vor.u32 s23, v8;
	_ =	sdelay $0x4  }
0x67a: {  	v13 =	vor.u32 v49, v2;
	[tilespmem:v8+s17+$0x0] =	vst.idx.msk $0xffff, v3;
	v8 =	vld [tilespmem:$0x1FFB0];
	_ =	sdelay $0x4  }
0x67b: {  	v3 =	vld.idx.msk [tilespmem:v13+s11+$0x0], $0xffff;
	v8 =	vor.u32 s23, v8;
	_ =	sdelay $0x3  }
0x67c: {  	v13 =	vor.u32 v50, v2  }
0x67d: {  	[tilespmem:v8+s17+$0x0] =	vst.idx.msk $0xffff, v3;
	v8 =	vld [tilespmem:$0x1FFE0];
	_ =	sdelay $0x3  }
0x67e: {  	v3 =	vld.idx.msk [tilespmem:v13+s11+$0x0], $0xffff  }
0x67f: {  	v13 =	vld [tilespmem:$0x1F200];
	v8 =	vor.u32 s23, v8;
	_ =	sdelay $0x4  }
0x680: {  	v13 =	vor.u32 v13, v2;
	[tilespmem:v8+s17+$0x0] =	vst.idx.msk $0xffff, v3;
	v8 =	vld [tilespmem:$0x1FFD0];
	_ =	sdelay $0x4  }
0x681: {  	v3 =	vld.idx.msk [tilespmem:v13+s11+$0x0], $0xffff;
	v8 =	vor.u32 s23, v8;
	_ =	sdelay $0x4  }
0x682: {  	v13 =	vor.u32 v51, v2;
	[tilespmem:v8+s17+$0x0] =	vst.idx.msk $0xffff, v3;
	v8 =	vld [tilespmem:$0x1FD70];
	_ =	sdelay $0x4  }
0x683: {  	v3 =	vld.idx.msk [tilespmem:v13+s11+$0x0], $0xffff;
	v8 =	vor.u32 s23, v8;
	_ =	sdelay $0x4  }
0x684: {  	v13 =	vor.u32 v54, v2;
	[tilespmem:v8+s17+$0x0] =	vst.idx.msk $0xffff, v3;
	v8 =	vld [tilespmem:$0x1F7E0];
	_ =	sdelay $0x4  }
0x685: {  	v3 =	vld.idx.msk [tilespmem:v13+s11+$0x0], $0xffff;
	v8 =	vor.u32 s23, v8;
	_ =	sdelay $0x4  }
0x686: {  	v13 =	vor.u32 v53, v2;
	[tilespmem:v8+s17+$0x0] =	vst.idx.msk $0xffff, v3;
	v8 =	vld [tilespmem:$0x1FE40];
	_ =	sdelay $0x4  }
0x687: {  	v3 =	vld.idx.msk [tilespmem:v13+s11+$0x0], $0xffff;
	v8 =	vor.u32 s23, v8;
	_ =	sdelay $0x4  }
0x688: {  	v13 =	vor.u32 v41, v2;
	[tilespmem:v8+s17+$0x0] =	vst.idx.msk $0xffff, v3;
	v8 =	vld [tilespmem:$0x1FFF0];
	_ =	sdelay $0x4  }
0x689: {  	v3 =	vld.idx.msk [tilespmem:v13+s11+$0x0], $0xffff;
	v8 =	vor.u32 s23, v8;
	_ =	sdelay $0x4  }
0x68a: {  	v13 =	vor.u32 v57, v2;
	[tilespmem:v8+s17+$0x0] =	vst.idx.msk $0xffff, v3;
	v8 =	vld [tilespmem:$0x1F7F0];
	_ =	sdelay $0x4  }
0x68b: {  	v3 =	vld.idx.msk [tilespmem:v13+s11+$0x0], $0xffff;
	v8 =	vor.u32 s23, v8  }
0x68c: {  	v13 =	vor.u32 v62, v2;
	_ =	sdelay $0x3  }
0x68d: {  	[tilespmem:v8+s17+$0x0] =	vst.idx.msk $0xffff, v3;
	v8 =	vld [tilespmem:$0x1FF00]  }
0x68e: {  	v3 =	vld.idx.msk [tilespmem:v13+s11+$0x0], $0xffff  }
0x68f: {  	v13 =	vld [tilespmem:$0x1F260];
	_ =	sdelay $0x3  }
0x690: {  	v8 =	vor.u32 s23, v8  }
0x691: {  	v13 =	vor.u32 v13, v2;
	_ =	sdelay $0x3  }
0x692: {  	[tilespmem:v8+s17+$0x0] =	vst.idx.msk $0xffff, v3  }
0x693: {  	v3 =	vld.idx.msk [tilespmem:v13+s11+$0x0], $0xffff  }
0x694: {  	v8 =	vor.u32 s23, v7;
	v13 =	vld [tilespmem:$0x1F270];
	_ =	sdelay $0x4  }
0x695: {  	v13 =	vor.u32 v13, v2;
	[tilespmem:v8+s17+$0x0] =	vst.idx.msk $0xffff, v3;
	v8 =	vld [tilespmem:$0x1FED0];
	_ =	sdelay $0x4  }
0x696: {  	v3 =	vld.idx.msk [tilespmem:v13+s11+$0x0], $0xffff;
	v8 =	vor.u32 s23, v8  }
0x697: {  	v13 =	vor.u32 v33, v2;
	_ =	sdelay $0x3  }
0x698: {  	[tilespmem:v8+s17+$0x0] =	vst.idx.msk $0xffff, v3  }
0x699: {  	v8 =	vor.u32 s23, v4;
	v3 =	vld.idx.msk [tilespmem:v13+s11+$0x0], $0xffff;
	_ =	sdelay $0x4  }
0x69a: {  	v13 =	vor.u32 v44, v2;
	[tilespmem:v8+s17+$0x0] =	vst.idx.msk $0xffff, v3;
	v8 =	vld [tilespmem:$0x1FEA0];
	_ =	sdelay $0x4  }
0x69b: {  	v3 =	vld.idx.msk [tilespmem:v13+s11+$0x0], $0xffff;
	v8 =	vor.u32 s23, v8;
	_ =	sdelay $0x4  }
0x69c: {  	v13 =	vor.u32 v38, v2;
	[tilespmem:v8+s17+$0x0] =	vst.idx.msk $0xffff, v3;
	v8 =	vld [tilespmem:$0x1FD80];
	_ =	sdelay $0x4  }
0x69d: {  	v3 =	vld.idx.msk [tilespmem:v13+s11+$0x0], $0xffff;
	v8 =	vor.u32 s23, v8;
	_ =	sdelay $0x4  }
0x69e: {  	v13 =	vor.u32 v59, v2;
	[tilespmem:v8+s17+$0x0] =	vst.idx.msk $0xffff, v3;
	v8 =	vld [tilespmem:$0x1FD90];
	_ =	sdelay $0x4  }
0x69f: {  	v3 =	vld.idx.msk [tilespmem:v13+s11+$0x0], $0xffff;
	v8 =	vor.u32 s23, v8;
	_ =	sdelay $0x2  }
0x6a0: {  	v13 =	vor.u32 v60, v2;
	_ =	sdelay $0x1  }
0x6a1: {  	[tilespmem:v8+s17+$0x0] =	vst.idx.msk $0xffff, v3;
	v8 =	vld [tilespmem:$0x1FEE0];
	_ =	sdelay $0x2  }
0x6a2: {  	v3 =	vld.idx.msk [tilespmem:v13+s11+$0x0], $0xffff  }
0x6a3: {  	v13 =	vld [tilespmem:$0x1F2C0]  }
0x6a4: {  	v8 =	vor.u32 s23, v8;
	_ =	sdelay $0x3  }
0x6a5: {  	v13 =	vor.u32 v13, v2  }
0x6a6: {  	[tilespmem:v8+s17+$0x0] =	vst.idx.msk $0xffff, v3;
	v8 =	vld [tilespmem:$0x1FEF0];
	_ =	sdelay $0x3  }
0x6a7: {  	v3 =	vld.idx.msk [tilespmem:v13+s11+$0x0], $0xffff  }
0x6a8: {  	v13 =	vld [tilespmem:$0x1F2D0];
	v8 =	vor.u32 s23, v8;
	_ =	sdelay $0x4  }
0x6a9: {  	v13 =	vor.u32 v13, v2;
	[tilespmem:v8+s17+$0x0] =	vst.idx.msk $0xffff, v3;
	v8 =	vld [tilespmem:$0x1FF10];
	_ =	sdelay $0x4  }
0x6aa: {  	v3 =	vld.idx.msk [tilespmem:v13+s11+$0x0], $0xffff;
	v8 =	vor.u32 s23, v8;
	_ =	sdelay $0x4  }
0x6ab: {  	v13 =	vor.u32 v45, v2;
	[tilespmem:v8+s17+$0x0] =	vst.idx.msk $0xffff, v3;
	v3 =	vld [tilespmem:$0x1FE60];
	_ =	sdelay $0x4  }
0x6ac: {  	p0 =	sne.s32 s25, $0x70;
	v8 =	vld.idx.msk [tilespmem:v13+s11+$0x0], $0xffff;
	v13 =	vor.u32 s23, v3  }
.Ltmp1:
0x6ad: {  	_ = 	snop;
	(pc) =	sbr.rel @p0 .LBB2_5-.Ltmp1, $3  }
0x6ae: {  	_ =	sdelay $0x1  }
0x6af: {  	s24 =	smov.u32 s25  }
0x6b0: {  	s25 =	sadd.s32 $0x10, s25;
	v2 =	vor.u32 v24, v2;
	v3 =	vmov s24;
	[tilespmem:v13+s17+$0x0] =	vst.idx.msk $0xffff, v8  }
0x6b1: {  	_ =	sdelay $0x2  }
0x6b2: {  	v3 =	vshll.u32 v3, $0x6  }
0x6b3: {  	v8 =	vld.idx.msk [tilespmem:v2+s11+$0x0], $0xffff;
	v2 =	vor.u32 v0, v3;
	v3 =	vor.u32 s23, v25;
	v0 =	vlaneseq.u32  }
0x6b4: {  	v13 =	vor.u32 v0, v2;
	_ =	sdelay $0x3  }
0x6b5: {  	[tilespmem:v3+s17+$0x0] =	vst.idx.msk $0xffff, v8  }
0x6b6: {  	v8 =	vor.u32 s24, v1;
	v3 =	vld.idx.msk [tilespmem:v13+s11+$0x0], $0xffff  }
0x6b7: {  	v13 =	vor.u32 v58, v2;
	_ =	sdelay $0x3  }
0x6b8: {  	[tilespmem:v8+s17+$0x0] =	vst.idx.msk $0xffff, v3  }
0x6b9: {  	v8 =	vor.u32 s24, v55;
	v3 =	vld.idx.msk [tilespmem:v13+s11+$0x0], $0xffff  }
0x6ba: {  	v13 =	vor.u32 v61, v2;
	_ =	sdelay $0x3  }
0x6bb: {  	v0 =	vld [tilespmem:$0x1FA60];
	[tilespmem:v8+s17+$0x0] =	vst.idx.msk $0xffff, v3  }
0x6bc: {  	v3 =	vld.idx.msk [tilespmem:v13+s11+$0x0], $0xffff  }
0x6bd: {  	v13 =	vld [tilespmem:$0x1FA70];
	_ =	sdelay $0x3  }
0x6be: {  	v8 =	vor.u32 s24, v0  }
0x6bf: {  	v0 =	vld [tilespmem:$0x1FDD0];
	v13 =	vor.u32 v13, v2  }
0x6c0: {  	v55 =	vld [tilespmem:$0x1F840];
	_ =	sdelay $0x2  }
0x6c1: {  	[tilespmem:v8+s17+$0x0] =	vst.idx.msk $0xffff, v3  }
0x6c2: {  	v8 =	vor.u32 s24, v0;
	v3 =	vld.idx.msk [tilespmem:v13+s11+$0x0], $0xffff  }
0x6c3: {  	v13 =	vor.u32 v55, v2;
	_ =	sdelay $0x3  }
0x6c4: {  	v0 =	vld [tilespmem:$0x1F820];
	[tilespmem:v8+s17+$0x0] =	vst.idx.msk $0xffff, v3  }
0x6c5: {  	v3 =	vld.idx.msk [tilespmem:v13+s11+$0x0], $0xffff  }
0x6c6: {  	v13 =	vld [tilespmem:$0x1FB20];
	_ =	sdelay $0x3  }
0x6c7: {  	v8 =	vor.u32 s24, v0  }
0x6c8: {  	v13 =	vor.u32 v13, v2  }
0x6c9: {  	v0 =	vld [tilespmem:$0x1F810];
	_ =	sdelay $0x2  }
0x6ca: {  	[tilespmem:v8+s17+$0x0] =	vst.idx.msk $0xffff, v3  }
0x6cb: {  	v3 =	vld.idx.msk [tilespmem:v13+s11+$0x0], $0xffff  }
0x6cc: {  	v8 =	vor.u32 s24, v0;
	v13 =	vld [tilespmem:$0x1FB50];
	_ =	sdelay $0x4  }
0x6cd: {  	v13 =	vor.u32 v13, v2;
	[tilespmem:v8+s17+$0x0] =	vst.idx.msk $0xffff, v3;
	v8 =	vld [tilespmem:$0x1F6B0];
	_ =	sdelay $0x3  }
0x6ce: {  	v0 =	vld [tilespmem:$0x1FDC0]  }
0x6cf: {  	v3 =	vld.idx.msk [tilespmem:v13+s11+$0x0], $0xffff;
	v8 =	vor.u32 s24, v8;
	_ =	sdelay $0x3  }
0x6d0: {  	v13 =	vor.u32 v0, v2  }
0x6d1: {  	[tilespmem:v8+s17+$0x0] =	vst.idx.msk $0xffff, v3;
	v8 =	vld [tilespmem:$0x1F6E0];
	_ =	sdelay $0x3  }
0x6d2: {  	v3 =	vld.idx.msk [tilespmem:v13+s11+$0x0], $0xffff  }
0x6d3: {  	v13 =	vld [tilespmem:$0x1F6F0];
	v8 =	vor.u32 s24, v8;
	_ =	sdelay $0x4  }
0x6d4: {  	v13 =	vor.u32 v13, v2;
	[tilespmem:v8+s17+$0x0] =	vst.idx.msk $0xffff, v3;
	v8 =	vld [tilespmem:$0x1F700];
	_ =	sdelay $0x4  }
0x6d5: {  	v3 =	vld.idx.msk [tilespmem:v13+s11+$0x0], $0xffff;
	v8 =	vor.u32 s24, v8;
	_ =	sdelay $0x4  }
0x6d6: {  	v13 =	vor.u32 v20, v2;
	[tilespmem:v8+s17+$0x0] =	vst.idx.msk $0xffff, v3;
	v8 =	vld [tilespmem:$0x1F710];
	_ =	sdelay $0x4  }
0x6d7: {  	v3 =	vld.idx.msk [tilespmem:v13+s11+$0x0], $0xffff;
	v8 =	vor.u32 s24, v8;
	_ =	sdelay $0x4  }
0x6d8: {  	v13 =	vor.u32 v46, v2;
	[tilespmem:v8+s17+$0x0] =	vst.idx.msk $0xffff, v3;
	v8 =	vld [tilespmem:$0x1F720];
	_ =	sdelay $0x3  }
0x6d9: {  	v0 =	vld [tilespmem:$0x1FDF0]  }
0x6da: {  	v3 =	vld.idx.msk [tilespmem:v13+s11+$0x0], $0xffff;
	v8 =	vor.u32 s24, v8;
	_ =	sdelay $0x4  }
0x6db: {  	v13 =	vor.u32 v0, v2;
	[tilespmem:v8+s17+$0x0] =	vst.idx.msk $0xffff, v3;
	v8 =	vld [tilespmem:$0x1F730];
	_ =	sdelay $0x4  }
0x6dc: {  	v3 =	vld.idx.msk [tilespmem:v13+s11+$0x0], $0xffff;
	v8 =	vor.u32 s24, v8  }
0x6dd: {  	v61 =	vld [tilespmem:$0x1FE50];
	v13 =	vor.u32 v23, v2;
	_ =	sdelay $0x3  }
0x6de: {  	[tilespmem:v8+s17+$0x0] =	vst.idx.msk $0xffff, v3  }
0x6df: {  	v8 =	vor.u32 s24, v61;
	v3 =	vld.idx.msk [tilespmem:v13+s11+$0x0], $0xffff  }
0x6e0: {  	v13 =	vor.u32 v10, v2;
	_ =	sdelay $0x3  }
0x6e1: {  	[tilespmem:v8+s17+$0x0] =	vst.idx.msk $0xffff, v3  }
0x6e2: {  	v8 =	vor.u32 s24, v18;
	v3 =	vld.idx.msk [tilespmem:v13+s11+$0x0], $0xffff  }
0x6e3: {  	v13 =	vor.u32 v12, v2;
	v12 =	vld [tilespmem:$0x1FE80];
	_ =	sdelay $0x3  }
0x6e4: {  	[tilespmem:v8+s17+$0x0] =	vst.idx.msk $0xffff, v3  }
0x6e5: {  	v8 =	vor.u32 s24, v12;
	v3 =	vld.idx.msk [tilespmem:v13+s11+$0x0], $0xffff  }
0x6e6: {  	v13 =	vor.u32 v11, v2;
	_ =	sdelay $0x3  }
0x6e7: {  	[tilespmem:v8+s17+$0x0] =	vst.idx.msk $0xffff, v3  }
0x6e8: {  	v8 =	vor.u32 s24, v42;
	v3 =	vld.idx.msk [tilespmem:v13+s11+$0x0], $0xffff  }
0x6e9: {  	v58 =	vld [tilespmem:$0x1FE20];
	v13 =	vor.u32 v15, v2;
	_ =	sdelay $0x3  }
0x6ea: {  	[tilespmem:v8+s17+$0x0] =	vst.idx.msk $0xffff, v3  }
0x6eb: {  	v8 =	vor.u32 s24, v58;
	v3 =	vld.idx.msk [tilespmem:v13+s11+$0x0], $0xffff  }
0x6ec: {  	v13 =	vor.u32 v22, v2;
	_ =	sdelay $0x3  }
0x6ed: {  	[tilespmem:v8+s17+$0x0] =	vst.idx.msk $0xffff, v3  }
0x6ee: {  	v8 =	vor.u32 s24, v34;
	v3 =	vld.idx.msk [tilespmem:v13+s11+$0x0], $0xffff  }
0x6ef: {  	v22 =	vld [tilespmem:$0x1FE30];
	v13 =	vor.u32 v52, v2;
	_ =	sdelay $0x3  }
0x6f0: {  	[tilespmem:v8+s17+$0x0] =	vst.idx.msk $0xffff, v3  }
0x6f1: {  	v8 =	vor.u32 s24, v22;
	v3 =	vld.idx.msk [tilespmem:v13+s11+$0x0], $0xffff  }
0x6f2: {  	v13 =	vor.u32 v14, v2  }
0x6f3: {  	v0 =	vld [tilespmem:$0x1F380];
	_ =	sdelay $0x2  }
0x6f4: {  	[tilespmem:v8+s17+$0x0] =	vst.idx.msk $0xffff, v3  }
0x6f5: {  	v8 =	vor.u32 s24, v19;
	v3 =	vld.idx.msk [tilespmem:v13+s11+$0x0], $0xffff  }
0x6f6: {  	v14 =	vld [tilespmem:$0x1FE10];
	v13 =	vor.u32 v0, v2  }
0x6f7: {  	v0 =	vld [tilespmem:$0x1F390];
	_ =	sdelay $0x2  }
0x6f8: {  	[tilespmem:v8+s17+$0x0] =	vst.idx.msk $0xffff, v3  }
0x6f9: {  	v8 =	vor.u32 s24, v14;
	v3 =	vld.idx.msk [tilespmem:v13+s11+$0x0], $0xffff  }
0x6fa: {  	v18 =	vld [tilespmem:$0x1FF30];
	v13 =	vor.u32 v0, v2  }
0x6fb: {  	v0 =	vld [tilespmem:$0x1F3A0];
	_ =	sdelay $0x2  }
0x6fc: {  	[tilespmem:v8+s17+$0x0] =	vst.idx.msk $0xffff, v3  }
0x6fd: {  	v8 =	vor.u32 s24, v18;
	v3 =	vld.idx.msk [tilespmem:v13+s11+$0x0], $0xffff  }
0x6fe: {  	v46 =	vmov v34;
	v34 =	vld [tilespmem:$0x1F780];
	v13 =	vor.u32 v0, v2  }
0x6ff: {  	v0 =	vld [tilespmem:$0x1F3B0];
	_ =	sdelay $0x2  }
0x700: {  	[tilespmem:v8+s17+$0x0] =	vst.idx.msk $0xffff, v3  }
0x701: {  	v8 =	vor.u32 s24, v34;
	v3 =	vld.idx.msk [tilespmem:v13+s11+$0x0], $0xffff  }
0x702: {  	v11 =	vld [tilespmem:$0x1FF40];
	v13 =	vor.u32 v0, v2  }
0x703: {  	v0 =	vld [tilespmem:$0x1F3C0];
	_ =	sdelay $0x2  }
0x704: {  	[tilespmem:v8+s17+$0x0] =	vst.idx.msk $0xffff, v3  }
0x705: {  	v8 =	vor.u32 s24, v11;
	v3 =	vld.idx.msk [tilespmem:v13+s11+$0x0], $0xffff  }
0x706: {  	v13 =	vor.u32 v0, v2;
	_ =	sdelay $0x3  }
0x707: {  	[tilespmem:v8+s17+$0x0] =	vst.idx.msk $0xffff, v3  }
0x708: {  	v8 =	vor.u32 s24, v30;
	v3 =	vld.idx.msk [tilespmem:v13+s11+$0x0], $0xffff  }
0x709: {  	v34 =	vld [tilespmem:$0x1FF50];
	v13 =	vor.u32 v56, v2;
	_ =	sdelay $0x3  }
0x70a: {  	[tilespmem:v8+s17+$0x0] =	vst.idx.msk $0xffff, v3  }
0x70b: {  	v8 =	vor.u32 s24, v34;
	v3 =	vld.idx.msk [tilespmem:v13+s11+$0x0], $0xffff  }
0x70c: {  	v13 =	vor.u32 v31, v2;
	_ =	sdelay $0x3  }
0x70d: {  	[tilespmem:v8+s17+$0x0] =	vst.idx.msk $0xffff, v3  }
0x70e: {  	v8 =	vor.u32 s24, v32;
	v3 =	vld.idx.msk [tilespmem:v13+s11+$0x0], $0xffff  }
0x70f: {  	v23 =	vld [tilespmem:$0x1FF70];
	v13 =	vor.u32 v63, v2;
	_ =	sdelay $0x3  }
0x710: {  	[tilespmem:v8+s17+$0x0] =	vst.idx.msk $0xffff, v3  }
0x711: {  	v8 =	vor.u32 s24, v23;
	v3 =	vld.idx.msk [tilespmem:v13+s11+$0x0], $0xffff  }
0x712: {  	v15 =	vld [tilespmem:$0x1FF60];
	v13 =	vor.u32 v28, v2;
	_ =	sdelay $0x3  }
0x713: {  	[tilespmem:v8+s17+$0x0] =	vst.idx.msk $0xffff, v3  }
0x714: {  	v8 =	vor.u32 s24, v15;
	v3 =	vld.idx.msk [tilespmem:v13+s11+$0x0], $0xffff  }
0x715: {  	v10 =	vld [tilespmem:$0x1FCF0];
	v13 =	vor.u32 v35, v2;
	_ =	sdelay $0x3  }
0x716: {  	[tilespmem:v8+s17+$0x0] =	vst.idx.msk $0xffff, v3  }
0x717: {  	v8 =	vor.u32 s24, v10;
	v3 =	vld.idx.msk [tilespmem:v13+s11+$0x0], $0xffff  }
0x718: {  	v13 =	vor.u32 v36, v2;
	_ =	sdelay $0x3  }
0x719: {  	[tilespmem:v8+s17+$0x0] =	vst.idx.msk $0xffff, v3  }
0x71a: {  	v3 =	vld.idx.msk [tilespmem:v13+s11+$0x0], $0xffff  }
0x71b: {  	v13 =	vld [tilespmem:$0x1FD00];
	_ =	sdelay $0x4  }
0x71c: {  	v8 =	vor.u32 s24, v13  }
0x71d: {  	v0 =	vor.u32 v37, v2;
	v32 =	vld [tilespmem:$0x1FD10]  }
0x71e: {  	v35 =	vld [tilespmem:$0x1F7A0];
	_ =	sdelay $0x2  }
0x71f: {  	[tilespmem:v8+s17+$0x0] =	vst.idx.msk $0xffff, v3  }
0x720: {  	v3 =	vor.u32 s24, v32;
	v0 =	vld.idx.msk [tilespmem:v0+s11+$0x0], $0xffff  }
0x721: {  	v30 =	vld [tilespmem:$0x1FD20];
	v8 =	vor.u32 v35, v2;
	_ =	sdelay $0x3  }
0x722: {  	[tilespmem:v3+s17+$0x0] =	vst.idx.msk $0xffff, v0  }
0x723: {  	v3 =	vor.u32 s24, v30;
	v0 =	vld.idx.msk [tilespmem:v8+s11+$0x0], $0xffff  }
0x724: {  	v1 =	vor.u32 v39, v2;
	v37 =	vld [tilespmem:$0x1FD30];
	_ =	sdelay $0x3  }
0x725: {  	[tilespmem:v3+s17+$0x0] =	vst.idx.msk $0xffff, v0  }
0x726: {  	v0 =	vld.idx.msk [tilespmem:v1+s11+$0x0], $0xffff;
	v1 =	vor.u32 s24, v37  }
0x727: {  	v3 =	vor.u32 v40, v2;
	_ =	sdelay $0x3  }
0x728: {  	v39 =	vld [tilespmem:$0x1FD40];
	[tilespmem:v1+s17+$0x0] =	vst.idx.msk $0xffff, v0  }
0x729: {  	v0 =	vld.idx.msk [tilespmem:v3+s11+$0x0], $0xffff  }
0x72a: {  	v3 =	vld [tilespmem:$0x1F460];
	_ =	sdelay $0x3  }
0x72b: {  	v1 =	vor.u32 s24, v39  }
0x72c: {  	v3 =	vor.u32 v3, v2;
	_ =	sdelay $0x3  }
0x72d: {  	v56 =	vld [tilespmem:$0x1FD50];
	[tilespmem:v1+s17+$0x0] =	vst.idx.msk $0xffff, v0  }
0x72e: {  	v0 =	vld.idx.msk [tilespmem:v3+s11+$0x0], $0xffff  }
0x72f: {  	v3 =	vld [tilespmem:$0x1F470];
	_ =	sdelay $0x3  }
0x730: {  	v1 =	vor.u32 s24, v56  }
0x731: {  	v63 =	vld [tilespmem:$0x1FD60];
	v3 =	vor.u32 v3, v2;
	_ =	sdelay $0x3  }
0x732: {  	[tilespmem:v1+s17+$0x0] =	vst.idx.msk $0xffff, v0  }
0x733: {  	v1 =	vor.u32 s24, v63;
	v0 =	vld.idx.msk [tilespmem:v3+s11+$0x0], $0xffff  }
0x734: {  	v3 =	vor.u32 v43, v2;
	_ =	sdelay $0x3  }
0x735: {  	[tilespmem:v1+s17+$0x0] =	vst.idx.msk $0xffff, v0  }
0x736: {  	v1 =	vor.u32 s24, v21;
	v0 =	vld.idx.msk [tilespmem:v3+s11+$0x0], $0xffff  }
0x737: {  	v3 =	vor.u32 v9, v2;
	_ =	sdelay $0x3  }
0x738: {  	[tilespmem:v1+s17+$0x0] =	vst.idx.msk $0xffff, v0  }
0x739: {  	v1 =	vor.u32 s24, v6;
	v0 =	vld.idx.msk [tilespmem:v3+s11+$0x0], $0xffff  }
0x73a: {  	v3 =	vor.u32 v5, v2;
	_ =	sdelay $0x3  }
0x73b: {  	[tilespmem:v1+s17+$0x0] =	vst.idx.msk $0xffff, v0  }
0x73c: {  	v1 =	vor.u32 s24, v16;
	v0 =	vld.idx.msk [tilespmem:v3+s11+$0x0], $0xffff  }
0x73d: {  	v3 =	vor.u32 v47, v2;
	_ =	sdelay $0x3  }
0x73e: {  	[tilespmem:v1+s17+$0x0] =	vst.idx.msk $0xffff, v0  }
0x73f: {  	v1 =	vor.u32 s24, v17;
	v0 =	vld.idx.msk [tilespmem:v3+s11+$0x0], $0xffff  }
0x740: {  	v3 =	vor.u32 v29, v2;
	_ =	sdelay $0x3  }
0x741: {  	[tilespmem:v1+s17+$0x0] =	vst.idx.msk $0xffff, v0  }
0x742: {  	v1 =	vor.u32 s24, v48;
	v0 =	vld.idx.msk [tilespmem:v3+s11+$0x0], $0xffff  }
0x743: {  	v29 =	vld [tilespmem:$0x1FF80];
	v3 =	vor.u32 v26, v2;
	_ =	sdelay $0x3  }
0x744: {  	[tilespmem:v1+s17+$0x0] =	vst.idx.msk $0xffff, v0  }
0x745: {  	v1 =	vor.u32 s24, v29;
	v0 =	vld.idx.msk [tilespmem:v3+s11+$0x0], $0xffff  }
0x746: {  	v5 =	vmov v16;
	v16 =	vld [tilespmem:$0x1FFC0];
	v3 =	vor.u32 v27, v2;
	_ =	sdelay $0x3  }
0x747: {  	[tilespmem:v1+s17+$0x0] =	vst.idx.msk $0xffff, v0  }
0x748: {  	v1 =	vor.u32 s24, v16;
	v0 =	vld.idx.msk [tilespmem:v3+s11+$0x0], $0xffff  }
0x749: {  	v31 =	vld [tilespmem:$0x1FFB0];
	v3 =	vor.u32 v49, v2;
	_ =	sdelay $0x3  }
0x74a: {  	[tilespmem:v1+s17+$0x0] =	vst.idx.msk $0xffff, v0  }
0x74b: {  	v1 =	vor.u32 s24, v31;
	v0 =	vld.idx.msk [tilespmem:v3+s11+$0x0], $0xffff  }
0x74c: {  	v3 =	vor.u32 v50, v2;
	_ =	sdelay $0x3  }
0x74d: {  	v47 =	vld [tilespmem:$0x1FFE0];
	[tilespmem:v1+s17+$0x0] =	vst.idx.msk $0xffff, v0  }
0x74e: {  	v0 =	vld.idx.msk [tilespmem:v3+s11+$0x0], $0xffff  }
0x74f: {  	v3 =	vld [tilespmem:$0x1F200];
	_ =	sdelay $0x3  }
0x750: {  	v1 =	vor.u32 s24, v47  }
0x751: {  	v36 =	vld [tilespmem:$0x1FFD0];
	v3 =	vor.u32 v3, v2;
	_ =	sdelay $0x3  }
0x752: {  	[tilespmem:v1+s17+$0x0] =	vst.idx.msk $0xffff, v0  }
0x753: {  	v1 =	vor.u32 s24, v36;
	v0 =	vld.idx.msk [tilespmem:v3+s11+$0x0], $0xffff  }
0x754: {  	v40 =	vld [tilespmem:$0x1FD70];
	v3 =	vor.u32 v51, v2;
	_ =	sdelay $0x3  }
0x755: {  	[tilespmem:v1+s17+$0x0] =	vst.idx.msk $0xffff, v0  }
0x756: {  	v1 =	vor.u32 s24, v40;
	v0 =	vld.idx.msk [tilespmem:v3+s11+$0x0], $0xffff  }
0x757: {  	v42 =	vld [tilespmem:$0x1F7E0];
	v3 =	vor.u32 v54, v2;
	_ =	sdelay $0x3  }
0x758: {  	[tilespmem:v1+s17+$0x0] =	vst.idx.msk $0xffff, v0  }
0x759: {  	v1 =	vor.u32 s24, v42;
	v0 =	vld.idx.msk [tilespmem:v3+s11+$0x0], $0xffff  }
0x75a: {  	v43 =	vld [tilespmem:$0x1FE40];
	v3 =	vor.u32 v53, v2;
	_ =	sdelay $0x3  }
0x75b: {  	[tilespmem:v1+s17+$0x0] =	vst.idx.msk $0xffff, v0  }
0x75c: {  	v1 =	vor.u32 s24, v43;
	v0 =	vld.idx.msk [tilespmem:v3+s11+$0x0], $0xffff  }
0x75d: {  	v27 =	vld [tilespmem:$0x1FFF0];
	v3 =	vor.u32 v41, v2;
	_ =	sdelay $0x3  }
0x75e: {  	[tilespmem:v1+s17+$0x0] =	vst.idx.msk $0xffff, v0  }
0x75f: {  	v1 =	vor.u32 s24, v27;
	v0 =	vld.idx.msk [tilespmem:v3+s11+$0x0], $0xffff  }
0x760: {  	v54 =	vld [tilespmem:$0x1F7F0];
	v3 =	vor.u32 v57, v2;
	_ =	sdelay $0x3  }
0x761: {  	[tilespmem:v1+s17+$0x0] =	vst.idx.msk $0xffff, v0  }
0x762: {  	v1 =	vor.u32 s24, v54;
	v0 =	vld.idx.msk [tilespmem:v3+s11+$0x0], $0xffff  }
0x763: {  	v3 =	vor.u32 v62, v2;
	_ =	sdelay $0x3  }
0x764: {  	v53 =	vld [tilespmem:$0x1FF00];
	[tilespmem:v1+s17+$0x0] =	vst.idx.msk $0xffff, v0  }
0x765: {  	v0 =	vld.idx.msk [tilespmem:v3+s11+$0x0], $0xffff  }
0x766: {  	v3 =	vld [tilespmem:$0x1F260];
	_ =	sdelay $0x3  }
0x767: {  	v1 =	vor.u32 s24, v53  }
0x768: {  	v3 =	vor.u32 v3, v2;
	_ =	sdelay $0x3  }
0x769: {  	[tilespmem:v1+s17+$0x0] =	vst.idx.msk $0xffff, v0  }
0x76a: {  	v0 =	vld.idx.msk [tilespmem:v3+s11+$0x0], $0xffff  }
0x76b: {  	v3 =	vld [tilespmem:$0x1F270];
	_ =	sdelay $0x3  }
0x76c: {  	v1 =	vor.u32 s24, v7  }
0x76d: {  	v7 =	vld [tilespmem:$0x1FED0];
	v3 =	vor.u32 v3, v2;
	_ =	sdelay $0x3  }
0x76e: {  	[tilespmem:v1+s17+$0x0] =	vst.idx.msk $0xffff, v0  }
0x76f: {  	v1 =	vor.u32 s24, v7;
	v0 =	vld.idx.msk [tilespmem:v3+s11+$0x0], $0xffff  }
0x770: {  	v3 =	vor.u32 v33, v2;
	_ =	sdelay $0x3  }
0x771: {  	[tilespmem:v1+s17+$0x0] =	vst.idx.msk $0xffff, v0  }
0x772: {  	v1 =	vor.u32 s24, v4;
	v0 =	vld.idx.msk [tilespmem:v3+s11+$0x0], $0xffff  }
0x773: {  	v28 =	vld [tilespmem:$0x1FEA0];
	v3 =	vor.u32 v44, v2;
	_ =	sdelay $0x3  }
0x774: {  	[tilespmem:v1+s17+$0x0] =	vst.idx.msk $0xffff, v0  }
0x775: {  	v1 =	vor.u32 s24, v28;
	v0 =	vld.idx.msk [tilespmem:v3+s11+$0x0], $0xffff  }
0x776: {  	v50 =	vld [tilespmem:$0x1FD80];
	v3 =	vor.u32 v38, v2;
	_ =	sdelay $0x3  }
0x777: {  	[tilespmem:v1+s17+$0x0] =	vst.idx.msk $0xffff, v0  }
0x778: {  	v1 =	vor.u32 s24, v50;
	v0 =	vld.idx.msk [tilespmem:v3+s11+$0x0], $0xffff  }
0x779: {  	v57 =	vld [tilespmem:$0x1FD90];
	v3 =	vor.u32 v59, v2;
	_ =	sdelay $0x3  }
0x77a: {  	[tilespmem:v1+s17+$0x0] =	vst.idx.msk $0xffff, v0  }
0x77b: {  	v1 =	vor.u32 s24, v57;
	v0 =	vld.idx.msk [tilespmem:v3+s11+$0x0], $0xffff  }
0x77c: {  	v3 =	vor.u32 v60, v2;
	_ =	sdelay $0x3  }
0x77d: {  	v59 =	vld [tilespmem:$0x1FEE0];
	[tilespmem:v1+s17+$0x0] =	vst.idx.msk $0xffff, v0  }
0x77e: {  	v0 =	vld.idx.msk [tilespmem:v3+s11+$0x0], $0xffff  }
0x77f: {  	v3 =	vld [tilespmem:$0x1F2C0];
	_ =	sdelay $0x3  }
0x780: {  	v1 =	vor.u32 s24, v59  }
0x781: {  	v3 =	vor.u32 v3, v2;
	_ =	sdelay $0x3  }
0x782: {  	v60 =	vld [tilespmem:$0x1FEF0];
	[tilespmem:v1+s17+$0x0] =	vst.idx.msk $0xffff, v0  }
0x783: {  	v0 =	vld.idx.msk [tilespmem:v3+s11+$0x0], $0xffff  }
0x784: {  	v3 =	vld [tilespmem:$0x1F2D0];
	_ =	sdelay $0x3  }
0x785: {  	v1 =	vor.u32 s24, v60  }
0x786: {  	v62 =	vld [tilespmem:$0x1FF10];
	v3 =	vor.u32 v3, v2;
	_ =	sdelay $0x3  }
0x787: {  	[tilespmem:v1+s17+$0x0] =	vst.idx.msk $0xffff, v0  }
0x788: {  	v1 =	vor.u32 s24, v62;
	v0 =	vld.idx.msk [tilespmem:v3+s11+$0x0], $0xffff  }
0x789: {  	v3 =	vor.u32 v45, v2;
	_ =	sdelay $0x3  }
0x78a: {  	[tilespmem:v1+s17+$0x0] =	vst.idx.msk $0xffff, v0  }
0x78b: {  	v0 =	vld.idx.msk [tilespmem:v3+s11+$0x0], $0xffff  }
0x78c: {  	v3 =	vld [tilespmem:$0x1FE60];
	_ =	sdelay $0x4  }
0x78d: {  	v1 =	vor.u32 s24, v3  }
0x78e: {  	v26 =	vld [tilespmem:$0x1FDA0];
	v2 =	vor.u32 v24, v2  }
0x78f: {  	v21 =	vld [tilespmem:$0x1F820]  }
0x790: {  	v8 =	vmov v5;
	v5 =	vld [tilespmem:$0x1FDD0]  }
0x791: {  	s29 =	sadd.s32 s5, s22;
	v51 =	vmov v18;
	v18 =	vld [tilespmem:$0x1FE70]  }
0x792: {  	s30 =	sshll.u32 s22, $0x3;
	s25 =	sshrl.u32 s29, $0x2;
	v43 =	vmov v14;
	v14 =	vld [tilespmem:$0x1FDC0];
	[tilespmem:v1+s17+$0x0] =	vst.idx.msk $0xffff, v0  }
0x793: {  	s21 =	sadd.s32 $0x1, s21;
	s22 =	sand.u32 $0x38, s30;
	s31 =	sand.u32 $0x1FFC0, s25;
	v0 =	vor.u32 s24, v26;
	v1 =	vld.idx.msk [tilespmem:v2+s11+$0x0], $0xffff  }
0x794: {  	s23 =	sshll.u32 s29, $0x7;
	p0 =	sne.s32 s21, $0x64;
	s22 =	sor.u32 s22, s31;
	v54 =	vmov v47;
	v47 =	vmov v15;
	v15 =	vld [tilespmem:$0x1FF20]  }
.Ltmp2:
0x795: {  	s23 =	sand.u32 $0x7C00, s23;
	s22 =	sshll.u32 s22, $0xF;
	v4 =	vld [tilespmem:$0x1FDF0];
	(pc) =	sbr.rel @p0 .LBB2_2-.Ltmp2, $4  }
0x796: {  	s22 =	sor.u32 s23, s22;
	v44 =	vld [tilespmem:$0x1FE90]  }
0x797: {  	v25 =	vmovc v6;
	s22 =	sshrl.u32 s22, $0x3;
	v20 =	vmovc v55;
	v55 =	vmov v61;
	v61 =	vmov v22;
	v52 =	vmov v12;
	v60 =	vld [tilespmem:$0x1F810]  }
0x798: {  	s22 =	sadd.s32 s1, s22;
	v9 =	vmovc v32;
	v49 =	vmovc v63;
	v40 =	vmov v13;
	v13 =	vmov v37;
	v42 =	vmov v16;
	v26 =	vld [tilespmem:$0x1FDE0];
	[tilespmem:v0+s17+$0x0] =	vst.idx.msk $0xffff, v1  }
0x799: {  	v16 =	vmovc v19;
	v12 =	vmovc v53;
	v59 =	vmov v46;
	v62 =	vmov v58;
	v3 =	vlaneseq.u32;
	v1 =	vld [tilespmem:$0x1FDB0];
	[hbm4b:s22+s14] =	stream.strided.scatter [tilespmem:s17], [sflag:$0x4], $0x2000, s15, s14, $0x38  }
0x79a: {  	s20 =	sadd.s32 $0x1, s20  }
0x79b: {  	_ =	swait.ge [sflag:s18], $0x2000;
	p0 =	sne.s32 s20, s7  }
.Ltmp3:
0x79c: {  	[sflag:s18] =	ssyncset.done $0x0;
	(pc) =	sbr.rel @p0 .LBB2_1-.Ltmp3, $4  }
0x79d: {  	[sflag:s18] =	ssyncadd.s32 $0xFFFFE000  }
0x79e: {  	_ =	swait.ge [sflag:s19], $0x2000  }
0x79f: {  	[sflag:s19] =	ssyncset.done $0x0  }
0x7a0: {  	v36 =	vmov v50;
	v32 =	vmov v12;
	v53 =	vmov v42;
	[sflag:s19] =	ssyncadd.s32 $0xFFFFE000  }
0x7a1: {  	_ =	sfence.sel $0x180000  }
0x7a2: {  	[bflag:$0x0] =	sbarrier.arrive $0xFFFF  }
0x7a3: {  	p0 =	sne.s32 s2, $0x0;
	_ =	strace $0x90000047  }
0x7a4: {  	s0 =	sadd.s32 @!p0 $0x100000, s0;
	[bflag:$0x2] =	sbarrier.arrive $0xFFFF  }
0x7a5: {  	[sflag:s0] =	ssyncadd.tile.s32 @!p0 $0x1;
	_ =	shalt  }
.Lfunc_end2:
_tile_overlayer_lowered:
.L_overlay_start_2:
0x7a6: {  	(tag) =	ssettag $0x2  }
0x7a7: {  	s0 =	rddreg [dreg:$0x0];
	s2 =	stileid.u32  }
0x7a8: {  	s1 =	rddreg [dreg:$0x1];
	p0 =	sne.s32 s2, $0x0  }
0x7a9: {  	s3 =	rddreg [dreg:$0x2];
	[bflag:$0x3] =	sbarrier.arrive $0xFFFF;
	s2 =	simm.s32 @!p0 $0x1C05  }
0x7aa: {  	[timem:s3], [sflag:s2] =	dma.local @!p0 [hbm:s0], s1  }
0x7ab: {  	s0 =	simm.s32 @!p0 $0x5  }
0x7ac: {  	_ =	swait.ge @!p0 [sflag:s0], s1  }
0x7ad: {  	s1 =	ssub.s32 @!p0 $0x0, s1;
	[sflag:s0] =	ssyncset.done @!p0 $0x0  }
0x7ae: {  	[sflag:s0] =	ssyncadd.s32 @!p0 s1  }
0x7af: {  	[bflag:$0x3] =	sbarrier.arrive $0xFFFF  }
0x7b0: {  	_ =	shalt  }

</sc_bundles>
